<compile_context>
chip_gen: v7x
topology: tpu7x:2x2x1
jax: 0.10.2.dev20260603
libtpu: 0.0.44.dev20260713+nightly
codegen_flags: <defaults>
</compile_context>

<pallas_src>
import jax
import jax.numpy as jnp
from jax import lax
from jax.experimental import pallas as pl
from jax.experimental.pallas import tpu as pltpu
from jax.experimental.pallas import tpu_sc as plsc

G = 512
FG = 85
H = 128
NA = 10000
NB = 320000

NS = 16
CB = 128
NCHUNKS_B = NB // CB
NCHUNKS_A = NA // CB
NTAIL_A = NA - NCHUNKS_A * CB
ITERS_B = -(-NCHUNKS_B // NS)
ITERS_A = -(-NCHUNKS_A // NS)
BIG = 1e9


def _sc_body(bfa, bfb, afa, afb, bids, aids,
             bids_pad17, aids_pad17,
             out_sums, out_bounds,
             rowbuf, idxbuf, sh2buf, idxbuft, zbuf,
             posb, wrtb, posa, wrta,
             acc_b, acc_a,
             in_sem, sc_sem):
  c = lax.axis_index("c")
  s = lax.axis_index("s")
  zero16 = jnp.zeros((16,), jnp.float32)
  one16 = jnp.ones((16,), jnp.float32)
  iota16 = lax.iota(jnp.int32, 16)

  def fill_z(i, _):
    for j in range(H // 16):
      zbuf[i, pl.ds(j * 16, 16)] = zero16
    return 0
  lax.fori_loop(0, 32, fill_z, 0)

  def fill_pw(i, _):
    posb[pl.ds(i * 16, 16)] = zero16
    wrtb[pl.ds(i * 16, 16)] = zero16
    posa[pl.ds(i * 16, 16)] = zero16
    wrta[pl.ds(i * 16, 16)] = zero16
    return 0
  lax.fori_loop(0, G // 16 + 1, fill_pw, 0)

  pltpu.sync_copy(zbuf, acc_b.at[pl.ds(s * 32, 32)])
  pltpu.sync_copy(zbuf, acc_a.at[pl.ds(s * 32, 32)])
  plsc.subcore_barrier()

  def mark_bounds(idx, sh2, p, base, groups, pos_ref, wrt_ref):
    for j in range(groups):
      v = idx[p, pl.ds(16 * j, 16)]
      vprev = sh2[p, pl.ds(16 + 16 * j, 16)]
      mask = v != vprev
      posf = (base + 16 * j + iota16).astype(jnp.float32)
      safe = jnp.where(mask, v, G + iota16)
      plsc.store_scatter(pos_ref, [safe], posf)
      plsc.store_scatter(wrt_ref, [safe], one16)

  def make_loop(x_hbm, ids_hbm, ids_pad17_hbm, acc, nchunks,
                cn, buf, idx, sh2, pos_ref, wrt_ref, groups):
    def chunk_of(i):
      return i * NS + s

    def start_in(i, p):
      ch = chunk_of(i)

      @pl.when(ch < nchunks)
      def _():
        base = ch * cn
        pltpu.async_copy(x_hbm.at[pl.ds(base, cn)], buf.at[p], in_sem.at[p])
        pltpu.async_copy(ids_hbm.at[pl.ds(base, cn)], idx.at[p],
                         in_sem.at[p])
        pltpu.async_copy(ids_pad17_hbm.at[pl.ds(base, 256)], sh2.at[p],
                         in_sem.at[p])

    def wait_in(i, p):
      ch = chunk_of(i)

      @pl.when(ch < nchunks)
      def _():
        base = ch * cn
        pltpu.make_async_copy(x_hbm.at[pl.ds(base, cn)], buf.at[p],
                              in_sem.at[p]).wait()
        pltpu.make_async_copy(ids_hbm.at[pl.ds(base, cn)], idx.at[p],
                              in_sem.at[p]).wait()
        pltpu.make_async_copy(ids_pad17_hbm.at[pl.ds(base, 256)],
                              sh2.at[p], in_sem.at[p]).wait()

    def start_scatter(i, p):
      ch = chunk_of(i)

      @pl.when(ch < nchunks)
      def _():
        mark_bounds(idx, sh2, p, ch * cn, groups, pos_ref, wrt_ref)
        pltpu.async_copy(buf.at[p], acc.at[idx.at[p]], sc_sem.at[p],
                         add=True)

    def wait_scatter(i, p):
      ch = chunk_of(i)

      @pl.when(ch < nchunks)
      def _():
        pltpu.make_async_copy(buf.at[p], acc.at[idx.at[p]],
                              sc_sem.at[p]).wait()

    return start_in, wait_in, start_scatter, wait_scatter

  def run_pipeline(x_hbm, ids_hbm, ids_pad17_hbm, acc, nchunks,
                   iters, cn, buf, idx, sh2, pos_ref, wrt_ref, groups):
    start_in, wait_in, start_scatter, wait_scatter = make_loop(
        x_hbm, ids_hbm, ids_pad17_hbm, acc, nchunks, cn, buf,
        idx, sh2, pos_ref, wrt_ref, groups)
    start_in(0, 0)

    def step(j, _):
      wait_in(2 * j, 0)

      @pl.when(j > 0)
      def _():
        wait_scatter(2 * j - 1, 1)
      start_in(2 * j + 1, 1)
      start_scatter(2 * j, 0)

      wait_in(2 * j + 1, 1)
      wait_scatter(2 * j, 0)
      start_in(2 * j + 2, 0)
      start_scatter(2 * j + 1, 1)
      return 0
    half = (iters + 1) // 2
    lax.fori_loop(0, half, step, 0)
    wait_scatter(2 * half - 1, 1)

  def atom_tail(x_hbm, ids_hbm, ids_pad17_hbm):
    @pl.when(s == NS - 1)
    def _():
      base = NCHUNKS_A * CB
      pltpu.sync_copy(x_hbm.at[pl.ds(base, NTAIL_A)],
                      rowbuf.at[0].at[pl.ds(0, NTAIL_A)])
      pltpu.sync_copy(ids_hbm.at[pl.ds(base, NTAIL_A)], idxbuft)
      pltpu.sync_copy(ids_pad17_hbm.at[pl.ds(base, 256)], sh2buf.at[0])
      v = idxbuft[...]
      vprev = sh2buf[0, pl.ds(16, 16)]
      mask = v != vprev
      posf = (base + iota16).astype(jnp.float32)
      safe = jnp.where(mask, v, G + iota16)
      plsc.store_scatter(posa, [safe], posf)
      plsc.store_scatter(wrta, [safe], one16)
      pltpu.sync_copy(rowbuf.at[0].at[pl.ds(0, NTAIL_A)],
                      acc_a.at[idxbuft], add=True)

  @pl.when(c == 0)
  def _():
    run_pipeline(bfa, bids, bids_pad17, acc_b, NCHUNKS_B, ITERS_B,
                 CB, rowbuf, idxbuf, sh2buf, posb, wrtb, CB // 16)
    run_pipeline(afa, aids, aids_pad17, acc_a, NCHUNKS_A, ITERS_A,
                 CB, rowbuf, idxbuf, sh2buf, posa, wrta, CB // 16)
    atom_tail(afa, aids, aids_pad17)

  @pl.when(c == 1)
  def _():
    run_pipeline(bfb, bids, bids_pad17, acc_b, NCHUNKS_B, ITERS_B,
                 CB, rowbuf, idxbuf, sh2buf, posb, wrtb, CB // 16)
    run_pipeline(afb, aids, aids_pad17, acc_a, NCHUNKS_A, ITERS_A,
                 CB, rowbuf, idxbuf, sh2buf, posa, wrta, CB // 16)
    atom_tail(afb, aids, aids_pad17)

  plsc.subcore_barrier()

  @pl.when(c == 0)
  def _():
    pltpu.sync_copy(posb.at[pl.ds(0, G)], out_bounds.at[0, s])
    pltpu.sync_copy(wrtb.at[pl.ds(0, G)], out_bounds.at[1, s])
    pltpu.sync_copy(posa.at[pl.ds(0, G)], out_bounds.at[2, s])
    pltpu.sync_copy(wrta.at[pl.ds(0, G)], out_bounds.at[3, s])

    @pl.when(s == 0)
    def _():
      pltpu.sync_copy(acc_b, out_sums.at[2])

    @pl.when(s == 1)
    def _():
      pltpu.sync_copy(acc_a, out_sums.at[0])

  @pl.when(c == 1)
  def _():
    @pl.when(s == 0)
    def _():
      pltpu.sync_copy(acc_b, out_sums.at[3])

    @pl.when(s == 1)
    def _():
      pltpu.sync_copy(acc_a, out_sums.at[1])


def _counts(pos, wrt, n):
  masked = jnp.where(wrt > 0, pos, BIG)
  rowi = lax.broadcasted_iota(jnp.int32, (G, G), 0)
  coli = lax.broadcasted_iota(jnp.int32, (G, G), 1)
  incl = jnp.where(coli >= rowi, masked[None, :], BIG)
  excl = jnp.where(coli > rowi, masked[None, :], BIG)
  start = jnp.minimum(jnp.min(incl, axis=1), float(n))
  start_next = jnp.minimum(jnp.min(excl, axis=1), float(n))
  return start_next - start


def _tc_body(sums_ref, bounds_ref, w_ref, b_ref, out_ref):
  posb = jnp.sum(bounds_ref[0], axis=0)
  wrtb = jnp.sum(bounds_ref[1], axis=0)
  posa = jnp.sum(bounds_ref[2], axis=0)
  wrta = jnp.sum(bounds_ref[3], axis=0)
  cb = jnp.maximum(_counts(posb, wrtb, NB), 1.0)[:, None]
  ca = jnp.maximum(_counts(posa, wrta, NA), 1.0)[:, None]
  for k in range(4):
    cnt = ca if k < 2 else cb
    mean = sums_ref[k] / cnt
    out_ref[k] = (jnp.dot(mean, w_ref[k], preferred_element_type=jnp.float32)
                  + b_ref[pl.ds(k, 1), :])


@jax.jit
def kernel(atom_from_atom, atom_from_bond, bond_from_atom, bond_from_bond,
           atom_segment_ids, bond_segment_ids,
           W_aa, b_aa, W_ab, b_ab, W_ba, b_ba, W_bb, b_bb):
  bids = bond_segment_ids.astype(jnp.int32)
  aids = atom_segment_ids.astype(jnp.int32)
  pad17 = jnp.full((17,), -1, jnp.int32)
  bids_pad17 = jnp.concatenate(
      [pad17, bids, jnp.zeros(((NCHUNKS_B - 1) * CB + 256 - 17 - NB,),
                              jnp.int32)])
  aids_pad17 = jnp.concatenate(
      [pad17, aids, jnp.zeros((NCHUNKS_A * CB + 256 - 17 - NA,),
                              jnp.int32)])

  mesh = plsc.VectorSubcoreMesh(core_axis_name="c", subcore_axis_name="s")
  sc = pl.kernel(
      _sc_body,
      out_type=(
          jax.ShapeDtypeStruct((4, G, H), jnp.float32),
          jax.ShapeDtypeStruct((4, NS, G), jnp.float32),
      ),
      mesh=mesh,
      compiler_params=pltpu.CompilerParams(needs_layout_passes=False),
      scratch_types=(
          pltpu.VMEM((2, CB, H), jnp.float32),
          pltpu.VMEM((2, CB), jnp.int32),
          pltpu.VMEM((2, 256), jnp.int32),
          pltpu.VMEM((16,), jnp.int32),
          pltpu.VMEM((32, H), jnp.float32),
          pltpu.VMEM((G + 16,), jnp.float32),
          pltpu.VMEM((G + 16,), jnp.float32),
          pltpu.VMEM((G + 16,), jnp.float32),
          pltpu.VMEM((G + 16,), jnp.float32),
          pltpu.VMEM_SHARED((G, H), jnp.float32),
          pltpu.VMEM_SHARED((G, H), jnp.float32),
          pltpu.SemaphoreType.DMA((2,)),
          pltpu.SemaphoreType.DMA((2,)),
      ),
  )
  sums, bounds = sc(bond_from_atom, bond_from_bond,
                    atom_from_atom, atom_from_bond, bids, aids,
                    bids_pad17, aids_pad17)

  w = jnp.stack([W_aa, W_ab, W_ba, W_bb])
  b = jnp.stack([b_aa, b_ab, b_ba, b_bb])
  preds = pl.pallas_call(
      _tc_body,
      out_shape=jax.ShapeDtypeStruct((4, G, FG), jnp.float32),
  )(sums, bounds, w, b)
  return preds[0], preds[1], preds[2], preds[3]

# --- scband reference (transcript-rebuilt; emitter-appended) ---
"""Pipeline reference for scband-functional-group-prediction-40879498723362 (READ-ONLY COPY).

The authoritative reference and input builder live on the scoring server;
editing this copy changes nothing except your own understanding.
"""

import jax, jax.numpy as jnp
import numpy as np

G = 512      # number of molecules (graphs) in batch
FG = 85      # functional group (semantic motif) vocab size
H = 128      # hidden_size
NA = 10000   # total atoms
NB = 320000  # total bonds


def setup_inputs(seed: int = 0) -> dict:
    key = jax.random.key(seed)
    ks = jax.random.split(key, 16)
    atom_from_atom = jax.random.normal(ks[0], (NA, H), dtype=jnp.float32)
    atom_from_bond = jax.random.normal(ks[1], (NA, H), dtype=jnp.float32)
    bond_from_atom = jax.random.normal(ks[2], (NB, H), dtype=jnp.float32)
    bond_from_bond = jax.random.normal(ks[3], (NB, H), dtype=jnp.float32)
    atom_segment_ids = jnp.sort(jax.random.randint(ks[4], (NA,), 0, G)).astype(jnp.int64)
    bond_segment_ids = jnp.sort(jax.random.randint(ks[5], (NB,), 0, G)).astype(jnp.int64)
    # learned parameters for the four linear heads (nn.Linear(H, FG))
    W_aa = jax.random.normal(ks[6], (H, FG), dtype=jnp.float32) * 0.02
    b_aa = jnp.zeros((FG,), dtype=jnp.float32)
    W_ab = jax.random.normal(ks[7], (H, FG), dtype=jnp.float32) * 0.02
    b_ab = jnp.zeros((FG,), dtype=jnp.float32)
    W_ba = jax.random.normal(ks[8], (H, FG), dtype=jnp.float32) * 0.02
    b_ba = jnp.zeros((FG,), dtype=jnp.float32)
    W_bb = jax.random.normal(ks[9], (H, FG), dtype=jnp.float32) * 0.02
    b_bb = jnp.zeros((FG,), dtype=jnp.float32)
    return {
        'atom_from_atom': atom_from_atom,
        'atom_from_bond': atom_from_bond,
        'bond_from_atom': bond_from_atom,
        'bond_from_bond': bond_from_bond,
        'atom_segment_ids': atom_segment_ids,
        'bond_segment_ids': bond_segment_ids,
        'W_aa': W_aa, 'b_aa': b_aa,
        'W_ab': W_ab, 'b_ab': b_ab,
        'W_ba': W_ba, 'b_ba': b_ba,
        'W_bb': W_bb, 'b_bb': b_bb,
    }


def _segment_mean(x, seg_ids, num_segments):
    # Readout(rtype='mean'): per-molecule mean over the node/bond rows of each graph
    s = jax.ops.segment_sum(x, seg_ids, num_segments=num_segments)
    cnt = jax.ops.segment_sum(jnp.ones((x.shape[0], 1), dtype=x.dtype), seg_ids,
                              num_segments=num_segments)
    return s / jnp.maximum(cnt, 1.0)


def reference(atom_from_atom, atom_from_bond, bond_from_atom, bond_from_bond,
              atom_segment_ids, bond_segment_ids,
              W_aa, b_aa, W_ab, b_ab, W_ba, b_ba, W_bb, b_bb):
    r_bfa = _segment_mean(bond_from_atom, bond_segment_ids, G)
    r_bfb = _segment_mean(bond_from_bond, bond_segment_ids, G)
    r_afa = _segment_mean(atom_from_atom, atom_segment_ids, G)
    r_afb = _segment_mean(atom_from_bond, atom_segment_ids, G)
    preds_bond_from_atom = r_bfa @ W_ba + b_ba
    preds_bond_from_bond = r_bfb @ W_bb + b_bb
    preds_atom_from_atom = r_afa @ W_aa + b_aa
    preds_atom_from_bond = r_afb @ W_ab + b_ab
    return (preds_atom_from_atom, preds_atom_from_bond,
            preds_bond_from_atom, preds_bond_from_bond)

if __name__ == "__main__":
    import jax
    _d = setup_inputs()
    print(jax.jit(kernel)(*tuple(_d.values())))

</pallas_src>

<mosaic_0001>
#map = affine_map<(d0, d1) -> (0, 0)>
#map1 = affine_map<(d0, d1) -> (0)>
#map2 = affine_map<(d0, d1) -> (0, 0, 0)>
module attributes {stable_mosaic.version = 14 : i64} {
  func.func @_sc_body(%arg0: i32, %arg1: i32, %arg2: memref<320000x128xf32, #tpu.memory_space<hbm>>, %arg3: memref<320000x128xf32, #tpu.memory_space<hbm>>, %arg4: memref<10000x128xf32, #tpu.memory_space<hbm>>, %arg5: memref<10000x128xf32, #tpu.memory_space<hbm>>, %arg6: memref<320000xi32, #tpu.memory_space<hbm>>, %arg7: memref<10000xi32, #tpu.memory_space<hbm>>, %arg8: memref<320128xi32, #tpu.memory_space<hbm>>, %arg9: memref<10240xi32, #tpu.memory_space<hbm>>, %arg10: memref<4x512x128xf32, #tpu.memory_space<hbm>>, %arg11: memref<4x16x512xf32, #tpu.memory_space<hbm>>, %arg12: memref<2x128x128xf32, #tpu.memory_space<vmem>>, %arg13: memref<2x128xi32, #tpu.memory_space<vmem>>, %arg14: memref<2x256xi32, #tpu.memory_space<vmem>>, %arg15: memref<16xi32, #tpu.memory_space<vmem>>, %arg16: memref<32x128xf32, #tpu.memory_space<vmem>>, %arg17: memref<528xf32, #tpu.memory_space<vmem>>, %arg18: memref<528xf32, #tpu.memory_space<vmem>>, %arg19: memref<528xf32, #tpu.memory_space<vmem>>, %arg20: memref<528xf32, #tpu.memory_space<vmem>>, %arg21: memref<512x128xf32, #tpu.memory_space<vmem_shared>>, %arg22: memref<512x128xf32, #tpu.memory_space<vmem_shared>>, %arg23: memref<2x!tpu.dma_semaphore, #tpu.memory_space<semaphore_mem>>, %arg24: memref<2x!tpu.dma_semaphore, #tpu.memory_space<semaphore_mem>>) attributes {dimension_semantics = [#tpu.dimension_semantics<core_parallel>, #tpu.dimension_semantics<subcore_parallel>], iteration_bounds = array<i64: 2, 16>, scalar_prefetch = 0 : i64, scratch_operands = 13 : i64, tpu.core_type = #tpu.core_type<sc_vector_subcore>, window_params = [{transform_indices = #map}, {transform_indices = #map}, {transform_indices = #map}, {transform_indices = #map}, {transform_indices = #map1}, {transform_indices = #map1}, {transform_indices = #map1}, {transform_indices = #map1}, {transform_indices = #map2}, {transform_indices = #map2}]} {
    %broadcast_in_dim3A = arith.constant 0.000000e+00 : f32
    %broadcast_in_dim3A_0 = vector.broadcast %broadcast_in_dim3A : f32 to vector<16xf32>
    %broadcast_in_dim3A_1 = arith.constant 1.000000e+00 : f32
    %broadcast_in_dim3A_2 = vector.broadcast %broadcast_in_dim3A_1 : f32 to vector<16xf32>
    %iota3A = tpu.iota {dimensions = array<i32: 0>} : vector<16xi32>
    %scan3A = arith.constant 0 : i32
    %scan3A_3 = arith.constant 0 : i32
    %scan3A_4 = arith.constant 32 : i32
    %scan3A_5 = arith.addi %scan3A_3, %scan3A_4 : i32
    %scan3A_6 = arith.constant 1 : i32
    %scan3A_7 = scf.for %scan3A_37 = %scan3A_3 to %scan3A_5 step %scan3A_6 iter_args(%scan3A_38 = %scan3A) -> (i32)  : i32 {
      %swap3A = arith.index_cast %scan3A_37 : i32 to index
      %swap3A_39 = arith.constant 0 : index
      %swap3A_40 = tpu.vector_load %arg16[%swap3A, %swap3A_39] {strides = array<i32>} : memref<32x128xf32, #tpu.memory_space<vmem>>, vector<16xf32>,
      tpu.vector_store %arg16[%swap3A, %swap3A_39], %broadcast_in_dim3A_0 {strides = array<i32>} : memref<32x128xf32, #tpu.memory_space<vmem>>, vector<16xf32>,
      %swap3A_41 = arith.index_cast %scan3A_37 : i32 to index
      %swap3A_42 = arith.constant 16 : index
      %swap3A_43 = tpu.vector_load %arg16[%swap3A_41, %swap3A_42] {strides = array<i32>} : memref<32x128xf32, #tpu.memory_space<vmem>>, vector<16xf32>,
      tpu.vector_store %arg16[%swap3A_41, %swap3A_42], %broadcast_in_dim3A_0 {strides = array<i32>} : memref<32x128xf32, #tpu.memory_space<vmem>>, vector<16xf32>,
      %swap3A_44 = arith.index_cast %scan3A_37 : i32 to index
      %swap3A_45 = arith.constant 32 : index
      %swap3A_46 = tpu.vector_load %arg16[%swap3A_44, %swap3A_45] {strides = array<i32>} : memref<32x128xf32, #tpu.memory_space<vmem>>, vector<16xf32>,
      tpu.vector_store %arg16[%swap3A_44, %swap3A_45], %broadcast_in_dim3A_0 {strides = array<i32>} : memref<32x128xf32, #tpu.memory_space<vmem>>, vector<16xf32>,
      %swap3A_47 = arith.index_cast %scan3A_37 : i32 to index
      %swap3A_48 = arith.constant 48 : index
      %swap3A_49 = tpu.vector_load %arg16[%swap3A_47, %swap3A_48] {strides = array<i32>} : memref<32x128xf32, #tpu.memory_space<vmem>>, vector<16xf32>,
      tpu.vector_store %arg16[%swap3A_47, %swap3A_48], %broadcast_in_dim3A_0 {strides = array<i32>} : memref<32x128xf32, #tpu.memory_space<vmem>>, vector<16xf32>,
      %swap3A_50 = arith.index_cast %scan3A_37 : i32 to index
      %swap3A_51 = arith.constant 64 : index
      %swap3A_52 = tpu.vector_load %arg16[%swap3A_50, %swap3A_51] {strides = array<i32>} : memref<32x128xf32, #tpu.memory_space<vmem>>, vector<16xf32>,
      tpu.vector_store %arg16[%swap3A_50, %swap3A_51], %broadcast_in_dim3A_0 {strides = array<i32>} : memref<32x128xf32, #tpu.memory_space<vmem>>, vector<16xf32>,
      %swap3A_53 = arith.index_cast %scan3A_37 : i32 to index
      %swap3A_54 = arith.constant 80 : index
      %swap3A_55 = tpu.vector_load %arg16[%swap3A_53, %swap3A_54] {strides = array<i32>} : memref<32x128xf32, #tpu.memory_space<vmem>>, vector<16xf32>,
      tpu.vector_store %arg16[%swap3A_53, %swap3A_54], %broadcast_in_dim3A_0 {strides = array<i32>} : memref<32x128xf32, #tpu.memory_space<vmem>>, vector<16xf32>,
      %swap3A_56 = arith.index_cast %scan3A_37 : i32 to index
      %swap3A_57 = arith.constant 96 : index
      %swap3A_58 = tpu.vector_load %arg16[%swap3A_56, %swap3A_57] {strides = array<i32>} : memref<32x128xf32, #tpu.memory_space<vmem>>, vector<16xf32>,
      tpu.vector_store %arg16[%swap3A_56, %swap3A_57], %broadcast_in_dim3A_0 {strides = array<i32>} : memref<32x128xf32, #tpu.memory_space<vmem>>, vector<16xf32>,
      %swap3A_59 = arith.index_cast %scan3A_37 : i32 to index
      %swap3A_60 = arith.constant 112 : index
      %swap3A_61 = tpu.vector_load %arg16[%swap3A_59, %swap3A_60] {strides = array<i32>} : memref<32x128xf32, #tpu.memory_space<vmem>>, vector<16xf32>,
      tpu.vector_store %arg16[%swap3A_59, %swap3A_60], %broadcast_in_dim3A_0 {strides = array<i32>} : memref<32x128xf32, #tpu.memory_space<vmem>>, vector<16xf32>,
      %scan3A_62 = arith.constant 0 : i32
      scf.yield %scan3A_62 : i32
    }
    %scan3A_8 = arith.constant 32 : i32
    %scan3A_9 = arith.constant 0 : i32
    %scan3A_10 = arith.constant 0 : i32
    %scan3A_11 = arith.constant 33 : i32
    %scan3A_12 = arith.addi %scan3A_10, %scan3A_11 : i32
    %scan3A_13 = arith.constant 1 : i32
    %scan3A_14 = scf.for %scan3A_37 = %scan3A_10 to %scan3A_12 step %scan3A_13 iter_args(%scan3A_38 = %scan3A_9) -> (i32)  : i32 {
      %mul3A_39 = arith.constant 16 : i32
      %mul3A_40 = arith.muli %scan3A_37, %mul3A_39 : i32
      %swap3A = arith.index_cast %mul3A_40 : i32 to index
      %swap3A_41 = tpu.vector_load %arg17[%swap3A] {strides = array<i32>} : memref<528xf32, #tpu.memory_space<vmem>>, vector<16xf32>,
      tpu.vector_store %arg17[%swap3A], %broadcast_in_dim3A_0 {strides = array<i32>} : memref<528xf32, #tpu.memory_space<vmem>>, vector<16xf32>,
      %mul3A_42 = arith.constant 16 : i32
      %mul3A_43 = arith.muli %scan3A_37, %mul3A_42 : i32
      %swap3A_44 = arith.index_cast %mul3A_43 : i32 to index
      %swap3A_45 = tpu.vector_load %arg18[%swap3A_44] {strides = array<i32>} : memref<528xf32, #tpu.memory_space<vmem>>, vector<16xf32>,
      tpu.vector_store %arg18[%swap3A_44], %broadcast_in_dim3A_0 {strides = array<i32>} : memref<528xf32, #tpu.memory_space<vmem>>, vector<16xf32>,
      %mul3A_46 = arith.constant 16 : i32
      %mul3A_47 = arith.muli %scan3A_37, %mul3A_46 : i32
      %swap3A_48 = arith.index_cast %mul3A_47 : i32 to index
      %swap3A_49 = tpu.vector_load %arg19[%swap3A_48] {strides = array<i32>} : memref<528xf32, #tpu.memory_space<vmem>>, vector<16xf32>,
      tpu.vector_store %arg19[%swap3A_48], %broadcast_in_dim3A_0 {strides = array<i32>} : memref<528xf32, #tpu.memory_space<vmem>>, vector<16xf32>,
      %mul3A_50 = arith.constant 16 : i32
      %mul3A_51 = arith.muli %scan3A_37, %mul3A_50 : i32
      %swap3A_52 = arith.index_cast %mul3A_51 : i32 to index
      %swap3A_53 = tpu.vector_load %arg20[%swap3A_52] {strides = array<i32>} : memref<528xf32, #tpu.memory_space<vmem>>, vector<16xf32>,
      tpu.vector_store %arg20[%swap3A_52], %broadcast_in_dim3A_0 {strides = array<i32>} : memref<528xf32, #tpu.memory_space<vmem>>, vector<16xf32>,
      %scan3A_54 = arith.constant 0 : i32
      scf.yield %scan3A_54 : i32
    }
    %scan3A_15 = arith.constant 33 : i32
    %mul3A = arith.constant 32 : i32
    %mul3A_16 = arith.muli %arg1, %mul3A : i32
    "tpu.region"() ({
      %run_scoped3A = tpu.sem_alloc : memref<!tpu.dma_semaphore, #tpu.memory_space<semaphore_mem>>
      %dma_start3A = arith.constant 0 : i32
      %dma_start3A_37 = tpu.memref_slice %arg21[%mul3A_16, %dma_start3A] : memref<512x128xf32, #tpu.memory_space<vmem_shared>> -> memref<32x128xf32, #tpu.memory_space<vmem_shared>>
      %dma_start3A_38 = arith.constant 0 : i32
      %dma_start3A_39 = tpu.memref_slice %arg21[%mul3A_16, %dma_start3A_38] : memref<512x128xf32, #tpu.memory_space<vmem_shared>> -> memref<32x128xf32, #tpu.memory_space<vmem_shared>>
      tpu.enqueue_dma source(%arg16 : memref<32x128xf32, #tpu.memory_space<vmem>>) target(%dma_start3A_39 : memref<32x128xf32, #tpu.memory_space<vmem_shared>>) target_semaphore(%run_scoped3A : memref<!tpu.dma_semaphore, #tpu.memory_space<semaphore_mem>>)
      %dma_wait3A = arith.constant 0 : i32
      %dma_wait3A_40 = tpu.memref_slice %arg21[%mul3A_16, %dma_wait3A] : memref<512x128xf32, #tpu.memory_space<vmem_shared>> -> memref<32x128xf32, #tpu.memory_space<vmem_shared>>
      %dma_wait3A_41 = arith.constant 0 : i32
      %dma_wait3A_42 = tpu.memref_slice %arg21[%mul3A_16, %dma_wait3A_41] : memref<512x128xf32, #tpu.memory_space<vmem_shared>> -> memref<32x128xf32, #tpu.memory_space<vmem_shared>>
      tpu.wait_dma2 semaphore(%run_scoped3A : memref<!tpu.dma_semaphore, #tpu.memory_space<semaphore_mem>>) src(%arg16 : memref<32x128xf32, #tpu.memory_space<vmem>>) dst(%dma_wait3A_42 : memref<32x128xf32, #tpu.memory_space<vmem_shared>>)
      tpu.yield
    }) : () -> ()
    %mul3A_17 = arith.constant 32 : i32
    %mul3A_18 = arith.muli %arg1, %mul3A_17 : i32
    "tpu.region"() ({
      %run_scoped3A = tpu.sem_alloc : memref<!tpu.dma_semaphore, #tpu.memory_space<semaphore_mem>>
      %dma_start3A = arith.constant 0 : i32
      %dma_start3A_37 = tpu.memref_slice %arg22[%mul3A_18, %dma_start3A] : memref<512x128xf32, #tpu.memory_space<vmem_shared>> -> memref<32x128xf32, #tpu.memory_space<vmem_shared>>
      %dma_start3A_38 = arith.constant 0 : i32
      %dma_start3A_39 = tpu.memref_slice %arg22[%mul3A_18, %dma_start3A_38] : memref<512x128xf32, #tpu.memory_space<vmem_shared>> -> memref<32x128xf32, #tpu.memory_space<vmem_shared>>
      tpu.enqueue_dma source(%arg16 : memref<32x128xf32, #tpu.memory_space<vmem>>) target(%dma_start3A_39 : memref<32x128xf32, #tpu.memory_space<vmem_shared>>) target_semaphore(%run_scoped3A : memref<!tpu.dma_semaphore, #tpu.memory_space<semaphore_mem>>)
      %dma_wait3A = arith.constant 0 : i32
      %dma_wait3A_40 = tpu.memref_slice %arg22[%mul3A_18, %dma_wait3A] : memref<512x128xf32, #tpu.memory_space<vmem_shared>> -> memref<32x128xf32, #tpu.memory_space<vmem_shared>>
      %dma_wait3A_41 = arith.constant 0 : i32
      %dma_wait3A_42 = tpu.memref_slice %arg22[%mul3A_18, %dma_wait3A_41] : memref<512x128xf32, #tpu.memory_space<vmem_shared>> -> memref<32x128xf32, #tpu.memory_space<vmem_shared>>
      tpu.wait_dma2 semaphore(%run_scoped3A : memref<!tpu.dma_semaphore, #tpu.memory_space<semaphore_mem>>) src(%arg16 : memref<32x128xf32, #tpu.memory_space<vmem>>) dst(%dma_wait3A_42 : memref<32x128xf32, #tpu.memory_space<vmem_shared>>)
      tpu.yield
    }) : () -> ()
    %barrier3A = arith.constant 0 : index
    tpu.barrier barrier_id(%barrier3A)
    %eq3A = arith.constant 0 : i32
    %eq3A_19 = arith.cmpi eq, %arg0, %eq3A : i32
    %convert_element_type3A = arith.extui %eq3A_19 : i1 to i32
    %cond3A = arith.constant 0 : i32
    %cond3A_20 = arith.cmpi ne, %convert_element_type3A, %cond3A : i32
    scf.if %cond3A_20 {
      %add3A = arith.constant 0 : i32
      %add3A_37 = arith.addi %add3A, %arg1 : i32
      %lt3A = arith.constant 2500 : i32
      %lt3A_38 = arith.cmpi slt, %add3A_37, %lt3A : i32
      %convert_element_type3A_39 = arith.extui %lt3A_38 : i1 to i32
      %cond3A_40 = arith.constant 0 : i32
      %cond3A_41 = arith.cmpi ne, %convert_element_type3A_39, %cond3A_40 : i32
      scf.if %cond3A_41 {
        %mul3A_82 = arith.constant 128 : i32
        %mul3A_83 = arith.muli %add3A_37, %mul3A_82 : i32
        %dma_start3A = arith.constant 0 : i32
        %dma_start3A_84 = arith.constant 0 : i32
        %dma_start3A_85 = arith.constant 0 : i32
        %dma_start3A_86 = arith.constant 0 : i32
        %dma_start3A_87 = tpu.memref_slice %arg12[%dma_start3A, %dma_start3A_85, %dma_start3A_86] : memref<2x128x128xf32, #tpu.memory_space<vmem>> -> memref<1x128x128xf32, #tpu.memory_space<vmem>>
        %dma_start3A_88 = tpu.memref_squeeze %dma_start3A_87 : memref<1x128x128xf32, #tpu.memory_space<vmem>> -> memref<128x128xf32, #tpu.memory_space<vmem>>
        %dma_start3A_89 = arith.constant 0 : i32
        %dma_start3A_90 = tpu.memref_slice %arg2[%mul3A_83, %dma_start3A_89] : memref<320000x128xf32, #tpu.memory_space<hbm>> -> memref<128x128xf32, #tpu.memory_space<hbm>>
        %dma_start3A_91 = tpu.memref_slice %arg23[%dma_start3A_84] : memref<2x!tpu.dma_semaphore, #tpu.memory_space<semaphore_mem>> -> memref<1x!tpu.dma_semaphore, #tpu.memory_space<semaphore_mem>>
        %dma_start3A_92 = tpu.memref_squeeze %dma_start3A_91 : memref<1x!tpu.dma_semaphore, #tpu.memory_space<semaphore_mem>> -> memref<!tpu.dma_semaphore, #tpu.memory_space<semaphore_mem>>
        %dma_start3A_93 = arith.constant 0 : i32
        %dma_start3A_94 = arith.constant 0 : i32
        %dma_start3A_95 = tpu.memref_slice %arg12[%dma_start3A, %dma_start3A_93, %dma_start3A_94] : memref<2x128x128xf32, #tpu.memory_space<vmem>> -> memref<1x128x128xf32, #tpu.memory_space<vmem>>
        %dma_start3A_96 = tpu.memref_squeeze %dma_start3A_95 : memref<1x128x128xf32, #tpu.memory_space<vmem>> -> memref<128x128xf32, #tpu.memory_space<vmem>>
        %dma_start3A_97 = arith.constant 0 : i32
        %dma_start3A_98 = tpu.memref_slice %arg2[%mul3A_83, %dma_start3A_97] : memref<320000x128xf32, #tpu.memory_space<hbm>> -> memref<128x128xf32, #tpu.memory_space<hbm>>
        tpu.enqueue_dma source(%dma_start3A_98 : memref<128x128xf32, #tpu.memory_space<hbm>>) target(%dma_start3A_96 : memref<128x128xf32, #tpu.memory_space<vmem>>) target_semaphore(%dma_start3A_92 : memref<!tpu.dma_semaphore, #tpu.memory_space<semaphore_mem>>)
        %dma_start3A_99 = arith.constant 0 : i32
        %dma_start3A_100 = arith.constant 0 : i32
        %dma_start3A_101 = arith.constant 0 : i32
        %dma_start3A_102 = tpu.memref_slice %arg13[%dma_start3A_99, %dma_start3A_101] : memref<2x128xi32, #tpu.memory_space<vmem>> -> memref<1x128xi32, #tpu.memory_space<vmem>>
        %dma_start3A_103 = tpu.memref_squeeze %dma_start3A_102 : memref<1x128xi32, #tpu.memory_space<vmem>> -> memref<128xi32, #tpu.memory_space<vmem>>
        %dma_start3A_104 = tpu.memref_slice %arg6[%mul3A_83] : memref<320000xi32, #tpu.memory_space<hbm>> -> memref<128xi32, #tpu.memory_space<hbm>>
        %dma_start3A_105 = tpu.memref_slice %arg23[%dma_start3A_100] : memref<2x!tpu.dma_semaphore, #tpu.memory_space<semaphore_mem>> -> memref<1x!tpu.dma_semaphore, #tpu.memory_space<semaphore_mem>>
        %dma_start3A_106 = tpu.memref_squeeze %dma_start3A_105 : memref<1x!tpu.dma_semaphore, #tpu.memory_space<semaphore_mem>> -> memref<!tpu.dma_semaphore, #tpu.memory_space<semaphore_mem>>
        %dma_start3A_107 = arith.constant 0 : i32
        %dma_start3A_108 = tpu.memref_slice %arg13[%dma_start3A_99, %dma_start3A_107] : memref<2x128xi32, #tpu.memory_space<vmem>> -> memref<1x128xi32, #tpu.memory_space<vmem>>
        %dma_start3A_109 = tpu.memref_squeeze %dma_start3A_108 : memref<1x128xi32, #tpu.memory_space<vmem>> -> memref<128xi32, #tpu.memory_space<vmem>>
        %dma_start3A_110 = tpu.memref_slice %arg6[%mul3A_83] : memref<320000xi32, #tpu.memory_space<hbm>> -> memref<128xi32, #tpu.memory_space<hbm>>
        tpu.enqueue_dma source(%dma_start3A_110 : memref<128xi32, #tpu.memory_space<hbm>>) target(%dma_start3A_109 : memref<128xi32, #tpu.memory_space<vmem>>) target_semaphore(%dma_start3A_106 : memref<!tpu.dma_semaphore, #tpu.memory_space<semaphore_mem>>)
        %dma_start3A_111 = arith.constant 0 : i32
        %dma_start3A_112 = arith.constant 0 : i32
        %dma_start3A_113 = arith.constant 0 : i32
        %dma_start3A_114 = tpu.memref_slice %arg14[%dma_start3A_111, %dma_start3A_113] : memref<2x256xi32, #tpu.memory_space<vmem>> -> memref<1x256xi32, #tpu.memory_space<vmem>>
        %dma_start3A_115 = tpu.memref_squeeze %dma_start3A_114 : memref<1x256xi32, #tpu.memory_space<vmem>> -> memref<256xi32, #tpu.memory_space<vmem>>
        %dma_start3A_116 = tpu.memref_slice %arg8[%mul3A_83] : memref<320128xi32, #tpu.memory_space<hbm>> -> memref<256xi32, #tpu.memory_space<hbm>>
        %dma_start3A_117 = tpu.memref_slice %arg23[%dma_start3A_112] : memref<2x!tpu.dma_semaphore, #tpu.memory_space<semaphore_mem>> -> memref<1x!tpu.dma_semaphore, #tpu.memory_space<semaphore_mem>>
        %dma_start3A_118 = tpu.memref_squeeze %dma_start3A_117 : memref<1x!tpu.dma_semaphore, #tpu.memory_space<semaphore_mem>> -> memref<!tpu.dma_semaphore, #tpu.memory_space<semaphore_mem>>
        %dma_start3A_119 = arith.constant 0 : i32
        %dma_start3A_120 = tpu.memref_slice %arg14[%dma_start3A_111, %dma_start3A_119] : memref<2x256xi32, #tpu.memory_space<vmem>> -> memref<1x256xi32, #tpu.memory_space<vmem>>
        %dma_start3A_121 = tpu.memref_squeeze %dma_start3A_120 : memref<1x256xi32, #tpu.memory_space<vmem>> -> memref<256xi32, #tpu.memory_space<vmem>>
        %dma_start3A_122 = tpu.memref_slice %arg8[%mul3A_83] : memref<320128xi32, #tpu.memory_space<hbm>> -> memref<256xi32, #tpu.memory_space<hbm>>
        tpu.enqueue_dma source(%dma_start3A_122 : memref<256xi32, #tpu.memory_space<hbm>>) target(%dma_start3A_121 : memref<256xi32, #tpu.memory_space<vmem>>) target_semaphore(%dma_start3A_118 : memref<!tpu.dma_semaphore, #tpu.memory_space<semaphore_mem>>)
      } else {
      }
      %scan3A_42 = arith.constant 0 : i32
      %scan3A_43 = arith.constant 0 : i32
      %scan3A_44 = arith.constant 79 : i32
      %scan3A_45 = arith.addi %scan3A_43, %scan3A_44 : i32
      %scan3A_46 = arith.constant 1 : i32
      %scan3A_47 = scf.for %scan3A_82 = %scan3A_43 to %scan3A_45 step %scan3A_46 iter_args(%scan3A_83 = %scan3A_42) -> (i32)  : i32 {
        %mul3A_84 = arith.constant 2 : i32
        %mul3A_85 = arith.muli %mul3A_84, %scan3A_82 : i32
        %mul3A_86 = arith.constant 16 : i32
        %mul3A_87 = arith.muli %mul3A_85, %mul3A_86 : i32
        %add3A_88 = arith.addi %mul3A_87, %arg1 : i32
        %lt3A_89 = arith.constant 2500 : i32
        %lt3A_90 = arith.cmpi slt, %add3A_88, %lt3A_89 : i32
        %convert_element_type3A_91 = arith.extui %lt3A_90 : i1 to i32
        %cond3A_92 = arith.constant 0 : i32
        %cond3A_93 = arith.cmpi ne, %convert_element_type3A_91, %cond3A_92 : i32
        scf.if %cond3A_93 {
          %mul3A_167 = arith.constant 128 : i32
          %mul3A_168 = arith.muli %add3A_88, %mul3A_167 : i32
          %dma_wait3A = arith.constant 0 : i32
          %dma_wait3A_169 = arith.constant 0 : i32
          %dma_wait3A_170 = arith.constant 0 : i32
          %dma_wait3A_171 = arith.constant 0 : i32
          %dma_wait3A_172 = tpu.memref_slice %arg12[%dma_wait3A, %dma_wait3A_170, %dma_wait3A_171] : memref<2x128x128xf32, #tpu.memory_space<vmem>> -> memref<1x128x128xf32, #tpu.memory_space<vmem>>
          %dma_wait3A_173 = tpu.memref_squeeze %dma_wait3A_172 : memref<1x128x128xf32, #tpu.memory_space<vmem>> -> memref<128x128xf32, #tpu.memory_space<vmem>>
          %dma_wait3A_174 = arith.constant 0 : i32
          %dma_wait3A_175 = tpu.memref_slice %arg2[%mul3A_168, %dma_wait3A_174] : memref<320000x128xf32, #tpu.memory_space<hbm>> -> memref<128x128xf32, #tpu.memory_space<hbm>>
          %dma_wait3A_176 = tpu.memref_slice %arg23[%dma_wait3A_169] : memref<2x!tpu.dma_semaphore, #tpu.memory_space<semaphore_mem>> -> memref<1x!tpu.dma_semaphore, #tpu.memory_space<semaphore_mem>>
          %dma_wait3A_177 = tpu.memref_squeeze %dma_wait3A_176 : memref<1x!tpu.dma_semaphore, #tpu.memory_space<semaphore_mem>> -> memref<!tpu.dma_semaphore, #tpu.memory_space<semaphore_mem>>
          %dma_wait3A_178 = arith.constant 0 : i32
          %dma_wait3A_179 = arith.constant 0 : i32
          %dma_wait3A_180 = tpu.memref_slice %arg12[%dma_wait3A, %dma_wait3A_178, %dma_wait3A_179] : memref<2x128x128xf32, #tpu.memory_space<vmem>> -> memref<1x128x128xf32, #tpu.memory_space<vmem>>
          %dma_wait3A_181 = tpu.memref_squeeze %dma_wait3A_180 : memref<1x128x128xf32, #tpu.memory_space<vmem>> -> memref<128x128xf32, #tpu.memory_space<vmem>>
          %dma_wait3A_182 = arith.constant 0 : i32
          %dma_wait3A_183 = tpu.memref_slice %arg2[%mul3A_168, %dma_wait3A_182] : memref<320000x128xf32, #tpu.memory_space<hbm>> -> memref<128x128xf32, #tpu.memory_space<hbm>>
          tpu.wait_dma2 semaphore(%dma_wait3A_177 : memref<!tpu.dma_semaphore, #tpu.memory_space<semaphore_mem>>) src(%dma_wait3A_183 : memref<128x128xf32, #tpu.memory_space<hbm>>) dst(%dma_wait3A_181 : memref<128x128xf32, #tpu.memory_space<vmem>>)
          %dma_wait3A_184 = arith.constant 0 : i32
          %dma_wait3A_185 = arith.constant 0 : i32
          %dma_wait3A_186 = arith.constant 0 : i32
          %dma_wait3A_187 = tpu.memref_slice %arg13[%dma_wait3A_184, %dma_wait3A_186] : memref<2x128xi32, #tpu.memory_space<vmem>> -> memref<1x128xi32, #tpu.memory_space<vmem>>
          %dma_wait3A_188 = tpu.memref_squeeze %dma_wait3A_187 : memref<1x128xi32, #tpu.memory_space<vmem>> -> memref<128xi32, #tpu.memory_space<vmem>>
          %dma_wait3A_189 = tpu.memref_slice %arg6[%mul3A_168] : memref<320000xi32, #tpu.memory_space<hbm>> -> memref<128xi32, #tpu.memory_space<hbm>>
          %dma_wait3A_190 = tpu.memref_slice %arg23[%dma_wait3A_185] : memref<2x!tpu.dma_semaphore, #tpu.memory_space<semaphore_mem>> -> memref<1x!tpu.dma_semaphore, #tpu.memory_space<semaphore_mem>>
          %dma_wait3A_191 = tpu.memref_squeeze %dma_wait3A_190 : memref<1x!tpu.dma_semaphore, #tpu.memory_space<semaphore_mem>> -> memref<!tpu.dma_semaphore, #tpu.memory_space<semaphore_mem>>
          %dma_wait3A_192 = arith.constant 0 : i32
          %dma_wait3A_193 = tpu.memref_slice %arg13[%dma_wait3A_184, %dma_wait3A_192] : memref<2x128xi32, #tpu.memory_space<vmem>> -> memref<1x128xi32, #tpu.memory_space<vmem>>
          %dma_wait3A_194 = tpu.memref_squeeze %dma_wait3A_193 : memref<1x128xi32, #tpu.memory_space<vmem>> -> memref<128xi32, #tpu.memory_space<vmem>>
          %dma_wait3A_195 = tpu.memref_slice %arg6[%mul3A_168] : memref<320000xi32, #tpu.memory_space<hbm>> -> memref<128xi32, #tpu.memory_space<hbm>>
          tpu.wait_dma2 semaphore(%dma_wait3A_191 : memref<!tpu.dma_semaphore, #tpu.memory_space<semaphore_mem>>) src(%dma_wait3A_195 : memref<128xi32, #tpu.memory_space<hbm>>) dst(%dma_wait3A_194 : memref<128xi32, #tpu.memory_space<vmem>>)
          %dma_wait3A_196 = arith.constant 0 : i32
          %dma_wait3A_197 = arith.constant 0 : i32
          %dma_wait3A_198 = arith.constant 0 : i32
          %dma_wait3A_199 = tpu.memref_slice %arg14[%dma_wait3A_196, %dma_wait3A_198] : memref<2x256xi32, #tpu.memory_space<vmem>> -> memref<1x256xi32, #tpu.memory_space<vmem>>
          %dma_wait3A_200 = tpu.memref_squeeze %dma_wait3A_199 : memref<1x256xi32, #tpu.memory_space<vmem>> -> memref<256xi32, #tpu.memory_space<vmem>>
          %dma_wait3A_201 = tpu.memref_slice %arg8[%mul3A_168] : memref<320128xi32, #tpu.memory_space<hbm>> -> memref<256xi32, #tpu.memory_space<hbm>>
          %dma_wait3A_202 = tpu.memref_slice %arg23[%dma_wait3A_197] : memref<2x!tpu.dma_semaphore, #tpu.memory_space<semaphore_mem>> -> memref<1x!tpu.dma_semaphore, #tpu.memory_space<semaphore_mem>>
          %dma_wait3A_203 = tpu.memref_squeeze %dma_wait3A_202 : memref<1x!tpu.dma_semaphore, #tpu.memory_space<semaphore_mem>> -> memref<!tpu.dma_semaphore, #tpu.memory_space<semaphore_mem>>
          %dma_wait3A_204 = arith.constant 0 : i32
          %dma_wait3A_205 = tpu.memref_slice %arg14[%dma_wait3A_196, %dma_wait3A_204] : memref<2x256xi32, #tpu.memory_space<vmem>> -> memref<1x256xi32, #tpu.memory_space<vmem>>
          %dma_wait3A_206 = tpu.memref_squeeze %dma_wait3A_205 : memref<1x256xi32, #tpu.memory_space<vmem>> -> memref<256xi32, #tpu.memory_space<vmem>>
          %dma_wait3A_207 = tpu.memref_slice %arg8[%mul3A_168] : memref<320128xi32, #tpu.memory_space<hbm>> -> memref<256xi32, #tpu.memory_space<hbm>>
          tpu.wait_dma2 semaphore(%dma_wait3A_203 : memref<!tpu.dma_semaphore, #tpu.memory_space<semaphore_mem>>) src(%dma_wait3A_207 : memref<256xi32, #tpu.memory_space<hbm>>) dst(%dma_wait3A_206 : memref<256xi32, #tpu.memory_space<vmem>>)
        } else {
        }
        %gt3A = arith.constant 0 : i32
        %gt3A_94 = arith.cmpi sgt, %scan3A_82, %gt3A : i32
        %convert_element_type3A_95 = arith.extui %gt3A_94 : i1 to i32
        %cond3A_96 = arith.constant 0 : i32
        %cond3A_97 = arith.cmpi ne, %convert_element_type3A_95, %cond3A_96 : i32
        scf.if %cond3A_97 {
          %mul3A_167 = arith.constant 2 : i32
          %mul3A_168 = arith.muli %mul3A_167, %scan3A_82 : i32
          %sub3A = arith.constant 1 : i32
          %sub3A_169 = arith.subi %mul3A_168, %sub3A : i32
          %mul3A_170 = arith.constant 16 : i32
          %mul3A_171 = arith.muli %sub3A_169, %mul3A_170 : i32
          %add3A_172 = arith.addi %mul3A_171, %arg1 : i32
          %lt3A_173 = arith.constant 2500 : i32
          %lt3A_174 = arith.cmpi slt, %add3A_172, %lt3A_173 : i32
          %convert_element_type3A_175 = arith.extui %lt3A_174 : i1 to i32
          %cond3A_176 = arith.constant 0 : i32
          %cond3A_177 = arith.cmpi ne, %convert_element_type3A_175, %cond3A_176 : i32
          scf.if %cond3A_177 {
            %dma_wait3A = arith.constant 1 : i32
            %dma_wait3A_178 = arith.constant 1 : i32
            %dma_wait3A_179 = arith.constant 1 : i32
            %dma_wait3A_180 = arith.constant 0 : i32
            %dma_wait3A_181 = arith.constant 0 : i32
            %dma_wait3A_182 = tpu.memref_slice %arg12[%dma_wait3A, %dma_wait3A_180, %dma_wait3A_181] : memref<2x128x128xf32, #tpu.memory_space<vmem>> -> memref<1x128x128xf32, #tpu.memory_space<vmem>>
            %dma_wait3A_183 = tpu.memref_squeeze %dma_wait3A_182 : memref<1x128x128xf32, #tpu.memory_space<vmem>> -> memref<128x128xf32, #tpu.memory_space<vmem>>
            %dma_wait3A_184 = arith.constant 0 : i32
            %dma_wait3A_185 = tpu.memref_slice %arg13[%dma_wait3A_178, %dma_wait3A_184] : memref<2x128xi32, #tpu.memory_space<vmem>> -> memref<1x128xi32, #tpu.memory_space<vmem>>
            %dma_wait3A_186 = tpu.memref_squeeze %dma_wait3A_185 : memref<1x128xi32, #tpu.memory_space<vmem>> -> memref<128xi32, #tpu.memory_space<vmem>>
            %dma_wait3A_187 = arith.constant 0 : i32
            %dma_wait3A_188 = arith.constant 0 : i32
            %dma_wait3A_189 = tpu.memref_slice %arg21[%dma_wait3A_187, %dma_wait3A_188] : memref<512x128xf32, #tpu.memory_space<vmem_shared>> -> memref<512x128xf32, #tpu.memory_space<vmem_shared>>
            %dma_wait3A_190 = tpu.memref_slice %arg24[%dma_wait3A_179] : memref<2x!tpu.dma_semaphore, #tpu.memory_space<semaphore_mem>> -> memref<1x!tpu.dma_semaphore, #tpu.memory_space<semaphore_mem>>
            %dma_wait3A_191 = tpu.memref_squeeze %dma_wait3A_190 : memref<1x!tpu.dma_semaphore, #tpu.memory_space<semaphore_mem>> -> memref<!tpu.dma_semaphore, #tpu.memory_space<semaphore_mem>>
            tpu.wait_indirect_dma semaphore(%dma_wait3A_191 : memref<!tpu.dma_semaphore, #tpu.memory_space<semaphore_mem>>) src(%dma_wait3A_183 : memref<128x128xf32, #tpu.memory_space<vmem>>) dst(%dma_wait3A_189 : memref<512x128xf32, #tpu.memory_space<vmem_shared>>)
          } else {
          }
        } else {
        }
        %mul3A_98 = arith.constant 2 : i32
        %mul3A_99 = arith.muli %mul3A_98, %scan3A_82 : i32
        %add3A_100 = arith.constant 1 : i32
        %add3A_101 = arith.addi %mul3A_99, %add3A_100 : i32
        %mul3A_102 = arith.constant 16 : i32
        %mul3A_103 = arith.muli %add3A_101, %mul3A_102 : i32
        %add3A_104 = arith.addi %mul3A_103, %arg1 : i32
        %lt3A_105 = arith.constant 2500 : i32
        %lt3A_106 = arith.cmpi slt, %add3A_104, %lt3A_105 : i32
        %convert_element_type3A_107 = arith.extui %lt3A_106 : i1 to i32
        %cond3A_108 = arith.constant 0 : i32
        %cond3A_109 = arith.cmpi ne, %convert_element_type3A_107, %cond3A_108 : i32
        scf.if %cond3A_109 {
          %mul3A_167 = arith.constant 128 : i32
          %mul3A_168 = arith.muli %add3A_104, %mul3A_167 : i32
          %dma_start3A = arith.constant 1 : i32
          %dma_start3A_169 = arith.constant 1 : i32
          %dma_start3A_170 = arith.constant 0 : i32
          %dma_start3A_171 = arith.constant 0 : i32
          %dma_start3A_172 = tpu.memref_slice %arg12[%dma_start3A, %dma_start3A_170, %dma_start3A_171] : memref<2x128x128xf32, #tpu.memory_space<vmem>> -> memref<1x128x128xf32, #tpu.memory_space<vmem>>
          %dma_start3A_173 = tpu.memref_squeeze %dma_start3A_172 : memref<1x128x128xf32, #tpu.memory_space<vmem>> -> memref<128x128xf32, #tpu.memory_space<vmem>>
          %dma_start3A_174 = arith.constant 0 : i32
          %dma_start3A_175 = tpu.memref_slice %arg2[%mul3A_168, %dma_start3A_174] : memref<320000x128xf32, #tpu.memory_space<hbm>> -> memref<128x128xf32, #tpu.memory_space<hbm>>
          %dma_start3A_176 = tpu.memref_slice %arg23[%dma_start3A_169] : memref<2x!tpu.dma_semaphore, #tpu.memory_space<semaphore_mem>> -> memref<1x!tpu.dma_semaphore, #tpu.memory_space<semaphore_mem>>
          %dma_start3A_177 = tpu.memref_squeeze %dma_start3A_176 : memref<1x!tpu.dma_semaphore, #tpu.memory_space<semaphore_mem>> -> memref<!tpu.dma_semaphore, #tpu.memory_space<semaphore_mem>>
          %dma_start3A_178 = arith.constant 0 : i32
          %dma_start3A_179 = arith.constant 0 : i32
          %dma_start3A_180 = tpu.memref_slice %arg12[%dma_start3A, %dma_start3A_178, %dma_start3A_179] : memref<2x128x128xf32, #tpu.memory_space<vmem>> -> memref<1x128x128xf32, #tpu.memory_space<vmem>>
          %dma_start3A_181 = tpu.memref_squeeze %dma_start3A_180 : memref<1x128x128xf32, #tpu.memory_space<vmem>> -> memref<128x128xf32, #tpu.memory_space<vmem>>
          %dma_start3A_182 = arith.constant 0 : i32
          %dma_start3A_183 = tpu.memref_slice %arg2[%mul3A_168, %dma_start3A_182] : memref<320000x128xf32, #tpu.memory_space<hbm>> -> memref<128x128xf32, #tpu.memory_space<hbm>>
          tpu.enqueue_dma source(%dma_start3A_183 : memref<128x128xf32, #tpu.memory_space<hbm>>) target(%dma_start3A_181 : memref<128x128xf32, #tpu.memory_space<vmem>>) target_semaphore(%dma_start3A_177 : memref<!tpu.dma_semaphore, #tpu.memory_space<semaphore_mem>>)
          %dma_start3A_184 = arith.constant 1 : i32
          %dma_start3A_185 = arith.constant 1 : i32
          %dma_start3A_186 = arith.constant 0 : i32
          %dma_start3A_187 = tpu.memref_slice %arg13[%dma_start3A_184, %dma_start3A_186] : memref<2x128xi32, #tpu.memory_space<vmem>> -> memref<1x128xi32, #tpu.memory_space<vmem>>
          %dma_start3A_188 = tpu.memref_squeeze %dma_start3A_187 : memref<1x128xi32, #tpu.memory_space<vmem>> -> memref<128xi32, #tpu.memory_space<vmem>>
          %dma_start3A_189 = tpu.memref_slice %arg6[%mul3A_168] : memref<320000xi32, #tpu.memory_space<hbm>> -> memref<128xi32, #tpu.memory_space<hbm>>
          %dma_start3A_190 = tpu.memref_slice %arg23[%dma_start3A_185] : memref<2x!tpu.dma_semaphore, #tpu.memory_space<semaphore_mem>> -> memref<1x!tpu.dma_semaphore, #tpu.memory_space<semaphore_mem>>
          %dma_start3A_191 = tpu.memref_squeeze %dma_start3A_190 : memref<1x!tpu.dma_semaphore, #tpu.memory_space<semaphore_mem>> -> memref<!tpu.dma_semaphore, #tpu.memory_space<semaphore_mem>>
          %dma_start3A_192 = arith.constant 0 : i32
          %dma_start3A_193 = tpu.memref_slice %arg13[%dma_start3A_184, %dma_start3A_192] : memref<2x128xi32, #tpu.memory_space<vmem>> -> memref<1x128xi32, #tpu.memory_space<vmem>>
          %dma_start3A_194 = tpu.memref_squeeze %dma_start3A_193 : memref<1x128xi32, #tpu.memory_space<vmem>> -> memref<128xi32, #tpu.memory_space<vmem>>
          %dma_start3A_195 = tpu.memref_slice %arg6[%mul3A_168] : memref<320000xi32, #tpu.memory_space<hbm>> -> memref<128xi32, #tpu.memory_space<hbm>>
          tpu.enqueue_dma source(%dma_start3A_195 : memref<128xi32, #tpu.memory_space<hbm>>) target(%dma_start3A_194 : memref<128xi32, #tpu.memory_space<vmem>>) target_semaphore(%dma_start3A_191 : memref<!tpu.dma_semaphore, #tpu.memory_space<semaphore_mem>>)
          %dma_start3A_196 = arith.constant 1 : i32
          %dma_start3A_197 = arith.constant 1 : i32
          %dma_start3A_198 = arith.constant 0 : i32
          %dma_start3A_199 = tpu.memref_slice %arg14[%dma_start3A_196, %dma_start3A_198] : memref<2x256xi32, #tpu.memory_space<vmem>> -> memref<1x256xi32, #tpu.memory_space<vmem>>
          %dma_start3A_200 = tpu.memref_squeeze %dma_start3A_199 : memref<1x256xi32, #tpu.memory_space<vmem>> -> memref<256xi32, #tpu.memory_space<vmem>>
          %dma_start3A_201 = tpu.memref_slice %arg8[%mul3A_168] : memref<320128xi32, #tpu.memory_space<hbm>> -> memref<256xi32, #tpu.memory_space<hbm>>
          %dma_start3A_202 = tpu.memref_slice %arg23[%dma_start3A_197] : memref<2x!tpu.dma_semaphore, #tpu.memory_space<semaphore_mem>> -> memref<1x!tpu.dma_semaphore, #tpu.memory_space<semaphore_mem>>
          %dma_start3A_203 = tpu.memref_squeeze %dma_start3A_202 : memref<1x!tpu.dma_semaphore, #tpu.memory_space<semaphore_mem>> -> memref<!tpu.dma_semaphore, #tpu.memory_space<semaphore_mem>>
          %dma_start3A_204 = arith.constant 0 : i32
          %dma_start3A_205 = tpu.memref_slice %arg14[%dma_start3A_196, %dma_start3A_204] : memref<2x256xi32, #tpu.memory_space<vmem>> -> memref<1x256xi32, #tpu.memory_space<vmem>>
          %dma_start3A_206 = tpu.memref_squeeze %dma_start3A_205 : memref<1x256xi32, #tpu.memory_space<vmem>> -> memref<256xi32, #tpu.memory_space<vmem>>
          %dma_start3A_207 = tpu.memref_slice %arg8[%mul3A_168] : memref<320128xi32, #tpu.memory_space<hbm>> -> memref<256xi32, #tpu.memory_space<hbm>>
          tpu.enqueue_dma source(%dma_start3A_207 : memref<256xi32, #tpu.memory_space<hbm>>) target(%dma_start3A_206 : memref<256xi32, #tpu.memory_space<vmem>>) target_semaphore(%dma_start3A_203 : memref<!tpu.dma_semaphore, #tpu.memory_space<semaphore_mem>>)
        } else {
        }
        %mul3A_110 = arith.constant 2 : i32
        %mul3A_111 = arith.muli %mul3A_110, %scan3A_82 : i32
        %mul3A_112 = arith.constant 16 : i32
        %mul3A_113 = arith.muli %mul3A_111, %mul3A_112 : i32
        %add3A_114 = arith.addi %mul3A_113, %arg1 : i32
        %lt3A_115 = arith.constant 2500 : i32
        %lt3A_116 = arith.cmpi slt, %add3A_114, %lt3A_115 : i32
        %convert_element_type3A_117 = arith.extui %lt3A_116 : i1 to i32
        %cond3A_118 = arith.constant 0 : i32
        %cond3A_119 = arith.cmpi ne, %convert_element_type3A_117, %cond3A_118 : i32
        scf.if %cond3A_119 {
          %mul3A_167 = arith.constant 128 : i32
          %mul3A_168 = arith.muli %add3A_114, %mul3A_167 : i32
          %get3A = arith.constant 0 : i32
          %get3A_169 = arith.index_cast %get3A : i32 to index
          %get3A_170 = arith.constant 0 : index
          %get3A_171 = tpu.vector_load %arg13[%get3A_169, %get3A_170] {strides = array<i32>} : memref<2x128xi32, #tpu.memory_space<vmem>>, vector<16xi32>,
          %get3A_172 = arith.constant 0 : i32
          %get3A_173 = arith.index_cast %get3A_172 : i32 to index
          %get3A_174 = arith.constant 16 : index
          %get3A_175 = tpu.vector_load %arg14[%get3A_173, %get3A_174] {strides = array<i32>} : memref<2x256xi32, #tpu.memory_space<vmem>>, vector<16xi32>,
          %ne3A = arith.cmpi ne, %get3A_171, %get3A_175 : vector<16xi32>
          %add3A_176 = arith.constant 0 : i32
          %add3A_177 = arith.addi %mul3A_168, %add3A_176 : i32
          %add3A_178 = vector.broadcast %add3A_177 : i32 to vector<16xi32>
          %add3A_179 = arith.addi %add3A_178, %iota3A : vector<16xi32>
          %convert_element_type3A_180 = arith.sitofp %add3A_179 : vector<16xi32> to vector<16xf32>
          %add3A_181 = arith.constant 512 : i32
          %add3A_182 = vector.broadcast %add3A_181 : i32 to vector<16xi32>
          %add3A_183 = arith.addi %add3A_182, %iota3A : vector<16xi32>
          %select_n3A = arith.select %ne3A, %get3A_171, %add3A_183 : vector<16xi1>, vector<16xi32>
          tpu.vector_store_idx %arg17[%select_n3A], %convert_element_type3A_180 : memref<528xf32, #tpu.memory_space<vmem>>[vector<16xi32>], vector<16xf32>,
          tpu.vector_store_idx %arg18[%select_n3A], %broadcast_in_dim3A_2 : memref<528xf32, #tpu.memory_space<vmem>>[vector<16xi32>], vector<16xf32>,
          %get3A_184 = arith.constant 0 : i32
          %get3A_185 = arith.index_cast %get3A_184 : i32 to index
          %get3A_186 = arith.constant 16 : index
          %get3A_187 = tpu.vector_load %arg13[%get3A_185, %get3A_186] {strides = array<i32>} : memref<2x128xi32, #tpu.memory_space<vmem>>, vector<16xi32>,
          %get3A_188 = arith.constant 0 : i32
          %get3A_189 = arith.index_cast %get3A_188 : i32 to index
          %get3A_190 = arith.constant 32 : index
          %get3A_191 = tpu.vector_load %arg14[%get3A_189, %get3A_190] {strides = array<i32>} : memref<2x256xi32, #tpu.memory_space<vmem>>, vector<16xi32>,
          %ne3A_192 = arith.cmpi ne, %get3A_187, %get3A_191 : vector<16xi32>
          %add3A_193 = arith.constant 16 : i32
          %add3A_194 = arith.addi %mul3A_168, %add3A_193 : i32
          %add3A_195 = vector.broadcast %add3A_194 : i32 to vector<16xi32>
          %add3A_196 = arith.addi %add3A_195, %iota3A : vector<16xi32>
          %convert_element_type3A_197 = arith.sitofp %add3A_196 : vector<16xi32> to vector<16xf32>
          %add3A_198 = arith.constant 512 : i32
          %add3A_199 = vector.broadcast %add3A_198 : i32 to vector<16xi32>
          %add3A_200 = arith.addi %add3A_199, %iota3A : vector<16xi32>
          %select_n3A_201 = arith.select %ne3A_192, %get3A_187, %add3A_200 : vector<16xi1>, vector<16xi32>
          tpu.vector_store_idx %arg17[%select_n3A_201], %convert_element_type3A_197 : memref<528xf32, #tpu.memory_space<vmem>>[vector<16xi32>], vector<16xf32>,
          tpu.vector_store_idx %arg18[%select_n3A_201], %broadcast_in_dim3A_2 : memref<528xf32, #tpu.memory_space<vmem>>[vector<16xi32>], vector<16xf32>,
          %get3A_202 = arith.constant 0 : i32
          %get3A_203 = arith.index_cast %get3A_202 : i32 to index
          %get3A_204 = arith.constant 32 : index
          %get3A_205 = tpu.vector_load %arg13[%get3A_203, %get3A_204] {strides = array<i32>} : memref<2x128xi32, #tpu.memory_space<vmem>>, vector<16xi32>,
          %get3A_206 = arith.constant 0 : i32
          %get3A_207 = arith.index_cast %get3A_206 : i32 to index
          %get3A_208 = arith.constant 48 : index
          %get3A_209 = tpu.vector_load %arg14[%get3A_207, %get3A_208] {strides = array<i32>} : memref<2x256xi32, #tpu.memory_space<vmem>>, vector<16xi32>,
          %ne3A_210 = arith.cmpi ne, %get3A_205, %get3A_209 : vector<16xi32>
          %add3A_211 = arith.constant 32 : i32
          %add3A_212 = arith.addi %mul3A_168, %add3A_211 : i32
          %add3A_213 = vector.broadcast %add3A_212 : i32 to vector<16xi32>
          %add3A_214 = arith.addi %add3A_213, %iota3A : vector<16xi32>
          %convert_element_type3A_215 = arith.sitofp %add3A_214 : vector<16xi32> to vector<16xf32>
          %add3A_216 = arith.constant 512 : i32
          %add3A_217 = vector.broadcast %add3A_216 : i32 to vector<16xi32>
          %add3A_218 = arith.addi %add3A_217, %iota3A : vector<16xi32>
          %select_n3A_219 = arith.select %ne3A_210, %get3A_205, %add3A_218 : vector<16xi1>, vector<16xi32>
          tpu.vector_store_idx %arg17[%select_n3A_219], %convert_element_type3A_215 : memref<528xf32, #tpu.memory_space<vmem>>[vector<16xi32>], vector<16xf32>,
          tpu.vector_store_idx %arg18[%select_n3A_219], %broadcast_in_dim3A_2 : memref<528xf32, #tpu.memory_space<vmem>>[vector<16xi32>], vector<16xf32>,
          %get3A_220 = arith.constant 0 : i32
          %get3A_221 = arith.index_cast %get3A_220 : i32 to index
          %get3A_222 = arith.constant 48 : index
          %get3A_223 = tpu.vector_load %arg13[%get3A_221, %get3A_222] {strides = array<i32>} : memref<2x128xi32, #tpu.memory_space<vmem>>, vector<16xi32>,
          %get3A_224 = arith.constant 0 : i32
          %get3A_225 = arith.index_cast %get3A_224 : i32 to index
          %get3A_226 = arith.constant 64 : index
          %get3A_227 = tpu.vector_load %arg14[%get3A_225, %get3A_226] {strides = array<i32>} : memref<2x256xi32, #tpu.memory_space<vmem>>, vector<16xi32>,
          %ne3A_228 = arith.cmpi ne, %get3A_223, %get3A_227 : vector<16xi32>
          %add3A_229 = arith.constant 48 : i32
          %add3A_230 = arith.addi %mul3A_168, %add3A_229 : i32
          %add3A_231 = vector.broadcast %add3A_230 : i32 to vector<16xi32>
          %add3A_232 = arith.addi %add3A_231, %iota3A : vector<16xi32>
          %convert_element_type3A_233 = arith.sitofp %add3A_232 : vector<16xi32> to vector<16xf32>
          %add3A_234 = arith.constant 512 : i32
          %add3A_235 = vector.broadcast %add3A_234 : i32 to vector<16xi32>
          %add3A_236 = arith.addi %add3A_235, %iota3A : vector<16xi32>
          %select_n3A_237 = arith.select %ne3A_228, %get3A_223, %add3A_236 : vector<16xi1>, vector<16xi32>
          tpu.vector_store_idx %arg17[%select_n3A_237], %convert_element_type3A_233 : memref<528xf32, #tpu.memory_space<vmem>>[vector<16xi32>], vector<16xf32>,
          tpu.vector_store_idx %arg18[%select_n3A_237], %broadcast_in_dim3A_2 : memref<528xf32, #tpu.memory_space<vmem>>[vector<16xi32>], vector<16xf32>,
          %get3A_238 = arith.constant 0 : i32
          %get3A_239 = arith.index_cast %get3A_238 : i32 to index
          %get3A_240 = arith.constant 64 : index
          %get3A_241 = tpu.vector_load %arg13[%get3A_239, %get3A_240] {strides = array<i32>} : memref<2x128xi32, #tpu.memory_space<vmem>>, vector<16xi32>,
          %get3A_242 = arith.constant 0 : i32
          %get3A_243 = arith.index_cast %get3A_242 : i32 to index
          %get3A_244 = arith.constant 80 : index
          %get3A_245 = tpu.vector_load %arg14[%get3A_243, %get3A_244] {strides = array<i32>} : memref<2x256xi32, #tpu.memory_space<vmem>>, vector<16xi32>,
          %ne3A_246 = arith.cmpi ne, %get3A_241, %get3A_245 : vector<16xi32>
          %add3A_247 = arith.constant 64 : i32
          %add3A_248 = arith.addi %mul3A_168, %add3A_247 : i32
          %add3A_249 = vector.broadcast %add3A_248 : i32 to vector<16xi32>
          %add3A_250 = arith.addi %add3A_249, %iota3A : vector<16xi32>
          %convert_element_type3A_251 = arith.sitofp %add3A_250 : vector<16xi32> to vector<16xf32>
          %add3A_252 = arith.constant 512 : i32
          %add3A_253 = vector.broadcast %add3A_252 : i32 to vector<16xi32>
          %add3A_254 = arith.addi %add3A_253, %iota3A : vector<16xi32>
          %select_n3A_255 = arith.select %ne3A_246, %get3A_241, %add3A_254 : vector<16xi1>, vector<16xi32>
          tpu.vector_store_idx %arg17[%select_n3A_255], %convert_element_type3A_251 : memref<528xf32, #tpu.memory_space<vmem>>[vector<16xi32>], vector<16xf32>,
          tpu.vector_store_idx %arg18[%select_n3A_255], %broadcast_in_dim3A_2 : memref<528xf32, #tpu.memory_space<vmem>>[vector<16xi32>], vector<16xf32>,
          %get3A_256 = arith.constant 0 : i32
          %get3A_257 = arith.index_cast %get3A_256 : i32 to index
          %get3A_258 = arith.constant 80 : index
          %get3A_259 = tpu.vector_load %arg13[%get3A_257, %get3A_258] {strides = array<i32>} : memref<2x128xi32, #tpu.memory_space<vmem>>, vector<16xi32>,
          %get3A_260 = arith.constant 0 : i32
          %get3A_261 = arith.index_cast %get3A_260 : i32 to index
          %get3A_262 = arith.constant 96 : index
          %get3A_263 = tpu.vector_load %arg14[%get3A_261, %get3A_262] {strides = array<i32>} : memref<2x256xi32, #tpu.memory_space<vmem>>, vector<16xi32>,
          %ne3A_264 = arith.cmpi ne, %get3A_259, %get3A_263 : vector<16xi32>
          %add3A_265 = arith.constant 80 : i32
          %add3A_266 = arith.addi %mul3A_168, %add3A_265 : i32
          %add3A_267 = vector.broadcast %add3A_266 : i32 to vector<16xi32>
          %add3A_268 = arith.addi %add3A_267, %iota3A : vector<16xi32>
          %convert_element_type3A_269 = arith.sitofp %add3A_268 : vector<16xi32> to vector<16xf32>
          %add3A_270 = arith.constant 512 : i32
          %add3A_271 = vector.broadcast %add3A_270 : i32 to vector<16xi32>
          %add3A_272 = arith.addi %add3A_271, %iota3A : vector<16xi32>
          %select_n3A_273 = arith.select %ne3A_264, %get3A_259, %add3A_272 : vector<16xi1>, vector<16xi32>
          tpu.vector_store_idx %arg17[%select_n3A_273], %convert_element_type3A_269 : memref<528xf32, #tpu.memory_space<vmem>>[vector<16xi32>], vector<16xf32>,
          tpu.vector_store_idx %arg18[%select_n3A_273], %broadcast_in_dim3A_2 : memref<528xf32, #tpu.memory_space<vmem>>[vector<16xi32>], vector<16xf32>,
          %get3A_274 = arith.constant 0 : i32
          %get3A_275 = arith.index_cast %get3A_274 : i32 to index
          %get3A_276 = arith.constant 96 : index
          %get3A_277 = tpu.vector_load %arg13[%get3A_275, %get3A_276] {strides = array<i32>} : memref<2x128xi32, #tpu.memory_space<vmem>>, vector<16xi32>,
          %get3A_278 = arith.constant 0 : i32
          %get3A_279 = arith.index_cast %get3A_278 : i32 to index
          %get3A_280 = arith.constant 112 : index
          %get3A_281 = tpu.vector_load %arg14[%get3A_279, %get3A_280] {strides = array<i32>} : memref<2x256xi32, #tpu.memory_space<vmem>>, vector<16xi32>,
          %ne3A_282 = arith.cmpi ne, %get3A_277, %get3A_281 : vector<16xi32>
          %add3A_283 = arith.constant 96 : i32
          %add3A_284 = arith.addi %mul3A_168, %add3A_283 : i32
          %add3A_285 = vector.broadcast %add3A_284 : i32 to vector<16xi32>
          %add3A_286 = arith.addi %add3A_285, %iota3A : vector<16xi32>
          %convert_element_type3A_287 = arith.sitofp %add3A_286 : vector<16xi32> to vector<16xf32>
          %add3A_288 = arith.constant 512 : i32
          %add3A_289 = vector.broadcast %add3A_288 : i32 to vector<16xi32>
          %add3A_290 = arith.addi %add3A_289, %iota3A : vector<16xi32>
          %select_n3A_291 = arith.select %ne3A_282, %get3A_277, %add3A_290 : vector<16xi1>, vector<16xi32>
          tpu.vector_store_idx %arg17[%select_n3A_291], %convert_element_type3A_287 : memref<528xf32, #tpu.memory_space<vmem>>[vector<16xi32>], vector<16xf32>,
          tpu.vector_store_idx %arg18[%select_n3A_291], %broadcast_in_dim3A_2 : memref<528xf32, #tpu.memory_space<vmem>>[vector<16xi32>], vector<16xf32>,
          %get3A_292 = arith.constant 0 : i32
          %get3A_293 = arith.index_cast %get3A_292 : i32 to index
          %get3A_294 = arith.constant 112 : index
          %get3A_295 = tpu.vector_load %arg13[%get3A_293, %get3A_294] {strides = array<i32>} : memref<2x128xi32, #tpu.memory_space<vmem>>, vector<16xi32>,
          %get3A_296 = arith.constant 0 : i32
          %get3A_297 = arith.index_cast %get3A_296 : i32 to index
          %get3A_298 = arith.constant 128 : index
          %get3A_299 = tpu.vector_load %arg14[%get3A_297, %get3A_298] {strides = array<i32>} : memref<2x256xi32, #tpu.memory_space<vmem>>, vector<16xi32>,
          %ne3A_300 = arith.cmpi ne, %get3A_295, %get3A_299 : vector<16xi32>
          %add3A_301 = arith.constant 112 : i32
          %add3A_302 = arith.addi %mul3A_168, %add3A_301 : i32
          %add3A_303 = vector.broadcast %add3A_302 : i32 to vector<16xi32>
          %add3A_304 = arith.addi %add3A_303, %iota3A : vector<16xi32>
          %convert_element_type3A_305 = arith.sitofp %add3A_304 : vector<16xi32> to vector<16xf32>
          %add3A_306 = arith.constant 512 : i32
          %add3A_307 = vector.broadcast %add3A_306 : i32 to vector<16xi32>
          %add3A_308 = arith.addi %add3A_307, %iota3A : vector<16xi32>
          %select_n3A_309 = arith.select %ne3A_300, %get3A_295, %add3A_308 : vector<16xi1>, vector<16xi32>
          tpu.vector_store_idx %arg17[%select_n3A_309], %convert_element_type3A_305 : memref<528xf32, #tpu.memory_space<vmem>>[vector<16xi32>], vector<16xf32>,
          tpu.vector_store_idx %arg18[%select_n3A_309], %broadcast_in_dim3A_2 : memref<528xf32, #tpu.memory_space<vmem>>[vector<16xi32>], vector<16xf32>,
          %dma_start3A = arith.constant 0 : i32
          %dma_start3A_310 = arith.constant 0 : i32
          %dma_start3A_311 = arith.constant 0 : i32
          %dma_start3A_312 = arith.constant 0 : i32
          %dma_start3A_313 = arith.constant 0 : i32
          %dma_start3A_314 = tpu.memref_slice %arg12[%dma_start3A, %dma_start3A_312, %dma_start3A_313] : memref<2x128x128xf32, #tpu.memory_space<vmem>> -> memref<1x128x128xf32, #tpu.memory_space<vmem>>
          %dma_start3A_315 = tpu.memref_squeeze %dma_start3A_314 : memref<1x128x128xf32, #tpu.memory_space<vmem>> -> memref<128x128xf32, #tpu.memory_space<vmem>>
          %dma_start3A_316 = arith.constant 0 : i32
          %dma_start3A_317 = tpu.memref_slice %arg13[%dma_start3A_310, %dma_start3A_316] : memref<2x128xi32, #tpu.memory_space<vmem>> -> memref<1x128xi32, #tpu.memory_space<vmem>>
          %dma_start3A_318 = tpu.memref_squeeze %dma_start3A_317 : memref<1x128xi32, #tpu.memory_space<vmem>> -> memref<128xi32, #tpu.memory_space<vmem>>
          %dma_start3A_319 = arith.constant 0 : i32
          %dma_start3A_320 = arith.constant 0 : i32
          %dma_start3A_321 = tpu.memref_slice %arg21[%dma_start3A_319, %dma_start3A_320] : memref<512x128xf32, #tpu.memory_space<vmem_shared>> -> memref<512x128xf32, #tpu.memory_space<vmem_shared>>
          %dma_start3A_322 = tpu.memref_slice %arg24[%dma_start3A_311] : memref<2x!tpu.dma_semaphore, #tpu.memory_space<semaphore_mem>> -> memref<1x!tpu.dma_semaphore, #tpu.memory_space<semaphore_mem>>
          %dma_start3A_323 = tpu.memref_squeeze %dma_start3A_322 : memref<1x!tpu.dma_semaphore, #tpu.memory_space<semaphore_mem>> -> memref<!tpu.dma_semaphore, #tpu.memory_space<semaphore_mem>>
          tpu.enqueue_indirect_dma source(%dma_start3A_315 : memref<128x128xf32, #tpu.memory_space<vmem>>) target(%dma_start3A_321 : memref<512x128xf32, #tpu.memory_space<vmem_shared>>) offsets(%dma_start3A_318 : memref<128xi32, #tpu.memory_space<vmem>>) semaphore(%dma_start3A_323 : memref<!tpu.dma_semaphore, #tpu.memory_space<semaphore_mem>>) {add = true}
        } else {
        }
        %mul3A_120 = arith.constant 2 : i32
        %mul3A_121 = arith.muli %mul3A_120, %scan3A_82 : i32
        %add3A_122 = arith.constant 1 : i32
        %add3A_123 = arith.addi %mul3A_121, %add3A_122 : i32
        %mul3A_124 = arith.constant 16 : i32
        %mul3A_125 = arith.muli %add3A_123, %mul3A_124 : i32
        %add3A_126 = arith.addi %mul3A_125, %arg1 : i32
        %lt3A_127 = arith.constant 2500 : i32
        %lt3A_128 = arith.cmpi slt, %add3A_126, %lt3A_127 : i32
        %convert_element_type3A_129 = arith.extui %lt3A_128 : i1 to i32
        %cond3A_130 = arith.constant 0 : i32
        %cond3A_131 = arith.cmpi ne, %convert_element_type3A_129, %cond3A_130 : i32
        scf.if %cond3A_131 {
          %mul3A_167 = arith.constant 128 : i32
          %mul3A_168 = arith.muli %add3A_126, %mul3A_167 : i32
          %dma_wait3A = arith.constant 1 : i32
          %dma_wait3A_169 = arith.constant 1 : i32
          %dma_wait3A_170 = arith.constant 0 : i32
          %dma_wait3A_171 = arith.constant 0 : i32
          %dma_wait3A_172 = tpu.memref_slice %arg12[%dma_wait3A, %dma_wait3A_170, %dma_wait3A_171] : memref<2x128x128xf32, #tpu.memory_space<vmem>> -> memref<1x128x128xf32, #tpu.memory_space<vmem>>
          %dma_wait3A_173 = tpu.memref_squeeze %dma_wait3A_172 : memref<1x128x128xf32, #tpu.memory_space<vmem>> -> memref<128x128xf32, #tpu.memory_space<vmem>>
          %dma_wait3A_174 = arith.constant 0 : i32
          %dma_wait3A_175 = tpu.memref_slice %arg2[%mul3A_168, %dma_wait3A_174] : memref<320000x128xf32, #tpu.memory_space<hbm>> -> memref<128x128xf32, #tpu.memory_space<hbm>>
          %dma_wait3A_176 = tpu.memref_slice %arg23[%dma_wait3A_169] : memref<2x!tpu.dma_semaphore, #tpu.memory_space<semaphore_mem>> -> memref<1x!tpu.dma_semaphore, #tpu.memory_space<semaphore_mem>>
          %dma_wait3A_177 = tpu.memref_squeeze %dma_wait3A_176 : memref<1x!tpu.dma_semaphore, #tpu.memory_space<semaphore_mem>> -> memref<!tpu.dma_semaphore, #tpu.memory_space<semaphore_mem>>
          %dma_wait3A_178 = arith.constant 0 : i32
          %dma_wait3A_179 = arith.constant 0 : i32
          %dma_wait3A_180 = tpu.memref_slice %arg12[%dma_wait3A, %dma_wait3A_178, %dma_wait3A_179] : memref<2x128x128xf32, #tpu.memory_space<vmem>> -> memref<1x128x128xf32, #tpu.memory_space<vmem>>
          %dma_wait3A_181 = tpu.memref_squeeze %dma_wait3A_180 : memref<1x128x128xf32, #tpu.memory_space<vmem>> -> memref<128x128xf32, #tpu.memory_space<vmem>>
          %dma_wait3A_182 = arith.constant 0 : i32
          %dma_wait3A_183 = tpu.memref_slice %arg2[%mul3A_168, %dma_wait3A_182] : memref<320000x128xf32, #tpu.memory_space<hbm>> -> memref<128x128xf32, #tpu.memory_space<hbm>>
          tpu.wait_dma2 semaphore(%dma_wait3A_177 : memref<!tpu.dma_semaphore, #tpu.memory_space<semaphore_mem>>) src(%dma_wait3A_183 : memref<128x128xf32, #tpu.memory_space<hbm>>) dst(%dma_wait3A_181 : memref<128x128xf32, #tpu.memory_space<vmem>>)
          %dma_wait3A_184 = arith.constant 1 : i32
          %dma_wait3A_185 = arith.constant 1 : i32
          %dma_wait3A_186 = arith.constant 0 : i32
          %dma_wait3A_187 = tpu.memref_slice %arg13[%dma_wait3A_184, %dma_wait3A_186] : memref<2x128xi32, #tpu.memory_space<vmem>> -> memref<1x128xi32, #tpu.memory_space<vmem>>
          %dma_wait3A_188 = tpu.memref_squeeze %dma_wait3A_187 : memref<1x128xi32, #tpu.memory_space<vmem>> -> memref<128xi32, #tpu.memory_space<vmem>>
          %dma_wait3A_189 = tpu.memref_slice %arg6[%mul3A_168] : memref<320000xi32, #tpu.memory_space<hbm>> -> memref<128xi32, #tpu.memory_space<hbm>>
          %dma_wait3A_190 = tpu.memref_slice %arg23[%dma_wait3A_185] : memref<2x!tpu.dma_semaphore, #tpu.memory_space<semaphore_mem>> -> memref<1x!tpu.dma_semaphore, #tpu.memory_space<semaphore_mem>>
          %dma_wait3A_191 = tpu.memref_squeeze %dma_wait3A_190 : memref<1x!tpu.dma_semaphore, #tpu.memory_space<semaphore_mem>> -> memref<!tpu.dma_semaphore, #tpu.memory_space<semaphore_mem>>
          %dma_wait3A_192 = arith.constant 0 : i32
          %dma_wait3A_193 = tpu.memref_slice %arg13[%dma_wait3A_184, %dma_wait3A_192] : memref<2x128xi32, #tpu.memory_space<vmem>> -> memref<1x128xi32, #tpu.memory_space<vmem>>
          %dma_wait3A_194 = tpu.memref_squeeze %dma_wait3A_193 : memref<1x128xi32, #tpu.memory_space<vmem>> -> memref<128xi32, #tpu.memory_space<vmem>>
          %dma_wait3A_195 = tpu.memref_slice %arg6[%mul3A_168] : memref<320000xi32, #tpu.memory_space<hbm>> -> memref<128xi32, #tpu.memory_space<hbm>>
          tpu.wait_dma2 semaphore(%dma_wait3A_191 : memref<!tpu.dma_semaphore, #tpu.memory_space<semaphore_mem>>) src(%dma_wait3A_195 : memref<128xi32, #tpu.memory_space<hbm>>) dst(%dma_wait3A_194 : memref<128xi32, #tpu.memory_space<vmem>>)
          %dma_wait3A_196 = arith.constant 1 : i32
          %dma_wait3A_197 = arith.constant 1 : i32
          %dma_wait3A_198 = arith.constant 0 : i32
          %dma_wait3A_199 = tpu.memref_slice %arg14[%dma_wait3A_196, %dma_wait3A_198] : memref<2x256xi32, #tpu.memory_space<vmem>> -> memref<1x256xi32, #tpu.memory_space<vmem>>
          %dma_wait3A_200 = tpu.memref_squeeze %dma_wait3A_199 : memref<1x256xi32, #tpu.memory_space<vmem>> -> memref<256xi32, #tpu.memory_space<vmem>>
          %dma_wait3A_201 = tpu.memref_slice %arg8[%mul3A_168] : memref<320128xi32, #tpu.memory_space<hbm>> -> memref<256xi32, #tpu.memory_space<hbm>>
          %dma_wait3A_202 = tpu.memref_slice %arg23[%dma_wait3A_197] : memref<2x!tpu.dma_semaphore, #tpu.memory_space<semaphore_mem>> -> memref<1x!tpu.dma_semaphore, #tpu.memory_space<semaphore_mem>>
          %dma_wait3A_203 = tpu.memref_squeeze %dma_wait3A_202 : memref<1x!tpu.dma_semaphore, #tpu.memory_space<semaphore_mem>> -> memref<!tpu.dma_semaphore, #tpu.memory_space<semaphore_mem>>
          %dma_wait3A_204 = arith.constant 0 : i32
          %dma_wait3A_205 = tpu.memref_slice %arg14[%dma_wait3A_196, %dma_wait3A_204] : memref<2x256xi32, #tpu.memory_space<vmem>> -> memref<1x256xi32, #tpu.memory_space<vmem>>
          %dma_wait3A_206 = tpu.memref_squeeze %dma_wait3A_205 : memref<1x256xi32, #tpu.memory_space<vmem>> -> memref<256xi32, #tpu.memory_space<vmem>>
          %dma_wait3A_207 = tpu.memref_slice %arg8[%mul3A_168] : memref<320128xi32, #tpu.memory_space<hbm>> -> memref<256xi32, #tpu.memory_space<hbm>>
          tpu.wait_dma2 semaphore(%dma_wait3A_203 : memref<!tpu.dma_semaphore, #tpu.memory_space<semaphore_mem>>) src(%dma_wait3A_207 : memref<256xi32, #tpu.memory_space<hbm>>) dst(%dma_wait3A_206 : memref<256xi32, #tpu.memory_space<vmem>>)
        } else {
        }
        %mul3A_132 = arith.constant 2 : i32
        %mul3A_133 = arith.muli %mul3A_132, %scan3A_82 : i32
        %mul3A_134 = arith.constant 16 : i32
        %mul3A_135 = arith.muli %mul3A_133, %mul3A_134 : i32
        %add3A_136 = arith.addi %mul3A_135, %arg1 : i32
        %lt3A_137 = arith.constant 2500 : i32
        %lt3A_138 = arith.cmpi slt, %add3A_136, %lt3A_137 : i32
        %convert_element_type3A_139 = arith.extui %lt3A_138 : i1 to i32
        %cond3A_140 = arith.constant 0 : i32
        %cond3A_141 = arith.cmpi ne, %convert_element_type3A_139, %cond3A_140 : i32
        scf.if %cond3A_141 {
          %dma_wait3A = arith.constant 0 : i32
          %dma_wait3A_167 = arith.constant 0 : i32
          %dma_wait3A_168 = arith.constant 0 : i32
          %dma_wait3A_169 = arith.constant 0 : i32
          %dma_wait3A_170 = arith.constant 0 : i32
          %dma_wait3A_171 = tpu.memref_slice %arg12[%dma_wait3A, %dma_wait3A_169, %dma_wait3A_170] : memref<2x128x128xf32, #tpu.memory_space<vmem>> -> memref<1x128x128xf32, #tpu.memory_space<vmem>>
          %dma_wait3A_172 = tpu.memref_squeeze %dma_wait3A_171 : memref<1x128x128xf32, #tpu.memory_space<vmem>> -> memref<128x128xf32, #tpu.memory_space<vmem>>
          %dma_wait3A_173 = arith.constant 0 : i32
          %dma_wait3A_174 = tpu.memref_slice %arg13[%dma_wait3A_167, %dma_wait3A_173] : memref<2x128xi32, #tpu.memory_space<vmem>> -> memref<1x128xi32, #tpu.memory_space<vmem>>
          %dma_wait3A_175 = tpu.memref_squeeze %dma_wait3A_174 : memref<1x128xi32, #tpu.memory_space<vmem>> -> memref<128xi32, #tpu.memory_space<vmem>>
          %dma_wait3A_176 = arith.constant 0 : i32
          %dma_wait3A_177 = arith.constant 0 : i32
          %dma_wait3A_178 = tpu.memref_slice %arg21[%dma_wait3A_176, %dma_wait3A_177] : memref<512x128xf32, #tpu.memory_space<vmem_shared>> -> memref<512x128xf32, #tpu.memory_space<vmem_shared>>
          %dma_wait3A_179 = tpu.memref_slice %arg24[%dma_wait3A_168] : memref<2x!tpu.dma_semaphore, #tpu.memory_space<semaphore_mem>> -> memref<1x!tpu.dma_semaphore, #tpu.memory_space<semaphore_mem>>
          %dma_wait3A_180 = tpu.memref_squeeze %dma_wait3A_179 : memref<1x!tpu.dma_semaphore, #tpu.memory_space<semaphore_mem>> -> memref<!tpu.dma_semaphore, #tpu.memory_space<semaphore_mem>>
          tpu.wait_indirect_dma semaphore(%dma_wait3A_180 : memref<!tpu.dma_semaphore, #tpu.memory_space<semaphore_mem>>) src(%dma_wait3A_172 : memref<128x128xf32, #tpu.memory_space<vmem>>) dst(%dma_wait3A_178 : memref<512x128xf32, #tpu.memory_space<vmem_shared>>)
        } else {
        }
        %mul3A_142 = arith.constant 2 : i32
        %mul3A_143 = arith.muli %mul3A_142, %scan3A_82 : i32
        %add3A_144 = arith.constant 2 : i32
        %add3A_145 = arith.addi %mul3A_143, %add3A_144 : i32
        %mul3A_146 = arith.constant 16 : i32
        %mul3A_147 = arith.muli %add3A_145, %mul3A_146 : i32
        %add3A_148 = arith.addi %mul3A_147, %arg1 : i32
        %lt3A_149 = arith.constant 2500 : i32
        %lt3A_150 = arith.cmpi slt, %add3A_148, %lt3A_149 : i32
        %convert_element_type3A_151 = arith.extui %lt3A_150 : i1 to i32
        %cond3A_152 = arith.constant 0 : i32
        %cond3A_153 = arith.cmpi ne, %convert_element_type3A_151, %cond3A_152 : i32
        scf.if %cond3A_153 {
          %mul3A_167 = arith.constant 128 : i32
          %mul3A_168 = arith.muli %add3A_148, %mul3A_167 : i32
          %dma_start3A = arith.constant 0 : i32
          %dma_start3A_169 = arith.constant 0 : i32
          %dma_start3A_170 = arith.constant 0 : i32
          %dma_start3A_171 = arith.constant 0 : i32
          %dma_start3A_172 = tpu.memref_slice %arg12[%dma_start3A, %dma_start3A_170, %dma_start3A_171] : memref<2x128x128xf32, #tpu.memory_space<vmem>> -> memref<1x128x128xf32, #tpu.memory_space<vmem>>
          %dma_start3A_173 = tpu.memref_squeeze %dma_start3A_172 : memref<1x128x128xf32, #tpu.memory_space<vmem>> -> memref<128x128xf32, #tpu.memory_space<vmem>>
          %dma_start3A_174 = arith.constant 0 : i32
          %dma_start3A_175 = tpu.memref_slice %arg2[%mul3A_168, %dma_start3A_174] : memref<320000x128xf32, #tpu.memory_space<hbm>> -> memref<128x128xf32, #tpu.memory_space<hbm>>
          %dma_start3A_176 = tpu.memref_slice %arg23[%dma_start3A_169] : memref<2x!tpu.dma_semaphore, #tpu.memory_space<semaphore_mem>> -> memref<1x!tpu.dma_semaphore, #tpu.memory_space<semaphore_mem>>
          %dma_start3A_177 = tpu.memref_squeeze %dma_start3A_176 : memref<1x!tpu.dma_semaphore, #tpu.memory_space<semaphore_mem>> -> memref<!tpu.dma_semaphore, #tpu.memory_space<semaphore_mem>>
          %dma_start3A_178 = arith.constant 0 : i32
          %dma_start3A_179 = arith.constant 0 : i32
          %dma_start3A_180 = tpu.memref_slice %arg12[%dma_start3A, %dma_start3A_178, %dma_start3A_179] : memref<2x128x128xf32, #tpu.memory_space<vmem>> -> memref<1x128x128xf32, #tpu.memory_space<vmem>>
          %dma_start3A_181 = tpu.memref_squeeze %dma_start3A_180 : memref<1x128x128xf32, #tpu.memory_space<vmem>> -> memref<128x128xf32, #tpu.memory_space<vmem>>
          %dma_start3A_182 = arith.constant 0 : i32
          %dma_start3A_183 = tpu.memref_slice %arg2[%mul3A_168, %dma_start3A_182] : memref<320000x128xf32, #tpu.memory_space<hbm>> -> memref<128x128xf32, #tpu.memory_space<hbm>>
          tpu.enqueue_dma source(%dma_start3A_183 : memref<128x128xf32, #tpu.memory_space<hbm>>) target(%dma_start3A_181 : memref<128x128xf32, #tpu.memory_space<vmem>>) target_semaphore(%dma_start3A_177 : memref<!tpu.dma_semaphore, #tpu.memory_space<semaphore_mem>>)
          %dma_start3A_184 = arith.constant 0 : i32
          %dma_start3A_185 = arith.constant 0 : i32
          %dma_start3A_186 = arith.constant 0 : i32
          %dma_start3A_187 = tpu.memref_slice %arg13[%dma_start3A_184, %dma_start3A_186] : memref<2x128xi32, #tpu.memory_space<vmem>> -> memref<1x128xi32, #tpu.memory_space<vmem>>
          %dma_start3A_188 = tpu.memref_squeeze %dma_start3A_187 : memref<1x128xi32, #tpu.memory_space<vmem>> -> memref<128xi32, #tpu.memory_space<vmem>>
          %dma_start3A_189 = tpu.memref_slice %arg6[%mul3A_168] : memref<320000xi32, #tpu.memory_space<hbm>> -> memref<128xi32, #tpu.memory_space<hbm>>
          %dma_start3A_190 = tpu.memref_slice %arg23[%dma_start3A_185] : memref<2x!tpu.dma_semaphore, #tpu.memory_space<semaphore_mem>> -> memref<1x!tpu.dma_semaphore, #tpu.memory_space<semaphore_mem>>
          %dma_start3A_191 = tpu.memref_squeeze %dma_start3A_190 : memref<1x!tpu.dma_semaphore, #tpu.memory_space<semaphore_mem>> -> memref<!tpu.dma_semaphore, #tpu.memory_space<semaphore_mem>>
          %dma_start3A_192 = arith.constant 0 : i32
          %dma_start3A_193 = tpu.memref_slice %arg13[%dma_start3A_184, %dma_start3A_192] : memref<2x128xi32, #tpu.memory_space<vmem>> -> memref<1x128xi32, #tpu.memory_space<vmem>>
          %dma_start3A_194 = tpu.memref_squeeze %dma_start3A_193 : memref<1x128xi32, #tpu.memory_space<vmem>> -> memref<128xi32, #tpu.memory_space<vmem>>
          %dma_start3A_195 = tpu.memref_slice %arg6[%mul3A_168] : memref<320000xi32, #tpu.memory_space<hbm>> -> memref<128xi32, #tpu.memory_space<hbm>>
          tpu.enqueue_dma source(%dma_start3A_195 : memref<128xi32, #tpu.memory_space<hbm>>) target(%dma_start3A_194 : memref<128xi32, #tpu.memory_space<vmem>>) target_semaphore(%dma_start3A_191 : memref<!tpu.dma_semaphore, #tpu.memory_space<semaphore_mem>>)
          %dma_start3A_196 = arith.constant 0 : i32
          %dma_start3A_197 = arith.constant 0 : i32
          %dma_start3A_198 = arith.constant 0 : i32
          %dma_start3A_199 = tpu.memref_slice %arg14[%dma_start3A_196, %dma_start3A_198] : memref<2x256xi32, #tpu.memory_space<vmem>> -> memref<1x256xi32, #tpu.memory_space<vmem>>
          %dma_start3A_200 = tpu.memref_squeeze %dma_start3A_199 : memref<1x256xi32, #tpu.memory_space<vmem>> -> memref<256xi32, #tpu.memory_space<vmem>>
          %dma_start3A_201 = tpu.memref_slice %arg8[%mul3A_168] : memref<320128xi32, #tpu.memory_space<hbm>> -> memref<256xi32, #tpu.memory_space<hbm>>
          %dma_start3A_202 = tpu.memref_slice %arg23[%dma_start3A_197] : memref<2x!tpu.dma_semaphore, #tpu.memory_space<semaphore_mem>> -> memref<1x!tpu.dma_semaphore, #tpu.memory_space<semaphore_mem>>
          %dma_start3A_203 = tpu.memref_squeeze %dma_start3A_202 : memref<1x!tpu.dma_semaphore, #tpu.memory_space<semaphore_mem>> -> memref<!tpu.dma_semaphore, #tpu.memory_space<semaphore_mem>>
          %dma_start3A_204 = arith.constant 0 : i32
          %dma_start3A_205 = tpu.memref_slice %arg14[%dma_start3A_196, %dma_start3A_204] : memref<2x256xi32, #tpu.memory_space<vmem>> -> memref<1x256xi32, #tpu.memory_space<vmem>>
          %dma_start3A_206 = tpu.memref_squeeze %dma_start3A_205 : memref<1x256xi32, #tpu.memory_space<vmem>> -> memref<256xi32, #tpu.memory_space<vmem>>
          %dma_start3A_207 = tpu.memref_slice %arg8[%mul3A_168] : memref<320128xi32, #tpu.memory_space<hbm>> -> memref<256xi32, #tpu.memory_space<hbm>>
          tpu.enqueue_dma source(%dma_start3A_207 : memref<256xi32, #tpu.memory_space<hbm>>) target(%dma_start3A_206 : memref<256xi32, #tpu.memory_space<vmem>>) target_semaphore(%dma_start3A_203 : memref<!tpu.dma_semaphore, #tpu.memory_space<semaphore_mem>>)
        } else {
        }
        %mul3A_154 = arith.constant 2 : i32
        %mul3A_155 = arith.muli %mul3A_154, %scan3A_82 : i32
        %add3A_156 = arith.constant 1 : i32
        %add3A_157 = arith.addi %mul3A_155, %add3A_156 : i32
        %mul3A_158 = arith.constant 16 : i32
        %mul3A_159 = arith.muli %add3A_157, %mul3A_158 : i32
        %add3A_160 = arith.addi %mul3A_159, %arg1 : i32
        %lt3A_161 = arith.constant 2500 : i32
        %lt3A_162 = arith.cmpi slt, %add3A_160, %lt3A_161 : i32
        %convert_element_type3A_163 = arith.extui %lt3A_162 : i1 to i32
        %cond3A_164 = arith.constant 0 : i32
        %cond3A_165 = arith.cmpi ne, %convert_element_type3A_163, %cond3A_164 : i32
        scf.if %cond3A_165 {
          %mul3A_167 = arith.constant 128 : i32
          %mul3A_168 = arith.muli %add3A_160, %mul3A_167 : i32
          %get3A = arith.constant 1 : i32
          %get3A_169 = arith.index_cast %get3A : i32 to index
          %get3A_170 = arith.constant 0 : index
          %get3A_171 = tpu.vector_load %arg13[%get3A_169, %get3A_170] {strides = array<i32>} : memref<2x128xi32, #tpu.memory_space<vmem>>, vector<16xi32>,
          %get3A_172 = arith.constant 1 : i32
          %get3A_173 = arith.index_cast %get3A_172 : i32 to index
          %get3A_174 = arith.constant 16 : index
          %get3A_175 = tpu.vector_load %arg14[%get3A_173, %get3A_174] {strides = array<i32>} : memref<2x256xi32, #tpu.memory_space<vmem>>, vector<16xi32>,
          %ne3A = arith.cmpi ne, %get3A_171, %get3A_175 : vector<16xi32>
          %add3A_176 = arith.constant 0 : i32
          %add3A_177 = arith.addi %mul3A_168, %add3A_176 : i32
          %add3A_178 = vector.broadcast %add3A_177 : i32 to vector<16xi32>
          %add3A_179 = arith.addi %add3A_178, %iota3A : vector<16xi32>
          %convert_element_type3A_180 = arith.sitofp %add3A_179 : vector<16xi32> to vector<16xf32>
          %add3A_181 = arith.constant 512 : i32
          %add3A_182 = vector.broadcast %add3A_181 : i32 to vector<16xi32>
          %add3A_183 = arith.addi %add3A_182, %iota3A : vector<16xi32>
          %select_n3A = arith.select %ne3A, %get3A_171, %add3A_183 : vector<16xi1>, vector<16xi32>
          tpu.vector_store_idx %arg17[%select_n3A], %convert_element_type3A_180 : memref<528xf32, #tpu.memory_space<vmem>>[vector<16xi32>], vector<16xf32>,
          tpu.vector_store_idx %arg18[%select_n3A], %broadcast_in_dim3A_2 : memref<528xf32, #tpu.memory_space<vmem>>[vector<16xi32>], vector<16xf32>,
          %get3A_184 = arith.constant 1 : i32
          %get3A_185 = arith.index_cast %get3A_184 : i32 to index
          %get3A_186 = arith.constant 16 : index
          %get3A_187 = tpu.vector_load %arg13[%get3A_185, %get3A_186] {strides = array<i32>} : memref<2x128xi32, #tpu.memory_space<vmem>>, vector<16xi32>,
          %get3A_188 = arith.constant 1 : i32
          %get3A_189 = arith.index_cast %get3A_188 : i32 to index
          %get3A_190 = arith.constant 32 : index
          %get3A_191 = tpu.vector_load %arg14[%get3A_189, %get3A_190] {strides = array<i32>} : memref<2x256xi32, #tpu.memory_space<vmem>>, vector<16xi32>,
          %ne3A_192 = arith.cmpi ne, %get3A_187, %get3A_191 : vector<16xi32>
          %add3A_193 = arith.constant 16 : i32
          %add3A_194 = arith.addi %mul3A_168, %add3A_193 : i32
          %add3A_195 = vector.broadcast %add3A_194 : i32 to vector<16xi32>
          %add3A_196 = arith.addi %add3A_195, %iota3A : vector<16xi32>
          %convert_element_type3A_197 = arith.sitofp %add3A_196 : vector<16xi32> to vector<16xf32>
          %add3A_198 = arith.constant 512 : i32
          %add3A_199 = vector.broadcast %add3A_198 : i32 to vector<16xi32>
          %add3A_200 = arith.addi %add3A_199, %iota3A : vector<16xi32>
          %select_n3A_201 = arith.select %ne3A_192, %get3A_187, %add3A_200 : vector<16xi1>, vector<16xi32>
          tpu.vector_store_idx %arg17[%select_n3A_201], %convert_element_type3A_197 : memref<528xf32, #tpu.memory_space<vmem>>[vector<16xi32>], vector<16xf32>,
          tpu.vector_store_idx %arg18[%select_n3A_201], %broadcast_in_dim3A_2 : memref<528xf32, #tpu.memory_space<vmem>>[vector<16xi32>], vector<16xf32>,
          %get3A_202 = arith.constant 1 : i32
          %get3A_203 = arith.index_cast %get3A_202 : i32 to index
          %get3A_204 = arith.constant 32 : index
          %get3A_205 = tpu.vector_load %arg13[%get3A_203, %get3A_204] {strides = array<i32>} : memref<2x128xi32, #tpu.memory_space<vmem>>, vector<16xi32>,
          %get3A_206 = arith.constant 1 : i32
          %get3A_207 = arith.index_cast %get3A_206 : i32 to index
          %get3A_208 = arith.constant 48 : index
          %get3A_209 = tpu.vector_load %arg14[%get3A_207, %get3A_208] {strides = array<i32>} : memref<2x256xi32, #tpu.memory_space<vmem>>, vector<16xi32>,
          %ne3A_210 = arith.cmpi ne, %get3A_205, %get3A_209 : vector<16xi32>
          %add3A_211 = arith.constant 32 : i32
          %add3A_212 = arith.addi %mul3A_168, %add3A_211 : i32
          %add3A_213 = vector.broadcast %add3A_212 : i32 to vector<16xi32>
          %add3A_214 = arith.addi %add3A_213, %iota3A : vector<16xi32>
          %convert_element_type3A_215 = arith.sitofp %add3A_214 : vector<16xi32> to vector<16xf32>
          %add3A_216 = arith.constant 512 : i32
          %add3A_217 = vector.broadcast %add3A_216 : i32 to vector<16xi32>
          %add3A_218 = arith.addi %add3A_217, %iota3A : vector<16xi32>
          %select_n3A_219 = arith.select %ne3A_210, %get3A_205, %add3A_218 : vector<16xi1>, vector<16xi32>
          tpu.vector_store_idx %arg17[%select_n3A_219], %convert_element_type3A_215 : memref<528xf32, #tpu.memory_space<vmem>>[vector<16xi32>], vector<16xf32>,
          tpu.vector_store_idx %arg18[%select_n3A_219], %broadcast_in_dim3A_2 : memref<528xf32, #tpu.memory_space<vmem>>[vector<16xi32>], vector<16xf32>,
          %get3A_220 = arith.constant 1 : i32
          %get3A_221 = arith.index_cast %get3A_220 : i32 to index
          %get3A_222 = arith.constant 48 : index
          %get3A_223 = tpu.vector_load %arg13[%get3A_221, %get3A_222] {strides = array<i32>} : memref<2x128xi32, #tpu.memory_space<vmem>>, vector<16xi32>,
          %get3A_224 = arith.constant 1 : i32
          %get3A_225 = arith.index_cast %get3A_224 : i32 to index
          %get3A_226 = arith.constant 64 : index
          %get3A_227 = tpu.vector_load %arg14[%get3A_225, %get3A_226] {strides = array<i32>} : memref<2x256xi32, #tpu.memory_space<vmem>>, vector<16xi32>,
          %ne3A_228 = arith.cmpi ne, %get3A_223, %get3A_227 : vector<16xi32>
          %add3A_229 = arith.constant 48 : i32
          %add3A_230 = arith.addi %mul3A_168, %add3A_229 : i32
          %add3A_231 = vector.broadcast %add3A_230 : i32 to vector<16xi32>
          %add3A_232 = arith.addi %add3A_231, %iota3A : vector<16xi32>
          %convert_element_type3A_233 = arith.sitofp %add3A_232 : vector<16xi32> to vector<16xf32>
          %add3A_234 = arith.constant 512 : i32
          %add3A_235 = vector.broadcast %add3A_234 : i32 to vector<16xi32>
          %add3A_236 = arith.addi %add3A_235, %iota3A : vector<16xi32>
          %select_n3A_237 = arith.select %ne3A_228, %get3A_223, %add3A_236 : vector<16xi1>, vector<16xi32>
          tpu.vector_store_idx %arg17[%select_n3A_237], %convert_element_type3A_233 : memref<528xf32, #tpu.memory_space<vmem>>[vector<16xi32>], vector<16xf32>,
          tpu.vector_store_idx %arg18[%select_n3A_237], %broadcast_in_dim3A_2 : memref<528xf32, #tpu.memory_space<vmem>>[vector<16xi32>], vector<16xf32>,
          %get3A_238 = arith.constant 1 : i32
          %get3A_239 = arith.index_cast %get3A_238 : i32 to index
          %get3A_240 = arith.constant 64 : index
          %get3A_241 = tpu.vector_load %arg13[%get3A_239, %get3A_240] {strides = array<i32>} : memref<2x128xi32, #tpu.memory_space<vmem>>, vector<16xi32>,
          %get3A_242 = arith.constant 1 : i32
          %get3A_243 = arith.index_cast %get3A_242 : i32 to index
          %get3A_244 = arith.constant 80 : index
          %get3A_245 = tpu.vector_load %arg14[%get3A_243, %get3A_244] {strides = array<i32>} : memref<2x256xi32, #tpu.memory_space<vmem>>, vector<16xi32>,
          %ne3A_246 = arith.cmpi ne, %get3A_241, %get3A_245 : vector<16xi32>
          %add3A_247 = arith.constant 64 : i32
          %add3A_248 = arith.addi %mul3A_168, %add3A_247 : i32
          %add3A_249 = vector.broadcast %add3A_248 : i32 to vector<16xi32>
          %add3A_250 = arith.addi %add3A_249, %iota3A : vector<16xi32>
          %convert_element_type3A_251 = arith.sitofp %add3A_250 : vector<16xi32> to vector<16xf32>
          %add3A_252 = arith.constant 512 : i32
          %add3A_253 = vector.broadcast %add3A_252 : i32 to vector<16xi32>
          %add3A_254 = arith.addi %add3A_253, %iota3A : vector<16xi32>
          %select_n3A_255 = arith.select %ne3A_246, %get3A_241, %add3A_254 : vector<16xi1>, vector<16xi32>
          tpu.vector_store_idx %arg17[%select_n3A_255], %convert_element_type3A_251 : memref<528xf32, #tpu.memory_space<vmem>>[vector<16xi32>], vector<16xf32>,
          tpu.vector_store_idx %arg18[%select_n3A_255], %broadcast_in_dim3A_2 : memref<528xf32, #tpu.memory_space<vmem>>[vector<16xi32>], vector<16xf32>,
          %get3A_256 = arith.constant 1 : i32
          %get3A_257 = arith.index_cast %get3A_256 : i32 to index
          %get3A_258 = arith.constant 80 : index
          %get3A_259 = tpu.vector_load %arg13[%get3A_257, %get3A_258] {strides = array<i32>} : memref<2x128xi32, #tpu.memory_space<vmem>>, vector<16xi32>,
          %get3A_260 = arith.constant 1 : i32
          %get3A_261 = arith.index_cast %get3A_260 : i32 to index
          %get3A_262 = arith.constant 96 : index
          %get3A_263 = tpu.vector_load %arg14[%get3A_261, %get3A_262] {strides = array<i32>} : memref<2x256xi32, #tpu.memory_space<vmem>>, vector<16xi32>,
          %ne3A_264 = arith.cmpi ne, %get3A_259, %get3A_263 : vector<16xi32>
          %add3A_265 = arith.constant 80 : i32
          %add3A_266 = arith.addi %mul3A_168, %add3A_265 : i32
          %add3A_267 = vector.broadcast %add3A_266 : i32 to vector<16xi32>
          %add3A_268 = arith.addi %add3A_267, %iota3A : vector<16xi32>
          %convert_element_type3A_269 = arith.sitofp %add3A_268 : vector<16xi32> to vector<16xf32>
          %add3A_270 = arith.constant 512 : i32
          %add3A_271 = vector.broadcast %add3A_270 : i32 to vector<16xi32>
          %add3A_272 = arith.addi %add3A_271, %iota3A : vector<16xi32>
          %select_n3A_273 = arith.select %ne3A_264, %get3A_259, %add3A_272 : vector<16xi1>, vector<16xi32>
          tpu.vector_store_idx %arg17[%select_n3A_273], %convert_element_type3A_269 : memref<528xf32, #tpu.memory_space<vmem>>[vector<16xi32>], vector<16xf32>,
          tpu.vector_store_idx %arg18[%select_n3A_273], %broadcast_in_dim3A_2 : memref<528xf32, #tpu.memory_space<vmem>>[vector<16xi32>], vector<16xf32>,
          %get3A_274 = arith.constant 1 : i32
          %get3A_275 = arith.index_cast %get3A_274 : i32 to index
          %get3A_276 = arith.constant 96 : index
          %get3A_277 = tpu.vector_load %arg13[%get3A_275, %get3A_276] {strides = array<i32>} : memref<2x128xi32, #tpu.memory_space<vmem>>, vector<16xi32>,
          %get3A_278 = arith.constant 1 : i32
          %get3A_279 = arith.index_cast %get3A_278 : i32 to index
          %get3A_280 = arith.constant 112 : index
          %get3A_281 = tpu.vector_load %arg14[%get3A_279, %get3A_280] {strides = array<i32>} : memref<2x256xi32, #tpu.memory_space<vmem>>, vector<16xi32>,
          %ne3A_282 = arith.cmpi ne, %get3A_277, %get3A_281 : vector<16xi32>
          %add3A_283 = arith.constant 96 : i32
          %add3A_284 = arith.addi %mul3A_168, %add3A_283 : i32
          %add3A_285 = vector.broadcast %add3A_284 : i32 to vector<16xi32>
          %add3A_286 = arith.addi %add3A_285, %iota3A : vector<16xi32>
          %convert_element_type3A_287 = arith.sitofp %add3A_286 : vector<16xi32> to vector<16xf32>
          %add3A_288 = arith.constant 512 : i32
          %add3A_289 = vector.broadcast %add3A_288 : i32 to vector<16xi32>
          %add3A_290 = arith.addi %add3A_289, %iota3A : vector<16xi32>
          %select_n3A_291 = arith.select %ne3A_282, %get3A_277, %add3A_290 : vector<16xi1>, vector<16xi32>
          tpu.vector_store_idx %arg17[%select_n3A_291], %convert_element_type3A_287 : memref<528xf32, #tpu.memory_space<vmem>>[vector<16xi32>], vector<16xf32>,
          tpu.vector_store_idx %arg18[%select_n3A_291], %broadcast_in_dim3A_2 : memref<528xf32, #tpu.memory_space<vmem>>[vector<16xi32>], vector<16xf32>,
          %get3A_292 = arith.constant 1 : i32
          %get3A_293 = arith.index_cast %get3A_292 : i32 to index
          %get3A_294 = arith.constant 112 : index
          %get3A_295 = tpu.vector_load %arg13[%get3A_293, %get3A_294] {strides = array<i32>} : memref<2x128xi32, #tpu.memory_space<vmem>>, vector<16xi32>,
          %get3A_296 = arith.constant 1 : i32
          %get3A_297 = arith.index_cast %get3A_296 : i32 to index
          %get3A_298 = arith.constant 128 : index
          %get3A_299 = tpu.vector_load %arg14[%get3A_297, %get3A_298] {strides = array<i32>} : memref<2x256xi32, #tpu.memory_space<vmem>>, vector<16xi32>,
          %ne3A_300 = arith.cmpi ne, %get3A_295, %get3A_299 : vector<16xi32>
          %add3A_301 = arith.constant 112 : i32
          %add3A_302 = arith.addi %mul3A_168, %add3A_301 : i32
          %add3A_303 = vector.broadcast %add3A_302 : i32 to vector<16xi32>
          %add3A_304 = arith.addi %add3A_303, %iota3A : vector<16xi32>
          %convert_element_type3A_305 = arith.sitofp %add3A_304 : vector<16xi32> to vector<16xf32>
          %add3A_306 = arith.constant 512 : i32
          %add3A_307 = vector.broadcast %add3A_306 : i32 to vector<16xi32>
          %add3A_308 = arith.addi %add3A_307, %iota3A : vector<16xi32>
          %select_n3A_309 = arith.select %ne3A_300, %get3A_295, %add3A_308 : vector<16xi1>, vector<16xi32>
          tpu.vector_store_idx %arg17[%select_n3A_309], %convert_element_type3A_305 : memref<528xf32, #tpu.memory_space<vmem>>[vector<16xi32>], vector<16xf32>,
          tpu.vector_store_idx %arg18[%select_n3A_309], %broadcast_in_dim3A_2 : memref<528xf32, #tpu.memory_space<vmem>>[vector<16xi32>], vector<16xf32>,
          %dma_start3A = arith.constant 1 : i32
          %dma_start3A_310 = arith.constant 1 : i32
          %dma_start3A_311 = arith.constant 1 : i32
          %dma_start3A_312 = arith.constant 0 : i32
          %dma_start3A_313 = arith.constant 0 : i32
          %dma_start3A_314 = tpu.memref_slice %arg12[%dma_start3A, %dma_start3A_312, %dma_start3A_313] : memref<2x128x128xf32, #tpu.memory_space<vmem>> -> memref<1x128x128xf32, #tpu.memory_space<vmem>>
          %dma_start3A_315 = tpu.memref_squeeze %dma_start3A_314 : memref<1x128x128xf32, #tpu.memory_space<vmem>> -> memref<128x128xf32, #tpu.memory_space<vmem>>
          %dma_start3A_316 = arith.constant 0 : i32
          %dma_start3A_317 = tpu.memref_slice %arg13[%dma_start3A_310, %dma_start3A_316] : memref<2x128xi32, #tpu.memory_space<vmem>> -> memref<1x128xi32, #tpu.memory_space<vmem>>
          %dma_start3A_318 = tpu.memref_squeeze %dma_start3A_317 : memref<1x128xi32, #tpu.memory_space<vmem>> -> memref<128xi32, #tpu.memory_space<vmem>>
          %dma_start3A_319 = arith.constant 0 : i32
          %dma_start3A_320 = arith.constant 0 : i32
          %dma_start3A_321 = tpu.memref_slice %arg21[%dma_start3A_319, %dma_start3A_320] : memref<512x128xf32, #tpu.memory_space<vmem_shared>> -> memref<512x128xf32, #tpu.memory_space<vmem_shared>>
          %dma_start3A_322 = tpu.memref_slice %arg24[%dma_start3A_311] : memref<2x!tpu.dma_semaphore, #tpu.memory_space<semaphore_mem>> -> memref<1x!tpu.dma_semaphore, #tpu.memory_space<semaphore_mem>>
          %dma_start3A_323 = tpu.memref_squeeze %dma_start3A_322 : memref<1x!tpu.dma_semaphore, #tpu.memory_space<semaphore_mem>> -> memref<!tpu.dma_semaphore, #tpu.memory_space<semaphore_mem>>
          tpu.enqueue_indirect_dma source(%dma_start3A_315 : memref<128x128xf32, #tpu.memory_space<vmem>>) target(%dma_start3A_321 : memref<512x128xf32, #tpu.memory_space<vmem_shared>>) offsets(%dma_start3A_318 : memref<128xi32, #tpu.memory_space<vmem>>) semaphore(%dma_start3A_323 : memref<!tpu.dma_semaphore, #tpu.memory_space<semaphore_mem>>) {add = true}
        } else {
        }
        %scan3A_166 = arith.constant 0 : i32
        scf.yield %scan3A_166 : i32
      }
      %scan3A_48 = arith.constant 79 : i32
      %add3A_49 = arith.constant 2512 : i32
      %add3A_50 = arith.addi %add3A_49, %arg1 : i32
      %lt3A_51 = arith.constant 2500 : i32
      %lt3A_52 = arith.cmpi slt, %add3A_50, %lt3A_51 : i32
      %convert_element_type3A_53 = arith.extui %lt3A_52 : i1 to i32
      %cond3A_54 = arith.constant 0 : i32
      %cond3A_55 = arith.cmpi ne, %convert_element_type3A_53, %cond3A_54 : i32
      scf.if %cond3A_55 {
        %dma_wait3A = arith.constant 1 : i32
        %dma_wait3A_82 = arith.constant 1 : i32
        %dma_wait3A_83 = arith.constant 1 : i32
        %dma_wait3A_84 = arith.constant 0 : i32
        %dma_wait3A_85 = arith.constant 0 : i32
        %dma_wait3A_86 = tpu.memref_slice %arg12[%dma_wait3A, %dma_wait3A_84, %dma_wait3A_85] : memref<2x128x128xf32, #tpu.memory_space<vmem>> -> memref<1x128x128xf32, #tpu.memory_space<vmem>>
        %dma_wait3A_87 = tpu.memref_squeeze %dma_wait3A_86 : memref<1x128x128xf32, #tpu.memory_space<vmem>> -> memref<128x128xf32, #tpu.memory_space<vmem>>
        %dma_wait3A_88 = arith.constant 0 : i32
        %dma_wait3A_89 = tpu.memref_slice %arg13[%dma_wait3A_82, %dma_wait3A_88] : memref<2x128xi32, #tpu.memory_space<vmem>> -> memref<1x128xi32, #tpu.memory_space<vmem>>
        %dma_wait3A_90 = tpu.memref_squeeze %dma_wait3A_89 : memref<1x128xi32, #tpu.memory_space<vmem>> -> memref<128xi32, #tpu.memory_space<vmem>>
        %dma_wait3A_91 = arith.constant 0 : i32
        %dma_wait3A_92 = arith.constant 0 : i32
        %dma_wait3A_93 = tpu.memref_slice %arg21[%dma_wait3A_91, %dma_wait3A_92] : memref<512x128xf32, #tpu.memory_space<vmem_shared>> -> memref<512x128xf32, #tpu.memory_space<vmem_shared>>
        %dma_wait3A_94 = tpu.memref_slice %arg24[%dma_wait3A_83] : memref<2x!tpu.dma_semaphore, #tpu.memory_space<semaphore_mem>> -> memref<1x!tpu.dma_semaphore, #tpu.memory_space<semaphore_mem>>
        %dma_wait3A_95 = tpu.memref_squeeze %dma_wait3A_94 : memref<1x!tpu.dma_semaphore, #tpu.memory_space<semaphore_mem>> -> memref<!tpu.dma_semaphore, #tpu.memory_space<semaphore_mem>>
        tpu.wait_indirect_dma semaphore(%dma_wait3A_95 : memref<!tpu.dma_semaphore, #tpu.memory_space<semaphore_mem>>) src(%dma_wait3A_87 : memref<128x128xf32, #tpu.memory_space<vmem>>) dst(%dma_wait3A_93 : memref<512x128xf32, #tpu.memory_space<vmem_shared>>)
      } else {
      }
      %add3A_56 = arith.constant 0 : i32
      %add3A_57 = arith.addi %add3A_56, %arg1 : i32
      %lt3A_58 = arith.constant 78 : i32
      %lt3A_59 = arith.cmpi slt, %add3A_57, %lt3A_58 : i32
      %convert_element_type3A_60 = arith.extui %lt3A_59 : i1 to i32
      %cond3A_61 = arith.constant 0 : i32
      %cond3A_62 = arith.cmpi ne, %convert_element_type3A_60, %cond3A_61 : i32
      scf.if %cond3A_62 {
        %mul3A_82 = arith.constant 128 : i32
        %mul3A_83 = arith.muli %add3A_57, %mul3A_82 : i32
        %dma_start3A = arith.constant 0 : i32
        %dma_start3A_84 = arith.constant 0 : i32
        %dma_start3A_85 = arith.constant 0 : i32
        %dma_start3A_86 = arith.constant 0 : i32
        %dma_start3A_87 = tpu.memref_slice %arg12[%dma_start3A, %dma_start3A_85, %dma_start3A_86] : memref<2x128x128xf32, #tpu.memory_space<vmem>> -> memref<1x128x128xf32, #tpu.memory_space<vmem>>
        %dma_start3A_88 = tpu.memref_squeeze %dma_start3A_87 : memref<1x128x128xf32, #tpu.memory_space<vmem>> -> memref<128x128xf32, #tpu.memory_space<vmem>>
        %dma_start3A_89 = arith.constant 0 : i32
        %dma_start3A_90 = tpu.memref_slice %arg4[%mul3A_83, %dma_start3A_89] : memref<10000x128xf32, #tpu.memory_space<hbm>> -> memref<128x128xf32, #tpu.memory_space<hbm>>
        %dma_start3A_91 = tpu.memref_slice %arg23[%dma_start3A_84] : memref<2x!tpu.dma_semaphore, #tpu.memory_space<semaphore_mem>> -> memref<1x!tpu.dma_semaphore, #tpu.memory_space<semaphore_mem>>
        %dma_start3A_92 = tpu.memref_squeeze %dma_start3A_91 : memref<1x!tpu.dma_semaphore, #tpu.memory_space<semaphore_mem>> -> memref<!tpu.dma_semaphore, #tpu.memory_space<semaphore_mem>>
        %dma_start3A_93 = arith.constant 0 : i32
        %dma_start3A_94 = arith.constant 0 : i32
        %dma_start3A_95 = tpu.memref_slice %arg12[%dma_start3A, %dma_start3A_93, %dma_start3A_94] : memref<2x128x128xf32, #tpu.memory_space<vmem>> -> memref<1x128x128xf32, #tpu.memory_space<vmem>>
        %dma_start3A_96 = tpu.memref_squeeze %dma_start3A_95 : memref<1x128x128xf32, #tpu.memory_space<vmem>> -> memref<128x128xf32, #tpu.memory_space<vmem>>
        %dma_start3A_97 = arith.constant 0 : i32
        %dma_start3A_98 = tpu.memref_slice %arg4[%mul3A_83, %dma_start3A_97] : memref<10000x128xf32, #tpu.memory_space<hbm>> -> memref<128x128xf32, #tpu.memory_space<hbm>>
        tpu.enqueue_dma source(%dma_start3A_98 : memref<128x128xf32, #tpu.memory_space<hbm>>) target(%dma_start3A_96 : memref<128x128xf32, #tpu.memory_space<vmem>>) target_semaphore(%dma_start3A_92 : memref<!tpu.dma_semaphore, #tpu.memory_space<semaphore_mem>>)
        %dma_start3A_99 = arith.constant 0 : i32
        %dma_start3A_100 = arith.constant 0 : i32
        %dma_start3A_101 = arith.constant 0 : i32
        %dma_start3A_102 = tpu.memref_slice %arg13[%dma_start3A_99, %dma_start3A_101] : memref<2x128xi32, #tpu.memory_space<vmem>> -> memref<1x128xi32, #tpu.memory_space<vmem>>
        %dma_start3A_103 = tpu.memref_squeeze %dma_start3A_102 : memref<1x128xi32, #tpu.memory_space<vmem>> -> memref<128xi32, #tpu.memory_space<vmem>>
        %dma_start3A_104 = tpu.memref_slice %arg7[%mul3A_83] : memref<10000xi32, #tpu.memory_space<hbm>> -> memref<128xi32, #tpu.memory_space<hbm>>
        %dma_start3A_105 = tpu.memref_slice %arg23[%dma_start3A_100] : memref<2x!tpu.dma_semaphore, #tpu.memory_space<semaphore_mem>> -> memref<1x!tpu.dma_semaphore, #tpu.memory_space<semaphore_mem>>
        %dma_start3A_106 = tpu.memref_squeeze %dma_start3A_105 : memref<1x!tpu.dma_semaphore, #tpu.memory_space<semaphore_mem>> -> memref<!tpu.dma_semaphore, #tpu.memory_space<semaphore_mem>>
        %dma_start3A_107 = arith.constant 0 : i32
        %dma_start3A_108 = tpu.memref_slice %arg13[%dma_start3A_99, %dma_start3A_107] : memref<2x128xi32, #tpu.memory_space<vmem>> -> memref<1x128xi32, #tpu.memory_space<vmem>>
        %dma_start3A_109 = tpu.memref_squeeze %dma_start3A_108 : memref<1x128xi32, #tpu.memory_space<vmem>> -> memref<128xi32, #tpu.memory_space<vmem>>
        %dma_start3A_110 = tpu.memref_slice %arg7[%mul3A_83] : memref<10000xi32, #tpu.memory_space<hbm>> -> memref<128xi32, #tpu.memory_space<hbm>>
        tpu.enqueue_dma source(%dma_start3A_110 : memref<128xi32, #tpu.memory_space<hbm>>) target(%dma_start3A_109 : memref<128xi32, #tpu.memory_space<vmem>>) target_semaphore(%dma_start3A_106 : memref<!tpu.dma_semaphore, #tpu.memory_space<semaphore_mem>>)
        %dma_start3A_111 = arith.constant 0 : i32
        %dma_start3A_112 = arith.constant 0 : i32
        %dma_start3A_113 = arith.constant 0 : i32
        %dma_start3A_114 = tpu.memref_slice %arg14[%dma_start3A_111, %dma_start3A_113] : memref<2x256xi32, #tpu.memory_space<vmem>> -> memref<1x256xi32, #tpu.memory_space<vmem>>
        %dma_start3A_115 = tpu.memref_squeeze %dma_start3A_114 : memref<1x256xi32, #tpu.memory_space<vmem>> -> memref<256xi32, #tpu.memory_space<vmem>>
        %dma_start3A_116 = tpu.memref_slice %arg9[%mul3A_83] : memref<10240xi32, #tpu.memory_space<hbm>> -> memref<256xi32, #tpu.memory_space<hbm>>
        %dma_start3A_117 = tpu.memref_slice %arg23[%dma_start3A_112] : memref<2x!tpu.dma_semaphore, #tpu.memory_space<semaphore_mem>> -> memref<1x!tpu.dma_semaphore, #tpu.memory_space<semaphore_mem>>
        %dma_start3A_118 = tpu.memref_squeeze %dma_start3A_117 : memref<1x!tpu.dma_semaphore, #tpu.memory_space<semaphore_mem>> -> memref<!tpu.dma_semaphore, #tpu.memory_space<semaphore_mem>>
        %dma_start3A_119 = arith.constant 0 : i32
        %dma_start3A_120 = tpu.memref_slice %arg14[%dma_start3A_111, %dma_start3A_119] : memref<2x256xi32, #tpu.memory_space<vmem>> -> memref<1x256xi32, #tpu.memory_space<vmem>>
        %dma_start3A_121 = tpu.memref_squeeze %dma_start3A_120 : memref<1x256xi32, #tpu.memory_space<vmem>> -> memref<256xi32, #tpu.memory_space<vmem>>
        %dma_start3A_122 = tpu.memref_slice %arg9[%mul3A_83] : memref<10240xi32, #tpu.memory_space<hbm>> -> memref<256xi32, #tpu.memory_space<hbm>>
        tpu.enqueue_dma source(%dma_start3A_122 : memref<256xi32, #tpu.memory_space<hbm>>) target(%dma_start3A_121 : memref<256xi32, #tpu.memory_space<vmem>>) target_semaphore(%dma_start3A_118 : memref<!tpu.dma_semaphore, #tpu.memory_space<semaphore_mem>>)
      } else {
      }
      %scan3A_63 = arith.constant 0 : i32
      %scan3A_64 = arith.constant 0 : i32
      %scan3A_65 = arith.constant 3 : i32
      %scan3A_66 = arith.addi %scan3A_64, %scan3A_65 : i32
      %scan3A_67 = arith.constant 1 : i32
      %scan3A_68 = scf.for %scan3A_82 = %scan3A_64 to %scan3A_66 step %scan3A_67 iter_args(%scan3A_83 = %scan3A_63) -> (i32)  : i32 {
        %mul3A_84 = arith.constant 2 : i32
        %mul3A_85 = arith.muli %mul3A_84, %scan3A_82 : i32
        %mul3A_86 = arith.constant 16 : i32
        %mul3A_87 = arith.muli %mul3A_85, %mul3A_86 : i32
        %add3A_88 = arith.addi %mul3A_87, %arg1 : i32
        %lt3A_89 = arith.constant 78 : i32
        %lt3A_90 = arith.cmpi slt, %add3A_88, %lt3A_89 : i32
        %convert_element_type3A_91 = arith.extui %lt3A_90 : i1 to i32
        %cond3A_92 = arith.constant 0 : i32
        %cond3A_93 = arith.cmpi ne, %convert_element_type3A_91, %cond3A_92 : i32
        scf.if %cond3A_93 {
          %mul3A_167 = arith.constant 128 : i32
          %mul3A_168 = arith.muli %add3A_88, %mul3A_167 : i32
          %dma_wait3A = arith.constant 0 : i32
          %dma_wait3A_169 = arith.constant 0 : i32
          %dma_wait3A_170 = arith.constant 0 : i32
          %dma_wait3A_171 = arith.constant 0 : i32
          %dma_wait3A_172 = tpu.memref_slice %arg12[%dma_wait3A, %dma_wait3A_170, %dma_wait3A_171] : memref<2x128x128xf32, #tpu.memory_space<vmem>> -> memref<1x128x128xf32, #tpu.memory_space<vmem>>
          %dma_wait3A_173 = tpu.memref_squeeze %dma_wait3A_172 : memref<1x128x128xf32, #tpu.memory_space<vmem>> -> memref<128x128xf32, #tpu.memory_space<vmem>>
          %dma_wait3A_174 = arith.constant 0 : i32
          %dma_wait3A_175 = tpu.memref_slice %arg4[%mul3A_168, %dma_wait3A_174] : memref<10000x128xf32, #tpu.memory_space<hbm>> -> memref<128x128xf32, #tpu.memory_space<hbm>>
          %dma_wait3A_176 = tpu.memref_slice %arg23[%dma_wait3A_169] : memref<2x!tpu.dma_semaphore, #tpu.memory_space<semaphore_mem>> -> memref<1x!tpu.dma_semaphore, #tpu.memory_space<semaphore_mem>>
          %dma_wait3A_177 = tpu.memref_squeeze %dma_wait3A_176 : memref<1x!tpu.dma_semaphore, #tpu.memory_space<semaphore_mem>> -> memref<!tpu.dma_semaphore, #tpu.memory_space<semaphore_mem>>
          %dma_wait3A_178 = arith.constant 0 : i32
          %dma_wait3A_179 = arith.constant 0 : i32
          %dma_wait3A_180 = tpu.memref_slice %arg12[%dma_wait3A, %dma_wait3A_178, %dma_wait3A_179] : memref<2x128x128xf32, #tpu.memory_space<vmem>> -> memref<1x128x128xf32, #tpu.memory_space<vmem>>
          %dma_wait3A_181 = tpu.memref_squeeze %dma_wait3A_180 : memref<1x128x128xf32, #tpu.memory_space<vmem>> -> memref<128x128xf32, #tpu.memory_space<vmem>>
          %dma_wait3A_182 = arith.constant 0 : i32
          %dma_wait3A_183 = tpu.memref_slice %arg4[%mul3A_168, %dma_wait3A_182] : memref<10000x128xf32, #tpu.memory_space<hbm>> -> memref<128x128xf32, #tpu.memory_space<hbm>>
          tpu.wait_dma2 semaphore(%dma_wait3A_177 : memref<!tpu.dma_semaphore, #tpu.memory_space<semaphore_mem>>) src(%dma_wait3A_183 : memref<128x128xf32, #tpu.memory_space<hbm>>) dst(%dma_wait3A_181 : memref<128x128xf32, #tpu.memory_space<vmem>>)
          %dma_wait3A_184 = arith.constant 0 : i32
          %dma_wait3A_185 = arith.constant 0 : i32
          %dma_wait3A_186 = arith.constant 0 : i32
          %dma_wait3A_187 = tpu.memref_slice %arg13[%dma_wait3A_184, %dma_wait3A_186] : memref<2x128xi32, #tpu.memory_space<vmem>> -> memref<1x128xi32, #tpu.memory_space<vmem>>
          %dma_wait3A_188 = tpu.memref_squeeze %dma_wait3A_187 : memref<1x128xi32, #tpu.memory_space<vmem>> -> memref<128xi32, #tpu.memory_space<vmem>>
          %dma_wait3A_189 = tpu.memref_slice %arg7[%mul3A_168] : memref<10000xi32, #tpu.memory_space<hbm>> -> memref<128xi32, #tpu.memory_space<hbm>>
          %dma_wait3A_190 = tpu.memref_slice %arg23[%dma_wait3A_185] : memref<2x!tpu.dma_semaphore, #tpu.memory_space<semaphore_mem>> -> memref<1x!tpu.dma_semaphore, #tpu.memory_space<semaphore_mem>>
          %dma_wait3A_191 = tpu.memref_squeeze %dma_wait3A_190 : memref<1x!tpu.dma_semaphore, #tpu.memory_space<semaphore_mem>> -> memref<!tpu.dma_semaphore, #tpu.memory_space<semaphore_mem>>
          %dma_wait3A_192 = arith.constant 0 : i32
          %dma_wait3A_193 = tpu.memref_slice %arg13[%dma_wait3A_184, %dma_wait3A_192] : memref<2x128xi32, #tpu.memory_space<vmem>> -> memref<1x128xi32, #tpu.memory_space<vmem>>
          %dma_wait3A_194 = tpu.memref_squeeze %dma_wait3A_193 : memref<1x128xi32, #tpu.memory_space<vmem>> -> memref<128xi32, #tpu.memory_space<vmem>>
          %dma_wait3A_195 = tpu.memref_slice %arg7[%mul3A_168] : memref<10000xi32, #tpu.memory_space<hbm>> -> memref<128xi32, #tpu.memory_space<hbm>>
          tpu.wait_dma2 semaphore(%dma_wait3A_191 : memref<!tpu.dma_semaphore, #tpu.memory_space<semaphore_mem>>) src(%dma_wait3A_195 : memref<128xi32, #tpu.memory_space<hbm>>) dst(%dma_wait3A_194 : memref<128xi32, #tpu.memory_space<vmem>>)
          %dma_wait3A_196 = arith.constant 0 : i32
          %dma_wait3A_197 = arith.constant 0 : i32
          %dma_wait3A_198 = arith.constant 0 : i32
          %dma_wait3A_199 = tpu.memref_slice %arg14[%dma_wait3A_196, %dma_wait3A_198] : memref<2x256xi32, #tpu.memory_space<vmem>> -> memref<1x256xi32, #tpu.memory_space<vmem>>
          %dma_wait3A_200 = tpu.memref_squeeze %dma_wait3A_199 : memref<1x256xi32, #tpu.memory_space<vmem>> -> memref<256xi32, #tpu.memory_space<vmem>>
          %dma_wait3A_201 = tpu.memref_slice %arg9[%mul3A_168] : memref<10240xi32, #tpu.memory_space<hbm>> -> memref<256xi32, #tpu.memory_space<hbm>>
          %dma_wait3A_202 = tpu.memref_slice %arg23[%dma_wait3A_197] : memref<2x!tpu.dma_semaphore, #tpu.memory_space<semaphore_mem>> -> memref<1x!tpu.dma_semaphore, #tpu.memory_space<semaphore_mem>>
          %dma_wait3A_203 = tpu.memref_squeeze %dma_wait3A_202 : memref<1x!tpu.dma_semaphore, #tpu.memory_space<semaphore_mem>> -> memref<!tpu.dma_semaphore, #tpu.memory_space<semaphore_mem>>
          %dma_wait3A_204 = arith.constant 0 : i32
          %dma_wait3A_205 = tpu.memref_slice %arg14[%dma_wait3A_196, %dma_wait3A_204] : memref<2x256xi32, #tpu.memory_space<vmem>> -> memref<1x256xi32, #tpu.memory_space<vmem>>
          %dma_wait3A_206 = tpu.memref_squeeze %dma_wait3A_205 : memref<1x256xi32, #tpu.memory_space<vmem>> -> memref<256xi32, #tpu.memory_space<vmem>>
          %dma_wait3A_207 = tpu.memref_slice %arg9[%mul3A_168] : memref<10240xi32, #tpu.memory_space<hbm>> -> memref<256xi32, #tpu.memory_space<hbm>>
          tpu.wait_dma2 semaphore(%dma_wait3A_203 : memref<!tpu.dma_semaphore, #tpu.memory_space<semaphore_mem>>) src(%dma_wait3A_207 : memref<256xi32, #tpu.memory_space<hbm>>) dst(%dma_wait3A_206 : memref<256xi32, #tpu.memory_space<vmem>>)
        } else {
        }
        %gt3A = arith.constant 0 : i32
        %gt3A_94 = arith.cmpi sgt, %scan3A_82, %gt3A : i32
        %convert_element_type3A_95 = arith.extui %gt3A_94 : i1 to i32
        %cond3A_96 = arith.constant 0 : i32
        %cond3A_97 = arith.cmpi ne, %convert_element_type3A_95, %cond3A_96 : i32
        scf.if %cond3A_97 {
          %mul3A_167 = arith.constant 2 : i32
          %mul3A_168 = arith.muli %mul3A_167, %scan3A_82 : i32
          %sub3A = arith.constant 1 : i32
          %sub3A_169 = arith.subi %mul3A_168, %sub3A : i32
          %mul3A_170 = arith.constant 16 : i32
          %mul3A_171 = arith.muli %sub3A_169, %mul3A_170 : i32
          %add3A_172 = arith.addi %mul3A_171, %arg1 : i32
          %lt3A_173 = arith.constant 78 : i32
          %lt3A_174 = arith.cmpi slt, %add3A_172, %lt3A_173 : i32
          %convert_element_type3A_175 = arith.extui %lt3A_174 : i1 to i32
          %cond3A_176 = arith.constant 0 : i32
          %cond3A_177 = arith.cmpi ne, %convert_element_type3A_175, %cond3A_176 : i32
          scf.if %cond3A_177 {
            %dma_wait3A = arith.constant 1 : i32
            %dma_wait3A_178 = arith.constant 1 : i32
            %dma_wait3A_179 = arith.constant 1 : i32
            %dma_wait3A_180 = arith.constant 0 : i32
            %dma_wait3A_181 = arith.constant 0 : i32
            %dma_wait3A_182 = tpu.memref_slice %arg12[%dma_wait3A, %dma_wait3A_180, %dma_wait3A_181] : memref<2x128x128xf32, #tpu.memory_space<vmem>> -> memref<1x128x128xf32, #tpu.memory_space<vmem>>
            %dma_wait3A_183 = tpu.memref_squeeze %dma_wait3A_182 : memref<1x128x128xf32, #tpu.memory_space<vmem>> -> memref<128x128xf32, #tpu.memory_space<vmem>>
            %dma_wait3A_184 = arith.constant 0 : i32
            %dma_wait3A_185 = tpu.memref_slice %arg13[%dma_wait3A_178, %dma_wait3A_184] : memref<2x128xi32, #tpu.memory_space<vmem>> -> memref<1x128xi32, #tpu.memory_space<vmem>>
            %dma_wait3A_186 = tpu.memref_squeeze %dma_wait3A_185 : memref<1x128xi32, #tpu.memory_space<vmem>> -> memref<128xi32, #tpu.memory_space<vmem>>
            %dma_wait3A_187 = arith.constant 0 : i32
            %dma_wait3A_188 = arith.constant 0 : i32
            %dma_wait3A_189 = tpu.memref_slice %arg22[%dma_wait3A_187, %dma_wait3A_188] : memref<512x128xf32, #tpu.memory_space<vmem_shared>> -> memref<512x128xf32, #tpu.memory_space<vmem_shared>>
            %dma_wait3A_190 = tpu.memref_slice %arg24[%dma_wait3A_179] : memref<2x!tpu.dma_semaphore, #tpu.memory_space<semaphore_mem>> -> memref<1x!tpu.dma_semaphore, #tpu.memory_space<semaphore_mem>>
            %dma_wait3A_191 = tpu.memref_squeeze %dma_wait3A_190 : memref<1x!tpu.dma_semaphore, #tpu.memory_space<semaphore_mem>> -> memref<!tpu.dma_semaphore, #tpu.memory_space<semaphore_mem>>
            tpu.wait_indirect_dma semaphore(%dma_wait3A_191 : memref<!tpu.dma_semaphore, #tpu.memory_space<semaphore_mem>>) src(%dma_wait3A_183 : memref<128x128xf32, #tpu.memory_space<vmem>>) dst(%dma_wait3A_189 : memref<512x128xf32, #tpu.memory_space<vmem_shared>>)
          } else {
          }
        } else {
        }
        %mul3A_98 = arith.constant 2 : i32
        %mul3A_99 = arith.muli %mul3A_98, %scan3A_82 : i32
        %add3A_100 = arith.constant 1 : i32
        %add3A_101 = arith.addi %mul3A_99, %add3A_100 : i32
        %mul3A_102 = arith.constant 16 : i32
        %mul3A_103 = arith.muli %add3A_101, %mul3A_102 : i32
        %add3A_104 = arith.addi %mul3A_103, %arg1 : i32
        %lt3A_105 = arith.constant 78 : i32
        %lt3A_106 = arith.cmpi slt, %add3A_104, %lt3A_105 : i32
        %convert_element_type3A_107 = arith.extui %lt3A_106 : i1 to i32
        %cond3A_108 = arith.constant 0 : i32
        %cond3A_109 = arith.cmpi ne, %convert_element_type3A_107, %cond3A_108 : i32
        scf.if %cond3A_109 {
          %mul3A_167 = arith.constant 128 : i32
          %mul3A_168 = arith.muli %add3A_104, %mul3A_167 : i32
          %dma_start3A = arith.constant 1 : i32
          %dma_start3A_169 = arith.constant 1 : i32
          %dma_start3A_170 = arith.constant 0 : i32
          %dma_start3A_171 = arith.constant 0 : i32
          %dma_start3A_172 = tpu.memref_slice %arg12[%dma_start3A, %dma_start3A_170, %dma_start3A_171] : memref<2x128x128xf32, #tpu.memory_space<vmem>> -> memref<1x128x128xf32, #tpu.memory_space<vmem>>
          %dma_start3A_173 = tpu.memref_squeeze %dma_start3A_172 : memref<1x128x128xf32, #tpu.memory_space<vmem>> -> memref<128x128xf32, #tpu.memory_space<vmem>>
          %dma_start3A_174 = arith.constant 0 : i32
          %dma_start3A_175 = tpu.memref_slice %arg4[%mul3A_168, %dma_start3A_174] : memref<10000x128xf32, #tpu.memory_space<hbm>> -> memref<128x128xf32, #tpu.memory_space<hbm>>
          %dma_start3A_176 = tpu.memref_slice %arg23[%dma_start3A_169] : memref<2x!tpu.dma_semaphore, #tpu.memory_space<semaphore_mem>> -> memref<1x!tpu.dma_semaphore, #tpu.memory_space<semaphore_mem>>
          %dma_start3A_177 = tpu.memref_squeeze %dma_start3A_176 : memref<1x!tpu.dma_semaphore, #tpu.memory_space<semaphore_mem>> -> memref<!tpu.dma_semaphore, #tpu.memory_space<semaphore_mem>>
          %dma_start3A_178 = arith.constant 0 : i32
          %dma_start3A_179 = arith.constant 0 : i32
          %dma_start3A_180 = tpu.memref_slice %arg12[%dma_start3A, %dma_start3A_178, %dma_start3A_179] : memref<2x128x128xf32, #tpu.memory_space<vmem>> -> memref<1x128x128xf32, #tpu.memory_space<vmem>>
          %dma_start3A_181 = tpu.memref_squeeze %dma_start3A_180 : memref<1x128x128xf32, #tpu.memory_space<vmem>> -> memref<128x128xf32, #tpu.memory_space<vmem>>
          %dma_start3A_182 = arith.constant 0 : i32
          %dma_start3A_183 = tpu.memref_slice %arg4[%mul3A_168, %dma_start3A_182] : memref<10000x128xf32, #tpu.memory_space<hbm>> -> memref<128x128xf32, #tpu.memory_space<hbm>>
          tpu.enqueue_dma source(%dma_start3A_183 : memref<128x128xf32, #tpu.memory_space<hbm>>) target(%dma_start3A_181 : memref<128x128xf32, #tpu.memory_space<vmem>>) target_semaphore(%dma_start3A_177 : memref<!tpu.dma_semaphore, #tpu.memory_space<semaphore_mem>>)
          %dma_start3A_184 = arith.constant 1 : i32
          %dma_start3A_185 = arith.constant 1 : i32
          %dma_start3A_186 = arith.constant 0 : i32
          %dma_start3A_187 = tpu.memref_slice %arg13[%dma_start3A_184, %dma_start3A_186] : memref<2x128xi32, #tpu.memory_space<vmem>> -> memref<1x128xi32, #tpu.memory_space<vmem>>
          %dma_start3A_188 = tpu.memref_squeeze %dma_start3A_187 : memref<1x128xi32, #tpu.memory_space<vmem>> -> memref<128xi32, #tpu.memory_space<vmem>>
          %dma_start3A_189 = tpu.memref_slice %arg7[%mul3A_168] : memref<10000xi32, #tpu.memory_space<hbm>> -> memref<128xi32, #tpu.memory_space<hbm>>
          %dma_start3A_190 = tpu.memref_slice %arg23[%dma_start3A_185] : memref<2x!tpu.dma_semaphore, #tpu.memory_space<semaphore_mem>> -> memref<1x!tpu.dma_semaphore, #tpu.memory_space<semaphore_mem>>
          %dma_start3A_191 = tpu.memref_squeeze %dma_start3A_190 : memref<1x!tpu.dma_semaphore, #tpu.memory_space<semaphore_mem>> -> memref<!tpu.dma_semaphore, #tpu.memory_space<semaphore_mem>>
          %dma_start3A_192 = arith.constant 0 : i32
          %dma_start3A_193 = tpu.memref_slice %arg13[%dma_start3A_184, %dma_start3A_192] : memref<2x128xi32, #tpu.memory_space<vmem>> -> memref<1x128xi32, #tpu.memory_space<vmem>>
          %dma_start3A_194 = tpu.memref_squeeze %dma_start3A_193 : memref<1x128xi32, #tpu.memory_space<vmem>> -> memref<128xi32, #tpu.memory_space<vmem>>
          %dma_start3A_195 = tpu.memref_slice %arg7[%mul3A_168] : memref<10000xi32, #tpu.memory_space<hbm>> -> memref<128xi32, #tpu.memory_space<hbm>>
          tpu.enqueue_dma source(%dma_start3A_195 : memref<128xi32, #tpu.memory_space<hbm>>) target(%dma_start3A_194 : memref<128xi32, #tpu.memory_space<vmem>>) target_semaphore(%dma_start3A_191 : memref<!tpu.dma_semaphore, #tpu.memory_space<semaphore_mem>>)
          %dma_start3A_196 = arith.constant 1 : i32
          %dma_start3A_197 = arith.constant 1 : i32
          %dma_start3A_198 = arith.constant 0 : i32
          %dma_start3A_199 = tpu.memref_slice %arg14[%dma_start3A_196, %dma_start3A_198] : memref<2x256xi32, #tpu.memory_space<vmem>> -> memref<1x256xi32, #tpu.memory_space<vmem>>
          %dma_start3A_200 = tpu.memref_squeeze %dma_start3A_199 : memref<1x256xi32, #tpu.memory_space<vmem>> -> memref<256xi32, #tpu.memory_space<vmem>>
          %dma_start3A_201 = tpu.memref_slice %arg9[%mul3A_168] : memref<10240xi32, #tpu.memory_space<hbm>> -> memref<256xi32, #tpu.memory_space<hbm>>
          %dma_start3A_202 = tpu.memref_slice %arg23[%dma_start3A_197] : memref<2x!tpu.dma_semaphore, #tpu.memory_space<semaphore_mem>> -> memref<1x!tpu.dma_semaphore, #tpu.memory_space<semaphore_mem>>
          %dma_start3A_203 = tpu.memref_squeeze %dma_start3A_202 : memref<1x!tpu.dma_semaphore, #tpu.memory_space<semaphore_mem>> -> memref<!tpu.dma_semaphore, #tpu.memory_space<semaphore_mem>>
          %dma_start3A_204 = arith.constant 0 : i32
          %dma_start3A_205 = tpu.memref_slice %arg14[%dma_start3A_196, %dma_start3A_204] : memref<2x256xi32, #tpu.memory_space<vmem>> -> memref<1x256xi32, #tpu.memory_space<vmem>>
          %dma_start3A_206 = tpu.memref_squeeze %dma_start3A_205 : memref<1x256xi32, #tpu.memory_space<vmem>> -> memref<256xi32, #tpu.memory_space<vmem>>
          %dma_start3A_207 = tpu.memref_slice %arg9[%mul3A_168] : memref<10240xi32, #tpu.memory_space<hbm>> -> memref<256xi32, #tpu.memory_space<hbm>>
          tpu.enqueue_dma source(%dma_start3A_207 : memref<256xi32, #tpu.memory_space<hbm>>) target(%dma_start3A_206 : memref<256xi32, #tpu.memory_space<vmem>>) target_semaphore(%dma_start3A_203 : memref<!tpu.dma_semaphore, #tpu.memory_space<semaphore_mem>>)
        } else {
        }
        %mul3A_110 = arith.constant 2 : i32
        %mul3A_111 = arith.muli %mul3A_110, %scan3A_82 : i32
        %mul3A_112 = arith.constant 16 : i32
        %mul3A_113 = arith.muli %mul3A_111, %mul3A_112 : i32
        %add3A_114 = arith.addi %mul3A_113, %arg1 : i32
        %lt3A_115 = arith.constant 78 : i32
        %lt3A_116 = arith.cmpi slt, %add3A_114, %lt3A_115 : i32
        %convert_element_type3A_117 = arith.extui %lt3A_116 : i1 to i32
        %cond3A_118 = arith.constant 0 : i32
        %cond3A_119 = arith.cmpi ne, %convert_element_type3A_117, %cond3A_118 : i32
        scf.if %cond3A_119 {
          %mul3A_167 = arith.constant 128 : i32
          %mul3A_168 = arith.muli %add3A_114, %mul3A_167 : i32
          %get3A = arith.constant 0 : i32
          %get3A_169 = arith.index_cast %get3A : i32 to index
          %get3A_170 = arith.constant 0 : index
          %get3A_171 = tpu.vector_load %arg13[%get3A_169, %get3A_170] {strides = array<i32>} : memref<2x128xi32, #tpu.memory_space<vmem>>, vector<16xi32>,
          %get3A_172 = arith.constant 0 : i32
          %get3A_173 = arith.index_cast %get3A_172 : i32 to index
          %get3A_174 = arith.constant 16 : index
          %get3A_175 = tpu.vector_load %arg14[%get3A_173, %get3A_174] {strides = array<i32>} : memref<2x256xi32, #tpu.memory_space<vmem>>, vector<16xi32>,
          %ne3A = arith.cmpi ne, %get3A_171, %get3A_175 : vector<16xi32>
          %add3A_176 = arith.constant 0 : i32
          %add3A_177 = arith.addi %mul3A_168, %add3A_176 : i32
          %add3A_178 = vector.broadcast %add3A_177 : i32 to vector<16xi32>
          %add3A_179 = arith.addi %add3A_178, %iota3A : vector<16xi32>
          %convert_element_type3A_180 = arith.sitofp %add3A_179 : vector<16xi32> to vector<16xf32>
          %add3A_181 = arith.constant 512 : i32
          %add3A_182 = vector.broadcast %add3A_181 : i32 to vector<16xi32>
          %add3A_183 = arith.addi %add3A_182, %iota3A : vector<16xi32>
          %select_n3A = arith.select %ne3A, %get3A_171, %add3A_183 : vector<16xi1>, vector<16xi32>
          tpu.vector_store_idx %arg19[%select_n3A], %convert_element_type3A_180 : memref<528xf32, #tpu.memory_space<vmem>>[vector<16xi32>], vector<16xf32>,
          tpu.vector_store_idx %arg20[%select_n3A], %broadcast_in_dim3A_2 : memref<528xf32, #tpu.memory_space<vmem>>[vector<16xi32>], vector<16xf32>,
          %get3A_184 = arith.constant 0 : i32
          %get3A_185 = arith.index_cast %get3A_184 : i32 to index
          %get3A_186 = arith.constant 16 : index
          %get3A_187 = tpu.vector_load %arg13[%get3A_185, %get3A_186] {strides = array<i32>} : memref<2x128xi32, #tpu.memory_space<vmem>>, vector<16xi32>,
          %get3A_188 = arith.constant 0 : i32
          %get3A_189 = arith.index_cast %get3A_188 : i32 to index
          %get3A_190 = arith.constant 32 : index
          %get3A_191 = tpu.vector_load %arg14[%get3A_189, %get3A_190] {strides = array<i32>} : memref<2x256xi32, #tpu.memory_space<vmem>>, vector<16xi32>,
          %ne3A_192 = arith.cmpi ne, %get3A_187, %get3A_191 : vector<16xi32>
          %add3A_193 = arith.constant 16 : i32
          %add3A_194 = arith.addi %mul3A_168, %add3A_193 : i32
          %add3A_195 = vector.broadcast %add3A_194 : i32 to vector<16xi32>
          %add3A_196 = arith.addi %add3A_195, %iota3A : vector<16xi32>
          %convert_element_type3A_197 = arith.sitofp %add3A_196 : vector<16xi32> to vector<16xf32>
          %add3A_198 = arith.constant 512 : i32
          %add3A_199 = vector.broadcast %add3A_198 : i32 to vector<16xi32>
          %add3A_200 = arith.addi %add3A_199, %iota3A : vector<16xi32>
          %select_n3A_201 = arith.select %ne3A_192, %get3A_187, %add3A_200 : vector<16xi1>, vector<16xi32>
          tpu.vector_store_idx %arg19[%select_n3A_201], %convert_element_type3A_197 : memref<528xf32, #tpu.memory_space<vmem>>[vector<16xi32>], vector<16xf32>,
          tpu.vector_store_idx %arg20[%select_n3A_201], %broadcast_in_dim3A_2 : memref<528xf32, #tpu.memory_space<vmem>>[vector<16xi32>], vector<16xf32>,
          %get3A_202 = arith.constant 0 : i32
          %get3A_203 = arith.index_cast %get3A_202 : i32 to index
          %get3A_204 = arith.constant 32 : index
          %get3A_205 = tpu.vector_load %arg13[%get3A_203, %get3A_204] {strides = array<i32>} : memref<2x128xi32, #tpu.memory_space<vmem>>, vector<16xi32>,
          %get3A_206 = arith.constant 0 : i32
          %get3A_207 = arith.index_cast %get3A_206 : i32 to index
          %get3A_208 = arith.constant 48 : index
          %get3A_209 = tpu.vector_load %arg14[%get3A_207, %get3A_208] {strides = array<i32>} : memref<2x256xi32, #tpu.memory_space<vmem>>, vector<16xi32>,
          %ne3A_210 = arith.cmpi ne, %get3A_205, %get3A_209 : vector<16xi32>
          %add3A_211 = arith.constant 32 : i32
          %add3A_212 = arith.addi %mul3A_168, %add3A_211 : i32
          %add3A_213 = vector.broadcast %add3A_212 : i32 to vector<16xi32>
          %add3A_214 = arith.addi %add3A_213, %iota3A : vector<16xi32>
          %convert_element_type3A_215 = arith.sitofp %add3A_214 : vector<16xi32> to vector<16xf32>
          %add3A_216 = arith.constant 512 : i32
          %add3A_217 = vector.broadcast %add3A_216 : i32 to vector<16xi32>
          %add3A_218 = arith.addi %add3A_217, %iota3A : vector<16xi32>
          %select_n3A_219 = arith.select %ne3A_210, %get3A_205, %add3A_218 : vector<16xi1>, vector<16xi32>
          tpu.vector_store_idx %arg19[%select_n3A_219], %convert_element_type3A_215 : memref<528xf32, #tpu.memory_space<vmem>>[vector<16xi32>], vector<16xf32>,
          tpu.vector_store_idx %arg20[%select_n3A_219], %broadcast_in_dim3A_2 : memref<528xf32, #tpu.memory_space<vmem>>[vector<16xi32>], vector<16xf32>,
          %get3A_220 = arith.constant 0 : i32
          %get3A_221 = arith.index_cast %get3A_220 : i32 to index
          %get3A_222 = arith.constant 48 : index
          %get3A_223 = tpu.vector_load %arg13[%get3A_221, %get3A_222] {strides = array<i32>} : memref<2x128xi32, #tpu.memory_space<vmem>>, vector<16xi32>,
          %get3A_224 = arith.constant 0 : i32
          %get3A_225 = arith.index_cast %get3A_224 : i32 to index
          %get3A_226 = arith.constant 64 : index
          %get3A_227 = tpu.vector_load %arg14[%get3A_225, %get3A_226] {strides = array<i32>} : memref<2x256xi32, #tpu.memory_space<vmem>>, vector<16xi32>,
          %ne3A_228 = arith.cmpi ne, %get3A_223, %get3A_227 : vector<16xi32>
          %add3A_229 = arith.constant 48 : i32
          %add3A_230 = arith.addi %mul3A_168, %add3A_229 : i32
          %add3A_231 = vector.broadcast %add3A_230 : i32 to vector<16xi32>
          %add3A_232 = arith.addi %add3A_231, %iota3A : vector<16xi32>
          %convert_element_type3A_233 = arith.sitofp %add3A_232 : vector<16xi32> to vector<16xf32>
          %add3A_234 = arith.constant 512 : i32
          %add3A_235 = vector.broadcast %add3A_234 : i32 to vector<16xi32>
          %add3A_236 = arith.addi %add3A_235, %iota3A : vector<16xi32>
          %select_n3A_237 = arith.select %ne3A_228, %get3A_223, %add3A_236 : vector<16xi1>, vector<16xi32>
          tpu.vector_store_idx %arg19[%select_n3A_237], %convert_element_type3A_233 : memref<528xf32, #tpu.memory_space<vmem>>[vector<16xi32>], vector<16xf32>,
          tpu.vector_store_idx %arg20[%select_n3A_237], %broadcast_in_dim3A_2 : memref<528xf32, #tpu.memory_space<vmem>>[vector<16xi32>], vector<16xf32>,
          %get3A_238 = arith.constant 0 : i32
          %get3A_239 = arith.index_cast %get3A_238 : i32 to index
          %get3A_240 = arith.constant 64 : index
          %get3A_241 = tpu.vector_load %arg13[%get3A_239, %get3A_240] {strides = array<i32>} : memref<2x128xi32, #tpu.memory_space<vmem>>, vector<16xi32>,
          %get3A_242 = arith.constant 0 : i32
          %get3A_243 = arith.index_cast %get3A_242 : i32 to index
          %get3A_244 = arith.constant 80 : index
          %get3A_245 = tpu.vector_load %arg14[%get3A_243, %get3A_244] {strides = array<i32>} : memref<2x256xi32, #tpu.memory_space<vmem>>, vector<16xi32>,
          %ne3A_246 = arith.cmpi ne, %get3A_241, %get3A_245 : vector<16xi32>
          %add3A_247 = arith.constant 64 : i32
          %add3A_248 = arith.addi %mul3A_168, %add3A_247 : i32
          %add3A_249 = vector.broadcast %add3A_248 : i32 to vector<16xi32>
          %add3A_250 = arith.addi %add3A_249, %iota3A : vector<16xi32>
          %convert_element_type3A_251 = arith.sitofp %add3A_250 : vector<16xi32> to vector<16xf32>
          %add3A_252 = arith.constant 512 : i32
          %add3A_253 = vector.broadcast %add3A_252 : i32 to vector<16xi32>
          %add3A_254 = arith.addi %add3A_253, %iota3A : vector<16xi32>
          %select_n3A_255 = arith.select %ne3A_246, %get3A_241, %add3A_254 : vector<16xi1>, vector<16xi32>
          tpu.vector_store_idx %arg19[%select_n3A_255], %convert_element_type3A_251 : memref<528xf32, #tpu.memory_space<vmem>>[vector<16xi32>], vector<16xf32>,
          tpu.vector_store_idx %arg20[%select_n3A_255], %broadcast_in_dim3A_2 : memref<528xf32, #tpu.memory_space<vmem>>[vector<16xi32>], vector<16xf32>,
          %get3A_256 = arith.constant 0 : i32
          %get3A_257 = arith.index_cast %get3A_256 : i32 to index
          %get3A_258 = arith.constant 80 : index
          %get3A_259 = tpu.vector_load %arg13[%get3A_257, %get3A_258] {strides = array<i32>} : memref<2x128xi32, #tpu.memory_space<vmem>>, vector<16xi32>,
          %get3A_260 = arith.constant 0 : i32
          %get3A_261 = arith.index_cast %get3A_260 : i32 to index
          %get3A_262 = arith.constant 96 : index
          %get3A_263 = tpu.vector_load %arg14[%get3A_261, %get3A_262] {strides = array<i32>} : memref<2x256xi32, #tpu.memory_space<vmem>>, vector<16xi32>,
          %ne3A_264 = arith.cmpi ne, %get3A_259, %get3A_263 : vector<16xi32>
          %add3A_265 = arith.constant 80 : i32
          %add3A_266 = arith.addi %mul3A_168, %add3A_265 : i32
          %add3A_267 = vector.broadcast %add3A_266 : i32 to vector<16xi32>
          %add3A_268 = arith.addi %add3A_267, %iota3A : vector<16xi32>
          %convert_element_type3A_269 = arith.sitofp %add3A_268 : vector<16xi32> to vector<16xf32>
          %add3A_270 = arith.constant 512 : i32
          %add3A_271 = vector.broadcast %add3A_270 : i32 to vector<16xi32>
          %add3A_272 = arith.addi %add3A_271, %iota3A : vector<16xi32>
          %select_n3A_273 = arith.select %ne3A_264, %get3A_259, %add3A_272 : vector<16xi1>, vector<16xi32>
          tpu.vector_store_idx %arg19[%select_n3A_273], %convert_element_type3A_269 : memref<528xf32, #tpu.memory_space<vmem>>[vector<16xi32>], vector<16xf32>,
          tpu.vector_store_idx %arg20[%select_n3A_273], %broadcast_in_dim3A_2 : memref<528xf32, #tpu.memory_space<vmem>>[vector<16xi32>], vector<16xf32>,
          %get3A_274 = arith.constant 0 : i32
          %get3A_275 = arith.index_cast %get3A_274 : i32 to index
          %get3A_276 = arith.constant 96 : index
          %get3A_277 = tpu.vector_load %arg13[%get3A_275, %get3A_276] {strides = array<i32>} : memref<2x128xi32, #tpu.memory_space<vmem>>, vector<16xi32>,
          %get3A_278 = arith.constant 0 : i32
          %get3A_279 = arith.index_cast %get3A_278 : i32 to index
          %get3A_280 = arith.constant 112 : index
          %get3A_281 = tpu.vector_load %arg14[%get3A_279, %get3A_280] {strides = array<i32>} : memref<2x256xi32, #tpu.memory_space<vmem>>, vector<16xi32>,
          %ne3A_282 = arith.cmpi ne, %get3A_277, %get3A_281 : vector<16xi32>
          %add3A_283 = arith.constant 96 : i32
          %add3A_284 = arith.addi %mul3A_168, %add3A_283 : i32
          %add3A_285 = vector.broadcast %add3A_284 : i32 to vector<16xi32>
          %add3A_286 = arith.addi %add3A_285, %iota3A : vector<16xi32>
          %convert_element_type3A_287 = arith.sitofp %add3A_286 : vector<16xi32> to vector<16xf32>
          %add3A_288 = arith.constant 512 : i32
          %add3A_289 = vector.broadcast %add3A_288 : i32 to vector<16xi32>
          %add3A_290 = arith.addi %add3A_289, %iota3A : vector<16xi32>
          %select_n3A_291 = arith.select %ne3A_282, %get3A_277, %add3A_290 : vector<16xi1>, vector<16xi32>
          tpu.vector_store_idx %arg19[%select_n3A_291], %convert_element_type3A_287 : memref<528xf32, #tpu.memory_space<vmem>>[vector<16xi32>], vector<16xf32>,
          tpu.vector_store_idx %arg20[%select_n3A_291], %broadcast_in_dim3A_2 : memref<528xf32, #tpu.memory_space<vmem>>[vector<16xi32>], vector<16xf32>,
          %get3A_292 = arith.constant 0 : i32
          %get3A_293 = arith.index_cast %get3A_292 : i32 to index
          %get3A_294 = arith.constant 112 : index
          %get3A_295 = tpu.vector_load %arg13[%get3A_293, %get3A_294] {strides = array<i32>} : memref<2x128xi32, #tpu.memory_space<vmem>>, vector<16xi32>,
          %get3A_296 = arith.constant 0 : i32
          %get3A_297 = arith.index_cast %get3A_296 : i32 to index
          %get3A_298 = arith.constant 128 : index
          %get3A_299 = tpu.vector_load %arg14[%get3A_297, %get3A_298] {strides = array<i32>} : memref<2x256xi32, #tpu.memory_space<vmem>>, vector<16xi32>,
          %ne3A_300 = arith.cmpi ne, %get3A_295, %get3A_299 : vector<16xi32>
          %add3A_301 = arith.constant 112 : i32
          %add3A_302 = arith.addi %mul3A_168, %add3A_301 : i32
          %add3A_303 = vector.broadcast %add3A_302 : i32 to vector<16xi32>
          %add3A_304 = arith.addi %add3A_303, %iota3A : vector<16xi32>
          %convert_element_type3A_305 = arith.sitofp %add3A_304 : vector<16xi32> to vector<16xf32>
          %add3A_306 = arith.constant 512 : i32
          %add3A_307 = vector.broadcast %add3A_306 : i32 to vector<16xi32>
          %add3A_308 = arith.addi %add3A_307, %iota3A : vector<16xi32>
          %select_n3A_309 = arith.select %ne3A_300, %get3A_295, %add3A_308 : vector<16xi1>, vector<16xi32>
          tpu.vector_store_idx %arg19[%select_n3A_309], %convert_element_type3A_305 : memref<528xf32, #tpu.memory_space<vmem>>[vector<16xi32>], vector<16xf32>,
          tpu.vector_store_idx %arg20[%select_n3A_309], %broadcast_in_dim3A_2 : memref<528xf32, #tpu.memory_space<vmem>>[vector<16xi32>], vector<16xf32>,
          %dma_start3A = arith.constant 0 : i32
          %dma_start3A_310 = arith.constant 0 : i32
          %dma_start3A_311 = arith.constant 0 : i32
          %dma_start3A_312 = arith.constant 0 : i32
          %dma_start3A_313 = arith.constant 0 : i32
          %dma_start3A_314 = tpu.memref_slice %arg12[%dma_start3A, %dma_start3A_312, %dma_start3A_313] : memref<2x128x128xf32, #tpu.memory_space<vmem>> -> memref<1x128x128xf32, #tpu.memory_space<vmem>>
          %dma_start3A_315 = tpu.memref_squeeze %dma_start3A_314 : memref<1x128x128xf32, #tpu.memory_space<vmem>> -> memref<128x128xf32, #tpu.memory_space<vmem>>
          %dma_start3A_316 = arith.constant 0 : i32
          %dma_start3A_317 = tpu.memref_slice %arg13[%dma_start3A_310, %dma_start3A_316] : memref<2x128xi32, #tpu.memory_space<vmem>> -> memref<1x128xi32, #tpu.memory_space<vmem>>
          %dma_start3A_318 = tpu.memref_squeeze %dma_start3A_317 : memref<1x128xi32, #tpu.memory_space<vmem>> -> memref<128xi32, #tpu.memory_space<vmem>>
          %dma_start3A_319 = arith.constant 0 : i32
          %dma_start3A_320 = arith.constant 0 : i32
          %dma_start3A_321 = tpu.memref_slice %arg22[%dma_start3A_319, %dma_start3A_320] : memref<512x128xf32, #tpu.memory_space<vmem_shared>> -> memref<512x128xf32, #tpu.memory_space<vmem_shared>>
          %dma_start3A_322 = tpu.memref_slice %arg24[%dma_start3A_311] : memref<2x!tpu.dma_semaphore, #tpu.memory_space<semaphore_mem>> -> memref<1x!tpu.dma_semaphore, #tpu.memory_space<semaphore_mem>>
          %dma_start3A_323 = tpu.memref_squeeze %dma_start3A_322 : memref<1x!tpu.dma_semaphore, #tpu.memory_space<semaphore_mem>> -> memref<!tpu.dma_semaphore, #tpu.memory_space<semaphore_mem>>
          tpu.enqueue_indirect_dma source(%dma_start3A_315 : memref<128x128xf32, #tpu.memory_space<vmem>>) target(%dma_start3A_321 : memref<512x128xf32, #tpu.memory_space<vmem_shared>>) offsets(%dma_start3A_318 : memref<128xi32, #tpu.memory_space<vmem>>) semaphore(%dma_start3A_323 : memref<!tpu.dma_semaphore, #tpu.memory_space<semaphore_mem>>) {add = true}
        } else {
        }
        %mul3A_120 = arith.constant 2 : i32
        %mul3A_121 = arith.muli %mul3A_120, %scan3A_82 : i32
        %add3A_122 = arith.constant 1 : i32
        %add3A_123 = arith.addi %mul3A_121, %add3A_122 : i32
        %mul3A_124 = arith.constant 16 : i32
        %mul3A_125 = arith.muli %add3A_123, %mul3A_124 : i32
        %add3A_126 = arith.addi %mul3A_125, %arg1 : i32
        %lt3A_127 = arith.constant 78 : i32
        %lt3A_128 = arith.cmpi slt, %add3A_126, %lt3A_127 : i32
        %convert_element_type3A_129 = arith.extui %lt3A_128 : i1 to i32
        %cond3A_130 = arith.constant 0 : i32
        %cond3A_131 = arith.cmpi ne, %convert_element_type3A_129, %cond3A_130 : i32
        scf.if %cond3A_131 {
          %mul3A_167 = arith.constant 128 : i32
          %mul3A_168 = arith.muli %add3A_126, %mul3A_167 : i32
          %dma_wait3A = arith.constant 1 : i32
          %dma_wait3A_169 = arith.constant 1 : i32
          %dma_wait3A_170 = arith.constant 0 : i32
          %dma_wait3A_171 = arith.constant 0 : i32
          %dma_wait3A_172 = tpu.memref_slice %arg12[%dma_wait3A, %dma_wait3A_170, %dma_wait3A_171] : memref<2x128x128xf32, #tpu.memory_space<vmem>> -> memref<1x128x128xf32, #tpu.memory_space<vmem>>
          %dma_wait3A_173 = tpu.memref_squeeze %dma_wait3A_172 : memref<1x128x128xf32, #tpu.memory_space<vmem>> -> memref<128x128xf32, #tpu.memory_space<vmem>>
          %dma_wait3A_174 = arith.constant 0 : i32
          %dma_wait3A_175 = tpu.memref_slice %arg4[%mul3A_168, %dma_wait3A_174] : memref<10000x128xf32, #tpu.memory_space<hbm>> -> memref<128x128xf32, #tpu.memory_space<hbm>>
          %dma_wait3A_176 = tpu.memref_slice %arg23[%dma_wait3A_169] : memref<2x!tpu.dma_semaphore, #tpu.memory_space<semaphore_mem>> -> memref<1x!tpu.dma_semaphore, #tpu.memory_space<semaphore_mem>>
          %dma_wait3A_177 = tpu.memref_squeeze %dma_wait3A_176 : memref<1x!tpu.dma_semaphore, #tpu.memory_space<semaphore_mem>> -> memref<!tpu.dma_semaphore, #tpu.memory_space<semaphore_mem>>
          %dma_wait3A_178 = arith.constant 0 : i32
          %dma_wait3A_179 = arith.constant 0 : i32
          %dma_wait3A_180 = tpu.memref_slice %arg12[%dma_wait3A, %dma_wait3A_178, %dma_wait3A_179] : memref<2x128x128xf32, #tpu.memory_space<vmem>> -> memref<1x128x128xf32, #tpu.memory_space<vmem>>
          %dma_wait3A_181 = tpu.memref_squeeze %dma_wait3A_180 : memref<1x128x128xf32, #tpu.memory_space<vmem>> -> memref<128x128xf32, #tpu.memory_space<vmem>>
          %dma_wait3A_182 = arith.constant 0 : i32
          %dma_wait3A_183 = tpu.memref_slice %arg4[%mul3A_168, %dma_wait3A_182] : memref<10000x128xf32, #tpu.memory_space<hbm>> -> memref<128x128xf32, #tpu.memory_space<hbm>>
          tpu.wait_dma2 semaphore(%dma_wait3A_177 : memref<!tpu.dma_semaphore, #tpu.memory_space<semaphore_mem>>) src(%dma_wait3A_183 : memref<128x128xf32, #tpu.memory_space<hbm>>) dst(%dma_wait3A_181 : memref<128x128xf32, #tpu.memory_space<vmem>>)
          %dma_wait3A_184 = arith.constant 1 : i32
          %dma_wait3A_185 = arith.constant 1 : i32
          %dma_wait3A_186 = arith.constant 0 : i32
          %dma_wait3A_187 = tpu.memref_slice %arg13[%dma_wait3A_184, %dma_wait3A_186] : memref<2x128xi32, #tpu.memory_space<vmem>> -> memref<1x128xi32, #tpu.memory_space<vmem>>
          %dma_wait3A_188 = tpu.memref_squeeze %dma_wait3A_187 : memref<1x128xi32, #tpu.memory_space<vmem>> -> memref<128xi32, #tpu.memory_space<vmem>>
          %dma_wait3A_189 = tpu.memref_slice %arg7[%mul3A_168] : memref<10000xi32, #tpu.memory_space<hbm>> -> memref<128xi32, #tpu.memory_space<hbm>>
          %dma_wait3A_190 = tpu.memref_slice %arg23[%dma_wait3A_185] : memref<2x!tpu.dma_semaphore, #tpu.memory_space<semaphore_mem>> -> memref<1x!tpu.dma_semaphore, #tpu.memory_space<semaphore_mem>>
          %dma_wait3A_191 = tpu.memref_squeeze %dma_wait3A_190 : memref<1x!tpu.dma_semaphore, #tpu.memory_space<semaphore_mem>> -> memref<!tpu.dma_semaphore, #tpu.memory_space<semaphore_mem>>
          %dma_wait3A_192 = arith.constant 0 : i32
          %dma_wait3A_193 = tpu.memref_slice %arg13[%dma_wait3A_184, %dma_wait3A_192] : memref<2x128xi32, #tpu.memory_space<vmem>> -> memref<1x128xi32, #tpu.memory_space<vmem>>
          %dma_wait3A_194 = tpu.memref_squeeze %dma_wait3A_193 : memref<1x128xi32, #tpu.memory_space<vmem>> -> memref<128xi32, #tpu.memory_space<vmem>>
          %dma_wait3A_195 = tpu.memref_slice %arg7[%mul3A_168] : memref<10000xi32, #tpu.memory_space<hbm>> -> memref<128xi32, #tpu.memory_space<hbm>>
          tpu.wait_dma2 semaphore(%dma_wait3A_191 : memref<!tpu.dma_semaphore, #tpu.memory_space<semaphore_mem>>) src(%dma_wait3A_195 : memref<128xi32, #tpu.memory_space<hbm>>) dst(%dma_wait3A_194 : memref<128xi32, #tpu.memory_space<vmem>>)
          %dma_wait3A_196 = arith.constant 1 : i32
          %dma_wait3A_197 = arith.constant 1 : i32
          %dma_wait3A_198 = arith.constant 0 : i32
          %dma_wait3A_199 = tpu.memref_slice %arg14[%dma_wait3A_196, %dma_wait3A_198] : memref<2x256xi32, #tpu.memory_space<vmem>> -> memref<1x256xi32, #tpu.memory_space<vmem>>
          %dma_wait3A_200 = tpu.memref_squeeze %dma_wait3A_199 : memref<1x256xi32, #tpu.memory_space<vmem>> -> memref<256xi32, #tpu.memory_space<vmem>>
          %dma_wait3A_201 = tpu.memref_slice %arg9[%mul3A_168] : memref<10240xi32, #tpu.memory_space<hbm>> -> memref<256xi32, #tpu.memory_space<hbm>>
          %dma_wait3A_202 = tpu.memref_slice %arg23[%dma_wait3A_197] : memref<2x!tpu.dma_semaphore, #tpu.memory_space<semaphore_mem>> -> memref<1x!tpu.dma_semaphore, #tpu.memory_space<semaphore_mem>>
          %dma_wait3A_203 = tpu.memref_squeeze %dma_wait3A_202 : memref<1x!tpu.dma_semaphore, #tpu.memory_space<semaphore_mem>> -> memref<!tpu.dma_semaphore, #tpu.memory_space<semaphore_mem>>
          %dma_wait3A_204 = arith.constant 0 : i32
          %dma_wait3A_205 = tpu.memref_slice %arg14[%dma_wait3A_196, %dma_wait3A_204] : memref<2x256xi32, #tpu.memory_space<vmem>> -> memref<1x256xi32, #tpu.memory_space<vmem>>
          %dma_wait3A_206 = tpu.memref_squeeze %dma_wait3A_205 : memref<1x256xi32, #tpu.memory_space<vmem>> -> memref<256xi32, #tpu.memory_space<vmem>>
          %dma_wait3A_207 = tpu.memref_slice %arg9[%mul3A_168] : memref<10240xi32, #tpu.memory_space<hbm>> -> memref<256xi32, #tpu.memory_space<hbm>>
          tpu.wait_dma2 semaphore(%dma_wait3A_203 : memref<!tpu.dma_semaphore, #tpu.memory_space<semaphore_mem>>) src(%dma_wait3A_207 : memref<256xi32, #tpu.memory_space<hbm>>) dst(%dma_wait3A_206 : memref<256xi32, #tpu.memory_space<vmem>>)
        } else {
        }
        %mul3A_132 = arith.constant 2 : i32
        %mul3A_133 = arith.muli %mul3A_132, %scan3A_82 : i32
        %mul3A_134 = arith.constant 16 : i32
        %mul3A_135 = arith.muli %mul3A_133, %mul3A_134 : i32
        %add3A_136 = arith.addi %mul3A_135, %arg1 : i32
        %lt3A_137 = arith.constant 78 : i32
        %lt3A_138 = arith.cmpi slt, %add3A_136, %lt3A_137 : i32
        %convert_element_type3A_139 = arith.extui %lt3A_138 : i1 to i32
        %cond3A_140 = arith.constant 0 : i32
        %cond3A_141 = arith.cmpi ne, %convert_element_type3A_139, %cond3A_140 : i32
        scf.if %cond3A_141 {
          %dma_wait3A = arith.constant 0 : i32
          %dma_wait3A_167 = arith.constant 0 : i32
          %dma_wait3A_168 = arith.constant 0 : i32
          %dma_wait3A_169 = arith.constant 0 : i32
          %dma_wait3A_170 = arith.constant 0 : i32
          %dma_wait3A_171 = tpu.memref_slice %arg12[%dma_wait3A, %dma_wait3A_169, %dma_wait3A_170] : memref<2x128x128xf32, #tpu.memory_space<vmem>> -> memref<1x128x128xf32, #tpu.memory_space<vmem>>
          %dma_wait3A_172 = tpu.memref_squeeze %dma_wait3A_171 : memref<1x128x128xf32, #tpu.memory_space<vmem>> -> memref<128x128xf32, #tpu.memory_space<vmem>>
          %dma_wait3A_173 = arith.constant 0 : i32
          %dma_wait3A_174 = tpu.memref_slice %arg13[%dma_wait3A_167, %dma_wait3A_173] : memref<2x128xi32, #tpu.memory_space<vmem>> -> memref<1x128xi32, #tpu.memory_space<vmem>>
          %dma_wait3A_175 = tpu.memref_squeeze %dma_wait3A_174 : memref<1x128xi32, #tpu.memory_space<vmem>> -> memref<128xi32, #tpu.memory_space<vmem>>
          %dma_wait3A_176 = arith.constant 0 : i32
          %dma_wait3A_177 = arith.constant 0 : i32
          %dma_wait3A_178 = tpu.memref_slice %arg22[%dma_wait3A_176, %dma_wait3A_177] : memref<512x128xf32, #tpu.memory_space<vmem_shared>> -> memref<512x128xf32, #tpu.memory_space<vmem_shared>>
          %dma_wait3A_179 = tpu.memref_slice %arg24[%dma_wait3A_168] : memref<2x!tpu.dma_semaphore, #tpu.memory_space<semaphore_mem>> -> memref<1x!tpu.dma_semaphore, #tpu.memory_space<semaphore_mem>>
          %dma_wait3A_180 = tpu.memref_squeeze %dma_wait3A_179 : memref<1x!tpu.dma_semaphore, #tpu.memory_space<semaphore_mem>> -> memref<!tpu.dma_semaphore, #tpu.memory_space<semaphore_mem>>
          tpu.wait_indirect_dma semaphore(%dma_wait3A_180 : memref<!tpu.dma_semaphore, #tpu.memory_space<semaphore_mem>>) src(%dma_wait3A_172 : memref<128x128xf32, #tpu.memory_space<vmem>>) dst(%dma_wait3A_178 : memref<512x128xf32, #tpu.memory_space<vmem_shared>>)
        } else {
        }
        %mul3A_142 = arith.constant 2 : i32
        %mul3A_143 = arith.muli %mul3A_142, %scan3A_82 : i32
        %add3A_144 = arith.constant 2 : i32
        %add3A_145 = arith.addi %mul3A_143, %add3A_144 : i32
        %mul3A_146 = arith.constant 16 : i32
        %mul3A_147 = arith.muli %add3A_145, %mul3A_146 : i32
        %add3A_148 = arith.addi %mul3A_147, %arg1 : i32
        %lt3A_149 = arith.constant 78 : i32
        %lt3A_150 = arith.cmpi slt, %add3A_148, %lt3A_149 : i32
        %convert_element_type3A_151 = arith.extui %lt3A_150 : i1 to i32
        %cond3A_152 = arith.constant 0 : i32
        %cond3A_153 = arith.cmpi ne, %convert_element_type3A_151, %cond3A_152 : i32
        scf.if %cond3A_153 {
          %mul3A_167 = arith.constant 128 : i32
          %mul3A_168 = arith.muli %add3A_148, %mul3A_167 : i32
          %dma_start3A = arith.constant 0 : i32
          %dma_start3A_169 = arith.constant 0 : i32
          %dma_start3A_170 = arith.constant 0 : i32
          %dma_start3A_171 = arith.constant 0 : i32
          %dma_start3A_172 = tpu.memref_slice %arg12[%dma_start3A, %dma_start3A_170, %dma_start3A_171] : memref<2x128x128xf32, #tpu.memory_space<vmem>> -> memref<1x128x128xf32, #tpu.memory_space<vmem>>
          %dma_start3A_173 = tpu.memref_squeeze %dma_start3A_172 : memref<1x128x128xf32, #tpu.memory_space<vmem>> -> memref<128x128xf32, #tpu.memory_space<vmem>>
          %dma_start3A_174 = arith.constant 0 : i32
          %dma_start3A_175 = tpu.memref_slice %arg4[%mul3A_168, %dma_start3A_174] : memref<10000x128xf32, #tpu.memory_space<hbm>> -> memref<128x128xf32, #tpu.memory_space<hbm>>
          %dma_start3A_176 = tpu.memref_slice %arg23[%dma_start3A_169] : memref<2x!tpu.dma_semaphore, #tpu.memory_space<semaphore_mem>> -> memref<1x!tpu.dma_semaphore, #tpu.memory_space<semaphore_mem>>
          %dma_start3A_177 = tpu.memref_squeeze %dma_start3A_176 : memref<1x!tpu.dma_semaphore, #tpu.memory_space<semaphore_mem>> -> memref<!tpu.dma_semaphore, #tpu.memory_space<semaphore_mem>>
          %dma_start3A_178 = arith.constant 0 : i32
          %dma_start3A_179 = arith.constant 0 : i32
          %dma_start3A_180 = tpu.memref_slice %arg12[%dma_start3A, %dma_start3A_178, %dma_start3A_179] : memref<2x128x128xf32, #tpu.memory_space<vmem>> -> memref<1x128x128xf32, #tpu.memory_space<vmem>>
          %dma_start3A_181 = tpu.memref_squeeze %dma_start3A_180 : memref<1x128x128xf32, #tpu.memory_space<vmem>> -> memref<128x128xf32, #tpu.memory_space<vmem>>
          %dma_start3A_182 = arith.constant 0 : i32
          %dma_start3A_183 = tpu.memref_slice %arg4[%mul3A_168, %dma_start3A_182] : memref<10000x128xf32, #tpu.memory_space<hbm>> -> memref<128x128xf32, #tpu.memory_space<hbm>>
          tpu.enqueue_dma source(%dma_start3A_183 : memref<128x128xf32, #tpu.memory_space<hbm>>) target(%dma_start3A_181 : memref<128x128xf32, #tpu.memory_space<vmem>>) target_semaphore(%dma_start3A_177 : memref<!tpu.dma_semaphore, #tpu.memory_space<semaphore_mem>>)
          %dma_start3A_184 = arith.constant 0 : i32
          %dma_start3A_185 = arith.constant 0 : i32
          %dma_start3A_186 = arith.constant 0 : i32
          %dma_start3A_187 = tpu.memref_slice %arg13[%dma_start3A_184, %dma_start3A_186] : memref<2x128xi32, #tpu.memory_space<vmem>> -> memref<1x128xi32, #tpu.memory_space<vmem>>
          %dma_start3A_188 = tpu.memref_squeeze %dma_start3A_187 : memref<1x128xi32, #tpu.memory_space<vmem>> -> memref<128xi32, #tpu.memory_space<vmem>>
          %dma_start3A_189 = tpu.memref_slice %arg7[%mul3A_168] : memref<10000xi32, #tpu.memory_space<hbm>> -> memref<128xi32, #tpu.memory_space<hbm>>
          %dma_start3A_190 = tpu.memref_slice %arg23[%dma_start3A_185] : memref<2x!tpu.dma_semaphore, #tpu.memory_space<semaphore_mem>> -> memref<1x!tpu.dma_semaphore, #tpu.memory_space<semaphore_mem>>
          %dma_start3A_191 = tpu.memref_squeeze %dma_start3A_190 : memref<1x!tpu.dma_semaphore, #tpu.memory_space<semaphore_mem>> -> memref<!tpu.dma_semaphore, #tpu.memory_space<semaphore_mem>>
          %dma_start3A_192 = arith.constant 0 : i32
          %dma_start3A_193 = tpu.memref_slice %arg13[%dma_start3A_184, %dma_start3A_192] : memref<2x128xi32, #tpu.memory_space<vmem>> -> memref<1x128xi32, #tpu.memory_space<vmem>>
          %dma_start3A_194 = tpu.memref_squeeze %dma_start3A_193 : memref<1x128xi32, #tpu.memory_space<vmem>> -> memref<128xi32, #tpu.memory_space<vmem>>
          %dma_start3A_195 = tpu.memref_slice %arg7[%mul3A_168] : memref<10000xi32, #tpu.memory_space<hbm>> -> memref<128xi32, #tpu.memory_space<hbm>>
          tpu.enqueue_dma source(%dma_start3A_195 : memref<128xi32, #tpu.memory_space<hbm>>) target(%dma_start3A_194 : memref<128xi32, #tpu.memory_space<vmem>>) target_semaphore(%dma_start3A_191 : memref<!tpu.dma_semaphore, #tpu.memory_space<semaphore_mem>>)
          %dma_start3A_196 = arith.constant 0 : i32
          %dma_start3A_197 = arith.constant 0 : i32
          %dma_start3A_198 = arith.constant 0 : i32
          %dma_start3A_199 = tpu.memref_slice %arg14[%dma_start3A_196, %dma_start3A_198] : memref<2x256xi32, #tpu.memory_space<vmem>> -> memref<1x256xi32, #tpu.memory_space<vmem>>
          %dma_start3A_200 = tpu.memref_squeeze %dma_start3A_199 : memref<1x256xi32, #tpu.memory_space<vmem>> -> memref<256xi32, #tpu.memory_space<vmem>>
          %dma_start3A_201 = tpu.memref_slice %arg9[%mul3A_168] : memref<10240xi32, #tpu.memory_space<hbm>> -> memref<256xi32, #tpu.memory_space<hbm>>
          %dma_start3A_202 = tpu.memref_slice %arg23[%dma_start3A_197] : memref<2x!tpu.dma_semaphore, #tpu.memory_space<semaphore_mem>> -> memref<1x!tpu.dma_semaphore, #tpu.memory_space<semaphore_mem>>
          %dma_start3A_203 = tpu.memref_squeeze %dma_start3A_202 : memref<1x!tpu.dma_semaphore, #tpu.memory_space<semaphore_mem>> -> memref<!tpu.dma_semaphore, #tpu.memory_space<semaphore_mem>>
          %dma_start3A_204 = arith.constant 0 : i32
          %dma_start3A_205 = tpu.memref_slice %arg14[%dma_start3A_196, %dma_start3A_204] : memref<2x256xi32, #tpu.memory_space<vmem>> -> memref<1x256xi32, #tpu.memory_space<vmem>>
          %dma_start3A_206 = tpu.memref_squeeze %dma_start3A_205 : memref<1x256xi32, #tpu.memory_space<vmem>> -> memref<256xi32, #tpu.memory_space<vmem>>
          %dma_start3A_207 = tpu.memref_slice %arg9[%mul3A_168] : memref<10240xi32, #tpu.memory_space<hbm>> -> memref<256xi32, #tpu.memory_space<hbm>>
          tpu.enqueue_dma source(%dma_start3A_207 : memref<256xi32, #tpu.memory_space<hbm>>) target(%dma_start3A_206 : memref<256xi32, #tpu.memory_space<vmem>>) target_semaphore(%dma_start3A_203 : memref<!tpu.dma_semaphore, #tpu.memory_space<semaphore_mem>>)
        } else {
        }
        %mul3A_154 = arith.constant 2 : i32
        %mul3A_155 = arith.muli %mul3A_154, %scan3A_82 : i32
        %add3A_156 = arith.constant 1 : i32
        %add3A_157 = arith.addi %mul3A_155, %add3A_156 : i32
        %mul3A_158 = arith.constant 16 : i32
        %mul3A_159 = arith.muli %add3A_157, %mul3A_158 : i32
        %add3A_160 = arith.addi %mul3A_159, %arg1 : i32
        %lt3A_161 = arith.constant 78 : i32
        %lt3A_162 = arith.cmpi slt, %add3A_160, %lt3A_161 : i32
        %convert_element_type3A_163 = arith.extui %lt3A_162 : i1 to i32
        %cond3A_164 = arith.constant 0 : i32
        %cond3A_165 = arith.cmpi ne, %convert_element_type3A_163, %cond3A_164 : i32
        scf.if %cond3A_165 {
          %mul3A_167 = arith.constant 128 : i32
          %mul3A_168 = arith.muli %add3A_160, %mul3A_167 : i32
          %get3A = arith.constant 1 : i32
          %get3A_169 = arith.index_cast %get3A : i32 to index
          %get3A_170 = arith.constant 0 : index
          %get3A_171 = tpu.vector_load %arg13[%get3A_169, %get3A_170] {strides = array<i32>} : memref<2x128xi32, #tpu.memory_space<vmem>>, vector<16xi32>,
          %get3A_172 = arith.constant 1 : i32
          %get3A_173 = arith.index_cast %get3A_172 : i32 to index
          %get3A_174 = arith.constant 16 : index
          %get3A_175 = tpu.vector_load %arg14[%get3A_173, %get3A_174] {strides = array<i32>} : memref<2x256xi32, #tpu.memory_space<vmem>>, vector<16xi32>,
          %ne3A = arith.cmpi ne, %get3A_171, %get3A_175 : vector<16xi32>
          %add3A_176 = arith.constant 0 : i32
          %add3A_177 = arith.addi %mul3A_168, %add3A_176 : i32
          %add3A_178 = vector.broadcast %add3A_177 : i32 to vector<16xi32>
          %add3A_179 = arith.addi %add3A_178, %iota3A : vector<16xi32>
          %convert_element_type3A_180 = arith.sitofp %add3A_179 : vector<16xi32> to vector<16xf32>
          %add3A_181 = arith.constant 512 : i32
          %add3A_182 = vector.broadcast %add3A_181 : i32 to vector<16xi32>
          %add3A_183 = arith.addi %add3A_182, %iota3A : vector<16xi32>
          %select_n3A = arith.select %ne3A, %get3A_171, %add3A_183 : vector<16xi1>, vector<16xi32>
          tpu.vector_store_idx %arg19[%select_n3A], %convert_element_type3A_180 : memref<528xf32, #tpu.memory_space<vmem>>[vector<16xi32>], vector<16xf32>,
          tpu.vector_store_idx %arg20[%select_n3A], %broadcast_in_dim3A_2 : memref<528xf32, #tpu.memory_space<vmem>>[vector<16xi32>], vector<16xf32>,
          %get3A_184 = arith.constant 1 : i32
          %get3A_185 = arith.index_cast %get3A_184 : i32 to index
          %get3A_186 = arith.constant 16 : index
          %get3A_187 = tpu.vector_load %arg13[%get3A_185, %get3A_186] {strides = array<i32>} : memref<2x128xi32, #tpu.memory_space<vmem>>, vector<16xi32>,
          %get3A_188 = arith.constant 1 : i32
          %get3A_189 = arith.index_cast %get3A_188 : i32 to index
          %get3A_190 = arith.constant 32 : index
          %get3A_191 = tpu.vector_load %arg14[%get3A_189, %get3A_190] {strides = array<i32>} : memref<2x256xi32, #tpu.memory_space<vmem>>, vector<16xi32>,
          %ne3A_192 = arith.cmpi ne, %get3A_187, %get3A_191 : vector<16xi32>
          %add3A_193 = arith.constant 16 : i32
          %add3A_194 = arith.addi %mul3A_168, %add3A_193 : i32
          %add3A_195 = vector.broadcast %add3A_194 : i32 to vector<16xi32>
          %add3A_196 = arith.addi %add3A_195, %iota3A : vector<16xi32>
          %convert_element_type3A_197 = arith.sitofp %add3A_196 : vector<16xi32> to vector<16xf32>
          %add3A_198 = arith.constant 512 : i32
          %add3A_199 = vector.broadcast %add3A_198 : i32 to vector<16xi32>
          %add3A_200 = arith.addi %add3A_199, %iota3A : vector<16xi32>
          %select_n3A_201 = arith.select %ne3A_192, %get3A_187, %add3A_200 : vector<16xi1>, vector<16xi32>
          tpu.vector_store_idx %arg19[%select_n3A_201], %convert_element_type3A_197 : memref<528xf32, #tpu.memory_space<vmem>>[vector<16xi32>], vector<16xf32>,
          tpu.vector_store_idx %arg20[%select_n3A_201], %broadcast_in_dim3A_2 : memref<528xf32, #tpu.memory_space<vmem>>[vector<16xi32>], vector<16xf32>,
          %get3A_202 = arith.constant 1 : i32
          %get3A_203 = arith.index_cast %get3A_202 : i32 to index
          %get3A_204 = arith.constant 32 : index
          %get3A_205 = tpu.vector_load %arg13[%get3A_203, %get3A_204] {strides = array<i32>} : memref<2x128xi32, #tpu.memory_space<vmem>>, vector<16xi32>,
          %get3A_206 = arith.constant 1 : i32
          %get3A_207 = arith.index_cast %get3A_206 : i32 to index
          %get3A_208 = arith.constant 48 : index
          %get3A_209 = tpu.vector_load %arg14[%get3A_207, %get3A_208] {strides = array<i32>} : memref<2x256xi32, #tpu.memory_space<vmem>>, vector<16xi32>,
          %ne3A_210 = arith.cmpi ne, %get3A_205, %get3A_209 : vector<16xi32>
          %add3A_211 = arith.constant 32 : i32
          %add3A_212 = arith.addi %mul3A_168, %add3A_211 : i32
          %add3A_213 = vector.broadcast %add3A_212 : i32 to vector<16xi32>
          %add3A_214 = arith.addi %add3A_213, %iota3A : vector<16xi32>
          %convert_element_type3A_215 = arith.sitofp %add3A_214 : vector<16xi32> to vector<16xf32>
          %add3A_216 = arith.constant 512 : i32
          %add3A_217 = vector.broadcast %add3A_216 : i32 to vector<16xi32>
          %add3A_218 = arith.addi %add3A_217, %iota3A : vector<16xi32>
          %select_n3A_219 = arith.select %ne3A_210, %get3A_205, %add3A_218 : vector<16xi1>, vector<16xi32>
          tpu.vector_store_idx %arg19[%select_n3A_219], %convert_element_type3A_215 : memref<528xf32, #tpu.memory_space<vmem>>[vector<16xi32>], vector<16xf32>,
          tpu.vector_store_idx %arg20[%select_n3A_219], %broadcast_in_dim3A_2 : memref<528xf32, #tpu.memory_space<vmem>>[vector<16xi32>], vector<16xf32>,
          %get3A_220 = arith.constant 1 : i32
          %get3A_221 = arith.index_cast %get3A_220 : i32 to index
          %get3A_222 = arith.constant 48 : index
          %get3A_223 = tpu.vector_load %arg13[%get3A_221, %get3A_222] {strides = array<i32>} : memref<2x128xi32, #tpu.memory_space<vmem>>, vector<16xi32>,
          %get3A_224 = arith.constant 1 : i32
          %get3A_225 = arith.index_cast %get3A_224 : i32 to index
          %get3A_226 = arith.constant 64 : index
          %get3A_227 = tpu.vector_load %arg14[%get3A_225, %get3A_226] {strides = array<i32>} : memref<2x256xi32, #tpu.memory_space<vmem>>, vector<16xi32>,
          %ne3A_228 = arith.cmpi ne, %get3A_223, %get3A_227 : vector<16xi32>
          %add3A_229 = arith.constant 48 : i32
          %add3A_230 = arith.addi %mul3A_168, %add3A_229 : i32
          %add3A_231 = vector.broadcast %add3A_230 : i32 to vector<16xi32>
          %add3A_232 = arith.addi %add3A_231, %iota3A : vector<16xi32>
          %convert_element_type3A_233 = arith.sitofp %add3A_232 : vector<16xi32> to vector<16xf32>
          %add3A_234 = arith.constant 512 : i32
          %add3A_235 = vector.broadcast %add3A_234 : i32 to vector<16xi32>
          %add3A_236 = arith.addi %add3A_235, %iota3A : vector<16xi32>
          %select_n3A_237 = arith.select %ne3A_228, %get3A_223, %add3A_236 : vector<16xi1>, vector<16xi32>
          tpu.vector_store_idx %arg19[%select_n3A_237], %convert_element_type3A_233 : memref<528xf32, #tpu.memory_space<vmem>>[vector<16xi32>], vector<16xf32>,
          tpu.vector_store_idx %arg20[%select_n3A_237], %broadcast_in_dim3A_2 : memref<528xf32, #tpu.memory_space<vmem>>[vector<16xi32>], vector<16xf32>,
          %get3A_238 = arith.constant 1 : i32
          %get3A_239 = arith.index_cast %get3A_238 : i32 to index
          %get3A_240 = arith.constant 64 : index
          %get3A_241 = tpu.vector_load %arg13[%get3A_239, %get3A_240] {strides = array<i32>} : memref<2x128xi32, #tpu.memory_space<vmem>>, vector<16xi32>,
          %get3A_242 = arith.constant 1 : i32
          %get3A_243 = arith.index_cast %get3A_242 : i32 to index
          %get3A_244 = arith.constant 80 : index
          %get3A_245 = tpu.vector_load %arg14[%get3A_243, %get3A_244] {strides = array<i32>} : memref<2x256xi32, #tpu.memory_space<vmem>>, vector<16xi32>,
          %ne3A_246 = arith.cmpi ne, %get3A_241, %get3A_245 : vector<16xi32>
          %add3A_247 = arith.constant 64 : i32
          %add3A_248 = arith.addi %mul3A_168, %add3A_247 : i32
          %add3A_249 = vector.broadcast %add3A_248 : i32 to vector<16xi32>
          %add3A_250 = arith.addi %add3A_249, %iota3A : vector<16xi32>
          %convert_element_type3A_251 = arith.sitofp %add3A_250 : vector<16xi32> to vector<16xf32>
          %add3A_252 = arith.constant 512 : i32
          %add3A_253 = vector.broadcast %add3A_252 : i32 to vector<16xi32>
          %add3A_254 = arith.addi %add3A_253, %iota3A : vector<16xi32>
          %select_n3A_255 = arith.select %ne3A_246, %get3A_241, %add3A_254 : vector<16xi1>, vector<16xi32>
          tpu.vector_store_idx %arg19[%select_n3A_255], %convert_element_type3A_251 : memref<528xf32, #tpu.memory_space<vmem>>[vector<16xi32>], vector<16xf32>,
          tpu.vector_store_idx %arg20[%select_n3A_255], %broadcast_in_dim3A_2 : memref<528xf32, #tpu.memory_space<vmem>>[vector<16xi32>], vector<16xf32>,
          %get3A_256 = arith.constant 1 : i32
          %get3A_257 = arith.index_cast %get3A_256 : i32 to index
          %get3A_258 = arith.constant 80 : index
          %get3A_259 = tpu.vector_load %arg13[%get3A_257, %get3A_258] {strides = array<i32>} : memref<2x128xi32, #tpu.memory_space<vmem>>, vector<16xi32>,
          %get3A_260 = arith.constant 1 : i32
          %get3A_261 = arith.index_cast %get3A_260 : i32 to index
          %get3A_262 = arith.constant 96 : index
          %get3A_263 = tpu.vector_load %arg14[%get3A_261, %get3A_262] {strides = array<i32>} : memref<2x256xi32, #tpu.memory_space<vmem>>, vector<16xi32>,
          %ne3A_264 = arith.cmpi ne, %get3A_259, %get3A_263 : vector<16xi32>
          %add3A_265 = arith.constant 80 : i32
          %add3A_266 = arith.addi %mul3A_168, %add3A_265 : i32
          %add3A_267 = vector.broadcast %add3A_266 : i32 to vector<16xi32>
          %add3A_268 = arith.addi %add3A_267, %iota3A : vector<16xi32>
          %convert_element_type3A_269 = arith.sitofp %add3A_268 : vector<16xi32> to vector<16xf32>
          %add3A_270 = arith.constant 512 : i32
          %add3A_271 = vector.broadcast %add3A_270 : i32 to vector<16xi32>
          %add3A_272 = arith.addi %add3A_271, %iota3A : vector<16xi32>
          %select_n3A_273 = arith.select %ne3A_264, %get3A_259, %add3A_272 : vector<16xi1>, vector<16xi32>
          tpu.vector_store_idx %arg19[%select_n3A_273], %convert_element_type3A_269 : memref<528xf32, #tpu.memory_space<vmem>>[vector<16xi32>], vector<16xf32>,
          tpu.vector_store_idx %arg20[%select_n3A_273], %broadcast_in_dim3A_2 : memref<528xf32, #tpu.memory_space<vmem>>[vector<16xi32>], vector<16xf32>,
          %get3A_274 = arith.constant 1 : i32
          %get3A_275 = arith.index_cast %get3A_274 : i32 to index
          %get3A_276 = arith.constant 96 : index
          %get3A_277 = tpu.vector_load %arg13[%get3A_275, %get3A_276] {strides = array<i32>} : memref<2x128xi32, #tpu.memory_space<vmem>>, vector<16xi32>,
          %get3A_278 = arith.constant 1 : i32
          %get3A_279 = arith.index_cast %get3A_278 : i32 to index
          %get3A_280 = arith.constant 112 : index
          %get3A_281 = tpu.vector_load %arg14[%get3A_279, %get3A_280] {strides = array<i32>} : memref<2x256xi32, #tpu.memory_space<vmem>>, vector<16xi32>,
          %ne3A_282 = arith.cmpi ne, %get3A_277, %get3A_281 : vector<16xi32>
          %add3A_283 = arith.constant 96 : i32
          %add3A_284 = arith.addi %mul3A_168, %add3A_283 : i32
          %add3A_285 = vector.broadcast %add3A_284 : i32 to vector<16xi32>
          %add3A_286 = arith.addi %add3A_285, %iota3A : vector<16xi32>
          %convert_element_type3A_287 = arith.sitofp %add3A_286 : vector<16xi32> to vector<16xf32>
          %add3A_288 = arith.constant 512 : i32
          %add3A_289 = vector.broadcast %add3A_288 : i32 to vector<16xi32>
          %add3A_290 = arith.addi %add3A_289, %iota3A : vector<16xi32>
          %select_n3A_291 = arith.select %ne3A_282, %get3A_277, %add3A_290 : vector<16xi1>, vector<16xi32>
          tpu.vector_store_idx %arg19[%select_n3A_291], %convert_element_type3A_287 : memref<528xf32, #tpu.memory_space<vmem>>[vector<16xi32>], vector<16xf32>,
          tpu.vector_store_idx %arg20[%select_n3A_291], %broadcast_in_dim3A_2 : memref<528xf32, #tpu.memory_space<vmem>>[vector<16xi32>], vector<16xf32>,
          %get3A_292 = arith.constant 1 : i32
          %get3A_293 = arith.index_cast %get3A_292 : i32 to index
          %get3A_294 = arith.constant 112 : index
          %get3A_295 = tpu.vector_load %arg13[%get3A_293, %get3A_294] {strides = array<i32>} : memref<2x128xi32, #tpu.memory_space<vmem>>, vector<16xi32>,
          %get3A_296 = arith.constant 1 : i32
          %get3A_297 = arith.index_cast %get3A_296 : i32 to index
          %get3A_298 = arith.constant 128 : index
          %get3A_299 = tpu.vector_load %arg14[%get3A_297, %get3A_298] {strides = array<i32>} : memref<2x256xi32, #tpu.memory_space<vmem>>, vector<16xi32>,
          %ne3A_300 = arith.cmpi ne, %get3A_295, %get3A_299 : vector<16xi32>
          %add3A_301 = arith.constant 112 : i32
          %add3A_302 = arith.addi %mul3A_168, %add3A_301 : i32
          %add3A_303 = vector.broadcast %add3A_302 : i32 to vector<16xi32>
          %add3A_304 = arith.addi %add3A_303, %iota3A : vector<16xi32>
          %convert_element_type3A_305 = arith.sitofp %add3A_304 : vector<16xi32> to vector<16xf32>
          %add3A_306 = arith.constant 512 : i32
          %add3A_307 = vector.broadcast %add3A_306 : i32 to vector<16xi32>
          %add3A_308 = arith.addi %add3A_307, %iota3A : vector<16xi32>
          %select_n3A_309 = arith.select %ne3A_300, %get3A_295, %add3A_308 : vector<16xi1>, vector<16xi32>
          tpu.vector_store_idx %arg19[%select_n3A_309], %convert_element_type3A_305 : memref<528xf32, #tpu.memory_space<vmem>>[vector<16xi32>], vector<16xf32>,
          tpu.vector_store_idx %arg20[%select_n3A_309], %broadcast_in_dim3A_2 : memref<528xf32, #tpu.memory_space<vmem>>[vector<16xi32>], vector<16xf32>,
          %dma_start3A = arith.constant 1 : i32
          %dma_start3A_310 = arith.constant 1 : i32
          %dma_start3A_311 = arith.constant 1 : i32
          %dma_start3A_312 = arith.constant 0 : i32
          %dma_start3A_313 = arith.constant 0 : i32
          %dma_start3A_314 = tpu.memref_slice %arg12[%dma_start3A, %dma_start3A_312, %dma_start3A_313] : memref<2x128x128xf32, #tpu.memory_space<vmem>> -> memref<1x128x128xf32, #tpu.memory_space<vmem>>
          %dma_start3A_315 = tpu.memref_squeeze %dma_start3A_314 : memref<1x128x128xf32, #tpu.memory_space<vmem>> -> memref<128x128xf32, #tpu.memory_space<vmem>>
          %dma_start3A_316 = arith.constant 0 : i32
          %dma_start3A_317 = tpu.memref_slice %arg13[%dma_start3A_310, %dma_start3A_316] : memref<2x128xi32, #tpu.memory_space<vmem>> -> memref<1x128xi32, #tpu.memory_space<vmem>>
          %dma_start3A_318 = tpu.memref_squeeze %dma_start3A_317 : memref<1x128xi32, #tpu.memory_space<vmem>> -> memref<128xi32, #tpu.memory_space<vmem>>
          %dma_start3A_319 = arith.constant 0 : i32
          %dma_start3A_320 = arith.constant 0 : i32
          %dma_start3A_321 = tpu.memref_slice %arg22[%dma_start3A_319, %dma_start3A_320] : memref<512x128xf32, #tpu.memory_space<vmem_shared>> -> memref<512x128xf32, #tpu.memory_space<vmem_shared>>
          %dma_start3A_322 = tpu.memref_slice %arg24[%dma_start3A_311] : memref<2x!tpu.dma_semaphore, #tpu.memory_space<semaphore_mem>> -> memref<1x!tpu.dma_semaphore, #tpu.memory_space<semaphore_mem>>
          %dma_start3A_323 = tpu.memref_squeeze %dma_start3A_322 : memref<1x!tpu.dma_semaphore, #tpu.memory_space<semaphore_mem>> -> memref<!tpu.dma_semaphore, #tpu.memory_space<semaphore_mem>>
          tpu.enqueue_indirect_dma source(%dma_start3A_315 : memref<128x128xf32, #tpu.memory_space<vmem>>) target(%dma_start3A_321 : memref<512x128xf32, #tpu.memory_space<vmem_shared>>) offsets(%dma_start3A_318 : memref<128xi32, #tpu.memory_space<vmem>>) semaphore(%dma_start3A_323 : memref<!tpu.dma_semaphore, #tpu.memory_space<semaphore_mem>>) {add = true}
        } else {
        }
        %scan3A_166 = arith.constant 0 : i32
        scf.yield %scan3A_166 : i32
      }
      %scan3A_69 = arith.constant 3 : i32
      %add3A_70 = arith.constant 80 : i32
      %add3A_71 = arith.addi %add3A_70, %arg1 : i32
      %lt3A_72 = arith.constant 78 : i32
      %lt3A_73 = arith.cmpi slt, %add3A_71, %lt3A_72 : i32
      %convert_element_type3A_74 = arith.extui %lt3A_73 : i1 to i32
      %cond3A_75 = arith.constant 0 : i32
      %cond3A_76 = arith.cmpi ne, %convert_element_type3A_74, %cond3A_75 : i32
      scf.if %cond3A_76 {
        %dma_wait3A = arith.constant 1 : i32
        %dma_wait3A_82 = arith.constant 1 : i32
        %dma_wait3A_83 = arith.constant 1 : i32
        %dma_wait3A_84 = arith.constant 0 : i32
        %dma_wait3A_85 = arith.constant 0 : i32
        %dma_wait3A_86 = tpu.memref_slice %arg12[%dma_wait3A, %dma_wait3A_84, %dma_wait3A_85] : memref<2x128x128xf32, #tpu.memory_space<vmem>> -> memref<1x128x128xf32, #tpu.memory_space<vmem>>
        %dma_wait3A_87 = tpu.memref_squeeze %dma_wait3A_86 : memref<1x128x128xf32, #tpu.memory_space<vmem>> -> memref<128x128xf32, #tpu.memory_space<vmem>>
        %dma_wait3A_88 = arith.constant 0 : i32
        %dma_wait3A_89 = tpu.memref_slice %arg13[%dma_wait3A_82, %dma_wait3A_88] : memref<2x128xi32, #tpu.memory_space<vmem>> -> memref<1x128xi32, #tpu.memory_space<vmem>>
        %dma_wait3A_90 = tpu.memref_squeeze %dma_wait3A_89 : memref<1x128xi32, #tpu.memory_space<vmem>> -> memref<128xi32, #tpu.memory_space<vmem>>
        %dma_wait3A_91 = arith.constant 0 : i32
        %dma_wait3A_92 = arith.constant 0 : i32
        %dma_wait3A_93 = tpu.memref_slice %arg22[%dma_wait3A_91, %dma_wait3A_92] : memref<512x128xf32, #tpu.memory_space<vmem_shared>> -> memref<512x128xf32, #tpu.memory_space<vmem_shared>>
        %dma_wait3A_94 = tpu.memref_slice %arg24[%dma_wait3A_83] : memref<2x!tpu.dma_semaphore, #tpu.memory_space<semaphore_mem>> -> memref<1x!tpu.dma_semaphore, #tpu.memory_space<semaphore_mem>>
        %dma_wait3A_95 = tpu.memref_squeeze %dma_wait3A_94 : memref<1x!tpu.dma_semaphore, #tpu.memory_space<semaphore_mem>> -> memref<!tpu.dma_semaphore, #tpu.memory_space<semaphore_mem>>
        tpu.wait_indirect_dma semaphore(%dma_wait3A_95 : memref<!tpu.dma_semaphore, #tpu.memory_space<semaphore_mem>>) src(%dma_wait3A_87 : memref<128x128xf32, #tpu.memory_space<vmem>>) dst(%dma_wait3A_93 : memref<512x128xf32, #tpu.memory_space<vmem_shared>>)
      } else {
      }
      %eq3A_77 = arith.constant 15 : i32
      %eq3A_78 = arith.cmpi eq, %arg1, %eq3A_77 : i32
      %convert_element_type3A_79 = arith.extui %eq3A_78 : i1 to i32
      %cond3A_80 = arith.constant 0 : i32
      %cond3A_81 = arith.cmpi ne, %convert_element_type3A_79, %cond3A_80 : i32
      scf.if %cond3A_81 {
        %run_scoped3A = arith.constant 0 : i32
        "tpu.region"() ({
          %run_scoped3A_96 = tpu.sem_alloc : memref<!tpu.dma_semaphore, #tpu.memory_space<semaphore_mem>>
          %dma_start3A = arith.constant 0 : i32
          %dma_start3A_97 = arith.constant 0 : i32
          %dma_start3A_98 = tpu.memref_slice %arg12[%run_scoped3A, %dma_start3A, %dma_start3A_97] : memref<2x128x128xf32, #tpu.memory_space<vmem>> -> memref<1x128x128xf32, #tpu.memory_space<vmem>>
          %dma_start3A_99 = tpu.memref_squeeze %dma_start3A_98 : memref<1x128x128xf32, #tpu.memory_space<vmem>> -> memref<128x128xf32, #tpu.memory_space<vmem>>
          %dma_start3A_100 = arith.constant 0 : i32
          %dma_start3A_101 = arith.constant 0 : i32
          %dma_start3A_102 = tpu.memref_slice %dma_start3A_99[%dma_start3A_100, %dma_start3A_101] : memref<128x128xf32, #tpu.memory_space<vmem>> -> memref<16x128xf32, #tpu.memory_space<vmem>>
          %dma_start3A_103 = arith.constant 9984 : i32
          %dma_start3A_104 = arith.constant 0 : i32
          %dma_start3A_105 = tpu.memref_slice %arg4[%dma_start3A_103, %dma_start3A_104] : memref<10000x128xf32, #tpu.memory_space<hbm>> -> memref<16x128xf32, #tpu.memory_space<hbm>>
          %dma_start3A_106 = arith.constant 0 : i32
          %dma_start3A_107 = arith.constant 0 : i32
          %dma_start3A_108 = tpu.memref_slice %arg12[%run_scoped3A, %dma_start3A_106, %dma_start3A_107] : memref<2x128x128xf32, #tpu.memory_space<vmem>> -> memref<1x128x128xf32, #tpu.memory_space<vmem>>
          %dma_start3A_109 = tpu.memref_squeeze %dma_start3A_108 : memref<1x128x128xf32, #tpu.memory_space<vmem>> -> memref<128x128xf32, #tpu.memory_space<vmem>>
          %dma_start3A_110 = arith.constant 0 : i32
          %dma_start3A_111 = arith.constant 0 : i32
          %dma_start3A_112 = tpu.memref_slice %dma_start3A_109[%dma_start3A_110, %dma_start3A_111] : memref<128x128xf32, #tpu.memory_space<vmem>> -> memref<16x128xf32, #tpu.memory_space<vmem>>
          %dma_start3A_113 = arith.constant 9984 : i32
          %dma_start3A_114 = arith.constant 0 : i32
          %dma_start3A_115 = tpu.memref_slice %arg4[%dma_start3A_113, %dma_start3A_114] : memref<10000x128xf32, #tpu.memory_space<hbm>> -> memref<16x128xf32, #tpu.memory_space<hbm>>
          tpu.enqueue_dma source(%dma_start3A_115 : memref<16x128xf32, #tpu.memory_space<hbm>>) target(%dma_start3A_112 : memref<16x128xf32, #tpu.memory_space<vmem>>) target_semaphore(%run_scoped3A_96 : memref<!tpu.dma_semaphore, #tpu.memory_space<semaphore_mem>>)
          %dma_wait3A = arith.constant 0 : i32
          %dma_wait3A_116 = arith.constant 0 : i32
          %dma_wait3A_117 = tpu.memref_slice %arg12[%run_scoped3A, %dma_wait3A, %dma_wait3A_116] : memref<2x128x128xf32, #tpu.memory_space<vmem>> -> memref<1x128x128xf32, #tpu.memory_space<vmem>>
          %dma_wait3A_118 = tpu.memref_squeeze %dma_wait3A_117 : memref<1x128x128xf32, #tpu.memory_space<vmem>> -> memref<128x128xf32, #tpu.memory_space<vmem>>
          %dma_wait3A_119 = arith.constant 0 : i32
          %dma_wait3A_120 = arith.constant 0 : i32
          %dma_wait3A_121 = tpu.memref_slice %dma_wait3A_118[%dma_wait3A_119, %dma_wait3A_120] : memref<128x128xf32, #tpu.memory_space<vmem>> -> memref<16x128xf32, #tpu.memory_space<vmem>>
          %dma_wait3A_122 = arith.constant 9984 : i32
          %dma_wait3A_123 = arith.constant 0 : i32
          %dma_wait3A_124 = tpu.memref_slice %arg4[%dma_wait3A_122, %dma_wait3A_123] : memref<10000x128xf32, #tpu.memory_space<hbm>> -> memref<16x128xf32, #tpu.memory_space<hbm>>
          %dma_wait3A_125 = arith.constant 0 : i32
          %dma_wait3A_126 = arith.constant 0 : i32
          %dma_wait3A_127 = tpu.memref_slice %arg12[%run_scoped3A, %dma_wait3A_125, %dma_wait3A_126] : memref<2x128x128xf32, #tpu.memory_space<vmem>> -> memref<1x128x128xf32, #tpu.memory_space<vmem>>
          %dma_wait3A_128 = tpu.memref_squeeze %dma_wait3A_127 : memref<1x128x128xf32, #tpu.memory_space<vmem>> -> memref<128x128xf32, #tpu.memory_space<vmem>>
          %dma_wait3A_129 = arith.constant 0 : i32
          %dma_wait3A_130 = arith.constant 0 : i32
          %dma_wait3A_131 = tpu.memref_slice %dma_wait3A_128[%dma_wait3A_129, %dma_wait3A_130] : memref<128x128xf32, #tpu.memory_space<vmem>> -> memref<16x128xf32, #tpu.memory_space<vmem>>
          %dma_wait3A_132 = arith.constant 9984 : i32
          %dma_wait3A_133 = arith.constant 0 : i32
          %dma_wait3A_134 = tpu.memref_slice %arg4[%dma_wait3A_132, %dma_wait3A_133] : memref<10000x128xf32, #tpu.memory_space<hbm>> -> memref<16x128xf32, #tpu.memory_space<hbm>>
          tpu.wait_dma2 semaphore(%run_scoped3A_96 : memref<!tpu.dma_semaphore, #tpu.memory_space<semaphore_mem>>) src(%dma_wait3A_134 : memref<16x128xf32, #tpu.memory_space<hbm>>) dst(%dma_wait3A_131 : memref<16x128xf32, #tpu.memory_space<vmem>>)
          tpu.yield
        }) : () -> ()
        "tpu.region"() ({
          %run_scoped3A_96 = tpu.sem_alloc : memref<!tpu.dma_semaphore, #tpu.memory_space<semaphore_mem>>
          %dma_start3A = arith.constant 9984 : i32
          %dma_start3A_97 = tpu.memref_slice %arg7[%dma_start3A] : memref<10000xi32, #tpu.memory_space<hbm>> -> memref<16xi32, #tpu.memory_space<hbm>>
          %dma_start3A_98 = arith.constant 9984 : i32
          %dma_start3A_99 = tpu.memref_slice %arg7[%dma_start3A_98] : memref<10000xi32, #tpu.memory_space<hbm>> -> memref<16xi32, #tpu.memory_space<hbm>>
          tpu.enqueue_dma source(%dma_start3A_99 : memref<16xi32, #tpu.memory_space<hbm>>) target(%arg15 : memref<16xi32, #tpu.memory_space<vmem>>) target_semaphore(%run_scoped3A_96 : memref<!tpu.dma_semaphore, #tpu.memory_space<semaphore_mem>>)
          %dma_wait3A = arith.constant 9984 : i32
          %dma_wait3A_100 = tpu.memref_slice %arg7[%dma_wait3A] : memref<10000xi32, #tpu.memory_space<hbm>> -> memref<16xi32, #tpu.memory_space<hbm>>
          %dma_wait3A_101 = arith.constant 9984 : i32
          %dma_wait3A_102 = tpu.memref_slice %arg7[%dma_wait3A_101] : memref<10000xi32, #tpu.memory_space<hbm>> -> memref<16xi32, #tpu.memory_space<hbm>>
          tpu.wait_dma2 semaphore(%run_scoped3A_96 : memref<!tpu.dma_semaphore, #tpu.memory_space<semaphore_mem>>) src(%dma_wait3A_102 : memref<16xi32, #tpu.memory_space<hbm>>) dst(%arg15 : memref<16xi32, #tpu.memory_space<vmem>>)
          tpu.yield
        }) : () -> ()
        %run_scoped3A_82 = arith.constant 0 : i32
        "tpu.region"() ({
          %run_scoped3A_96 = tpu.sem_alloc : memref<!tpu.dma_semaphore, #tpu.memory_space<semaphore_mem>>
          %dma_start3A = arith.constant 0 : i32
          %dma_start3A_97 = tpu.memref_slice %arg14[%run_scoped3A_82, %dma_start3A] : memref<2x256xi32, #tpu.memory_space<vmem>> -> memref<1x256xi32, #tpu.memory_space<vmem>>
          %dma_start3A_98 = tpu.memref_squeeze %dma_start3A_97 : memref<1x256xi32, #tpu.memory_space<vmem>> -> memref<256xi32, #tpu.memory_space<vmem>>
          %dma_start3A_99 = arith.constant 9984 : i32
          %dma_start3A_100 = tpu.memref_slice %arg9[%dma_start3A_99] : memref<10240xi32, #tpu.memory_space<hbm>> -> memref<256xi32, #tpu.memory_space<hbm>>
          %dma_start3A_101 = arith.constant 0 : i32
          %dma_start3A_102 = tpu.memref_slice %arg14[%run_scoped3A_82, %dma_start3A_101] : memref<2x256xi32, #tpu.memory_space<vmem>> -> memref<1x256xi32, #tpu.memory_space<vmem>>
          %dma_start3A_103 = tpu.memref_squeeze %dma_start3A_102 : memref<1x256xi32, #tpu.memory_space<vmem>> -> memref<256xi32, #tpu.memory_space<vmem>>
          %dma_start3A_104 = arith.constant 9984 : i32
          %dma_start3A_105 = tpu.memref_slice %arg9[%dma_start3A_104] : memref<10240xi32, #tpu.memory_space<hbm>> -> memref<256xi32, #tpu.memory_space<hbm>>
          tpu.enqueue_dma source(%dma_start3A_105 : memref<256xi32, #tpu.memory_space<hbm>>) target(%dma_start3A_103 : memref<256xi32, #tpu.memory_space<vmem>>) target_semaphore(%run_scoped3A_96 : memref<!tpu.dma_semaphore, #tpu.memory_space<semaphore_mem>>)
          %dma_wait3A = arith.constant 0 : i32
          %dma_wait3A_106 = tpu.memref_slice %arg14[%run_scoped3A_82, %dma_wait3A] : memref<2x256xi32, #tpu.memory_space<vmem>> -> memref<1x256xi32, #tpu.memory_space<vmem>>
          %dma_wait3A_107 = tpu.memref_squeeze %dma_wait3A_106 : memref<1x256xi32, #tpu.memory_space<vmem>> -> memref<256xi32, #tpu.memory_space<vmem>>
          %dma_wait3A_108 = arith.constant 9984 : i32
          %dma_wait3A_109 = tpu.memref_slice %arg9[%dma_wait3A_108] : memref<10240xi32, #tpu.memory_space<hbm>> -> memref<256xi32, #tpu.memory_space<hbm>>
          %dma_wait3A_110 = arith.constant 0 : i32
          %dma_wait3A_111 = tpu.memref_slice %arg14[%run_scoped3A_82, %dma_wait3A_110] : memref<2x256xi32, #tpu.memory_space<vmem>> -> memref<1x256xi32, #tpu.memory_space<vmem>>
          %dma_wait3A_112 = tpu.memref_squeeze %dma_wait3A_111 : memref<1x256xi32, #tpu.memory_space<vmem>> -> memref<256xi32, #tpu.memory_space<vmem>>
          %dma_wait3A_113 = arith.constant 9984 : i32
          %dma_wait3A_114 = tpu.memref_slice %arg9[%dma_wait3A_113] : memref<10240xi32, #tpu.memory_space<hbm>> -> memref<256xi32, #tpu.memory_space<hbm>>
          tpu.wait_dma2 semaphore(%run_scoped3A_96 : memref<!tpu.dma_semaphore, #tpu.memory_space<semaphore_mem>>) src(%dma_wait3A_114 : memref<256xi32, #tpu.memory_space<hbm>>) dst(%dma_wait3A_112 : memref<256xi32, #tpu.memory_space<vmem>>)
          tpu.yield
        }) : () -> ()
        %get3A = arith.constant 0 : index
        %get3A_83 = tpu.vector_load %arg15[%get3A] {strides = array<i32>} : memref<16xi32, #tpu.memory_space<vmem>>, vector<16xi32>,
        %get3A_84 = arith.constant 0 : i32
        %get3A_85 = arith.index_cast %get3A_84 : i32 to index
        %get3A_86 = arith.constant 16 : index
        %get3A_87 = tpu.vector_load %arg14[%get3A_85, %get3A_86] {strides = array<i32>} : memref<2x256xi32, #tpu.memory_space<vmem>>, vector<16xi32>,
        %ne3A = arith.cmpi ne, %get3A_83, %get3A_87 : vector<16xi32>
        %add3A_88 = arith.constant 9984 : i32
        %add3A_89 = vector.broadcast %add3A_88 : i32 to vector<16xi32>
        %add3A_90 = arith.addi %add3A_89, %iota3A : vector<16xi32>
        %convert_element_type3A_91 = arith.sitofp %add3A_90 : vector<16xi32> to vector<16xf32>
        %add3A_92 = arith.constant 512 : i32
        %add3A_93 = vector.broadcast %add3A_92 : i32 to vector<16xi32>
        %add3A_94 = arith.addi %add3A_93, %iota3A : vector<16xi32>
        %select_n3A = arith.select %ne3A, %get3A_83, %add3A_94 : vector<16xi1>, vector<16xi32>
        tpu.vector_store_idx %arg19[%select_n3A], %convert_element_type3A_91 : memref<528xf32, #tpu.memory_space<vmem>>[vector<16xi32>], vector<16xf32>,
        tpu.vector_store_idx %arg20[%select_n3A], %broadcast_in_dim3A_2 : memref<528xf32, #tpu.memory_space<vmem>>[vector<16xi32>], vector<16xf32>,
        %run_scoped3A_95 = arith.constant 0 : i32
        "tpu.region"() ({
          %run_scoped3A_96 = tpu.sem_alloc : memref<!tpu.dma_semaphore, #tpu.memory_space<semaphore_mem>>
          %dma_start3A = arith.constant 0 : i32
          %dma_start3A_97 = arith.constant 0 : i32
          %dma_start3A_98 = tpu.memref_slice %arg12[%run_scoped3A_95, %dma_start3A, %dma_start3A_97] : memref<2x128x128xf32, #tpu.memory_space<vmem>> -> memref<1x128x128xf32, #tpu.memory_space<vmem>>
          %dma_start3A_99 = tpu.memref_squeeze %dma_start3A_98 : memref<1x128x128xf32, #tpu.memory_space<vmem>> -> memref<128x128xf32, #tpu.memory_space<vmem>>
          %dma_start3A_100 = arith.constant 0 : i32
          %dma_start3A_101 = arith.constant 0 : i32
          %dma_start3A_102 = tpu.memref_slice %dma_start3A_99[%dma_start3A_100, %dma_start3A_101] : memref<128x128xf32, #tpu.memory_space<vmem>> -> memref<16x128xf32, #tpu.memory_space<vmem>>
          %dma_start3A_103 = arith.constant 0 : i32
          %dma_start3A_104 = arith.constant 0 : i32
          %dma_start3A_105 = tpu.memref_slice %arg22[%dma_start3A_103, %dma_start3A_104] : memref<512x128xf32, #tpu.memory_space<vmem_shared>> -> memref<512x128xf32, #tpu.memory_space<vmem_shared>>
          tpu.enqueue_indirect_dma source(%dma_start3A_102 : memref<16x128xf32, #tpu.memory_space<vmem>>) target(%dma_start3A_105 : memref<512x128xf32, #tpu.memory_space<vmem_shared>>) offsets(%arg15 : memref<16xi32, #tpu.memory_space<vmem>>) semaphore(%run_scoped3A_96 : memref<!tpu.dma_semaphore, #tpu.memory_space<semaphore_mem>>) {add = true}
          %dma_wait3A = arith.constant 0 : i32
          %dma_wait3A_106 = arith.constant 0 : i32
          %dma_wait3A_107 = tpu.memref_slice %arg12[%run_scoped3A_95, %dma_wait3A, %dma_wait3A_106] : memref<2x128x128xf32, #tpu.memory_space<vmem>> -> memref<1x128x128xf32, #tpu.memory_space<vmem>>
          %dma_wait3A_108 = tpu.memref_squeeze %dma_wait3A_107 : memref<1x128x128xf32, #tpu.memory_space<vmem>> -> memref<128x128xf32, #tpu.memory_space<vmem>>
          %dma_wait3A_109 = arith.constant 0 : i32
          %dma_wait3A_110 = arith.constant 0 : i32
          %dma_wait3A_111 = tpu.memref_slice %dma_wait3A_108[%dma_wait3A_109, %dma_wait3A_110] : memref<128x128xf32, #tpu.memory_space<vmem>> -> memref<16x128xf32, #tpu.memory_space<vmem>>
          %dma_wait3A_112 = arith.constant 0 : i32
          %dma_wait3A_113 = arith.constant 0 : i32
          %dma_wait3A_114 = tpu.memref_slice %arg22[%dma_wait3A_112, %dma_wait3A_113] : memref<512x128xf32, #tpu.memory_space<vmem_shared>> -> memref<512x128xf32, #tpu.memory_space<vmem_shared>>
          tpu.wait_indirect_dma semaphore(%run_scoped3A_96 : memref<!tpu.dma_semaphore, #tpu.memory_space<semaphore_mem>>) src(%dma_wait3A_111 : memref<16x128xf32, #tpu.memory_space<vmem>>) dst(%dma_wait3A_114 : memref<512x128xf32, #tpu.memory_space<vmem_shared>>)
          tpu.yield
        }) : () -> ()
      } else {
      }
    } else {
    }
    %eq3A_21 = arith.constant 1 : i32
    %eq3A_22 = arith.cmpi eq, %arg0, %eq3A_21 : i32
    %convert_element_type3A_23 = arith.extui %eq3A_22 : i1 to i32
    %cond3A_24 = arith.constant 0 : i32
    %cond3A_25 = arith.cmpi ne, %convert_element_type3A_23, %cond3A_24 : i32
    scf.if %cond3A_25 {
      %add3A = arith.constant 0 : i32
      %add3A_37 = arith.addi %add3A, %arg1 : i32
      %lt3A = arith.constant 2500 : i32
      %lt3A_38 = arith.cmpi slt, %add3A_37, %lt3A : i32
      %convert_element_type3A_39 = arith.extui %lt3A_38 : i1 to i32
      %cond3A_40 = arith.constant 0 : i32
      %cond3A_41 = arith.cmpi ne, %convert_element_type3A_39, %cond3A_40 : i32
      scf.if %cond3A_41 {
        %mul3A_82 = arith.constant 128 : i32
        %mul3A_83 = arith.muli %add3A_37, %mul3A_82 : i32
        %dma_start3A = arith.constant 0 : i32
        %dma_start3A_84 = arith.constant 0 : i32
        %dma_start3A_85 = arith.constant 0 : i32
        %dma_start3A_86 = arith.constant 0 : i32
        %dma_start3A_87 = tpu.memref_slice %arg12[%dma_start3A, %dma_start3A_85, %dma_start3A_86] : memref<2x128x128xf32, #tpu.memory_space<vmem>> -> memref<1x128x128xf32, #tpu.memory_space<vmem>>
        %dma_start3A_88 = tpu.memref_squeeze %dma_start3A_87 : memref<1x128x128xf32, #tpu.memory_space<vmem>> -> memref<128x128xf32, #tpu.memory_space<vmem>>
        %dma_start3A_89 = arith.constant 0 : i32
        %dma_start3A_90 = tpu.memref_slice %arg3[%mul3A_83, %dma_start3A_89] : memref<320000x128xf32, #tpu.memory_space<hbm>> -> memref<128x128xf32, #tpu.memory_space<hbm>>
        %dma_start3A_91 = tpu.memref_slice %arg23[%dma_start3A_84] : memref<2x!tpu.dma_semaphore, #tpu.memory_space<semaphore_mem>> -> memref<1x!tpu.dma_semaphore, #tpu.memory_space<semaphore_mem>>
        %dma_start3A_92 = tpu.memref_squeeze %dma_start3A_91 : memref<1x!tpu.dma_semaphore, #tpu.memory_space<semaphore_mem>> -> memref<!tpu.dma_semaphore, #tpu.memory_space<semaphore_mem>>
        %dma_start3A_93 = arith.constant 0 : i32
        %dma_start3A_94 = arith.constant 0 : i32
        %dma_start3A_95 = tpu.memref_slice %arg12[%dma_start3A, %dma_start3A_93, %dma_start3A_94] : memref<2x128x128xf32, #tpu.memory_space<vmem>> -> memref<1x128x128xf32, #tpu.memory_space<vmem>>
        %dma_start3A_96 = tpu.memref_squeeze %dma_start3A_95 : memref<1x128x128xf32, #tpu.memory_space<vmem>> -> memref<128x128xf32, #tpu.memory_space<vmem>>
        %dma_start3A_97 = arith.constant 0 : i32
        %dma_start3A_98 = tpu.memref_slice %arg3[%mul3A_83, %dma_start3A_97] : memref<320000x128xf32, #tpu.memory_space<hbm>> -> memref<128x128xf32, #tpu.memory_space<hbm>>
        tpu.enqueue_dma source(%dma_start3A_98 : memref<128x128xf32, #tpu.memory_space<hbm>>) target(%dma_start3A_96 : memref<128x128xf32, #tpu.memory_space<vmem>>) target_semaphore(%dma_start3A_92 : memref<!tpu.dma_semaphore, #tpu.memory_space<semaphore_mem>>)
        %dma_start3A_99 = arith.constant 0 : i32
        %dma_start3A_100 = arith.constant 0 : i32
        %dma_start3A_101 = arith.constant 0 : i32
        %dma_start3A_102 = tpu.memref_slice %arg13[%dma_start3A_99, %dma_start3A_101] : memref<2x128xi32, #tpu.memory_space<vmem>> -> memref<1x128xi32, #tpu.memory_space<vmem>>
        %dma_start3A_103 = tpu.memref_squeeze %dma_start3A_102 : memref<1x128xi32, #tpu.memory_space<vmem>> -> memref<128xi32, #tpu.memory_space<vmem>>
        %dma_start3A_104 = tpu.memref_slice %arg6[%mul3A_83] : memref<320000xi32, #tpu.memory_space<hbm>> -> memref<128xi32, #tpu.memory_space<hbm>>
        %dma_start3A_105 = tpu.memref_slice %arg23[%dma_start3A_100] : memref<2x!tpu.dma_semaphore, #tpu.memory_space<semaphore_mem>> -> memref<1x!tpu.dma_semaphore, #tpu.memory_space<semaphore_mem>>
        %dma_start3A_106 = tpu.memref_squeeze %dma_start3A_105 : memref<1x!tpu.dma_semaphore, #tpu.memory_space<semaphore_mem>> -> memref<!tpu.dma_semaphore, #tpu.memory_space<semaphore_mem>>
        %dma_start3A_107 = arith.constant 0 : i32
        %dma_start3A_108 = tpu.memref_slice %arg13[%dma_start3A_99, %dma_start3A_107] : memref<2x128xi32, #tpu.memory_space<vmem>> -> memref<1x128xi32, #tpu.memory_space<vmem>>
        %dma_start3A_109 = tpu.memref_squeeze %dma_start3A_108 : memref<1x128xi32, #tpu.memory_space<vmem>> -> memref<128xi32, #tpu.memory_space<vmem>>
        %dma_start3A_110 = tpu.memref_slice %arg6[%mul3A_83] : memref<320000xi32, #tpu.memory_space<hbm>> -> memref<128xi32, #tpu.memory_space<hbm>>
        tpu.enqueue_dma source(%dma_start3A_110 : memref<128xi32, #tpu.memory_space<hbm>>) target(%dma_start3A_109 : memref<128xi32, #tpu.memory_space<vmem>>) target_semaphore(%dma_start3A_106 : memref<!tpu.dma_semaphore, #tpu.memory_space<semaphore_mem>>)
        %dma_start3A_111 = arith.constant 0 : i32
        %dma_start3A_112 = arith.constant 0 : i32
        %dma_start3A_113 = arith.constant 0 : i32
        %dma_start3A_114 = tpu.memref_slice %arg14[%dma_start3A_111, %dma_start3A_113] : memref<2x256xi32, #tpu.memory_space<vmem>> -> memref<1x256xi32, #tpu.memory_space<vmem>>
        %dma_start3A_115 = tpu.memref_squeeze %dma_start3A_114 : memref<1x256xi32, #tpu.memory_space<vmem>> -> memref<256xi32, #tpu.memory_space<vmem>>
        %dma_start3A_116 = tpu.memref_slice %arg8[%mul3A_83] : memref<320128xi32, #tpu.memory_space<hbm>> -> memref<256xi32, #tpu.memory_space<hbm>>
        %dma_start3A_117 = tpu.memref_slice %arg23[%dma_start3A_112] : memref<2x!tpu.dma_semaphore, #tpu.memory_space<semaphore_mem>> -> memref<1x!tpu.dma_semaphore, #tpu.memory_space<semaphore_mem>>
        %dma_start3A_118 = tpu.memref_squeeze %dma_start3A_117 : memref<1x!tpu.dma_semaphore, #tpu.memory_space<semaphore_mem>> -> memref<!tpu.dma_semaphore, #tpu.memory_space<semaphore_mem>>
        %dma_start3A_119 = arith.constant 0 : i32
        %dma_start3A_120 = tpu.memref_slice %arg14[%dma_start3A_111, %dma_start3A_119] : memref<2x256xi32, #tpu.memory_space<vmem>> -> memref<1x256xi32, #tpu.memory_space<vmem>>
        %dma_start3A_121 = tpu.memref_squeeze %dma_start3A_120 : memref<1x256xi32, #tpu.memory_space<vmem>> -> memref<256xi32, #tpu.memory_space<vmem>>
        %dma_start3A_122 = tpu.memref_slice %arg8[%mul3A_83] : memref<320128xi32, #tpu.memory_space<hbm>> -> memref<256xi32, #tpu.memory_space<hbm>>
        tpu.enqueue_dma source(%dma_start3A_122 : memref<256xi32, #tpu.memory_space<hbm>>) target(%dma_start3A_121 : memref<256xi32, #tpu.memory_space<vmem>>) target_semaphore(%dma_start3A_118 : memref<!tpu.dma_semaphore, #tpu.memory_space<semaphore_mem>>)
      } else {
      }
      %scan3A_42 = arith.constant 0 : i32
      %scan3A_43 = arith.constant 0 : i32
      %scan3A_44 = arith.constant 79 : i32
      %scan3A_45 = arith.addi %scan3A_43, %scan3A_44 : i32
      %scan3A_46 = arith.constant 1 : i32
      %scan3A_47 = scf.for %scan3A_82 = %scan3A_43 to %scan3A_45 step %scan3A_46 iter_args(%scan3A_83 = %scan3A_42) -> (i32)  : i32 {
        %mul3A_84 = arith.constant 2 : i32
        %mul3A_85 = arith.muli %mul3A_84, %scan3A_82 : i32
        %mul3A_86 = arith.constant 16 : i32
        %mul3A_87 = arith.muli %mul3A_85, %mul3A_86 : i32
        %add3A_88 = arith.addi %mul3A_87, %arg1 : i32
        %lt3A_89 = arith.constant 2500 : i32
        %lt3A_90 = arith.cmpi slt, %add3A_88, %lt3A_89 : i32
        %convert_element_type3A_91 = arith.extui %lt3A_90 : i1 to i32
        %cond3A_92 = arith.constant 0 : i32
        %cond3A_93 = arith.cmpi ne, %convert_element_type3A_91, %cond3A_92 : i32
        scf.if %cond3A_93 {
          %mul3A_167 = arith.constant 128 : i32
          %mul3A_168 = arith.muli %add3A_88, %mul3A_167 : i32
          %dma_wait3A = arith.constant 0 : i32
          %dma_wait3A_169 = arith.constant 0 : i32
          %dma_wait3A_170 = arith.constant 0 : i32
          %dma_wait3A_171 = arith.constant 0 : i32
          %dma_wait3A_172 = tpu.memref_slice %arg12[%dma_wait3A, %dma_wait3A_170, %dma_wait3A_171] : memref<2x128x128xf32, #tpu.memory_space<vmem>> -> memref<1x128x128xf32, #tpu.memory_space<vmem>>
          %dma_wait3A_173 = tpu.memref_squeeze %dma_wait3A_172 : memref<1x128x128xf32, #tpu.memory_space<vmem>> -> memref<128x128xf32, #tpu.memory_space<vmem>>
          %dma_wait3A_174 = arith.constant 0 : i32
          %dma_wait3A_175 = tpu.memref_slice %arg3[%mul3A_168, %dma_wait3A_174] : memref<320000x128xf32, #tpu.memory_space<hbm>> -> memref<128x128xf32, #tpu.memory_space<hbm>>
          %dma_wait3A_176 = tpu.memref_slice %arg23[%dma_wait3A_169] : memref<2x!tpu.dma_semaphore, #tpu.memory_space<semaphore_mem>> -> memref<1x!tpu.dma_semaphore, #tpu.memory_space<semaphore_mem>>
          %dma_wait3A_177 = tpu.memref_squeeze %dma_wait3A_176 : memref<1x!tpu.dma_semaphore, #tpu.memory_space<semaphore_mem>> -> memref<!tpu.dma_semaphore, #tpu.memory_space<semaphore_mem>>
          %dma_wait3A_178 = arith.constant 0 : i32
          %dma_wait3A_179 = arith.constant 0 : i32
          %dma_wait3A_180 = tpu.memref_slice %arg12[%dma_wait3A, %dma_wait3A_178, %dma_wait3A_179] : memref<2x128x128xf32, #tpu.memory_space<vmem>> -> memref<1x128x128xf32, #tpu.memory_space<vmem>>
          %dma_wait3A_181 = tpu.memref_squeeze %dma_wait3A_180 : memref<1x128x128xf32, #tpu.memory_space<vmem>> -> memref<128x128xf32, #tpu.memory_space<vmem>>
          %dma_wait3A_182 = arith.constant 0 : i32
          %dma_wait3A_183 = tpu.memref_slice %arg3[%mul3A_168, %dma_wait3A_182] : memref<320000x128xf32, #tpu.memory_space<hbm>> -> memref<128x128xf32, #tpu.memory_space<hbm>>
          tpu.wait_dma2 semaphore(%dma_wait3A_177 : memref<!tpu.dma_semaphore, #tpu.memory_space<semaphore_mem>>) src(%dma_wait3A_183 : memref<128x128xf32, #tpu.memory_space<hbm>>) dst(%dma_wait3A_181 : memref<128x128xf32, #tpu.memory_space<vmem>>)
          %dma_wait3A_184 = arith.constant 0 : i32
          %dma_wait3A_185 = arith.constant 0 : i32
          %dma_wait3A_186 = arith.constant 0 : i32
          %dma_wait3A_187 = tpu.memref_slice %arg13[%dma_wait3A_184, %dma_wait3A_186] : memref<2x128xi32, #tpu.memory_space<vmem>> -> memref<1x128xi32, #tpu.memory_space<vmem>>
          %dma_wait3A_188 = tpu.memref_squeeze %dma_wait3A_187 : memref<1x128xi32, #tpu.memory_space<vmem>> -> memref<128xi32, #tpu.memory_space<vmem>>
          %dma_wait3A_189 = tpu.memref_slice %arg6[%mul3A_168] : memref<320000xi32, #tpu.memory_space<hbm>> -> memref<128xi32, #tpu.memory_space<hbm>>
          %dma_wait3A_190 = tpu.memref_slice %arg23[%dma_wait3A_185] : memref<2x!tpu.dma_semaphore, #tpu.memory_space<semaphore_mem>> -> memref<1x!tpu.dma_semaphore, #tpu.memory_space<semaphore_mem>>
          %dma_wait3A_191 = tpu.memref_squeeze %dma_wait3A_190 : memref<1x!tpu.dma_semaphore, #tpu.memory_space<semaphore_mem>> -> memref<!tpu.dma_semaphore, #tpu.memory_space<semaphore_mem>>
          %dma_wait3A_192 = arith.constant 0 : i32
          %dma_wait3A_193 = tpu.memref_slice %arg13[%dma_wait3A_184, %dma_wait3A_192] : memref<2x128xi32, #tpu.memory_space<vmem>> -> memref<1x128xi32, #tpu.memory_space<vmem>>
          %dma_wait3A_194 = tpu.memref_squeeze %dma_wait3A_193 : memref<1x128xi32, #tpu.memory_space<vmem>> -> memref<128xi32, #tpu.memory_space<vmem>>
          %dma_wait3A_195 = tpu.memref_slice %arg6[%mul3A_168] : memref<320000xi32, #tpu.memory_space<hbm>> -> memref<128xi32, #tpu.memory_space<hbm>>
          tpu.wait_dma2 semaphore(%dma_wait3A_191 : memref<!tpu.dma_semaphore, #tpu.memory_space<semaphore_mem>>) src(%dma_wait3A_195 : memref<128xi32, #tpu.memory_space<hbm>>) dst(%dma_wait3A_194 : memref<128xi32, #tpu.memory_space<vmem>>)
          %dma_wait3A_196 = arith.constant 0 : i32
          %dma_wait3A_197 = arith.constant 0 : i32
          %dma_wait3A_198 = arith.constant 0 : i32
          %dma_wait3A_199 = tpu.memref_slice %arg14[%dma_wait3A_196, %dma_wait3A_198] : memref<2x256xi32, #tpu.memory_space<vmem>> -> memref<1x256xi32, #tpu.memory_space<vmem>>
          %dma_wait3A_200 = tpu.memref_squeeze %dma_wait3A_199 : memref<1x256xi32, #tpu.memory_space<vmem>> -> memref<256xi32, #tpu.memory_space<vmem>>
          %dma_wait3A_201 = tpu.memref_slice %arg8[%mul3A_168] : memref<320128xi32, #tpu.memory_space<hbm>> -> memref<256xi32, #tpu.memory_space<hbm>>
          %dma_wait3A_202 = tpu.memref_slice %arg23[%dma_wait3A_197] : memref<2x!tpu.dma_semaphore, #tpu.memory_space<semaphore_mem>> -> memref<1x!tpu.dma_semaphore, #tpu.memory_space<semaphore_mem>>
          %dma_wait3A_203 = tpu.memref_squeeze %dma_wait3A_202 : memref<1x!tpu.dma_semaphore, #tpu.memory_space<semaphore_mem>> -> memref<!tpu.dma_semaphore, #tpu.memory_space<semaphore_mem>>
          %dma_wait3A_204 = arith.constant 0 : i32
          %dma_wait3A_205 = tpu.memref_slice %arg14[%dma_wait3A_196, %dma_wait3A_204] : memref<2x256xi32, #tpu.memory_space<vmem>> -> memref<1x256xi32, #tpu.memory_space<vmem>>
          %dma_wait3A_206 = tpu.memref_squeeze %dma_wait3A_205 : memref<1x256xi32, #tpu.memory_space<vmem>> -> memref<256xi32, #tpu.memory_space<vmem>>
          %dma_wait3A_207 = tpu.memref_slice %arg8[%mul3A_168] : memref<320128xi32, #tpu.memory_space<hbm>> -> memref<256xi32, #tpu.memory_space<hbm>>
          tpu.wait_dma2 semaphore(%dma_wait3A_203 : memref<!tpu.dma_semaphore, #tpu.memory_space<semaphore_mem>>) src(%dma_wait3A_207 : memref<256xi32, #tpu.memory_space<hbm>>) dst(%dma_wait3A_206 : memref<256xi32, #tpu.memory_space<vmem>>)
        } else {
        }
        %gt3A = arith.constant 0 : i32
        %gt3A_94 = arith.cmpi sgt, %scan3A_82, %gt3A : i32
        %convert_element_type3A_95 = arith.extui %gt3A_94 : i1 to i32
        %cond3A_96 = arith.constant 0 : i32
        %cond3A_97 = arith.cmpi ne, %convert_element_type3A_95, %cond3A_96 : i32
        scf.if %cond3A_97 {
          %mul3A_167 = arith.constant 2 : i32
          %mul3A_168 = arith.muli %mul3A_167, %scan3A_82 : i32
          %sub3A = arith.constant 1 : i32
          %sub3A_169 = arith.subi %mul3A_168, %sub3A : i32
          %mul3A_170 = arith.constant 16 : i32
          %mul3A_171 = arith.muli %sub3A_169, %mul3A_170 : i32
          %add3A_172 = arith.addi %mul3A_171, %arg1 : i32
          %lt3A_173 = arith.constant 2500 : i32
          %lt3A_174 = arith.cmpi slt, %add3A_172, %lt3A_173 : i32
          %convert_element_type3A_175 = arith.extui %lt3A_174 : i1 to i32
          %cond3A_176 = arith.constant 0 : i32
          %cond3A_177 = arith.cmpi ne, %convert_element_type3A_175, %cond3A_176 : i32
          scf.if %cond3A_177 {
            %dma_wait3A = arith.constant 1 : i32
            %dma_wait3A_178 = arith.constant 1 : i32
            %dma_wait3A_179 = arith.constant 1 : i32
            %dma_wait3A_180 = arith.constant 0 : i32
            %dma_wait3A_181 = arith.constant 0 : i32
            %dma_wait3A_182 = tpu.memref_slice %arg12[%dma_wait3A, %dma_wait3A_180, %dma_wait3A_181] : memref<2x128x128xf32, #tpu.memory_space<vmem>> -> memref<1x128x128xf32, #tpu.memory_space<vmem>>
            %dma_wait3A_183 = tpu.memref_squeeze %dma_wait3A_182 : memref<1x128x128xf32, #tpu.memory_space<vmem>> -> memref<128x128xf32, #tpu.memory_space<vmem>>
            %dma_wait3A_184 = arith.constant 0 : i32
            %dma_wait3A_185 = tpu.memref_slice %arg13[%dma_wait3A_178, %dma_wait3A_184] : memref<2x128xi32, #tpu.memory_space<vmem>> -> memref<1x128xi32, #tpu.memory_space<vmem>>
            %dma_wait3A_186 = tpu.memref_squeeze %dma_wait3A_185 : memref<1x128xi32, #tpu.memory_space<vmem>> -> memref<128xi32, #tpu.memory_space<vmem>>
            %dma_wait3A_187 = arith.constant 0 : i32
            %dma_wait3A_188 = arith.constant 0 : i32
            %dma_wait3A_189 = tpu.memref_slice %arg21[%dma_wait3A_187, %dma_wait3A_188] : memref<512x128xf32, #tpu.memory_space<vmem_shared>> -> memref<512x128xf32, #tpu.memory_space<vmem_shared>>
            %dma_wait3A_190 = tpu.memref_slice %arg24[%dma_wait3A_179] : memref<2x!tpu.dma_semaphore, #tpu.memory_space<semaphore_mem>> -> memref<1x!tpu.dma_semaphore, #tpu.memory_space<semaphore_mem>>
            %dma_wait3A_191 = tpu.memref_squeeze %dma_wait3A_190 : memref<1x!tpu.dma_semaphore, #tpu.memory_space<semaphore_mem>> -> memref<!tpu.dma_semaphore, #tpu.memory_space<semaphore_mem>>
            tpu.wait_indirect_dma semaphore(%dma_wait3A_191 : memref<!tpu.dma_semaphore, #tpu.memory_space<semaphore_mem>>) src(%dma_wait3A_183 : memref<128x128xf32, #tpu.memory_space<vmem>>) dst(%dma_wait3A_189 : memref<512x128xf32, #tpu.memory_space<vmem_shared>>)
          } else {
          }
        } else {
        }
        %mul3A_98 = arith.constant 2 : i32
        %mul3A_99 = arith.muli %mul3A_98, %scan3A_82 : i32
        %add3A_100 = arith.constant 1 : i32
        %add3A_101 = arith.addi %mul3A_99, %add3A_100 : i32
        %mul3A_102 = arith.constant 16 : i32
        %mul3A_103 = arith.muli %add3A_101, %mul3A_102 : i32
        %add3A_104 = arith.addi %mul3A_103, %arg1 : i32
        %lt3A_105 = arith.constant 2500 : i32
        %lt3A_106 = arith.cmpi slt, %add3A_104, %lt3A_105 : i32
        %convert_element_type3A_107 = arith.extui %lt3A_106 : i1 to i32
        %cond3A_108 = arith.constant 0 : i32
        %cond3A_109 = arith.cmpi ne, %convert_element_type3A_107, %cond3A_108 : i32
        scf.if %cond3A_109 {
          %mul3A_167 = arith.constant 128 : i32
          %mul3A_168 = arith.muli %add3A_104, %mul3A_167 : i32
          %dma_start3A = arith.constant 1 : i32
          %dma_start3A_169 = arith.constant 1 : i32
          %dma_start3A_170 = arith.constant 0 : i32
          %dma_start3A_171 = arith.constant 0 : i32
          %dma_start3A_172 = tpu.memref_slice %arg12[%dma_start3A, %dma_start3A_170, %dma_start3A_171] : memref<2x128x128xf32, #tpu.memory_space<vmem>> -> memref<1x128x128xf32, #tpu.memory_space<vmem>>
          %dma_start3A_173 = tpu.memref_squeeze %dma_start3A_172 : memref<1x128x128xf32, #tpu.memory_space<vmem>> -> memref<128x128xf32, #tpu.memory_space<vmem>>
          %dma_start3A_174 = arith.constant 0 : i32
          %dma_start3A_175 = tpu.memref_slice %arg3[%mul3A_168, %dma_start3A_174] : memref<320000x128xf32, #tpu.memory_space<hbm>> -> memref<128x128xf32, #tpu.memory_space<hbm>>
          %dma_start3A_176 = tpu.memref_slice %arg23[%dma_start3A_169] : memref<2x!tpu.dma_semaphore, #tpu.memory_space<semaphore_mem>> -> memref<1x!tpu.dma_semaphore, #tpu.memory_space<semaphore_mem>>
          %dma_start3A_177 = tpu.memref_squeeze %dma_start3A_176 : memref<1x!tpu.dma_semaphore, #tpu.memory_space<semaphore_mem>> -> memref<!tpu.dma_semaphore, #tpu.memory_space<semaphore_mem>>
          %dma_start3A_178 = arith.constant 0 : i32
          %dma_start3A_179 = arith.constant 0 : i32
          %dma_start3A_180 = tpu.memref_slice %arg12[%dma_start3A, %dma_start3A_178, %dma_start3A_179] : memref<2x128x128xf32, #tpu.memory_space<vmem>> -> memref<1x128x128xf32, #tpu.memory_space<vmem>>
          %dma_start3A_181 = tpu.memref_squeeze %dma_start3A_180 : memref<1x128x128xf32, #tpu.memory_space<vmem>> -> memref<128x128xf32, #tpu.memory_space<vmem>>
          %dma_start3A_182 = arith.constant 0 : i32
          %dma_start3A_183 = tpu.memref_slice %arg3[%mul3A_168, %dma_start3A_182] : memref<320000x128xf32, #tpu.memory_space<hbm>> -> memref<128x128xf32, #tpu.memory_space<hbm>>
          tpu.enqueue_dma source(%dma_start3A_183 : memref<128x128xf32, #tpu.memory_space<hbm>>) target(%dma_start3A_181 : memref<128x128xf32, #tpu.memory_space<vmem>>) target_semaphore(%dma_start3A_177 : memref<!tpu.dma_semaphore, #tpu.memory_space<semaphore_mem>>)
          %dma_start3A_184 = arith.constant 1 : i32
          %dma_start3A_185 = arith.constant 1 : i32
          %dma_start3A_186 = arith.constant 0 : i32
          %dma_start3A_187 = tpu.memref_slice %arg13[%dma_start3A_184, %dma_start3A_186] : memref<2x128xi32, #tpu.memory_space<vmem>> -> memref<1x128xi32, #tpu.memory_space<vmem>>
          %dma_start3A_188 = tpu.memref_squeeze %dma_start3A_187 : memref<1x128xi32, #tpu.memory_space<vmem>> -> memref<128xi32, #tpu.memory_space<vmem>>
          %dma_start3A_189 = tpu.memref_slice %arg6[%mul3A_168] : memref<320000xi32, #tpu.memory_space<hbm>> -> memref<128xi32, #tpu.memory_space<hbm>>
          %dma_start3A_190 = tpu.memref_slice %arg23[%dma_start3A_185] : memref<2x!tpu.dma_semaphore, #tpu.memory_space<semaphore_mem>> -> memref<1x!tpu.dma_semaphore, #tpu.memory_space<semaphore_mem>>
          %dma_start3A_191 = tpu.memref_squeeze %dma_start3A_190 : memref<1x!tpu.dma_semaphore, #tpu.memory_space<semaphore_mem>> -> memref<!tpu.dma_semaphore, #tpu.memory_space<semaphore_mem>>
          %dma_start3A_192 = arith.constant 0 : i32
          %dma_start3A_193 = tpu.memref_slice %arg13[%dma_start3A_184, %dma_start3A_192] : memref<2x128xi32, #tpu.memory_space<vmem>> -> memref<1x128xi32, #tpu.memory_space<vmem>>
          %dma_start3A_194 = tpu.memref_squeeze %dma_start3A_193 : memref<1x128xi32, #tpu.memory_space<vmem>> -> memref<128xi32, #tpu.memory_space<vmem>>
          %dma_start3A_195 = tpu.memref_slice %arg6[%mul3A_168] : memref<320000xi32, #tpu.memory_space<hbm>> -> memref<128xi32, #tpu.memory_space<hbm>>
          tpu.enqueue_dma source(%dma_start3A_195 : memref<128xi32, #tpu.memory_space<hbm>>) target(%dma_start3A_194 : memref<128xi32, #tpu.memory_space<vmem>>) target_semaphore(%dma_start3A_191 : memref<!tpu.dma_semaphore, #tpu.memory_space<semaphore_mem>>)
          %dma_start3A_196 = arith.constant 1 : i32
          %dma_start3A_197 = arith.constant 1 : i32
          %dma_start3A_198 = arith.constant 0 : i32
          %dma_start3A_199 = tpu.memref_slice %arg14[%dma_start3A_196, %dma_start3A_198] : memref<2x256xi32, #tpu.memory_space<vmem>> -> memref<1x256xi32, #tpu.memory_space<vmem>>
          %dma_start3A_200 = tpu.memref_squeeze %dma_start3A_199 : memref<1x256xi32, #tpu.memory_space<vmem>> -> memref<256xi32, #tpu.memory_space<vmem>>
          %dma_start3A_201 = tpu.memref_slice %arg8[%mul3A_168] : memref<320128xi32, #tpu.memory_space<hbm>> -> memref<256xi32, #tpu.memory_space<hbm>>
          %dma_start3A_202 = tpu.memref_slice %arg23[%dma_start3A_197] : memref<2x!tpu.dma_semaphore, #tpu.memory_space<semaphore_mem>> -> memref<1x!tpu.dma_semaphore, #tpu.memory_space<semaphore_mem>>
          %dma_start3A_203 = tpu.memref_squeeze %dma_start3A_202 : memref<1x!tpu.dma_semaphore, #tpu.memory_space<semaphore_mem>> -> memref<!tpu.dma_semaphore, #tpu.memory_space<semaphore_mem>>
          %dma_start3A_204 = arith.constant 0 : i32
          %dma_start3A_205 = tpu.memref_slice %arg14[%dma_start3A_196, %dma_start3A_204] : memref<2x256xi32, #tpu.memory_space<vmem>> -> memref<1x256xi32, #tpu.memory_space<vmem>>
          %dma_start3A_206 = tpu.memref_squeeze %dma_start3A_205 : memref<1x256xi32, #tpu.memory_space<vmem>> -> memref<256xi32, #tpu.memory_space<vmem>>
          %dma_start3A_207 = tpu.memref_slice %arg8[%mul3A_168] : memref<320128xi32, #tpu.memory_space<hbm>> -> memref<256xi32, #tpu.memory_space<hbm>>
          tpu.enqueue_dma source(%dma_start3A_207 : memref<256xi32, #tpu.memory_space<hbm>>) target(%dma_start3A_206 : memref<256xi32, #tpu.memory_space<vmem>>) target_semaphore(%dma_start3A_203 : memref<!tpu.dma_semaphore, #tpu.memory_space<semaphore_mem>>)
        } else {
        }
        %mul3A_110 = arith.constant 2 : i32
        %mul3A_111 = arith.muli %mul3A_110, %scan3A_82 : i32
        %mul3A_112 = arith.constant 16 : i32
        %mul3A_113 = arith.muli %mul3A_111, %mul3A_112 : i32
        %add3A_114 = arith.addi %mul3A_113, %arg1 : i32
        %lt3A_115 = arith.constant 2500 : i32
        %lt3A_116 = arith.cmpi slt, %add3A_114, %lt3A_115 : i32
        %convert_element_type3A_117 = arith.extui %lt3A_116 : i1 to i32
        %cond3A_118 = arith.constant 0 : i32
        %cond3A_119 = arith.cmpi ne, %convert_element_type3A_117, %cond3A_118 : i32
        scf.if %cond3A_119 {
          %mul3A_167 = arith.constant 128 : i32
          %mul3A_168 = arith.muli %add3A_114, %mul3A_167 : i32
          %get3A = arith.constant 0 : i32
          %get3A_169 = arith.index_cast %get3A : i32 to index
          %get3A_170 = arith.constant 0 : index
          %get3A_171 = tpu.vector_load %arg13[%get3A_169, %get3A_170] {strides = array<i32>} : memref<2x128xi32, #tpu.memory_space<vmem>>, vector<16xi32>,
          %get3A_172 = arith.constant 0 : i32
          %get3A_173 = arith.index_cast %get3A_172 : i32 to index
          %get3A_174 = arith.constant 16 : index
          %get3A_175 = tpu.vector_load %arg14[%get3A_173, %get3A_174] {strides = array<i32>} : memref<2x256xi32, #tpu.memory_space<vmem>>, vector<16xi32>,
          %ne3A = arith.cmpi ne, %get3A_171, %get3A_175 : vector<16xi32>
          %add3A_176 = arith.constant 0 : i32
          %add3A_177 = arith.addi %mul3A_168, %add3A_176 : i32
          %add3A_178 = vector.broadcast %add3A_177 : i32 to vector<16xi32>
          %add3A_179 = arith.addi %add3A_178, %iota3A : vector<16xi32>
          %convert_element_type3A_180 = arith.sitofp %add3A_179 : vector<16xi32> to vector<16xf32>
          %add3A_181 = arith.constant 512 : i32
          %add3A_182 = vector.broadcast %add3A_181 : i32 to vector<16xi32>
          %add3A_183 = arith.addi %add3A_182, %iota3A : vector<16xi32>
          %select_n3A = arith.select %ne3A, %get3A_171, %add3A_183 : vector<16xi1>, vector<16xi32>
          tpu.vector_store_idx %arg17[%select_n3A], %convert_element_type3A_180 : memref<528xf32, #tpu.memory_space<vmem>>[vector<16xi32>], vector<16xf32>,
          tpu.vector_store_idx %arg18[%select_n3A], %broadcast_in_dim3A_2 : memref<528xf32, #tpu.memory_space<vmem>>[vector<16xi32>], vector<16xf32>,
          %get3A_184 = arith.constant 0 : i32
          %get3A_185 = arith.index_cast %get3A_184 : i32 to index
          %get3A_186 = arith.constant 16 : index
          %get3A_187 = tpu.vector_load %arg13[%get3A_185, %get3A_186] {strides = array<i32>} : memref<2x128xi32, #tpu.memory_space<vmem>>, vector<16xi32>,
          %get3A_188 = arith.constant 0 : i32
          %get3A_189 = arith.index_cast %get3A_188 : i32 to index
          %get3A_190 = arith.constant 32 : index
          %get3A_191 = tpu.vector_load %arg14[%get3A_189, %get3A_190] {strides = array<i32>} : memref<2x256xi32, #tpu.memory_space<vmem>>, vector<16xi32>,
          %ne3A_192 = arith.cmpi ne, %get3A_187, %get3A_191 : vector<16xi32>
          %add3A_193 = arith.constant 16 : i32
          %add3A_194 = arith.addi %mul3A_168, %add3A_193 : i32
          %add3A_195 = vector.broadcast %add3A_194 : i32 to vector<16xi32>
          %add3A_196 = arith.addi %add3A_195, %iota3A : vector<16xi32>
          %convert_element_type3A_197 = arith.sitofp %add3A_196 : vector<16xi32> to vector<16xf32>
          %add3A_198 = arith.constant 512 : i32
          %add3A_199 = vector.broadcast %add3A_198 : i32 to vector<16xi32>
          %add3A_200 = arith.addi %add3A_199, %iota3A : vector<16xi32>
          %select_n3A_201 = arith.select %ne3A_192, %get3A_187, %add3A_200 : vector<16xi1>, vector<16xi32>
          tpu.vector_store_idx %arg17[%select_n3A_201], %convert_element_type3A_197 : memref<528xf32, #tpu.memory_space<vmem>>[vector<16xi32>], vector<16xf32>,
          tpu.vector_store_idx %arg18[%select_n3A_201], %broadcast_in_dim3A_2 : memref<528xf32, #tpu.memory_space<vmem>>[vector<16xi32>], vector<16xf32>,
          %get3A_202 = arith.constant 0 : i32
          %get3A_203 = arith.index_cast %get3A_202 : i32 to index
          %get3A_204 = arith.constant 32 : index
          %get3A_205 = tpu.vector_load %arg13[%get3A_203, %get3A_204] {strides = array<i32>} : memref<2x128xi32, #tpu.memory_space<vmem>>, vector<16xi32>,
          %get3A_206 = arith.constant 0 : i32
          %get3A_207 = arith.index_cast %get3A_206 : i32 to index
          %get3A_208 = arith.constant 48 : index
          %get3A_209 = tpu.vector_load %arg14[%get3A_207, %get3A_208] {strides = array<i32>} : memref<2x256xi32, #tpu.memory_space<vmem>>, vector<16xi32>,
          %ne3A_210 = arith.cmpi ne, %get3A_205, %get3A_209 : vector<16xi32>
          %add3A_211 = arith.constant 32 : i32
          %add3A_212 = arith.addi %mul3A_168, %add3A_211 : i32
          %add3A_213 = vector.broadcast %add3A_212 : i32 to vector<16xi32>
          %add3A_214 = arith.addi %add3A_213, %iota3A : vector<16xi32>
          %convert_element_type3A_215 = arith.sitofp %add3A_214 : vector<16xi32> to vector<16xf32>
          %add3A_216 = arith.constant 512 : i32
          %add3A_217 = vector.broadcast %add3A_216 : i32 to vector<16xi32>
          %add3A_218 = arith.addi %add3A_217, %iota3A : vector<16xi32>
          %select_n3A_219 = arith.select %ne3A_210, %get3A_205, %add3A_218 : vector<16xi1>, vector<16xi32>
          tpu.vector_store_idx %arg17[%select_n3A_219], %convert_element_type3A_215 : memref<528xf32, #tpu.memory_space<vmem>>[vector<16xi32>], vector<16xf32>,
          tpu.vector_store_idx %arg18[%select_n3A_219], %broadcast_in_dim3A_2 : memref<528xf32, #tpu.memory_space<vmem>>[vector<16xi32>], vector<16xf32>,
          %get3A_220 = arith.constant 0 : i32
          %get3A_221 = arith.index_cast %get3A_220 : i32 to index
          %get3A_222 = arith.constant 48 : index
          %get3A_223 = tpu.vector_load %arg13[%get3A_221, %get3A_222] {strides = array<i32>} : memref<2x128xi32, #tpu.memory_space<vmem>>, vector<16xi32>,
          %get3A_224 = arith.constant 0 : i32
          %get3A_225 = arith.index_cast %get3A_224 : i32 to index
          %get3A_226 = arith.constant 64 : index
          %get3A_227 = tpu.vector_load %arg14[%get3A_225, %get3A_226] {strides = array<i32>} : memref<2x256xi32, #tpu.memory_space<vmem>>, vector<16xi32>,
          %ne3A_228 = arith.cmpi ne, %get3A_223, %get3A_227 : vector<16xi32>
          %add3A_229 = arith.constant 48 : i32
          %add3A_230 = arith.addi %mul3A_168, %add3A_229 : i32
          %add3A_231 = vector.broadcast %add3A_230 : i32 to vector<16xi32>
          %add3A_232 = arith.addi %add3A_231, %iota3A : vector<16xi32>
          %convert_element_type3A_233 = arith.sitofp %add3A_232 : vector<16xi32> to vector<16xf32>
          %add3A_234 = arith.constant 512 : i32
          %add3A_235 = vector.broadcast %add3A_234 : i32 to vector<16xi32>
          %add3A_236 = arith.addi %add3A_235, %iota3A : vector<16xi32>
          %select_n3A_237 = arith.select %ne3A_228, %get3A_223, %add3A_236 : vector<16xi1>, vector<16xi32>
          tpu.vector_store_idx %arg17[%select_n3A_237], %convert_element_type3A_233 : memref<528xf32, #tpu.memory_space<vmem>>[vector<16xi32>], vector<16xf32>,
          tpu.vector_store_idx %arg18[%select_n3A_237], %broadcast_in_dim3A_2 : memref<528xf32, #tpu.memory_space<vmem>>[vector<16xi32>], vector<16xf32>,
          %get3A_238 = arith.constant 0 : i32
          %get3A_239 = arith.index_cast %get3A_238 : i32 to index
          %get3A_240 = arith.constant 64 : index
          %get3A_241 = tpu.vector_load %arg13[%get3A_239, %get3A_240] {strides = array<i32>} : memref<2x128xi32, #tpu.memory_space<vmem>>, vector<16xi32>,
          %get3A_242 = arith.constant 0 : i32
          %get3A_243 = arith.index_cast %get3A_242 : i32 to index
          %get3A_244 = arith.constant 80 : index
          %get3A_245 = tpu.vector_load %arg14[%get3A_243, %get3A_244] {strides = array<i32>} : memref<2x256xi32, #tpu.memory_space<vmem>>, vector<16xi32>,
          %ne3A_246 = arith.cmpi ne, %get3A_241, %get3A_245 : vector<16xi32>
          %add3A_247 = arith.constant 64 : i32
          %add3A_248 = arith.addi %mul3A_168, %add3A_247 : i32
          %add3A_249 = vector.broadcast %add3A_248 : i32 to vector<16xi32>
          %add3A_250 = arith.addi %add3A_249, %iota3A : vector<16xi32>
          %convert_element_type3A_251 = arith.sitofp %add3A_250 : vector<16xi32> to vector<16xf32>
          %add3A_252 = arith.constant 512 : i32
          %add3A_253 = vector.broadcast %add3A_252 : i32 to vector<16xi32>
          %add3A_254 = arith.addi %add3A_253, %iota3A : vector<16xi32>
          %select_n3A_255 = arith.select %ne3A_246, %get3A_241, %add3A_254 : vector<16xi1>, vector<16xi32>
          tpu.vector_store_idx %arg17[%select_n3A_255], %convert_element_type3A_251 : memref<528xf32, #tpu.memory_space<vmem>>[vector<16xi32>], vector<16xf32>,
          tpu.vector_store_idx %arg18[%select_n3A_255], %broadcast_in_dim3A_2 : memref<528xf32, #tpu.memory_space<vmem>>[vector<16xi32>], vector<16xf32>,
          %get3A_256 = arith.constant 0 : i32
          %get3A_257 = arith.index_cast %get3A_256 : i32 to index
          %get3A_258 = arith.constant 80 : index
          %get3A_259 = tpu.vector_load %arg13[%get3A_257, %get3A_258] {strides = array<i32>} : memref<2x128xi32, #tpu.memory_space<vmem>>, vector<16xi32>,
          %get3A_260 = arith.constant 0 : i32
          %get3A_261 = arith.index_cast %get3A_260 : i32 to index
          %get3A_262 = arith.constant 96 : index
          %get3A_263 = tpu.vector_load %arg14[%get3A_261, %get3A_262] {strides = array<i32>} : memref<2x256xi32, #tpu.memory_space<vmem>>, vector<16xi32>,
          %ne3A_264 = arith.cmpi ne, %get3A_259, %get3A_263 : vector<16xi32>
          %add3A_265 = arith.constant 80 : i32
          %add3A_266 = arith.addi %mul3A_168, %add3A_265 : i32
          %add3A_267 = vector.broadcast %add3A_266 : i32 to vector<16xi32>
          %add3A_268 = arith.addi %add3A_267, %iota3A : vector<16xi32>
          %convert_element_type3A_269 = arith.sitofp %add3A_268 : vector<16xi32> to vector<16xf32>
          %add3A_270 = arith.constant 512 : i32
          %add3A_271 = vector.broadcast %add3A_270 : i32 to vector<16xi32>
          %add3A_272 = arith.addi %add3A_271, %iota3A : vector<16xi32>
          %select_n3A_273 = arith.select %ne3A_264, %get3A_259, %add3A_272 : vector<16xi1>, vector<16xi32>
          tpu.vector_store_idx %arg17[%select_n3A_273], %convert_element_type3A_269 : memref<528xf32, #tpu.memory_space<vmem>>[vector<16xi32>], vector<16xf32>,
          tpu.vector_store_idx %arg18[%select_n3A_273], %broadcast_in_dim3A_2 : memref<528xf32, #tpu.memory_space<vmem>>[vector<16xi32>], vector<16xf32>,
          %get3A_274 = arith.constant 0 : i32
          %get3A_275 = arith.index_cast %get3A_274 : i32 to index
          %get3A_276 = arith.constant 96 : index
          %get3A_277 = tpu.vector_load %arg13[%get3A_275, %get3A_276] {strides = array<i32>} : memref<2x128xi32, #tpu.memory_space<vmem>>, vector<16xi32>,
          %get3A_278 = arith.constant 0 : i32
          %get3A_279 = arith.index_cast %get3A_278 : i32 to index
          %get3A_280 = arith.constant 112 : index
          %get3A_281 = tpu.vector_load %arg14[%get3A_279, %get3A_280] {strides = array<i32>} : memref<2x256xi32, #tpu.memory_space<vmem>>, vector<16xi32>,
          %ne3A_282 = arith.cmpi ne, %get3A_277, %get3A_281 : vector<16xi32>
          %add3A_283 = arith.constant 96 : i32
          %add3A_284 = arith.addi %mul3A_168, %add3A_283 : i32
          %add3A_285 = vector.broadcast %add3A_284 : i32 to vector<16xi32>
          %add3A_286 = arith.addi %add3A_285, %iota3A : vector<16xi32>
          %convert_element_type3A_287 = arith.sitofp %add3A_286 : vector<16xi32> to vector<16xf32>
          %add3A_288 = arith.constant 512 : i32
          %add3A_289 = vector.broadcast %add3A_288 : i32 to vector<16xi32>
          %add3A_290 = arith.addi %add3A_289, %iota3A : vector<16xi32>
          %select_n3A_291 = arith.select %ne3A_282, %get3A_277, %add3A_290 : vector<16xi1>, vector<16xi32>
          tpu.vector_store_idx %arg17[%select_n3A_291], %convert_element_type3A_287 : memref<528xf32, #tpu.memory_space<vmem>>[vector<16xi32>], vector<16xf32>,
          tpu.vector_store_idx %arg18[%select_n3A_291], %broadcast_in_dim3A_2 : memref<528xf32, #tpu.memory_space<vmem>>[vector<16xi32>], vector<16xf32>,
          %get3A_292 = arith.constant 0 : i32
          %get3A_293 = arith.index_cast %get3A_292 : i32 to index
          %get3A_294 = arith.constant 112 : index
          %get3A_295 = tpu.vector_load %arg13[%get3A_293, %get3A_294] {strides = array<i32>} : memref<2x128xi32, #tpu.memory_space<vmem>>, vector<16xi32>,
          %get3A_296 = arith.constant 0 : i32
          %get3A_297 = arith.index_cast %get3A_296 : i32 to index
          %get3A_298 = arith.constant 128 : index
          %get3A_299 = tpu.vector_load %arg14[%get3A_297, %get3A_298] {strides = array<i32>} : memref<2x256xi32, #tpu.memory_space<vmem>>, vector<16xi32>,
          %ne3A_300 = arith.cmpi ne, %get3A_295, %get3A_299 : vector<16xi32>
          %add3A_301 = arith.constant 112 : i32
          %add3A_302 = arith.addi %mul3A_168, %add3A_301 : i32
          %add3A_303 = vector.broadcast %add3A_302 : i32 to vector<16xi32>
          %add3A_304 = arith.addi %add3A_303, %iota3A : vector<16xi32>
          %convert_element_type3A_305 = arith.sitofp %add3A_304 : vector<16xi32> to vector<16xf32>
          %add3A_306 = arith.constant 512 : i32
          %add3A_307 = vector.broadcast %add3A_306 : i32 to vector<16xi32>
          %add3A_308 = arith.addi %add3A_307, %iota3A : vector<16xi32>
          %select_n3A_309 = arith.select %ne3A_300, %get3A_295, %add3A_308 : vector<16xi1>, vector<16xi32>
          tpu.vector_store_idx %arg17[%select_n3A_309], %convert_element_type3A_305 : memref<528xf32, #tpu.memory_space<vmem>>[vector<16xi32>], vector<16xf32>,
          tpu.vector_store_idx %arg18[%select_n3A_309], %broadcast_in_dim3A_2 : memref<528xf32, #tpu.memory_space<vmem>>[vector<16xi32>], vector<16xf32>,
          %dma_start3A = arith.constant 0 : i32
          %dma_start3A_310 = arith.constant 0 : i32
          %dma_start3A_311 = arith.constant 0 : i32
          %dma_start3A_312 = arith.constant 0 : i32
          %dma_start3A_313 = arith.constant 0 : i32
          %dma_start3A_314 = tpu.memref_slice %arg12[%dma_start3A, %dma_start3A_312, %dma_start3A_313] : memref<2x128x128xf32, #tpu.memory_space<vmem>> -> memref<1x128x128xf32, #tpu.memory_space<vmem>>
          %dma_start3A_315 = tpu.memref_squeeze %dma_start3A_314 : memref<1x128x128xf32, #tpu.memory_space<vmem>> -> memref<128x128xf32, #tpu.memory_space<vmem>>
          %dma_start3A_316 = arith.constant 0 : i32
          %dma_start3A_317 = tpu.memref_slice %arg13[%dma_start3A_310, %dma_start3A_316] : memref<2x128xi32, #tpu.memory_space<vmem>> -> memref<1x128xi32, #tpu.memory_space<vmem>>
          %dma_start3A_318 = tpu.memref_squeeze %dma_start3A_317 : memref<1x128xi32, #tpu.memory_space<vmem>> -> memref<128xi32, #tpu.memory_space<vmem>>
          %dma_start3A_319 = arith.constant 0 : i32
          %dma_start3A_320 = arith.constant 0 : i32
          %dma_start3A_321 = tpu.memref_slice %arg21[%dma_start3A_319, %dma_start3A_320] : memref<512x128xf32, #tpu.memory_space<vmem_shared>> -> memref<512x128xf32, #tpu.memory_space<vmem_shared>>
          %dma_start3A_322 = tpu.memref_slice %arg24[%dma_start3A_311] : memref<2x!tpu.dma_semaphore, #tpu.memory_space<semaphore_mem>> -> memref<1x!tpu.dma_semaphore, #tpu.memory_space<semaphore_mem>>
          %dma_start3A_323 = tpu.memref_squeeze %dma_start3A_322 : memref<1x!tpu.dma_semaphore, #tpu.memory_space<semaphore_mem>> -> memref<!tpu.dma_semaphore, #tpu.memory_space<semaphore_mem>>
          tpu.enqueue_indirect_dma source(%dma_start3A_315 : memref<128x128xf32, #tpu.memory_space<vmem>>) target(%dma_start3A_321 : memref<512x128xf32, #tpu.memory_space<vmem_shared>>) offsets(%dma_start3A_318 : memref<128xi32, #tpu.memory_space<vmem>>) semaphore(%dma_start3A_323 : memref<!tpu.dma_semaphore, #tpu.memory_space<semaphore_mem>>) {add = true}
        } else {
        }
        %mul3A_120 = arith.constant 2 : i32
        %mul3A_121 = arith.muli %mul3A_120, %scan3A_82 : i32
        %add3A_122 = arith.constant 1 : i32
        %add3A_123 = arith.addi %mul3A_121, %add3A_122 : i32
        %mul3A_124 = arith.constant 16 : i32
        %mul3A_125 = arith.muli %add3A_123, %mul3A_124 : i32
        %add3A_126 = arith.addi %mul3A_125, %arg1 : i32
        %lt3A_127 = arith.constant 2500 : i32
        %lt3A_128 = arith.cmpi slt, %add3A_126, %lt3A_127 : i32
        %convert_element_type3A_129 = arith.extui %lt3A_128 : i1 to i32
        %cond3A_130 = arith.constant 0 : i32
        %cond3A_131 = arith.cmpi ne, %convert_element_type3A_129, %cond3A_130 : i32
        scf.if %cond3A_131 {
          %mul3A_167 = arith.constant 128 : i32
          %mul3A_168 = arith.muli %add3A_126, %mul3A_167 : i32
          %dma_wait3A = arith.constant 1 : i32
          %dma_wait3A_169 = arith.constant 1 : i32
          %dma_wait3A_170 = arith.constant 0 : i32
          %dma_wait3A_171 = arith.constant 0 : i32
          %dma_wait3A_172 = tpu.memref_slice %arg12[%dma_wait3A, %dma_wait3A_170, %dma_wait3A_171] : memref<2x128x128xf32, #tpu.memory_space<vmem>> -> memref<1x128x128xf32, #tpu.memory_space<vmem>>
          %dma_wait3A_173 = tpu.memref_squeeze %dma_wait3A_172 : memref<1x128x128xf32, #tpu.memory_space<vmem>> -> memref<128x128xf32, #tpu.memory_space<vmem>>
          %dma_wait3A_174 = arith.constant 0 : i32
          %dma_wait3A_175 = tpu.memref_slice %arg3[%mul3A_168, %dma_wait3A_174] : memref<320000x128xf32, #tpu.memory_space<hbm>> -> memref<128x128xf32, #tpu.memory_space<hbm>>
          %dma_wait3A_176 = tpu.memref_slice %arg23[%dma_wait3A_169] : memref<2x!tpu.dma_semaphore, #tpu.memory_space<semaphore_mem>> -> memref<1x!tpu.dma_semaphore, #tpu.memory_space<semaphore_mem>>
          %dma_wait3A_177 = tpu.memref_squeeze %dma_wait3A_176 : memref<1x!tpu.dma_semaphore, #tpu.memory_space<semaphore_mem>> -> memref<!tpu.dma_semaphore, #tpu.memory_space<semaphore_mem>>
          %dma_wait3A_178 = arith.constant 0 : i32
          %dma_wait3A_179 = arith.constant 0 : i32
          %dma_wait3A_180 = tpu.memref_slice %arg12[%dma_wait3A, %dma_wait3A_178, %dma_wait3A_179] : memref<2x128x128xf32, #tpu.memory_space<vmem>> -> memref<1x128x128xf32, #tpu.memory_space<vmem>>
          %dma_wait3A_181 = tpu.memref_squeeze %dma_wait3A_180 : memref<1x128x128xf32, #tpu.memory_space<vmem>> -> memref<128x128xf32, #tpu.memory_space<vmem>>
          %dma_wait3A_182 = arith.constant 0 : i32
          %dma_wait3A_183 = tpu.memref_slice %arg3[%mul3A_168, %dma_wait3A_182] : memref<320000x128xf32, #tpu.memory_space<hbm>> -> memref<128x128xf32, #tpu.memory_space<hbm>>
          tpu.wait_dma2 semaphore(%dma_wait3A_177 : memref<!tpu.dma_semaphore, #tpu.memory_space<semaphore_mem>>) src(%dma_wait3A_183 : memref<128x128xf32, #tpu.memory_space<hbm>>) dst(%dma_wait3A_181 : memref<128x128xf32, #tpu.memory_space<vmem>>)
          %dma_wait3A_184 = arith.constant 1 : i32
          %dma_wait3A_185 = arith.constant 1 : i32
          %dma_wait3A_186 = arith.constant 0 : i32
          %dma_wait3A_187 = tpu.memref_slice %arg13[%dma_wait3A_184, %dma_wait3A_186] : memref<2x128xi32, #tpu.memory_space<vmem>> -> memref<1x128xi32, #tpu.memory_space<vmem>>
          %dma_wait3A_188 = tpu.memref_squeeze %dma_wait3A_187 : memref<1x128xi32, #tpu.memory_space<vmem>> -> memref<128xi32, #tpu.memory_space<vmem>>
          %dma_wait3A_189 = tpu.memref_slice %arg6[%mul3A_168] : memref<320000xi32, #tpu.memory_space<hbm>> -> memref<128xi32, #tpu.memory_space<hbm>>
          %dma_wait3A_190 = tpu.memref_slice %arg23[%dma_wait3A_185] : memref<2x!tpu.dma_semaphore, #tpu.memory_space<semaphore_mem>> -> memref<1x!tpu.dma_semaphore, #tpu.memory_space<semaphore_mem>>
          %dma_wait3A_191 = tpu.memref_squeeze %dma_wait3A_190 : memref<1x!tpu.dma_semaphore, #tpu.memory_space<semaphore_mem>> -> memref<!tpu.dma_semaphore, #tpu.memory_space<semaphore_mem>>
          %dma_wait3A_192 = arith.constant 0 : i32
          %dma_wait3A_193 = tpu.memref_slice %arg13[%dma_wait3A_184, %dma_wait3A_192] : memref<2x128xi32, #tpu.memory_space<vmem>> -> memref<1x128xi32, #tpu.memory_space<vmem>>
          %dma_wait3A_194 = tpu.memref_squeeze %dma_wait3A_193 : memref<1x128xi32, #tpu.memory_space<vmem>> -> memref<128xi32, #tpu.memory_space<vmem>>
          %dma_wait3A_195 = tpu.memref_slice %arg6[%mul3A_168] : memref<320000xi32, #tpu.memory_space<hbm>> -> memref<128xi32, #tpu.memory_space<hbm>>
          tpu.wait_dma2 semaphore(%dma_wait3A_191 : memref<!tpu.dma_semaphore, #tpu.memory_space<semaphore_mem>>) src(%dma_wait3A_195 : memref<128xi32, #tpu.memory_space<hbm>>) dst(%dma_wait3A_194 : memref<128xi32, #tpu.memory_space<vmem>>)
          %dma_wait3A_196 = arith.constant 1 : i32
          %dma_wait3A_197 = arith.constant 1 : i32
          %dma_wait3A_198 = arith.constant 0 : i32
          %dma_wait3A_199 = tpu.memref_slice %arg14[%dma_wait3A_196, %dma_wait3A_198] : memref<2x256xi32, #tpu.memory_space<vmem>> -> memref<1x256xi32, #tpu.memory_space<vmem>>
          %dma_wait3A_200 = tpu.memref_squeeze %dma_wait3A_199 : memref<1x256xi32, #tpu.memory_space<vmem>> -> memref<256xi32, #tpu.memory_space<vmem>>
          %dma_wait3A_201 = tpu.memref_slice %arg8[%mul3A_168] : memref<320128xi32, #tpu.memory_space<hbm>> -> memref<256xi32, #tpu.memory_space<hbm>>
          %dma_wait3A_202 = tpu.memref_slice %arg23[%dma_wait3A_197] : memref<2x!tpu.dma_semaphore, #tpu.memory_space<semaphore_mem>> -> memref<1x!tpu.dma_semaphore, #tpu.memory_space<semaphore_mem>>
          %dma_wait3A_203 = tpu.memref_squeeze %dma_wait3A_202 : memref<1x!tpu.dma_semaphore, #tpu.memory_space<semaphore_mem>> -> memref<!tpu.dma_semaphore, #tpu.memory_space<semaphore_mem>>
          %dma_wait3A_204 = arith.constant 0 : i32
          %dma_wait3A_205 = tpu.memref_slice %arg14[%dma_wait3A_196, %dma_wait3A_204] : memref<2x256xi32, #tpu.memory_space<vmem>> -> memref<1x256xi32, #tpu.memory_space<vmem>>
          %dma_wait3A_206 = tpu.memref_squeeze %dma_wait3A_205 : memref<1x256xi32, #tpu.memory_space<vmem>> -> memref<256xi32, #tpu.memory_space<vmem>>
          %dma_wait3A_207 = tpu.memref_slice %arg8[%mul3A_168] : memref<320128xi32, #tpu.memory_space<hbm>> -> memref<256xi32, #tpu.memory_space<hbm>>
          tpu.wait_dma2 semaphore(%dma_wait3A_203 : memref<!tpu.dma_semaphore, #tpu.memory_space<semaphore_mem>>) src(%dma_wait3A_207 : memref<256xi32, #tpu.memory_space<hbm>>) dst(%dma_wait3A_206 : memref<256xi32, #tpu.memory_space<vmem>>)
        } else {
        }
        %mul3A_132 = arith.constant 2 : i32
        %mul3A_133 = arith.muli %mul3A_132, %scan3A_82 : i32
        %mul3A_134 = arith.constant 16 : i32
        %mul3A_135 = arith.muli %mul3A_133, %mul3A_134 : i32
        %add3A_136 = arith.addi %mul3A_135, %arg1 : i32
        %lt3A_137 = arith.constant 2500 : i32
        %lt3A_138 = arith.cmpi slt, %add3A_136, %lt3A_137 : i32
        %convert_element_type3A_139 = arith.extui %lt3A_138 : i1 to i32
        %cond3A_140 = arith.constant 0 : i32
        %cond3A_141 = arith.cmpi ne, %convert_element_type3A_139, %cond3A_140 : i32
        scf.if %cond3A_141 {
          %dma_wait3A = arith.constant 0 : i32
          %dma_wait3A_167 = arith.constant 0 : i32
          %dma_wait3A_168 = arith.constant 0 : i32
          %dma_wait3A_169 = arith.constant 0 : i32
          %dma_wait3A_170 = arith.constant 0 : i32
          %dma_wait3A_171 = tpu.memref_slice %arg12[%dma_wait3A, %dma_wait3A_169, %dma_wait3A_170] : memref<2x128x128xf32, #tpu.memory_space<vmem>> -> memref<1x128x128xf32, #tpu.memory_space<vmem>>
          %dma_wait3A_172 = tpu.memref_squeeze %dma_wait3A_171 : memref<1x128x128xf32, #tpu.memory_space<vmem>> -> memref<128x128xf32, #tpu.memory_space<vmem>>
          %dma_wait3A_173 = arith.constant 0 : i32
          %dma_wait3A_174 = tpu.memref_slice %arg13[%dma_wait3A_167, %dma_wait3A_173] : memref<2x128xi32, #tpu.memory_space<vmem>> -> memref<1x128xi32, #tpu.memory_space<vmem>>
          %dma_wait3A_175 = tpu.memref_squeeze %dma_wait3A_174 : memref<1x128xi32, #tpu.memory_space<vmem>> -> memref<128xi32, #tpu.memory_space<vmem>>
          %dma_wait3A_176 = arith.constant 0 : i32
          %dma_wait3A_177 = arith.constant 0 : i32
          %dma_wait3A_178 = tpu.memref_slice %arg21[%dma_wait3A_176, %dma_wait3A_177] : memref<512x128xf32, #tpu.memory_space<vmem_shared>> -> memref<512x128xf32, #tpu.memory_space<vmem_shared>>
          %dma_wait3A_179 = tpu.memref_slice %arg24[%dma_wait3A_168] : memref<2x!tpu.dma_semaphore, #tpu.memory_space<semaphore_mem>> -> memref<1x!tpu.dma_semaphore, #tpu.memory_space<semaphore_mem>>
          %dma_wait3A_180 = tpu.memref_squeeze %dma_wait3A_179 : memref<1x!tpu.dma_semaphore, #tpu.memory_space<semaphore_mem>> -> memref<!tpu.dma_semaphore, #tpu.memory_space<semaphore_mem>>
          tpu.wait_indirect_dma semaphore(%dma_wait3A_180 : memref<!tpu.dma_semaphore, #tpu.memory_space<semaphore_mem>>) src(%dma_wait3A_172 : memref<128x128xf32, #tpu.memory_space<vmem>>) dst(%dma_wait3A_178 : memref<512x128xf32, #tpu.memory_space<vmem_shared>>)
        } else {
        }
        %mul3A_142 = arith.constant 2 : i32
        %mul3A_143 = arith.muli %mul3A_142, %scan3A_82 : i32
        %add3A_144 = arith.constant 2 : i32
        %add3A_145 = arith.addi %mul3A_143, %add3A_144 : i32
        %mul3A_146 = arith.constant 16 : i32
        %mul3A_147 = arith.muli %add3A_145, %mul3A_146 : i32
        %add3A_148 = arith.addi %mul3A_147, %arg1 : i32
        %lt3A_149 = arith.constant 2500 : i32
        %lt3A_150 = arith.cmpi slt, %add3A_148, %lt3A_149 : i32
        %convert_element_type3A_151 = arith.extui %lt3A_150 : i1 to i32
        %cond3A_152 = arith.constant 0 : i32
        %cond3A_153 = arith.cmpi ne, %convert_element_type3A_151, %cond3A_152 : i32
        scf.if %cond3A_153 {
          %mul3A_167 = arith.constant 128 : i32
          %mul3A_168 = arith.muli %add3A_148, %mul3A_167 : i32
          %dma_start3A = arith.constant 0 : i32
          %dma_start3A_169 = arith.constant 0 : i32
          %dma_start3A_170 = arith.constant 0 : i32
          %dma_start3A_171 = arith.constant 0 : i32
          %dma_start3A_172 = tpu.memref_slice %arg12[%dma_start3A, %dma_start3A_170, %dma_start3A_171] : memref<2x128x128xf32, #tpu.memory_space<vmem>> -> memref<1x128x128xf32, #tpu.memory_space<vmem>>
          %dma_start3A_173 = tpu.memref_squeeze %dma_start3A_172 : memref<1x128x128xf32, #tpu.memory_space<vmem>> -> memref<128x128xf32, #tpu.memory_space<vmem>>
          %dma_start3A_174 = arith.constant 0 : i32
          %dma_start3A_175 = tpu.memref_slice %arg3[%mul3A_168, %dma_start3A_174] : memref<320000x128xf32, #tpu.memory_space<hbm>> -> memref<128x128xf32, #tpu.memory_space<hbm>>
          %dma_start3A_176 = tpu.memref_slice %arg23[%dma_start3A_169] : memref<2x!tpu.dma_semaphore, #tpu.memory_space<semaphore_mem>> -> memref<1x!tpu.dma_semaphore, #tpu.memory_space<semaphore_mem>>
          %dma_start3A_177 = tpu.memref_squeeze %dma_start3A_176 : memref<1x!tpu.dma_semaphore, #tpu.memory_space<semaphore_mem>> -> memref<!tpu.dma_semaphore, #tpu.memory_space<semaphore_mem>>
          %dma_start3A_178 = arith.constant 0 : i32
          %dma_start3A_179 = arith.constant 0 : i32
          %dma_start3A_180 = tpu.memref_slice %arg12[%dma_start3A, %dma_start3A_178, %dma_start3A_179] : memref<2x128x128xf32, #tpu.memory_space<vmem>> -> memref<1x128x128xf32, #tpu.memory_space<vmem>>
          %dma_start3A_181 = tpu.memref_squeeze %dma_start3A_180 : memref<1x128x128xf32, #tpu.memory_space<vmem>> -> memref<128x128xf32, #tpu.memory_space<vmem>>
          %dma_start3A_182 = arith.constant 0 : i32
          %dma_start3A_183 = tpu.memref_slice %arg3[%mul3A_168, %dma_start3A_182] : memref<320000x128xf32, #tpu.memory_space<hbm>> -> memref<128x128xf32, #tpu.memory_space<hbm>>
          tpu.enqueue_dma source(%dma_start3A_183 : memref<128x128xf32, #tpu.memory_space<hbm>>) target(%dma_start3A_181 : memref<128x128xf32, #tpu.memory_space<vmem>>) target_semaphore(%dma_start3A_177 : memref<!tpu.dma_semaphore, #tpu.memory_space<semaphore_mem>>)
          %dma_start3A_184 = arith.constant 0 : i32
          %dma_start3A_185 = arith.constant 0 : i32
          %dma_start3A_186 = arith.constant 0 : i32
          %dma_start3A_187 = tpu.memref_slice %arg13[%dma_start3A_184, %dma_start3A_186] : memref<2x128xi32, #tpu.memory_space<vmem>> -> memref<1x128xi32, #tpu.memory_space<vmem>>
          %dma_start3A_188 = tpu.memref_squeeze %dma_start3A_187 : memref<1x128xi32, #tpu.memory_space<vmem>> -> memref<128xi32, #tpu.memory_space<vmem>>
          %dma_start3A_189 = tpu.memref_slice %arg6[%mul3A_168] : memref<320000xi32, #tpu.memory_space<hbm>> -> memref<128xi32, #tpu.memory_space<hbm>>
          %dma_start3A_190 = tpu.memref_slice %arg23[%dma_start3A_185] : memref<2x!tpu.dma_semaphore, #tpu.memory_space<semaphore_mem>> -> memref<1x!tpu.dma_semaphore, #tpu.memory_space<semaphore_mem>>
          %dma_start3A_191 = tpu.memref_squeeze %dma_start3A_190 : memref<1x!tpu.dma_semaphore, #tpu.memory_space<semaphore_mem>> -> memref<!tpu.dma_semaphore, #tpu.memory_space<semaphore_mem>>
          %dma_start3A_192 = arith.constant 0 : i32
          %dma_start3A_193 = tpu.memref_slice %arg13[%dma_start3A_184, %dma_start3A_192] : memref<2x128xi32, #tpu.memory_space<vmem>> -> memref<1x128xi32, #tpu.memory_space<vmem>>
          %dma_start3A_194 = tpu.memref_squeeze %dma_start3A_193 : memref<1x128xi32, #tpu.memory_space<vmem>> -> memref<128xi32, #tpu.memory_space<vmem>>
          %dma_start3A_195 = tpu.memref_slice %arg6[%mul3A_168] : memref<320000xi32, #tpu.memory_space<hbm>> -> memref<128xi32, #tpu.memory_space<hbm>>
          tpu.enqueue_dma source(%dma_start3A_195 : memref<128xi32, #tpu.memory_space<hbm>>) target(%dma_start3A_194 : memref<128xi32, #tpu.memory_space<vmem>>) target_semaphore(%dma_start3A_191 : memref<!tpu.dma_semaphore, #tpu.memory_space<semaphore_mem>>)
          %dma_start3A_196 = arith.constant 0 : i32
          %dma_start3A_197 = arith.constant 0 : i32
          %dma_start3A_198 = arith.constant 0 : i32
          %dma_start3A_199 = tpu.memref_slice %arg14[%dma_start3A_196, %dma_start3A_198] : memref<2x256xi32, #tpu.memory_space<vmem>> -> memref<1x256xi32, #tpu.memory_space<vmem>>
          %dma_start3A_200 = tpu.memref_squeeze %dma_start3A_199 : memref<1x256xi32, #tpu.memory_space<vmem>> -> memref<256xi32, #tpu.memory_space<vmem>>
          %dma_start3A_201 = tpu.memref_slice %arg8[%mul3A_168] : memref<320128xi32, #tpu.memory_space<hbm>> -> memref<256xi32, #tpu.memory_space<hbm>>
          %dma_start3A_202 = tpu.memref_slice %arg23[%dma_start3A_197] : memref<2x!tpu.dma_semaphore, #tpu.memory_space<semaphore_mem>> -> memref<1x!tpu.dma_semaphore, #tpu.memory_space<semaphore_mem>>
          %dma_start3A_203 = tpu.memref_squeeze %dma_start3A_202 : memref<1x!tpu.dma_semaphore, #tpu.memory_space<semaphore_mem>> -> memref<!tpu.dma_semaphore, #tpu.memory_space<semaphore_mem>>
          %dma_start3A_204 = arith.constant 0 : i32
          %dma_start3A_205 = tpu.memref_slice %arg14[%dma_start3A_196, %dma_start3A_204] : memref<2x256xi32, #tpu.memory_space<vmem>> -> memref<1x256xi32, #tpu.memory_space<vmem>>
          %dma_start3A_206 = tpu.memref_squeeze %dma_start3A_205 : memref<1x256xi32, #tpu.memory_space<vmem>> -> memref<256xi32, #tpu.memory_space<vmem>>
          %dma_start3A_207 = tpu.memref_slice %arg8[%mul3A_168] : memref<320128xi32, #tpu.memory_space<hbm>> -> memref<256xi32, #tpu.memory_space<hbm>>
          tpu.enqueue_dma source(%dma_start3A_207 : memref<256xi32, #tpu.memory_space<hbm>>) target(%dma_start3A_206 : memref<256xi32, #tpu.memory_space<vmem>>) target_semaphore(%dma_start3A_203 : memref<!tpu.dma_semaphore, #tpu.memory_space<semaphore_mem>>)
        } else {
        }
        %mul3A_154 = arith.constant 2 : i32
        %mul3A_155 = arith.muli %mul3A_154, %scan3A_82 : i32
        %add3A_156 = arith.constant 1 : i32
        %add3A_157 = arith.addi %mul3A_155, %add3A_156 : i32
        %mul3A_158 = arith.constant 16 : i32
        %mul3A_159 = arith.muli %add3A_157, %mul3A_158 : i32
        %add3A_160 = arith.addi %mul3A_159, %arg1 : i32
        %lt3A_161 = arith.constant 2500 : i32
        %lt3A_162 = arith.cmpi slt, %add3A_160, %lt3A_161 : i32
        %convert_element_type3A_163 = arith.extui %lt3A_162 : i1 to i32
        %cond3A_164 = arith.constant 0 : i32
        %cond3A_165 = arith.cmpi ne, %convert_element_type3A_163, %cond3A_164 : i32
        scf.if %cond3A_165 {
          %mul3A_167 = arith.constant 128 : i32
          %mul3A_168 = arith.muli %add3A_160, %mul3A_167 : i32
          %get3A = arith.constant 1 : i32
          %get3A_169 = arith.index_cast %get3A : i32 to index
          %get3A_170 = arith.constant 0 : index
          %get3A_171 = tpu.vector_load %arg13[%get3A_169, %get3A_170] {strides = array<i32>} : memref<2x128xi32, #tpu.memory_space<vmem>>, vector<16xi32>,
          %get3A_172 = arith.constant 1 : i32
          %get3A_173 = arith.index_cast %get3A_172 : i32 to index
          %get3A_174 = arith.constant 16 : index
          %get3A_175 = tpu.vector_load %arg14[%get3A_173, %get3A_174] {strides = array<i32>} : memref<2x256xi32, #tpu.memory_space<vmem>>, vector<16xi32>,
          %ne3A = arith.cmpi ne, %get3A_171, %get3A_175 : vector<16xi32>
          %add3A_176 = arith.constant 0 : i32
          %add3A_177 = arith.addi %mul3A_168, %add3A_176 : i32
          %add3A_178 = vector.broadcast %add3A_177 : i32 to vector<16xi32>
          %add3A_179 = arith.addi %add3A_178, %iota3A : vector<16xi32>
          %convert_element_type3A_180 = arith.sitofp %add3A_179 : vector<16xi32> to vector<16xf32>
          %add3A_181 = arith.constant 512 : i32
          %add3A_182 = vector.broadcast %add3A_181 : i32 to vector<16xi32>
          %add3A_183 = arith.addi %add3A_182, %iota3A : vector<16xi32>
          %select_n3A = arith.select %ne3A, %get3A_171, %add3A_183 : vector<16xi1>, vector<16xi32>
          tpu.vector_store_idx %arg17[%select_n3A], %convert_element_type3A_180 : memref<528xf32, #tpu.memory_space<vmem>>[vector<16xi32>], vector<16xf32>,
          tpu.vector_store_idx %arg18[%select_n3A], %broadcast_in_dim3A_2 : memref<528xf32, #tpu.memory_space<vmem>>[vector<16xi32>], vector<16xf32>,
          %get3A_184 = arith.constant 1 : i32
          %get3A_185 = arith.index_cast %get3A_184 : i32 to index
          %get3A_186 = arith.constant 16 : index
          %get3A_187 = tpu.vector_load %arg13[%get3A_185, %get3A_186] {strides = array<i32>} : memref<2x128xi32, #tpu.memory_space<vmem>>, vector<16xi32>,
          %get3A_188 = arith.constant 1 : i32
          %get3A_189 = arith.index_cast %get3A_188 : i32 to index
          %get3A_190 = arith.constant 32 : index
          %get3A_191 = tpu.vector_load %arg14[%get3A_189, %get3A_190] {strides = array<i32>} : memref<2x256xi32, #tpu.memory_space<vmem>>, vector<16xi32>,
          %ne3A_192 = arith.cmpi ne, %get3A_187, %get3A_191 : vector<16xi32>
          %add3A_193 = arith.constant 16 : i32
          %add3A_194 = arith.addi %mul3A_168, %add3A_193 : i32
          %add3A_195 = vector.broadcast %add3A_194 : i32 to vector<16xi32>
          %add3A_196 = arith.addi %add3A_195, %iota3A : vector<16xi32>
          %convert_element_type3A_197 = arith.sitofp %add3A_196 : vector<16xi32> to vector<16xf32>
          %add3A_198 = arith.constant 512 : i32
          %add3A_199 = vector.broadcast %add3A_198 : i32 to vector<16xi32>
          %add3A_200 = arith.addi %add3A_199, %iota3A : vector<16xi32>
          %select_n3A_201 = arith.select %ne3A_192, %get3A_187, %add3A_200 : vector<16xi1>, vector<16xi32>
          tpu.vector_store_idx %arg17[%select_n3A_201], %convert_element_type3A_197 : memref<528xf32, #tpu.memory_space<vmem>>[vector<16xi32>], vector<16xf32>,
          tpu.vector_store_idx %arg18[%select_n3A_201], %broadcast_in_dim3A_2 : memref<528xf32, #tpu.memory_space<vmem>>[vector<16xi32>], vector<16xf32>,
          %get3A_202 = arith.constant 1 : i32
          %get3A_203 = arith.index_cast %get3A_202 : i32 to index
          %get3A_204 = arith.constant 32 : index
          %get3A_205 = tpu.vector_load %arg13[%get3A_203, %get3A_204] {strides = array<i32>} : memref<2x128xi32, #tpu.memory_space<vmem>>, vector<16xi32>,
          %get3A_206 = arith.constant 1 : i32
          %get3A_207 = arith.index_cast %get3A_206 : i32 to index
          %get3A_208 = arith.constant 48 : index
          %get3A_209 = tpu.vector_load %arg14[%get3A_207, %get3A_208] {strides = array<i32>} : memref<2x256xi32, #tpu.memory_space<vmem>>, vector<16xi32>,
          %ne3A_210 = arith.cmpi ne, %get3A_205, %get3A_209 : vector<16xi32>
          %add3A_211 = arith.constant 32 : i32
          %add3A_212 = arith.addi %mul3A_168, %add3A_211 : i32
          %add3A_213 = vector.broadcast %add3A_212 : i32 to vector<16xi32>
          %add3A_214 = arith.addi %add3A_213, %iota3A : vector<16xi32>
          %convert_element_type3A_215 = arith.sitofp %add3A_214 : vector<16xi32> to vector<16xf32>
          %add3A_216 = arith.constant 512 : i32
          %add3A_217 = vector.broadcast %add3A_216 : i32 to vector<16xi32>
          %add3A_218 = arith.addi %add3A_217, %iota3A : vector<16xi32>
          %select_n3A_219 = arith.select %ne3A_210, %get3A_205, %add3A_218 : vector<16xi1>, vector<16xi32>
          tpu.vector_store_idx %arg17[%select_n3A_219], %convert_element_type3A_215 : memref<528xf32, #tpu.memory_space<vmem>>[vector<16xi32>], vector<16xf32>,
          tpu.vector_store_idx %arg18[%select_n3A_219], %broadcast_in_dim3A_2 : memref<528xf32, #tpu.memory_space<vmem>>[vector<16xi32>], vector<16xf32>,
          %get3A_220 = arith.constant 1 : i32
          %get3A_221 = arith.index_cast %get3A_220 : i32 to index
          %get3A_222 = arith.constant 48 : index
          %get3A_223 = tpu.vector_load %arg13[%get3A_221, %get3A_222] {strides = array<i32>} : memref<2x128xi32, #tpu.memory_space<vmem>>, vector<16xi32>,
          %get3A_224 = arith.constant 1 : i32
          %get3A_225 = arith.index_cast %get3A_224 : i32 to index
          %get3A_226 = arith.constant 64 : index
          %get3A_227 = tpu.vector_load %arg14[%get3A_225, %get3A_226] {strides = array<i32>} : memref<2x256xi32, #tpu.memory_space<vmem>>, vector<16xi32>,
          %ne3A_228 = arith.cmpi ne, %get3A_223, %get3A_227 : vector<16xi32>
          %add3A_229 = arith.constant 48 : i32
          %add3A_230 = arith.addi %mul3A_168, %add3A_229 : i32
          %add3A_231 = vector.broadcast %add3A_230 : i32 to vector<16xi32>
          %add3A_232 = arith.addi %add3A_231, %iota3A : vector<16xi32>
          %convert_element_type3A_233 = arith.sitofp %add3A_232 : vector<16xi32> to vector<16xf32>
          %add3A_234 = arith.constant 512 : i32
          %add3A_235 = vector.broadcast %add3A_234 : i32 to vector<16xi32>
          %add3A_236 = arith.addi %add3A_235, %iota3A : vector<16xi32>
          %select_n3A_237 = arith.select %ne3A_228, %get3A_223, %add3A_236 : vector<16xi1>, vector<16xi32>
          tpu.vector_store_idx %arg17[%select_n3A_237], %convert_element_type3A_233 : memref<528xf32, #tpu.memory_space<vmem>>[vector<16xi32>], vector<16xf32>,
          tpu.vector_store_idx %arg18[%select_n3A_237], %broadcast_in_dim3A_2 : memref<528xf32, #tpu.memory_space<vmem>>[vector<16xi32>], vector<16xf32>,
          %get3A_238 = arith.constant 1 : i32
          %get3A_239 = arith.index_cast %get3A_238 : i32 to index
          %get3A_240 = arith.constant 64 : index
          %get3A_241 = tpu.vector_load %arg13[%get3A_239, %get3A_240] {strides = array<i32>} : memref<2x128xi32, #tpu.memory_space<vmem>>, vector<16xi32>,
          %get3A_242 = arith.constant 1 : i32
          %get3A_243 = arith.index_cast %get3A_242 : i32 to index
          %get3A_244 = arith.constant 80 : index
          %get3A_245 = tpu.vector_load %arg14[%get3A_243, %get3A_244] {strides = array<i32>} : memref<2x256xi32, #tpu.memory_space<vmem>>, vector<16xi32>,
          %ne3A_246 = arith.cmpi ne, %get3A_241, %get3A_245 : vector<16xi32>
          %add3A_247 = arith.constant 64 : i32
          %add3A_248 = arith.addi %mul3A_168, %add3A_247 : i32
          %add3A_249 = vector.broadcast %add3A_248 : i32 to vector<16xi32>
          %add3A_250 = arith.addi %add3A_249, %iota3A : vector<16xi32>
          %convert_element_type3A_251 = arith.sitofp %add3A_250 : vector<16xi32> to vector<16xf32>
          %add3A_252 = arith.constant 512 : i32
          %add3A_253 = vector.broadcast %add3A_252 : i32 to vector<16xi32>
          %add3A_254 = arith.addi %add3A_253, %iota3A : vector<16xi32>
          %select_n3A_255 = arith.select %ne3A_246, %get3A_241, %add3A_254 : vector<16xi1>, vector<16xi32>
          tpu.vector_store_idx %arg17[%select_n3A_255], %convert_element_type3A_251 : memref<528xf32, #tpu.memory_space<vmem>>[vector<16xi32>], vector<16xf32>,
          tpu.vector_store_idx %arg18[%select_n3A_255], %broadcast_in_dim3A_2 : memref<528xf32, #tpu.memory_space<vmem>>[vector<16xi32>], vector<16xf32>,
          %get3A_256 = arith.constant 1 : i32
          %get3A_257 = arith.index_cast %get3A_256 : i32 to index
          %get3A_258 = arith.constant 80 : index
          %get3A_259 = tpu.vector_load %arg13[%get3A_257, %get3A_258] {strides = array<i32>} : memref<2x128xi32, #tpu.memory_space<vmem>>, vector<16xi32>,
          %get3A_260 = arith.constant 1 : i32
          %get3A_261 = arith.index_cast %get3A_260 : i32 to index
          %get3A_262 = arith.constant 96 : index
          %get3A_263 = tpu.vector_load %arg14[%get3A_261, %get3A_262] {strides = array<i32>} : memref<2x256xi32, #tpu.memory_space<vmem>>, vector<16xi32>,
          %ne3A_264 = arith.cmpi ne, %get3A_259, %get3A_263 : vector<16xi32>
          %add3A_265 = arith.constant 80 : i32
          %add3A_266 = arith.addi %mul3A_168, %add3A_265 : i32
          %add3A_267 = vector.broadcast %add3A_266 : i32 to vector<16xi32>
          %add3A_268 = arith.addi %add3A_267, %iota3A : vector<16xi32>
          %convert_element_type3A_269 = arith.sitofp %add3A_268 : vector<16xi32> to vector<16xf32>
          %add3A_270 = arith.constant 512 : i32
          %add3A_271 = vector.broadcast %add3A_270 : i32 to vector<16xi32>
          %add3A_272 = arith.addi %add3A_271, %iota3A : vector<16xi32>
          %select_n3A_273 = arith.select %ne3A_264, %get3A_259, %add3A_272 : vector<16xi1>, vector<16xi32>
          tpu.vector_store_idx %arg17[%select_n3A_273], %convert_element_type3A_269 : memref<528xf32, #tpu.memory_space<vmem>>[vector<16xi32>], vector<16xf32>,
          tpu.vector_store_idx %arg18[%select_n3A_273], %broadcast_in_dim3A_2 : memref<528xf32, #tpu.memory_space<vmem>>[vector<16xi32>], vector<16xf32>,
          %get3A_274 = arith.constant 1 : i32
          %get3A_275 = arith.index_cast %get3A_274 : i32 to index
          %get3A_276 = arith.constant 96 : index
          %get3A_277 = tpu.vector_load %arg13[%get3A_275, %get3A_276] {strides = array<i32>} : memref<2x128xi32, #tpu.memory_space<vmem>>, vector<16xi32>,
          %get3A_278 = arith.constant 1 : i32
          %get3A_279 = arith.index_cast %get3A_278 : i32 to index
          %get3A_280 = arith.constant 112 : index
          %get3A_281 = tpu.vector_load %arg14[%get3A_279, %get3A_280] {strides = array<i32>} : memref<2x256xi32, #tpu.memory_space<vmem>>, vector<16xi32>,
          %ne3A_282 = arith.cmpi ne, %get3A_277, %get3A_281 : vector<16xi32>
          %add3A_283 = arith.constant 96 : i32
          %add3A_284 = arith.addi %mul3A_168, %add3A_283 : i32
          %add3A_285 = vector.broadcast %add3A_284 : i32 to vector<16xi32>
          %add3A_286 = arith.addi %add3A_285, %iota3A : vector<16xi32>
          %convert_element_type3A_287 = arith.sitofp %add3A_286 : vector<16xi32> to vector<16xf32>
          %add3A_288 = arith.constant 512 : i32
          %add3A_289 = vector.broadcast %add3A_288 : i32 to vector<16xi32>
          %add3A_290 = arith.addi %add3A_289, %iota3A : vector<16xi32>
          %select_n3A_291 = arith.select %ne3A_282, %get3A_277, %add3A_290 : vector<16xi1>, vector<16xi32>
          tpu.vector_store_idx %arg17[%select_n3A_291], %convert_element_type3A_287 : memref<528xf32, #tpu.memory_space<vmem>>[vector<16xi32>], vector<16xf32>,
          tpu.vector_store_idx %arg18[%select_n3A_291], %broadcast_in_dim3A_2 : memref<528xf32, #tpu.memory_space<vmem>>[vector<16xi32>], vector<16xf32>,
          %get3A_292 = arith.constant 1 : i32
          %get3A_293 = arith.index_cast %get3A_292 : i32 to index
          %get3A_294 = arith.constant 112 : index
          %get3A_295 = tpu.vector_load %arg13[%get3A_293, %get3A_294] {strides = array<i32>} : memref<2x128xi32, #tpu.memory_space<vmem>>, vector<16xi32>,
          %get3A_296 = arith.constant 1 : i32
          %get3A_297 = arith.index_cast %get3A_296 : i32 to index
          %get3A_298 = arith.constant 128 : index
          %get3A_299 = tpu.vector_load %arg14[%get3A_297, %get3A_298] {strides = array<i32>} : memref<2x256xi32, #tpu.memory_space<vmem>>, vector<16xi32>,
          %ne3A_300 = arith.cmpi ne, %get3A_295, %get3A_299 : vector<16xi32>
          %add3A_301 = arith.constant 112 : i32
          %add3A_302 = arith.addi %mul3A_168, %add3A_301 : i32
          %add3A_303 = vector.broadcast %add3A_302 : i32 to vector<16xi32>
          %add3A_304 = arith.addi %add3A_303, %iota3A : vector<16xi32>
          %convert_element_type3A_305 = arith.sitofp %add3A_304 : vector<16xi32> to vector<16xf32>
          %add3A_306 = arith.constant 512 : i32
          %add3A_307 = vector.broadcast %add3A_306 : i32 to vector<16xi32>
          %add3A_308 = arith.addi %add3A_307, %iota3A : vector<16xi32>
          %select_n3A_309 = arith.select %ne3A_300, %get3A_295, %add3A_308 : vector<16xi1>, vector<16xi32>
          tpu.vector_store_idx %arg17[%select_n3A_309], %convert_element_type3A_305 : memref<528xf32, #tpu.memory_space<vmem>>[vector<16xi32>], vector<16xf32>,
          tpu.vector_store_idx %arg18[%select_n3A_309], %broadcast_in_dim3A_2 : memref<528xf32, #tpu.memory_space<vmem>>[vector<16xi32>], vector<16xf32>,
          %dma_start3A = arith.constant 1 : i32
          %dma_start3A_310 = arith.constant 1 : i32
          %dma_start3A_311 = arith.constant 1 : i32
          %dma_start3A_312 = arith.constant 0 : i32
          %dma_start3A_313 = arith.constant 0 : i32
          %dma_start3A_314 = tpu.memref_slice %arg12[%dma_start3A, %dma_start3A_312, %dma_start3A_313] : memref<2x128x128xf32, #tpu.memory_space<vmem>> -> memref<1x128x128xf32, #tpu.memory_space<vmem>>
          %dma_start3A_315 = tpu.memref_squeeze %dma_start3A_314 : memref<1x128x128xf32, #tpu.memory_space<vmem>> -> memref<128x128xf32, #tpu.memory_space<vmem>>
          %dma_start3A_316 = arith.constant 0 : i32
          %dma_start3A_317 = tpu.memref_slice %arg13[%dma_start3A_310, %dma_start3A_316] : memref<2x128xi32, #tpu.memory_space<vmem>> -> memref<1x128xi32, #tpu.memory_space<vmem>>
          %dma_start3A_318 = tpu.memref_squeeze %dma_start3A_317 : memref<1x128xi32, #tpu.memory_space<vmem>> -> memref<128xi32, #tpu.memory_space<vmem>>
          %dma_start3A_319 = arith.constant 0 : i32
          %dma_start3A_320 = arith.constant 0 : i32
          %dma_start3A_321 = tpu.memref_slice %arg21[%dma_start3A_319, %dma_start3A_320] : memref<512x128xf32, #tpu.memory_space<vmem_shared>> -> memref<512x128xf32, #tpu.memory_space<vmem_shared>>
          %dma_start3A_322 = tpu.memref_slice %arg24[%dma_start3A_311] : memref<2x!tpu.dma_semaphore, #tpu.memory_space<semaphore_mem>> -> memref<1x!tpu.dma_semaphore, #tpu.memory_space<semaphore_mem>>
          %dma_start3A_323 = tpu.memref_squeeze %dma_start3A_322 : memref<1x!tpu.dma_semaphore, #tpu.memory_space<semaphore_mem>> -> memref<!tpu.dma_semaphore, #tpu.memory_space<semaphore_mem>>
          tpu.enqueue_indirect_dma source(%dma_start3A_315 : memref<128x128xf32, #tpu.memory_space<vmem>>) target(%dma_start3A_321 : memref<512x128xf32, #tpu.memory_space<vmem_shared>>) offsets(%dma_start3A_318 : memref<128xi32, #tpu.memory_space<vmem>>) semaphore(%dma_start3A_323 : memref<!tpu.dma_semaphore, #tpu.memory_space<semaphore_mem>>) {add = true}
        } else {
        }
        %scan3A_166 = arith.constant 0 : i32
        scf.yield %scan3A_166 : i32
      }
      %scan3A_48 = arith.constant 79 : i32
      %add3A_49 = arith.constant 2512 : i32
      %add3A_50 = arith.addi %add3A_49, %arg1 : i32
      %lt3A_51 = arith.constant 2500 : i32
      %lt3A_52 = arith.cmpi slt, %add3A_50, %lt3A_51 : i32
      %convert_element_type3A_53 = arith.extui %lt3A_52 : i1 to i32
      %cond3A_54 = arith.constant 0 : i32
      %cond3A_55 = arith.cmpi ne, %convert_element_type3A_53, %cond3A_54 : i32
      scf.if %cond3A_55 {
        %dma_wait3A = arith.constant 1 : i32
        %dma_wait3A_82 = arith.constant 1 : i32
        %dma_wait3A_83 = arith.constant 1 : i32
        %dma_wait3A_84 = arith.constant 0 : i32
        %dma_wait3A_85 = arith.constant 0 : i32
        %dma_wait3A_86 = tpu.memref_slice %arg12[%dma_wait3A, %dma_wait3A_84, %dma_wait3A_85] : memref<2x128x128xf32, #tpu.memory_space<vmem>> -> memref<1x128x128xf32, #tpu.memory_space<vmem>>
        %dma_wait3A_87 = tpu.memref_squeeze %dma_wait3A_86 : memref<1x128x128xf32, #tpu.memory_space<vmem>> -> memref<128x128xf32, #tpu.memory_space<vmem>>
        %dma_wait3A_88 = arith.constant 0 : i32
        %dma_wait3A_89 = tpu.memref_slice %arg13[%dma_wait3A_82, %dma_wait3A_88] : memref<2x128xi32, #tpu.memory_space<vmem>> -> memref<1x128xi32, #tpu.memory_space<vmem>>
        %dma_wait3A_90 = tpu.memref_squeeze %dma_wait3A_89 : memref<1x128xi32, #tpu.memory_space<vmem>> -> memref<128xi32, #tpu.memory_space<vmem>>
        %dma_wait3A_91 = arith.constant 0 : i32
        %dma_wait3A_92 = arith.constant 0 : i32
        %dma_wait3A_93 = tpu.memref_slice %arg21[%dma_wait3A_91, %dma_wait3A_92] : memref<512x128xf32, #tpu.memory_space<vmem_shared>> -> memref<512x128xf32, #tpu.memory_space<vmem_shared>>
        %dma_wait3A_94 = tpu.memref_slice %arg24[%dma_wait3A_83] : memref<2x!tpu.dma_semaphore, #tpu.memory_space<semaphore_mem>> -> memref<1x!tpu.dma_semaphore, #tpu.memory_space<semaphore_mem>>
        %dma_wait3A_95 = tpu.memref_squeeze %dma_wait3A_94 : memref<1x!tpu.dma_semaphore, #tpu.memory_space<semaphore_mem>> -> memref<!tpu.dma_semaphore, #tpu.memory_space<semaphore_mem>>
        tpu.wait_indirect_dma semaphore(%dma_wait3A_95 : memref<!tpu.dma_semaphore, #tpu.memory_space<semaphore_mem>>) src(%dma_wait3A_87 : memref<128x128xf32, #tpu.memory_space<vmem>>) dst(%dma_wait3A_93 : memref<512x128xf32, #tpu.memory_space<vmem_shared>>)
      } else {
      }
      %add3A_56 = arith.constant 0 : i32
      %add3A_57 = arith.addi %add3A_56, %arg1 : i32
      %lt3A_58 = arith.constant 78 : i32
      %lt3A_59 = arith.cmpi slt, %add3A_57, %lt3A_58 : i32
      %convert_element_type3A_60 = arith.extui %lt3A_59 : i1 to i32
      %cond3A_61 = arith.constant 0 : i32
      %cond3A_62 = arith.cmpi ne, %convert_element_type3A_60, %cond3A_61 : i32
      scf.if %cond3A_62 {
        %mul3A_82 = arith.constant 128 : i32
        %mul3A_83 = arith.muli %add3A_57, %mul3A_82 : i32
        %dma_start3A = arith.constant 0 : i32
        %dma_start3A_84 = arith.constant 0 : i32
        %dma_start3A_85 = arith.constant 0 : i32
        %dma_start3A_86 = arith.constant 0 : i32
        %dma_start3A_87 = tpu.memref_slice %arg12[%dma_start3A, %dma_start3A_85, %dma_start3A_86] : memref<2x128x128xf32, #tpu.memory_space<vmem>> -> memref<1x128x128xf32, #tpu.memory_space<vmem>>
        %dma_start3A_88 = tpu.memref_squeeze %dma_start3A_87 : memref<1x128x128xf32, #tpu.memory_space<vmem>> -> memref<128x128xf32, #tpu.memory_space<vmem>>
        %dma_start3A_89 = arith.constant 0 : i32
        %dma_start3A_90 = tpu.memref_slice %arg5[%mul3A_83, %dma_start3A_89] : memref<10000x128xf32, #tpu.memory_space<hbm>> -> memref<128x128xf32, #tpu.memory_space<hbm>>
        %dma_start3A_91 = tpu.memref_slice %arg23[%dma_start3A_84] : memref<2x!tpu.dma_semaphore, #tpu.memory_space<semaphore_mem>> -> memref<1x!tpu.dma_semaphore, #tpu.memory_space<semaphore_mem>>
        %dma_start3A_92 = tpu.memref_squeeze %dma_start3A_91 : memref<1x!tpu.dma_semaphore, #tpu.memory_space<semaphore_mem>> -> memref<!tpu.dma_semaphore, #tpu.memory_space<semaphore_mem>>
        %dma_start3A_93 = arith.constant 0 : i32
        %dma_start3A_94 = arith.constant 0 : i32
        %dma_start3A_95 = tpu.memref_slice %arg12[%dma_start3A, %dma_start3A_93, %dma_start3A_94] : memref<2x128x128xf32, #tpu.memory_space<vmem>> -> memref<1x128x128xf32, #tpu.memory_space<vmem>>
        %dma_start3A_96 = tpu.memref_squeeze %dma_start3A_95 : memref<1x128x128xf32, #tpu.memory_space<vmem>> -> memref<128x128xf32, #tpu.memory_space<vmem>>
        %dma_start3A_97 = arith.constant 0 : i32
        %dma_start3A_98 = tpu.memref_slice %arg5[%mul3A_83, %dma_start3A_97] : memref<10000x128xf32, #tpu.memory_space<hbm>> -> memref<128x128xf32, #tpu.memory_space<hbm>>
        tpu.enqueue_dma source(%dma_start3A_98 : memref<128x128xf32, #tpu.memory_space<hbm>>) target(%dma_start3A_96 : memref<128x128xf32, #tpu.memory_space<vmem>>) target_semaphore(%dma_start3A_92 : memref<!tpu.dma_semaphore, #tpu.memory_space<semaphore_mem>>)
        %dma_start3A_99 = arith.constant 0 : i32
        %dma_start3A_100 = arith.constant 0 : i32
        %dma_start3A_101 = arith.constant 0 : i32
        %dma_start3A_102 = tpu.memref_slice %arg13[%dma_start3A_99, %dma_start3A_101] : memref<2x128xi32, #tpu.memory_space<vmem>> -> memref<1x128xi32, #tpu.memory_space<vmem>>
        %dma_start3A_103 = tpu.memref_squeeze %dma_start3A_102 : memref<1x128xi32, #tpu.memory_space<vmem>> -> memref<128xi32, #tpu.memory_space<vmem>>
        %dma_start3A_104 = tpu.memref_slice %arg7[%mul3A_83] : memref<10000xi32, #tpu.memory_space<hbm>> -> memref<128xi32, #tpu.memory_space<hbm>>
        %dma_start3A_105 = tpu.memref_slice %arg23[%dma_start3A_100] : memref<2x!tpu.dma_semaphore, #tpu.memory_space<semaphore_mem>> -> memref<1x!tpu.dma_semaphore, #tpu.memory_space<semaphore_mem>>
        %dma_start3A_106 = tpu.memref_squeeze %dma_start3A_105 : memref<1x!tpu.dma_semaphore, #tpu.memory_space<semaphore_mem>> -> memref<!tpu.dma_semaphore, #tpu.memory_space<semaphore_mem>>
        %dma_start3A_107 = arith.constant 0 : i32
        %dma_start3A_108 = tpu.memref_slice %arg13[%dma_start3A_99, %dma_start3A_107] : memref<2x128xi32, #tpu.memory_space<vmem>> -> memref<1x128xi32, #tpu.memory_space<vmem>>
        %dma_start3A_109 = tpu.memref_squeeze %dma_start3A_108 : memref<1x128xi32, #tpu.memory_space<vmem>> -> memref<128xi32, #tpu.memory_space<vmem>>
        %dma_start3A_110 = tpu.memref_slice %arg7[%mul3A_83] : memref<10000xi32, #tpu.memory_space<hbm>> -> memref<128xi32, #tpu.memory_space<hbm>>
        tpu.enqueue_dma source(%dma_start3A_110 : memref<128xi32, #tpu.memory_space<hbm>>) target(%dma_start3A_109 : memref<128xi32, #tpu.memory_space<vmem>>) target_semaphore(%dma_start3A_106 : memref<!tpu.dma_semaphore, #tpu.memory_space<semaphore_mem>>)
        %dma_start3A_111 = arith.constant 0 : i32
        %dma_start3A_112 = arith.constant 0 : i32
        %dma_start3A_113 = arith.constant 0 : i32
        %dma_start3A_114 = tpu.memref_slice %arg14[%dma_start3A_111, %dma_start3A_113] : memref<2x256xi32, #tpu.memory_space<vmem>> -> memref<1x256xi32, #tpu.memory_space<vmem>>
        %dma_start3A_115 = tpu.memref_squeeze %dma_start3A_114 : memref<1x256xi32, #tpu.memory_space<vmem>> -> memref<256xi32, #tpu.memory_space<vmem>>
        %dma_start3A_116 = tpu.memref_slice %arg9[%mul3A_83] : memref<10240xi32, #tpu.memory_space<hbm>> -> memref<256xi32, #tpu.memory_space<hbm>>
        %dma_start3A_117 = tpu.memref_slice %arg23[%dma_start3A_112] : memref<2x!tpu.dma_semaphore, #tpu.memory_space<semaphore_mem>> -> memref<1x!tpu.dma_semaphore, #tpu.memory_space<semaphore_mem>>
        %dma_start3A_118 = tpu.memref_squeeze %dma_start3A_117 : memref<1x!tpu.dma_semaphore, #tpu.memory_space<semaphore_mem>> -> memref<!tpu.dma_semaphore, #tpu.memory_space<semaphore_mem>>
        %dma_start3A_119 = arith.constant 0 : i32
        %dma_start3A_120 = tpu.memref_slice %arg14[%dma_start3A_111, %dma_start3A_119] : memref<2x256xi32, #tpu.memory_space<vmem>> -> memref<1x256xi32, #tpu.memory_space<vmem>>
        %dma_start3A_121 = tpu.memref_squeeze %dma_start3A_120 : memref<1x256xi32, #tpu.memory_space<vmem>> -> memref<256xi32, #tpu.memory_space<vmem>>
        %dma_start3A_122 = tpu.memref_slice %arg9[%mul3A_83] : memref<10240xi32, #tpu.memory_space<hbm>> -> memref<256xi32, #tpu.memory_space<hbm>>
        tpu.enqueue_dma source(%dma_start3A_122 : memref<256xi32, #tpu.memory_space<hbm>>) target(%dma_start3A_121 : memref<256xi32, #tpu.memory_space<vmem>>) target_semaphore(%dma_start3A_118 : memref<!tpu.dma_semaphore, #tpu.memory_space<semaphore_mem>>)
      } else {
      }
      %scan3A_63 = arith.constant 0 : i32
      %scan3A_64 = arith.constant 0 : i32
      %scan3A_65 = arith.constant 3 : i32
      %scan3A_66 = arith.addi %scan3A_64, %scan3A_65 : i32
      %scan3A_67 = arith.constant 1 : i32
      %scan3A_68 = scf.for %scan3A_82 = %scan3A_64 to %scan3A_66 step %scan3A_67 iter_args(%scan3A_83 = %scan3A_63) -> (i32)  : i32 {
        %mul3A_84 = arith.constant 2 : i32
        %mul3A_85 = arith.muli %mul3A_84, %scan3A_82 : i32
        %mul3A_86 = arith.constant 16 : i32
        %mul3A_87 = arith.muli %mul3A_85, %mul3A_86 : i32
        %add3A_88 = arith.addi %mul3A_87, %arg1 : i32
        %lt3A_89 = arith.constant 78 : i32
        %lt3A_90 = arith.cmpi slt, %add3A_88, %lt3A_89 : i32
        %convert_element_type3A_91 = arith.extui %lt3A_90 : i1 to i32
        %cond3A_92 = arith.constant 0 : i32
        %cond3A_93 = arith.cmpi ne, %convert_element_type3A_91, %cond3A_92 : i32
        scf.if %cond3A_93 {
          %mul3A_167 = arith.constant 128 : i32
          %mul3A_168 = arith.muli %add3A_88, %mul3A_167 : i32
          %dma_wait3A = arith.constant 0 : i32
          %dma_wait3A_169 = arith.constant 0 : i32
          %dma_wait3A_170 = arith.constant 0 : i32
          %dma_wait3A_171 = arith.constant 0 : i32
          %dma_wait3A_172 = tpu.memref_slice %arg12[%dma_wait3A, %dma_wait3A_170, %dma_wait3A_171] : memref<2x128x128xf32, #tpu.memory_space<vmem>> -> memref<1x128x128xf32, #tpu.memory_space<vmem>>
          %dma_wait3A_173 = tpu.memref_squeeze %dma_wait3A_172 : memref<1x128x128xf32, #tpu.memory_space<vmem>> -> memref<128x128xf32, #tpu.memory_space<vmem>>
          %dma_wait3A_174 = arith.constant 0 : i32
          %dma_wait3A_175 = tpu.memref_slice %arg5[%mul3A_168, %dma_wait3A_174] : memref<10000x128xf32, #tpu.memory_space<hbm>> -> memref<128x128xf32, #tpu.memory_space<hbm>>
          %dma_wait3A_176 = tpu.memref_slice %arg23[%dma_wait3A_169] : memref<2x!tpu.dma_semaphore, #tpu.memory_space<semaphore_mem>> -> memref<1x!tpu.dma_semaphore, #tpu.memory_space<semaphore_mem>>
          %dma_wait3A_177 = tpu.memref_squeeze %dma_wait3A_176 : memref<1x!tpu.dma_semaphore, #tpu.memory_space<semaphore_mem>> -> memref<!tpu.dma_semaphore, #tpu.memory_space<semaphore_mem>>
          %dma_wait3A_178 = arith.constant 0 : i32
          %dma_wait3A_179 = arith.constant 0 : i32
          %dma_wait3A_180 = tpu.memref_slice %arg12[%dma_wait3A, %dma_wait3A_178, %dma_wait3A_179] : memref<2x128x128xf32, #tpu.memory_space<vmem>> -> memref<1x128x128xf32, #tpu.memory_space<vmem>>
          %dma_wait3A_181 = tpu.memref_squeeze %dma_wait3A_180 : memref<1x128x128xf32, #tpu.memory_space<vmem>> -> memref<128x128xf32, #tpu.memory_space<vmem>>
          %dma_wait3A_182 = arith.constant 0 : i32
          %dma_wait3A_183 = tpu.memref_slice %arg5[%mul3A_168, %dma_wait3A_182] : memref<10000x128xf32, #tpu.memory_space<hbm>> -> memref<128x128xf32, #tpu.memory_space<hbm>>
          tpu.wait_dma2 semaphore(%dma_wait3A_177 : memref<!tpu.dma_semaphore, #tpu.memory_space<semaphore_mem>>) src(%dma_wait3A_183 : memref<128x128xf32, #tpu.memory_space<hbm>>) dst(%dma_wait3A_181 : memref<128x128xf32, #tpu.memory_space<vmem>>)
          %dma_wait3A_184 = arith.constant 0 : i32
          %dma_wait3A_185 = arith.constant 0 : i32
          %dma_wait3A_186 = arith.constant 0 : i32
          %dma_wait3A_187 = tpu.memref_slice %arg13[%dma_wait3A_184, %dma_wait3A_186] : memref<2x128xi32, #tpu.memory_space<vmem>> -> memref<1x128xi32, #tpu.memory_space<vmem>>
          %dma_wait3A_188 = tpu.memref_squeeze %dma_wait3A_187 : memref<1x128xi32, #tpu.memory_space<vmem>> -> memref<128xi32, #tpu.memory_space<vmem>>
          %dma_wait3A_189 = tpu.memref_slice %arg7[%mul3A_168] : memref<10000xi32, #tpu.memory_space<hbm>> -> memref<128xi32, #tpu.memory_space<hbm>>
          %dma_wait3A_190 = tpu.memref_slice %arg23[%dma_wait3A_185] : memref<2x!tpu.dma_semaphore, #tpu.memory_space<semaphore_mem>> -> memref<1x!tpu.dma_semaphore, #tpu.memory_space<semaphore_mem>>
          %dma_wait3A_191 = tpu.memref_squeeze %dma_wait3A_190 : memref<1x!tpu.dma_semaphore, #tpu.memory_space<semaphore_mem>> -> memref<!tpu.dma_semaphore, #tpu.memory_space<semaphore_mem>>
          %dma_wait3A_192 = arith.constant 0 : i32
          %dma_wait3A_193 = tpu.memref_slice %arg13[%dma_wait3A_184, %dma_wait3A_192] : memref<2x128xi32, #tpu.memory_space<vmem>> -> memref<1x128xi32, #tpu.memory_space<vmem>>
          %dma_wait3A_194 = tpu.memref_squeeze %dma_wait3A_193 : memref<1x128xi32, #tpu.memory_space<vmem>> -> memref<128xi32, #tpu.memory_space<vmem>>
          %dma_wait3A_195 = tpu.memref_slice %arg7[%mul3A_168] : memref<10000xi32, #tpu.memory_space<hbm>> -> memref<128xi32, #tpu.memory_space<hbm>>
          tpu.wait_dma2 semaphore(%dma_wait3A_191 : memref<!tpu.dma_semaphore, #tpu.memory_space<semaphore_mem>>) src(%dma_wait3A_195 : memref<128xi32, #tpu.memory_space<hbm>>) dst(%dma_wait3A_194 : memref<128xi32, #tpu.memory_space<vmem>>)
          %dma_wait3A_196 = arith.constant 0 : i32
          %dma_wait3A_197 = arith.constant 0 : i32
          %dma_wait3A_198 = arith.constant 0 : i32
          %dma_wait3A_199 = tpu.memref_slice %arg14[%dma_wait3A_196, %dma_wait3A_198] : memref<2x256xi32, #tpu.memory_space<vmem>> -> memref<1x256xi32, #tpu.memory_space<vmem>>
          %dma_wait3A_200 = tpu.memref_squeeze %dma_wait3A_199 : memref<1x256xi32, #tpu.memory_space<vmem>> -> memref<256xi32, #tpu.memory_space<vmem>>
          %dma_wait3A_201 = tpu.memref_slice %arg9[%mul3A_168] : memref<10240xi32, #tpu.memory_space<hbm>> -> memref<256xi32, #tpu.memory_space<hbm>>
          %dma_wait3A_202 = tpu.memref_slice %arg23[%dma_wait3A_197] : memref<2x!tpu.dma_semaphore, #tpu.memory_space<semaphore_mem>> -> memref<1x!tpu.dma_semaphore, #tpu.memory_space<semaphore_mem>>
          %dma_wait3A_203 = tpu.memref_squeeze %dma_wait3A_202 : memref<1x!tpu.dma_semaphore, #tpu.memory_space<semaphore_mem>> -> memref<!tpu.dma_semaphore, #tpu.memory_space<semaphore_mem>>
          %dma_wait3A_204 = arith.constant 0 : i32
          %dma_wait3A_205 = tpu.memref_slice %arg14[%dma_wait3A_196, %dma_wait3A_204] : memref<2x256xi32, #tpu.memory_space<vmem>> -> memref<1x256xi32, #tpu.memory_space<vmem>>
          %dma_wait3A_206 = tpu.memref_squeeze %dma_wait3A_205 : memref<1x256xi32, #tpu.memory_space<vmem>> -> memref<256xi32, #tpu.memory_space<vmem>>
          %dma_wait3A_207 = tpu.memref_slice %arg9[%mul3A_168] : memref<10240xi32, #tpu.memory_space<hbm>> -> memref<256xi32, #tpu.memory_space<hbm>>
          tpu.wait_dma2 semaphore(%dma_wait3A_203 : memref<!tpu.dma_semaphore, #tpu.memory_space<semaphore_mem>>) src(%dma_wait3A_207 : memref<256xi32, #tpu.memory_space<hbm>>) dst(%dma_wait3A_206 : memref<256xi32, #tpu.memory_space<vmem>>)
        } else {
        }
        %gt3A = arith.constant 0 : i32
        %gt3A_94 = arith.cmpi sgt, %scan3A_82, %gt3A : i32
        %convert_element_type3A_95 = arith.extui %gt3A_94 : i1 to i32
        %cond3A_96 = arith.constant 0 : i32
        %cond3A_97 = arith.cmpi ne, %convert_element_type3A_95, %cond3A_96 : i32
        scf.if %cond3A_97 {
          %mul3A_167 = arith.constant 2 : i32
          %mul3A_168 = arith.muli %mul3A_167, %scan3A_82 : i32
          %sub3A = arith.constant 1 : i32
          %sub3A_169 = arith.subi %mul3A_168, %sub3A : i32
          %mul3A_170 = arith.constant 16 : i32
          %mul3A_171 = arith.muli %sub3A_169, %mul3A_170 : i32
          %add3A_172 = arith.addi %mul3A_171, %arg1 : i32
          %lt3A_173 = arith.constant 78 : i32
          %lt3A_174 = arith.cmpi slt, %add3A_172, %lt3A_173 : i32
          %convert_element_type3A_175 = arith.extui %lt3A_174 : i1 to i32
          %cond3A_176 = arith.constant 0 : i32
          %cond3A_177 = arith.cmpi ne, %convert_element_type3A_175, %cond3A_176 : i32
          scf.if %cond3A_177 {
            %dma_wait3A = arith.constant 1 : i32
            %dma_wait3A_178 = arith.constant 1 : i32
            %dma_wait3A_179 = arith.constant 1 : i32
            %dma_wait3A_180 = arith.constant 0 : i32
            %dma_wait3A_181 = arith.constant 0 : i32
            %dma_wait3A_182 = tpu.memref_slice %arg12[%dma_wait3A, %dma_wait3A_180, %dma_wait3A_181] : memref<2x128x128xf32, #tpu.memory_space<vmem>> -> memref<1x128x128xf32, #tpu.memory_space<vmem>>
            %dma_wait3A_183 = tpu.memref_squeeze %dma_wait3A_182 : memref<1x128x128xf32, #tpu.memory_space<vmem>> -> memref<128x128xf32, #tpu.memory_space<vmem>>
            %dma_wait3A_184 = arith.constant 0 : i32
            %dma_wait3A_185 = tpu.memref_slice %arg13[%dma_wait3A_178, %dma_wait3A_184] : memref<2x128xi32, #tpu.memory_space<vmem>> -> memref<1x128xi32, #tpu.memory_space<vmem>>
            %dma_wait3A_186 = tpu.memref_squeeze %dma_wait3A_185 : memref<1x128xi32, #tpu.memory_space<vmem>> -> memref<128xi32, #tpu.memory_space<vmem>>
            %dma_wait3A_187 = arith.constant 0 : i32
            %dma_wait3A_188 = arith.constant 0 : i32
            %dma_wait3A_189 = tpu.memref_slice %arg22[%dma_wait3A_187, %dma_wait3A_188] : memref<512x128xf32, #tpu.memory_space<vmem_shared>> -> memref<512x128xf32, #tpu.memory_space<vmem_shared>>
            %dma_wait3A_190 = tpu.memref_slice %arg24[%dma_wait3A_179] : memref<2x!tpu.dma_semaphore, #tpu.memory_space<semaphore_mem>> -> memref<1x!tpu.dma_semaphore, #tpu.memory_space<semaphore_mem>>
            %dma_wait3A_191 = tpu.memref_squeeze %dma_wait3A_190 : memref<1x!tpu.dma_semaphore, #tpu.memory_space<semaphore_mem>> -> memref<!tpu.dma_semaphore, #tpu.memory_space<semaphore_mem>>
            tpu.wait_indirect_dma semaphore(%dma_wait3A_191 : memref<!tpu.dma_semaphore, #tpu.memory_space<semaphore_mem>>) src(%dma_wait3A_183 : memref<128x128xf32, #tpu.memory_space<vmem>>) dst(%dma_wait3A_189 : memref<512x128xf32, #tpu.memory_space<vmem_shared>>)
          } else {
          }
        } else {
        }
        %mul3A_98 = arith.constant 2 : i32
        %mul3A_99 = arith.muli %mul3A_98, %scan3A_82 : i32
        %add3A_100 = arith.constant 1 : i32
        %add3A_101 = arith.addi %mul3A_99, %add3A_100 : i32
        %mul3A_102 = arith.constant 16 : i32
        %mul3A_103 = arith.muli %add3A_101, %mul3A_102 : i32
        %add3A_104 = arith.addi %mul3A_103, %arg1 : i32
        %lt3A_105 = arith.constant 78 : i32
        %lt3A_106 = arith.cmpi slt, %add3A_104, %lt3A_105 : i32
        %convert_element_type3A_107 = arith.extui %lt3A_106 : i1 to i32
        %cond3A_108 = arith.constant 0 : i32
        %cond3A_109 = arith.cmpi ne, %convert_element_type3A_107, %cond3A_108 : i32
        scf.if %cond3A_109 {
          %mul3A_167 = arith.constant 128 : i32
          %mul3A_168 = arith.muli %add3A_104, %mul3A_167 : i32
          %dma_start3A = arith.constant 1 : i32
          %dma_start3A_169 = arith.constant 1 : i32
          %dma_start3A_170 = arith.constant 0 : i32
          %dma_start3A_171 = arith.constant 0 : i32
          %dma_start3A_172 = tpu.memref_slice %arg12[%dma_start3A, %dma_start3A_170, %dma_start3A_171] : memref<2x128x128xf32, #tpu.memory_space<vmem>> -> memref<1x128x128xf32, #tpu.memory_space<vmem>>
          %dma_start3A_173 = tpu.memref_squeeze %dma_start3A_172 : memref<1x128x128xf32, #tpu.memory_space<vmem>> -> memref<128x128xf32, #tpu.memory_space<vmem>>
          %dma_start3A_174 = arith.constant 0 : i32
          %dma_start3A_175 = tpu.memref_slice %arg5[%mul3A_168, %dma_start3A_174] : memref<10000x128xf32, #tpu.memory_space<hbm>> -> memref<128x128xf32, #tpu.memory_space<hbm>>
          %dma_start3A_176 = tpu.memref_slice %arg23[%dma_start3A_169] : memref<2x!tpu.dma_semaphore, #tpu.memory_space<semaphore_mem>> -> memref<1x!tpu.dma_semaphore, #tpu.memory_space<semaphore_mem>>
          %dma_start3A_177 = tpu.memref_squeeze %dma_start3A_176 : memref<1x!tpu.dma_semaphore, #tpu.memory_space<semaphore_mem>> -> memref<!tpu.dma_semaphore, #tpu.memory_space<semaphore_mem>>
          %dma_start3A_178 = arith.constant 0 : i32
          %dma_start3A_179 = arith.constant 0 : i32
          %dma_start3A_180 = tpu.memref_slice %arg12[%dma_start3A, %dma_start3A_178, %dma_start3A_179] : memref<2x128x128xf32, #tpu.memory_space<vmem>> -> memref<1x128x128xf32, #tpu.memory_space<vmem>>
          %dma_start3A_181 = tpu.memref_squeeze %dma_start3A_180 : memref<1x128x128xf32, #tpu.memory_space<vmem>> -> memref<128x128xf32, #tpu.memory_space<vmem>>
          %dma_start3A_182 = arith.constant 0 : i32
          %dma_start3A_183 = tpu.memref_slice %arg5[%mul3A_168, %dma_start3A_182] : memref<10000x128xf32, #tpu.memory_space<hbm>> -> memref<128x128xf32, #tpu.memory_space<hbm>>
          tpu.enqueue_dma source(%dma_start3A_183 : memref<128x128xf32, #tpu.memory_space<hbm>>) target(%dma_start3A_181 : memref<128x128xf32, #tpu.memory_space<vmem>>) target_semaphore(%dma_start3A_177 : memref<!tpu.dma_semaphore, #tpu.memory_space<semaphore_mem>>)
          %dma_start3A_184 = arith.constant 1 : i32
          %dma_start3A_185 = arith.constant 1 : i32
          %dma_start3A_186 = arith.constant 0 : i32
          %dma_start3A_187 = tpu.memref_slice %arg13[%dma_start3A_184, %dma_start3A_186] : memref<2x128xi32, #tpu.memory_space<vmem>> -> memref<1x128xi32, #tpu.memory_space<vmem>>
          %dma_start3A_188 = tpu.memref_squeeze %dma_start3A_187 : memref<1x128xi32, #tpu.memory_space<vmem>> -> memref<128xi32, #tpu.memory_space<vmem>>
          %dma_start3A_189 = tpu.memref_slice %arg7[%mul3A_168] : memref<10000xi32, #tpu.memory_space<hbm>> -> memref<128xi32, #tpu.memory_space<hbm>>
          %dma_start3A_190 = tpu.memref_slice %arg23[%dma_start3A_185] : memref<2x!tpu.dma_semaphore, #tpu.memory_space<semaphore_mem>> -> memref<1x!tpu.dma_semaphore, #tpu.memory_space<semaphore_mem>>
          %dma_start3A_191 = tpu.memref_squeeze %dma_start3A_190 : memref<1x!tpu.dma_semaphore, #tpu.memory_space<semaphore_mem>> -> memref<!tpu.dma_semaphore, #tpu.memory_space<semaphore_mem>>
          %dma_start3A_192 = arith.constant 0 : i32
          %dma_start3A_193 = tpu.memref_slice %arg13[%dma_start3A_184, %dma_start3A_192] : memref<2x128xi32, #tpu.memory_space<vmem>> -> memref<1x128xi32, #tpu.memory_space<vmem>>
          %dma_start3A_194 = tpu.memref_squeeze %dma_start3A_193 : memref<1x128xi32, #tpu.memory_space<vmem>> -> memref<128xi32, #tpu.memory_space<vmem>>
          %dma_start3A_195 = tpu.memref_slice %arg7[%mul3A_168] : memref<10000xi32, #tpu.memory_space<hbm>> -> memref<128xi32, #tpu.memory_space<hbm>>
          tpu.enqueue_dma source(%dma_start3A_195 : memref<128xi32, #tpu.memory_space<hbm>>) target(%dma_start3A_194 : memref<128xi32, #tpu.memory_space<vmem>>) target_semaphore(%dma_start3A_191 : memref<!tpu.dma_semaphore, #tpu.memory_space<semaphore_mem>>)
          %dma_start3A_196 = arith.constant 1 : i32
          %dma_start3A_197 = arith.constant 1 : i32
          %dma_start3A_198 = arith.constant 0 : i32
          %dma_start3A_199 = tpu.memref_slice %arg14[%dma_start3A_196, %dma_start3A_198] : memref<2x256xi32, #tpu.memory_space<vmem>> -> memref<1x256xi32, #tpu.memory_space<vmem>>
          %dma_start3A_200 = tpu.memref_squeeze %dma_start3A_199 : memref<1x256xi32, #tpu.memory_space<vmem>> -> memref<256xi32, #tpu.memory_space<vmem>>
          %dma_start3A_201 = tpu.memref_slice %arg9[%mul3A_168] : memref<10240xi32, #tpu.memory_space<hbm>> -> memref<256xi32, #tpu.memory_space<hbm>>
          %dma_start3A_202 = tpu.memref_slice %arg23[%dma_start3A_197] : memref<2x!tpu.dma_semaphore, #tpu.memory_space<semaphore_mem>> -> memref<1x!tpu.dma_semaphore, #tpu.memory_space<semaphore_mem>>
          %dma_start3A_203 = tpu.memref_squeeze %dma_start3A_202 : memref<1x!tpu.dma_semaphore, #tpu.memory_space<semaphore_mem>> -> memref<!tpu.dma_semaphore, #tpu.memory_space<semaphore_mem>>
          %dma_start3A_204 = arith.constant 0 : i32
          %dma_start3A_205 = tpu.memref_slice %arg14[%dma_start3A_196, %dma_start3A_204] : memref<2x256xi32, #tpu.memory_space<vmem>> -> memref<1x256xi32, #tpu.memory_space<vmem>>
          %dma_start3A_206 = tpu.memref_squeeze %dma_start3A_205 : memref<1x256xi32, #tpu.memory_space<vmem>> -> memref<256xi32, #tpu.memory_space<vmem>>
          %dma_start3A_207 = tpu.memref_slice %arg9[%mul3A_168] : memref<10240xi32, #tpu.memory_space<hbm>> -> memref<256xi32, #tpu.memory_space<hbm>>
          tpu.enqueue_dma source(%dma_start3A_207 : memref<256xi32, #tpu.memory_space<hbm>>) target(%dma_start3A_206 : memref<256xi32, #tpu.memory_space<vmem>>) target_semaphore(%dma_start3A_203 : memref<!tpu.dma_semaphore, #tpu.memory_space<semaphore_mem>>)
        } else {
        }
        %mul3A_110 = arith.constant 2 : i32
        %mul3A_111 = arith.muli %mul3A_110, %scan3A_82 : i32
        %mul3A_112 = arith.constant 16 : i32
        %mul3A_113 = arith.muli %mul3A_111, %mul3A_112 : i32
        %add3A_114 = arith.addi %mul3A_113, %arg1 : i32
        %lt3A_115 = arith.constant 78 : i32
        %lt3A_116 = arith.cmpi slt, %add3A_114, %lt3A_115 : i32
        %convert_element_type3A_117 = arith.extui %lt3A_116 : i1 to i32
        %cond3A_118 = arith.constant 0 : i32
        %cond3A_119 = arith.cmpi ne, %convert_element_type3A_117, %cond3A_118 : i32
        scf.if %cond3A_119 {
          %mul3A_167 = arith.constant 128 : i32
          %mul3A_168 = arith.muli %add3A_114, %mul3A_167 : i32
          %get3A = arith.constant 0 : i32
          %get3A_169 = arith.index_cast %get3A : i32 to index
          %get3A_170 = arith.constant 0 : index
          %get3A_171 = tpu.vector_load %arg13[%get3A_169, %get3A_170] {strides = array<i32>} : memref<2x128xi32, #tpu.memory_space<vmem>>, vector<16xi32>,
          %get3A_172 = arith.constant 0 : i32
          %get3A_173 = arith.index_cast %get3A_172 : i32 to index
          %get3A_174 = arith.constant 16 : index
          %get3A_175 = tpu.vector_load %arg14[%get3A_173, %get3A_174] {strides = array<i32>} : memref<2x256xi32, #tpu.memory_space<vmem>>, vector<16xi32>,
          %ne3A = arith.cmpi ne, %get3A_171, %get3A_175 : vector<16xi32>
          %add3A_176 = arith.constant 0 : i32
          %add3A_177 = arith.addi %mul3A_168, %add3A_176 : i32
          %add3A_178 = vector.broadcast %add3A_177 : i32 to vector<16xi32>
          %add3A_179 = arith.addi %add3A_178, %iota3A : vector<16xi32>
          %convert_element_type3A_180 = arith.sitofp %add3A_179 : vector<16xi32> to vector<16xf32>
          %add3A_181 = arith.constant 512 : i32
          %add3A_182 = vector.broadcast %add3A_181 : i32 to vector<16xi32>
          %add3A_183 = arith.addi %add3A_182, %iota3A : vector<16xi32>
          %select_n3A = arith.select %ne3A, %get3A_171, %add3A_183 : vector<16xi1>, vector<16xi32>
          tpu.vector_store_idx %arg19[%select_n3A], %convert_element_type3A_180 : memref<528xf32, #tpu.memory_space<vmem>>[vector<16xi32>], vector<16xf32>,
          tpu.vector_store_idx %arg20[%select_n3A], %broadcast_in_dim3A_2 : memref<528xf32, #tpu.memory_space<vmem>>[vector<16xi32>], vector<16xf32>,
          %get3A_184 = arith.constant 0 : i32
          %get3A_185 = arith.index_cast %get3A_184 : i32 to index
          %get3A_186 = arith.constant 16 : index
          %get3A_187 = tpu.vector_load %arg13[%get3A_185, %get3A_186] {strides = array<i32>} : memref<2x128xi32, #tpu.memory_space<vmem>>, vector<16xi32>,
          %get3A_188 = arith.constant 0 : i32
          %get3A_189 = arith.index_cast %get3A_188 : i32 to index
          %get3A_190 = arith.constant 32 : index
          %get3A_191 = tpu.vector_load %arg14[%get3A_189, %get3A_190] {strides = array<i32>} : memref<2x256xi32, #tpu.memory_space<vmem>>, vector<16xi32>,
          %ne3A_192 = arith.cmpi ne, %get3A_187, %get3A_191 : vector<16xi32>
          %add3A_193 = arith.constant 16 : i32
          %add3A_194 = arith.addi %mul3A_168, %add3A_193 : i32
          %add3A_195 = vector.broadcast %add3A_194 : i32 to vector<16xi32>
          %add3A_196 = arith.addi %add3A_195, %iota3A : vector<16xi32>
          %convert_element_type3A_197 = arith.sitofp %add3A_196 : vector<16xi32> to vector<16xf32>
          %add3A_198 = arith.constant 512 : i32
          %add3A_199 = vector.broadcast %add3A_198 : i32 to vector<16xi32>
          %add3A_200 = arith.addi %add3A_199, %iota3A : vector<16xi32>
          %select_n3A_201 = arith.select %ne3A_192, %get3A_187, %add3A_200 : vector<16xi1>, vector<16xi32>
          tpu.vector_store_idx %arg19[%select_n3A_201], %convert_element_type3A_197 : memref<528xf32, #tpu.memory_space<vmem>>[vector<16xi32>], vector<16xf32>,
          tpu.vector_store_idx %arg20[%select_n3A_201], %broadcast_in_dim3A_2 : memref<528xf32, #tpu.memory_space<vmem>>[vector<16xi32>], vector<16xf32>,
          %get3A_202 = arith.constant 0 : i32
          %get3A_203 = arith.index_cast %get3A_202 : i32 to index
          %get3A_204 = arith.constant 32 : index
          %get3A_205 = tpu.vector_load %arg13[%get3A_203, %get3A_204] {strides = array<i32>} : memref<2x128xi32, #tpu.memory_space<vmem>>, vector<16xi32>,
          %get3A_206 = arith.constant 0 : i32
          %get3A_207 = arith.index_cast %get3A_206 : i32 to index
          %get3A_208 = arith.constant 48 : index
          %get3A_209 = tpu.vector_load %arg14[%get3A_207, %get3A_208] {strides = array<i32>} : memref<2x256xi32, #tpu.memory_space<vmem>>, vector<16xi32>,
          %ne3A_210 = arith.cmpi ne, %get3A_205, %get3A_209 : vector<16xi32>
          %add3A_211 = arith.constant 32 : i32
          %add3A_212 = arith.addi %mul3A_168, %add3A_211 : i32
          %add3A_213 = vector.broadcast %add3A_212 : i32 to vector<16xi32>
          %add3A_214 = arith.addi %add3A_213, %iota3A : vector<16xi32>
          %convert_element_type3A_215 = arith.sitofp %add3A_214 : vector<16xi32> to vector<16xf32>
          %add3A_216 = arith.constant 512 : i32
          %add3A_217 = vector.broadcast %add3A_216 : i32 to vector<16xi32>
          %add3A_218 = arith.addi %add3A_217, %iota3A : vector<16xi32>
          %select_n3A_219 = arith.select %ne3A_210, %get3A_205, %add3A_218 : vector<16xi1>, vector<16xi32>
          tpu.vector_store_idx %arg19[%select_n3A_219], %convert_element_type3A_215 : memref<528xf32, #tpu.memory_space<vmem>>[vector<16xi32>], vector<16xf32>,
          tpu.vector_store_idx %arg20[%select_n3A_219], %broadcast_in_dim3A_2 : memref<528xf32, #tpu.memory_space<vmem>>[vector<16xi32>], vector<16xf32>,
          %get3A_220 = arith.constant 0 : i32
          %get3A_221 = arith.index_cast %get3A_220 : i32 to index
          %get3A_222 = arith.constant 48 : index
          %get3A_223 = tpu.vector_load %arg13[%get3A_221, %get3A_222] {strides = array<i32>} : memref<2x128xi32, #tpu.memory_space<vmem>>, vector<16xi32>,
          %get3A_224 = arith.constant 0 : i32
          %get3A_225 = arith.index_cast %get3A_224 : i32 to index
          %get3A_226 = arith.constant 64 : index
          %get3A_227 = tpu.vector_load %arg14[%get3A_225, %get3A_226] {strides = array<i32>} : memref<2x256xi32, #tpu.memory_space<vmem>>, vector<16xi32>,
          %ne3A_228 = arith.cmpi ne, %get3A_223, %get3A_227 : vector<16xi32>
          %add3A_229 = arith.constant 48 : i32
          %add3A_230 = arith.addi %mul3A_168, %add3A_229 : i32
          %add3A_231 = vector.broadcast %add3A_230 : i32 to vector<16xi32>
          %add3A_232 = arith.addi %add3A_231, %iota3A : vector<16xi32>
          %convert_element_type3A_233 = arith.sitofp %add3A_232 : vector<16xi32> to vector<16xf32>
          %add3A_234 = arith.constant 512 : i32
          %add3A_235 = vector.broadcast %add3A_234 : i32 to vector<16xi32>
          %add3A_236 = arith.addi %add3A_235, %iota3A : vector<16xi32>
          %select_n3A_237 = arith.select %ne3A_228, %get3A_223, %add3A_236 : vector<16xi1>, vector<16xi32>
          tpu.vector_store_idx %arg19[%select_n3A_237], %convert_element_type3A_233 : memref<528xf32, #tpu.memory_space<vmem>>[vector<16xi32>], vector<16xf32>,
          tpu.vector_store_idx %arg20[%select_n3A_237], %broadcast_in_dim3A_2 : memref<528xf32, #tpu.memory_space<vmem>>[vector<16xi32>], vector<16xf32>,
          %get3A_238 = arith.constant 0 : i32
          %get3A_239 = arith.index_cast %get3A_238 : i32 to index
          %get3A_240 = arith.constant 64 : index
          %get3A_241 = tpu.vector_load %arg13[%get3A_239, %get3A_240] {strides = array<i32>} : memref<2x128xi32, #tpu.memory_space<vmem>>, vector<16xi32>,
          %get3A_242 = arith.constant 0 : i32
          %get3A_243 = arith.index_cast %get3A_242 : i32 to index
          %get3A_244 = arith.constant 80 : index
          %get3A_245 = tpu.vector_load %arg14[%get3A_243, %get3A_244] {strides = array<i32>} : memref<2x256xi32, #tpu.memory_space<vmem>>, vector<16xi32>,
          %ne3A_246 = arith.cmpi ne, %get3A_241, %get3A_245 : vector<16xi32>
          %add3A_247 = arith.constant 64 : i32
          %add3A_248 = arith.addi %mul3A_168, %add3A_247 : i32
          %add3A_249 = vector.broadcast %add3A_248 : i32 to vector<16xi32>
          %add3A_250 = arith.addi %add3A_249, %iota3A : vector<16xi32>
          %convert_element_type3A_251 = arith.sitofp %add3A_250 : vector<16xi32> to vector<16xf32>
          %add3A_252 = arith.constant 512 : i32
          %add3A_253 = vector.broadcast %add3A_252 : i32 to vector<16xi32>
          %add3A_254 = arith.addi %add3A_253, %iota3A : vector<16xi32>
          %select_n3A_255 = arith.select %ne3A_246, %get3A_241, %add3A_254 : vector<16xi1>, vector<16xi32>
          tpu.vector_store_idx %arg19[%select_n3A_255], %convert_element_type3A_251 : memref<528xf32, #tpu.memory_space<vmem>>[vector<16xi32>], vector<16xf32>,
          tpu.vector_store_idx %arg20[%select_n3A_255], %broadcast_in_dim3A_2 : memref<528xf32, #tpu.memory_space<vmem>>[vector<16xi32>], vector<16xf32>,
          %get3A_256 = arith.constant 0 : i32
          %get3A_257 = arith.index_cast %get3A_256 : i32 to index
          %get3A_258 = arith.constant 80 : index
          %get3A_259 = tpu.vector_load %arg13[%get3A_257, %get3A_258] {strides = array<i32>} : memref<2x128xi32, #tpu.memory_space<vmem>>, vector<16xi32>,
          %get3A_260 = arith.constant 0 : i32
          %get3A_261 = arith.index_cast %get3A_260 : i32 to index
          %get3A_262 = arith.constant 96 : index
          %get3A_263 = tpu.vector_load %arg14[%get3A_261, %get3A_262] {strides = array<i32>} : memref<2x256xi32, #tpu.memory_space<vmem>>, vector<16xi32>,
          %ne3A_264 = arith.cmpi ne, %get3A_259, %get3A_263 : vector<16xi32>
          %add3A_265 = arith.constant 80 : i32
          %add3A_266 = arith.addi %mul3A_168, %add3A_265 : i32
          %add3A_267 = vector.broadcast %add3A_266 : i32 to vector<16xi32>
          %add3A_268 = arith.addi %add3A_267, %iota3A : vector<16xi32>
          %convert_element_type3A_269 = arith.sitofp %add3A_268 : vector<16xi32> to vector<16xf32>
          %add3A_270 = arith.constant 512 : i32
          %add3A_271 = vector.broadcast %add3A_270 : i32 to vector<16xi32>
          %add3A_272 = arith.addi %add3A_271, %iota3A : vector<16xi32>
          %select_n3A_273 = arith.select %ne3A_264, %get3A_259, %add3A_272 : vector<16xi1>, vector<16xi32>
          tpu.vector_store_idx %arg19[%select_n3A_273], %convert_element_type3A_269 : memref<528xf32, #tpu.memory_space<vmem>>[vector<16xi32>], vector<16xf32>,
          tpu.vector_store_idx %arg20[%select_n3A_273], %broadcast_in_dim3A_2 : memref<528xf32, #tpu.memory_space<vmem>>[vector<16xi32>], vector<16xf32>,
          %get3A_274 = arith.constant 0 : i32
          %get3A_275 = arith.index_cast %get3A_274 : i32 to index
          %get3A_276 = arith.constant 96 : index
          %get3A_277 = tpu.vector_load %arg13[%get3A_275, %get3A_276] {strides = array<i32>} : memref<2x128xi32, #tpu.memory_space<vmem>>, vector<16xi32>,
          %get3A_278 = arith.constant 0 : i32
          %get3A_279 = arith.index_cast %get3A_278 : i32 to index
          %get3A_280 = arith.constant 112 : index
          %get3A_281 = tpu.vector_load %arg14[%get3A_279, %get3A_280] {strides = array<i32>} : memref<2x256xi32, #tpu.memory_space<vmem>>, vector<16xi32>,
          %ne3A_282 = arith.cmpi ne, %get3A_277, %get3A_281 : vector<16xi32>
          %add3A_283 = arith.constant 96 : i32
          %add3A_284 = arith.addi %mul3A_168, %add3A_283 : i32
          %add3A_285 = vector.broadcast %add3A_284 : i32 to vector<16xi32>
          %add3A_286 = arith.addi %add3A_285, %iota3A : vector<16xi32>
          %convert_element_type3A_287 = arith.sitofp %add3A_286 : vector<16xi32> to vector<16xf32>
          %add3A_288 = arith.constant 512 : i32
          %add3A_289 = vector.broadcast %add3A_288 : i32 to vector<16xi32>
          %add3A_290 = arith.addi %add3A_289, %iota3A : vector<16xi32>
          %select_n3A_291 = arith.select %ne3A_282, %get3A_277, %add3A_290 : vector<16xi1>, vector<16xi32>
          tpu.vector_store_idx %arg19[%select_n3A_291], %convert_element_type3A_287 : memref<528xf32, #tpu.memory_space<vmem>>[vector<16xi32>], vector<16xf32>,
          tpu.vector_store_idx %arg20[%select_n3A_291], %broadcast_in_dim3A_2 : memref<528xf32, #tpu.memory_space<vmem>>[vector<16xi32>], vector<16xf32>,
          %get3A_292 = arith.constant 0 : i32
          %get3A_293 = arith.index_cast %get3A_292 : i32 to index
          %get3A_294 = arith.constant 112 : index
          %get3A_295 = tpu.vector_load %arg13[%get3A_293, %get3A_294] {strides = array<i32>} : memref<2x128xi32, #tpu.memory_space<vmem>>, vector<16xi32>,
          %get3A_296 = arith.constant 0 : i32
          %get3A_297 = arith.index_cast %get3A_296 : i32 to index
          %get3A_298 = arith.constant 128 : index
          %get3A_299 = tpu.vector_load %arg14[%get3A_297, %get3A_298] {strides = array<i32>} : memref<2x256xi32, #tpu.memory_space<vmem>>, vector<16xi32>,
          %ne3A_300 = arith.cmpi ne, %get3A_295, %get3A_299 : vector<16xi32>
          %add3A_301 = arith.constant 112 : i32
          %add3A_302 = arith.addi %mul3A_168, %add3A_301 : i32
          %add3A_303 = vector.broadcast %add3A_302 : i32 to vector<16xi32>
          %add3A_304 = arith.addi %add3A_303, %iota3A : vector<16xi32>
          %convert_element_type3A_305 = arith.sitofp %add3A_304 : vector<16xi32> to vector<16xf32>
          %add3A_306 = arith.constant 512 : i32
          %add3A_307 = vector.broadcast %add3A_306 : i32 to vector<16xi32>
          %add3A_308 = arith.addi %add3A_307, %iota3A : vector<16xi32>
          %select_n3A_309 = arith.select %ne3A_300, %get3A_295, %add3A_308 : vector<16xi1>, vector<16xi32>
          tpu.vector_store_idx %arg19[%select_n3A_309], %convert_element_type3A_305 : memref<528xf32, #tpu.memory_space<vmem>>[vector<16xi32>], vector<16xf32>,
          tpu.vector_store_idx %arg20[%select_n3A_309], %broadcast_in_dim3A_2 : memref<528xf32, #tpu.memory_space<vmem>>[vector<16xi32>], vector<16xf32>,
          %dma_start3A = arith.constant 0 : i32
          %dma_start3A_310 = arith.constant 0 : i32
          %dma_start3A_311 = arith.constant 0 : i32
          %dma_start3A_312 = arith.constant 0 : i32
          %dma_start3A_313 = arith.constant 0 : i32
          %dma_start3A_314 = tpu.memref_slice %arg12[%dma_start3A, %dma_start3A_312, %dma_start3A_313] : memref<2x128x128xf32, #tpu.memory_space<vmem>> -> memref<1x128x128xf32, #tpu.memory_space<vmem>>
          %dma_start3A_315 = tpu.memref_squeeze %dma_start3A_314 : memref<1x128x128xf32, #tpu.memory_space<vmem>> -> memref<128x128xf32, #tpu.memory_space<vmem>>
          %dma_start3A_316 = arith.constant 0 : i32
          %dma_start3A_317 = tpu.memref_slice %arg13[%dma_start3A_310, %dma_start3A_316] : memref<2x128xi32, #tpu.memory_space<vmem>> -> memref<1x128xi32, #tpu.memory_space<vmem>>
          %dma_start3A_318 = tpu.memref_squeeze %dma_start3A_317 : memref<1x128xi32, #tpu.memory_space<vmem>> -> memref<128xi32, #tpu.memory_space<vmem>>
          %dma_start3A_319 = arith.constant 0 : i32
          %dma_start3A_320 = arith.constant 0 : i32
          %dma_start3A_321 = tpu.memref_slice %arg22[%dma_start3A_319, %dma_start3A_320] : memref<512x128xf32, #tpu.memory_space<vmem_shared>> -> memref<512x128xf32, #tpu.memory_space<vmem_shared>>
          %dma_start3A_322 = tpu.memref_slice %arg24[%dma_start3A_311] : memref<2x!tpu.dma_semaphore, #tpu.memory_space<semaphore_mem>> -> memref<1x!tpu.dma_semaphore, #tpu.memory_space<semaphore_mem>>
          %dma_start3A_323 = tpu.memref_squeeze %dma_start3A_322 : memref<1x!tpu.dma_semaphore, #tpu.memory_space<semaphore_mem>> -> memref<!tpu.dma_semaphore, #tpu.memory_space<semaphore_mem>>
          tpu.enqueue_indirect_dma source(%dma_start3A_315 : memref<128x128xf32, #tpu.memory_space<vmem>>) target(%dma_start3A_321 : memref<512x128xf32, #tpu.memory_space<vmem_shared>>) offsets(%dma_start3A_318 : memref<128xi32, #tpu.memory_space<vmem>>) semaphore(%dma_start3A_323 : memref<!tpu.dma_semaphore, #tpu.memory_space<semaphore_mem>>) {add = true}
        } else {
        }
        %mul3A_120 = arith.constant 2 : i32
        %mul3A_121 = arith.muli %mul3A_120, %scan3A_82 : i32
        %add3A_122 = arith.constant 1 : i32
        %add3A_123 = arith.addi %mul3A_121, %add3A_122 : i32
        %mul3A_124 = arith.constant 16 : i32
        %mul3A_125 = arith.muli %add3A_123, %mul3A_124 : i32
        %add3A_126 = arith.addi %mul3A_125, %arg1 : i32
        %lt3A_127 = arith.constant 78 : i32
        %lt3A_128 = arith.cmpi slt, %add3A_126, %lt3A_127 : i32
        %convert_element_type3A_129 = arith.extui %lt3A_128 : i1 to i32
        %cond3A_130 = arith.constant 0 : i32
        %cond3A_131 = arith.cmpi ne, %convert_element_type3A_129, %cond3A_130 : i32
        scf.if %cond3A_131 {
          %mul3A_167 = arith.constant 128 : i32
          %mul3A_168 = arith.muli %add3A_126, %mul3A_167 : i32
          %dma_wait3A = arith.constant 1 : i32
          %dma_wait3A_169 = arith.constant 1 : i32
          %dma_wait3A_170 = arith.constant 0 : i32
          %dma_wait3A_171 = arith.constant 0 : i32
          %dma_wait3A_172 = tpu.memref_slice %arg12[%dma_wait3A, %dma_wait3A_170, %dma_wait3A_171] : memref<2x128x128xf32, #tpu.memory_space<vmem>> -> memref<1x128x128xf32, #tpu.memory_space<vmem>>
          %dma_wait3A_173 = tpu.memref_squeeze %dma_wait3A_172 : memref<1x128x128xf32, #tpu.memory_space<vmem>> -> memref<128x128xf32, #tpu.memory_space<vmem>>
          %dma_wait3A_174 = arith.constant 0 : i32
          %dma_wait3A_175 = tpu.memref_slice %arg5[%mul3A_168, %dma_wait3A_174] : memref<10000x128xf32, #tpu.memory_space<hbm>> -> memref<128x128xf32, #tpu.memory_space<hbm>>
          %dma_wait3A_176 = tpu.memref_slice %arg23[%dma_wait3A_169] : memref<2x!tpu.dma_semaphore, #tpu.memory_space<semaphore_mem>> -> memref<1x!tpu.dma_semaphore, #tpu.memory_space<semaphore_mem>>
          %dma_wait3A_177 = tpu.memref_squeeze %dma_wait3A_176 : memref<1x!tpu.dma_semaphore, #tpu.memory_space<semaphore_mem>> -> memref<!tpu.dma_semaphore, #tpu.memory_space<semaphore_mem>>
          %dma_wait3A_178 = arith.constant 0 : i32
          %dma_wait3A_179 = arith.constant 0 : i32
          %dma_wait3A_180 = tpu.memref_slice %arg12[%dma_wait3A, %dma_wait3A_178, %dma_wait3A_179] : memref<2x128x128xf32, #tpu.memory_space<vmem>> -> memref<1x128x128xf32, #tpu.memory_space<vmem>>
          %dma_wait3A_181 = tpu.memref_squeeze %dma_wait3A_180 : memref<1x128x128xf32, #tpu.memory_space<vmem>> -> memref<128x128xf32, #tpu.memory_space<vmem>>
          %dma_wait3A_182 = arith.constant 0 : i32
          %dma_wait3A_183 = tpu.memref_slice %arg5[%mul3A_168, %dma_wait3A_182] : memref<10000x128xf32, #tpu.memory_space<hbm>> -> memref<128x128xf32, #tpu.memory_space<hbm>>
          tpu.wait_dma2 semaphore(%dma_wait3A_177 : memref<!tpu.dma_semaphore, #tpu.memory_space<semaphore_mem>>) src(%dma_wait3A_183 : memref<128x128xf32, #tpu.memory_space<hbm>>) dst(%dma_wait3A_181 : memref<128x128xf32, #tpu.memory_space<vmem>>)
          %dma_wait3A_184 = arith.constant 1 : i32
          %dma_wait3A_185 = arith.constant 1 : i32
          %dma_wait3A_186 = arith.constant 0 : i32
          %dma_wait3A_187 = tpu.memref_slice %arg13[%dma_wait3A_184, %dma_wait3A_186] : memref<2x128xi32, #tpu.memory_space<vmem>> -> memref<1x128xi32, #tpu.memory_space<vmem>>
          %dma_wait3A_188 = tpu.memref_squeeze %dma_wait3A_187 : memref<1x128xi32, #tpu.memory_space<vmem>> -> memref<128xi32, #tpu.memory_space<vmem>>
          %dma_wait3A_189 = tpu.memref_slice %arg7[%mul3A_168] : memref<10000xi32, #tpu.memory_space<hbm>> -> memref<128xi32, #tpu.memory_space<hbm>>
          %dma_wait3A_190 = tpu.memref_slice %arg23[%dma_wait3A_185] : memref<2x!tpu.dma_semaphore, #tpu.memory_space<semaphore_mem>> -> memref<1x!tpu.dma_semaphore, #tpu.memory_space<semaphore_mem>>
          %dma_wait3A_191 = tpu.memref_squeeze %dma_wait3A_190 : memref<1x!tpu.dma_semaphore, #tpu.memory_space<semaphore_mem>> -> memref<!tpu.dma_semaphore, #tpu.memory_space<semaphore_mem>>
          %dma_wait3A_192 = arith.constant 0 : i32
          %dma_wait3A_193 = tpu.memref_slice %arg13[%dma_wait3A_184, %dma_wait3A_192] : memref<2x128xi32, #tpu.memory_space<vmem>> -> memref<1x128xi32, #tpu.memory_space<vmem>>
          %dma_wait3A_194 = tpu.memref_squeeze %dma_wait3A_193 : memref<1x128xi32, #tpu.memory_space<vmem>> -> memref<128xi32, #tpu.memory_space<vmem>>
          %dma_wait3A_195 = tpu.memref_slice %arg7[%mul3A_168] : memref<10000xi32, #tpu.memory_space<hbm>> -> memref<128xi32, #tpu.memory_space<hbm>>
          tpu.wait_dma2 semaphore(%dma_wait3A_191 : memref<!tpu.dma_semaphore, #tpu.memory_space<semaphore_mem>>) src(%dma_wait3A_195 : memref<128xi32, #tpu.memory_space<hbm>>) dst(%dma_wait3A_194 : memref<128xi32, #tpu.memory_space<vmem>>)
          %dma_wait3A_196 = arith.constant 1 : i32
          %dma_wait3A_197 = arith.constant 1 : i32
          %dma_wait3A_198 = arith.constant 0 : i32
          %dma_wait3A_199 = tpu.memref_slice %arg14[%dma_wait3A_196, %dma_wait3A_198] : memref<2x256xi32, #tpu.memory_space<vmem>> -> memref<1x256xi32, #tpu.memory_space<vmem>>
          %dma_wait3A_200 = tpu.memref_squeeze %dma_wait3A_199 : memref<1x256xi32, #tpu.memory_space<vmem>> -> memref<256xi32, #tpu.memory_space<vmem>>
          %dma_wait3A_201 = tpu.memref_slice %arg9[%mul3A_168] : memref<10240xi32, #tpu.memory_space<hbm>> -> memref<256xi32, #tpu.memory_space<hbm>>
          %dma_wait3A_202 = tpu.memref_slice %arg23[%dma_wait3A_197] : memref<2x!tpu.dma_semaphore, #tpu.memory_space<semaphore_mem>> -> memref<1x!tpu.dma_semaphore, #tpu.memory_space<semaphore_mem>>
          %dma_wait3A_203 = tpu.memref_squeeze %dma_wait3A_202 : memref<1x!tpu.dma_semaphore, #tpu.memory_space<semaphore_mem>> -> memref<!tpu.dma_semaphore, #tpu.memory_space<semaphore_mem>>
          %dma_wait3A_204 = arith.constant 0 : i32
          %dma_wait3A_205 = tpu.memref_slice %arg14[%dma_wait3A_196, %dma_wait3A_204] : memref<2x256xi32, #tpu.memory_space<vmem>> -> memref<1x256xi32, #tpu.memory_space<vmem>>
          %dma_wait3A_206 = tpu.memref_squeeze %dma_wait3A_205 : memref<1x256xi32, #tpu.memory_space<vmem>> -> memref<256xi32, #tpu.memory_space<vmem>>
          %dma_wait3A_207 = tpu.memref_slice %arg9[%mul3A_168] : memref<10240xi32, #tpu.memory_space<hbm>> -> memref<256xi32, #tpu.memory_space<hbm>>
          tpu.wait_dma2 semaphore(%dma_wait3A_203 : memref<!tpu.dma_semaphore, #tpu.memory_space<semaphore_mem>>) src(%dma_wait3A_207 : memref<256xi32, #tpu.memory_space<hbm>>) dst(%dma_wait3A_206 : memref<256xi32, #tpu.memory_space<vmem>>)
        } else {
        }
        %mul3A_132 = arith.constant 2 : i32
        %mul3A_133 = arith.muli %mul3A_132, %scan3A_82 : i32
        %mul3A_134 = arith.constant 16 : i32
        %mul3A_135 = arith.muli %mul3A_133, %mul3A_134 : i32
        %add3A_136 = arith.addi %mul3A_135, %arg1 : i32
        %lt3A_137 = arith.constant 78 : i32
        %lt3A_138 = arith.cmpi slt, %add3A_136, %lt3A_137 : i32
        %convert_element_type3A_139 = arith.extui %lt3A_138 : i1 to i32
        %cond3A_140 = arith.constant 0 : i32
        %cond3A_141 = arith.cmpi ne, %convert_element_type3A_139, %cond3A_140 : i32
        scf.if %cond3A_141 {
          %dma_wait3A = arith.constant 0 : i32
          %dma_wait3A_167 = arith.constant 0 : i32
          %dma_wait3A_168 = arith.constant 0 : i32
          %dma_wait3A_169 = arith.constant 0 : i32
          %dma_wait3A_170 = arith.constant 0 : i32
          %dma_wait3A_171 = tpu.memref_slice %arg12[%dma_wait3A, %dma_wait3A_169, %dma_wait3A_170] : memref<2x128x128xf32, #tpu.memory_space<vmem>> -> memref<1x128x128xf32, #tpu.memory_space<vmem>>
          %dma_wait3A_172 = tpu.memref_squeeze %dma_wait3A_171 : memref<1x128x128xf32, #tpu.memory_space<vmem>> -> memref<128x128xf32, #tpu.memory_space<vmem>>
          %dma_wait3A_173 = arith.constant 0 : i32
          %dma_wait3A_174 = tpu.memref_slice %arg13[%dma_wait3A_167, %dma_wait3A_173] : memref<2x128xi32, #tpu.memory_space<vmem>> -> memref<1x128xi32, #tpu.memory_space<vmem>>
          %dma_wait3A_175 = tpu.memref_squeeze %dma_wait3A_174 : memref<1x128xi32, #tpu.memory_space<vmem>> -> memref<128xi32, #tpu.memory_space<vmem>>
          %dma_wait3A_176 = arith.constant 0 : i32
          %dma_wait3A_177 = arith.constant 0 : i32
          %dma_wait3A_178 = tpu.memref_slice %arg22[%dma_wait3A_176, %dma_wait3A_177] : memref<512x128xf32, #tpu.memory_space<vmem_shared>> -> memref<512x128xf32, #tpu.memory_space<vmem_shared>>
          %dma_wait3A_179 = tpu.memref_slice %arg24[%dma_wait3A_168] : memref<2x!tpu.dma_semaphore, #tpu.memory_space<semaphore_mem>> -> memref<1x!tpu.dma_semaphore, #tpu.memory_space<semaphore_mem>>
          %dma_wait3A_180 = tpu.memref_squeeze %dma_wait3A_179 : memref<1x!tpu.dma_semaphore, #tpu.memory_space<semaphore_mem>> -> memref<!tpu.dma_semaphore, #tpu.memory_space<semaphore_mem>>
          tpu.wait_indirect_dma semaphore(%dma_wait3A_180 : memref<!tpu.dma_semaphore, #tpu.memory_space<semaphore_mem>>) src(%dma_wait3A_172 : memref<128x128xf32, #tpu.memory_space<vmem>>) dst(%dma_wait3A_178 : memref<512x128xf32, #tpu.memory_space<vmem_shared>>)
        } else {
        }
        %mul3A_142 = arith.constant 2 : i32
        %mul3A_143 = arith.muli %mul3A_142, %scan3A_82 : i32
        %add3A_144 = arith.constant 2 : i32
        %add3A_145 = arith.addi %mul3A_143, %add3A_144 : i32
        %mul3A_146 = arith.constant 16 : i32
        %mul3A_147 = arith.muli %add3A_145, %mul3A_146 : i32
        %add3A_148 = arith.addi %mul3A_147, %arg1 : i32
        %lt3A_149 = arith.constant 78 : i32
        %lt3A_150 = arith.cmpi slt, %add3A_148, %lt3A_149 : i32
        %convert_element_type3A_151 = arith.extui %lt3A_150 : i1 to i32
        %cond3A_152 = arith.constant 0 : i32
        %cond3A_153 = arith.cmpi ne, %convert_element_type3A_151, %cond3A_152 : i32
        scf.if %cond3A_153 {
          %mul3A_167 = arith.constant 128 : i32
          %mul3A_168 = arith.muli %add3A_148, %mul3A_167 : i32
          %dma_start3A = arith.constant 0 : i32
          %dma_start3A_169 = arith.constant 0 : i32
          %dma_start3A_170 = arith.constant 0 : i32
          %dma_start3A_171 = arith.constant 0 : i32
          %dma_start3A_172 = tpu.memref_slice %arg12[%dma_start3A, %dma_start3A_170, %dma_start3A_171] : memref<2x128x128xf32, #tpu.memory_space<vmem>> -> memref<1x128x128xf32, #tpu.memory_space<vmem>>
          %dma_start3A_173 = tpu.memref_squeeze %dma_start3A_172 : memref<1x128x128xf32, #tpu.memory_space<vmem>> -> memref<128x128xf32, #tpu.memory_space<vmem>>
          %dma_start3A_174 = arith.constant 0 : i32
          %dma_start3A_175 = tpu.memref_slice %arg5[%mul3A_168, %dma_start3A_174] : memref<10000x128xf32, #tpu.memory_space<hbm>> -> memref<128x128xf32, #tpu.memory_space<hbm>>
          %dma_start3A_176 = tpu.memref_slice %arg23[%dma_start3A_169] : memref<2x!tpu.dma_semaphore, #tpu.memory_space<semaphore_mem>> -> memref<1x!tpu.dma_semaphore, #tpu.memory_space<semaphore_mem>>
          %dma_start3A_177 = tpu.memref_squeeze %dma_start3A_176 : memref<1x!tpu.dma_semaphore, #tpu.memory_space<semaphore_mem>> -> memref<!tpu.dma_semaphore, #tpu.memory_space<semaphore_mem>>
          %dma_start3A_178 = arith.constant 0 : i32
          %dma_start3A_179 = arith.constant 0 : i32
          %dma_start3A_180 = tpu.memref_slice %arg12[%dma_start3A, %dma_start3A_178, %dma_start3A_179] : memref<2x128x128xf32, #tpu.memory_space<vmem>> -> memref<1x128x128xf32, #tpu.memory_space<vmem>>
          %dma_start3A_181 = tpu.memref_squeeze %dma_start3A_180 : memref<1x128x128xf32, #tpu.memory_space<vmem>> -> memref<128x128xf32, #tpu.memory_space<vmem>>
          %dma_start3A_182 = arith.constant 0 : i32
          %dma_start3A_183 = tpu.memref_slice %arg5[%mul3A_168, %dma_start3A_182] : memref<10000x128xf32, #tpu.memory_space<hbm>> -> memref<128x128xf32, #tpu.memory_space<hbm>>
          tpu.enqueue_dma source(%dma_start3A_183 : memref<128x128xf32, #tpu.memory_space<hbm>>) target(%dma_start3A_181 : memref<128x128xf32, #tpu.memory_space<vmem>>) target_semaphore(%dma_start3A_177 : memref<!tpu.dma_semaphore, #tpu.memory_space<semaphore_mem>>)
          %dma_start3A_184 = arith.constant 0 : i32
          %dma_start3A_185 = arith.constant 0 : i32
          %dma_start3A_186 = arith.constant 0 : i32
          %dma_start3A_187 = tpu.memref_slice %arg13[%dma_start3A_184, %dma_start3A_186] : memref<2x128xi32, #tpu.memory_space<vmem>> -> memref<1x128xi32, #tpu.memory_space<vmem>>
          %dma_start3A_188 = tpu.memref_squeeze %dma_start3A_187 : memref<1x128xi32, #tpu.memory_space<vmem>> -> memref<128xi32, #tpu.memory_space<vmem>>
          %dma_start3A_189 = tpu.memref_slice %arg7[%mul3A_168] : memref<10000xi32, #tpu.memory_space<hbm>> -> memref<128xi32, #tpu.memory_space<hbm>>
          %dma_start3A_190 = tpu.memref_slice %arg23[%dma_start3A_185] : memref<2x!tpu.dma_semaphore, #tpu.memory_space<semaphore_mem>> -> memref<1x!tpu.dma_semaphore, #tpu.memory_space<semaphore_mem>>
          %dma_start3A_191 = tpu.memref_squeeze %dma_start3A_190 : memref<1x!tpu.dma_semaphore, #tpu.memory_space<semaphore_mem>> -> memref<!tpu.dma_semaphore, #tpu.memory_space<semaphore_mem>>
          %dma_start3A_192 = arith.constant 0 : i32
          %dma_start3A_193 = tpu.memref_slice %arg13[%dma_start3A_184, %dma_start3A_192] : memref<2x128xi32, #tpu.memory_space<vmem>> -> memref<1x128xi32, #tpu.memory_space<vmem>>
          %dma_start3A_194 = tpu.memref_squeeze %dma_start3A_193 : memref<1x128xi32, #tpu.memory_space<vmem>> -> memref<128xi32, #tpu.memory_space<vmem>>
          %dma_start3A_195 = tpu.memref_slice %arg7[%mul3A_168] : memref<10000xi32, #tpu.memory_space<hbm>> -> memref<128xi32, #tpu.memory_space<hbm>>
          tpu.enqueue_dma source(%dma_start3A_195 : memref<128xi32, #tpu.memory_space<hbm>>) target(%dma_start3A_194 : memref<128xi32, #tpu.memory_space<vmem>>) target_semaphore(%dma_start3A_191 : memref<!tpu.dma_semaphore, #tpu.memory_space<semaphore_mem>>)
          %dma_start3A_196 = arith.constant 0 : i32
          %dma_start3A_197 = arith.constant 0 : i32
          %dma_start3A_198 = arith.constant 0 : i32
          %dma_start3A_199 = tpu.memref_slice %arg14[%dma_start3A_196, %dma_start3A_198] : memref<2x256xi32, #tpu.memory_space<vmem>> -> memref<1x256xi32, #tpu.memory_space<vmem>>
          %dma_start3A_200 = tpu.memref_squeeze %dma_start3A_199 : memref<1x256xi32, #tpu.memory_space<vmem>> -> memref<256xi32, #tpu.memory_space<vmem>>
          %dma_start3A_201 = tpu.memref_slice %arg9[%mul3A_168] : memref<10240xi32, #tpu.memory_space<hbm>> -> memref<256xi32, #tpu.memory_space<hbm>>
          %dma_start3A_202 = tpu.memref_slice %arg23[%dma_start3A_197] : memref<2x!tpu.dma_semaphore, #tpu.memory_space<semaphore_mem>> -> memref<1x!tpu.dma_semaphore, #tpu.memory_space<semaphore_mem>>
          %dma_start3A_203 = tpu.memref_squeeze %dma_start3A_202 : memref<1x!tpu.dma_semaphore, #tpu.memory_space<semaphore_mem>> -> memref<!tpu.dma_semaphore, #tpu.memory_space<semaphore_mem>>
          %dma_start3A_204 = arith.constant 0 : i32
          %dma_start3A_205 = tpu.memref_slice %arg14[%dma_start3A_196, %dma_start3A_204] : memref<2x256xi32, #tpu.memory_space<vmem>> -> memref<1x256xi32, #tpu.memory_space<vmem>>
          %dma_start3A_206 = tpu.memref_squeeze %dma_start3A_205 : memref<1x256xi32, #tpu.memory_space<vmem>> -> memref<256xi32, #tpu.memory_space<vmem>>
          %dma_start3A_207 = tpu.memref_slice %arg9[%mul3A_168] : memref<10240xi32, #tpu.memory_space<hbm>> -> memref<256xi32, #tpu.memory_space<hbm>>
          tpu.enqueue_dma source(%dma_start3A_207 : memref<256xi32, #tpu.memory_space<hbm>>) target(%dma_start3A_206 : memref<256xi32, #tpu.memory_space<vmem>>) target_semaphore(%dma_start3A_203 : memref<!tpu.dma_semaphore, #tpu.memory_space<semaphore_mem>>)
        } else {
        }
        %mul3A_154 = arith.constant 2 : i32
        %mul3A_155 = arith.muli %mul3A_154, %scan3A_82 : i32
        %add3A_156 = arith.constant 1 : i32
        %add3A_157 = arith.addi %mul3A_155, %add3A_156 : i32
        %mul3A_158 = arith.constant 16 : i32
        %mul3A_159 = arith.muli %add3A_157, %mul3A_158 : i32
        %add3A_160 = arith.addi %mul3A_159, %arg1 : i32
        %lt3A_161 = arith.constant 78 : i32
        %lt3A_162 = arith.cmpi slt, %add3A_160, %lt3A_161 : i32
        %convert_element_type3A_163 = arith.extui %lt3A_162 : i1 to i32
        %cond3A_164 = arith.constant 0 : i32
        %cond3A_165 = arith.cmpi ne, %convert_element_type3A_163, %cond3A_164 : i32
        scf.if %cond3A_165 {
          %mul3A_167 = arith.constant 128 : i32
          %mul3A_168 = arith.muli %add3A_160, %mul3A_167 : i32
          %get3A = arith.constant 1 : i32
          %get3A_169 = arith.index_cast %get3A : i32 to index
          %get3A_170 = arith.constant 0 : index
          %get3A_171 = tpu.vector_load %arg13[%get3A_169, %get3A_170] {strides = array<i32>} : memref<2x128xi32, #tpu.memory_space<vmem>>, vector<16xi32>,
          %get3A_172 = arith.constant 1 : i32
          %get3A_173 = arith.index_cast %get3A_172 : i32 to index
          %get3A_174 = arith.constant 16 : index
          %get3A_175 = tpu.vector_load %arg14[%get3A_173, %get3A_174] {strides = array<i32>} : memref<2x256xi32, #tpu.memory_space<vmem>>, vector<16xi32>,
          %ne3A = arith.cmpi ne, %get3A_171, %get3A_175 : vector<16xi32>
          %add3A_176 = arith.constant 0 : i32
          %add3A_177 = arith.addi %mul3A_168, %add3A_176 : i32
          %add3A_178 = vector.broadcast %add3A_177 : i32 to vector<16xi32>
          %add3A_179 = arith.addi %add3A_178, %iota3A : vector<16xi32>
          %convert_element_type3A_180 = arith.sitofp %add3A_179 : vector<16xi32> to vector<16xf32>
          %add3A_181 = arith.constant 512 : i32
          %add3A_182 = vector.broadcast %add3A_181 : i32 to vector<16xi32>
          %add3A_183 = arith.addi %add3A_182, %iota3A : vector<16xi32>
          %select_n3A = arith.select %ne3A, %get3A_171, %add3A_183 : vector<16xi1>, vector<16xi32>
          tpu.vector_store_idx %arg19[%select_n3A], %convert_element_type3A_180 : memref<528xf32, #tpu.memory_space<vmem>>[vector<16xi32>], vector<16xf32>,
          tpu.vector_store_idx %arg20[%select_n3A], %broadcast_in_dim3A_2 : memref<528xf32, #tpu.memory_space<vmem>>[vector<16xi32>], vector<16xf32>,
          %get3A_184 = arith.constant 1 : i32
          %get3A_185 = arith.index_cast %get3A_184 : i32 to index
          %get3A_186 = arith.constant 16 : index
          %get3A_187 = tpu.vector_load %arg13[%get3A_185, %get3A_186] {strides = array<i32>} : memref<2x128xi32, #tpu.memory_space<vmem>>, vector<16xi32>,
          %get3A_188 = arith.constant 1 : i32
          %get3A_189 = arith.index_cast %get3A_188 : i32 to index
          %get3A_190 = arith.constant 32 : index
          %get3A_191 = tpu.vector_load %arg14[%get3A_189, %get3A_190] {strides = array<i32>} : memref<2x256xi32, #tpu.memory_space<vmem>>, vector<16xi32>,
          %ne3A_192 = arith.cmpi ne, %get3A_187, %get3A_191 : vector<16xi32>
          %add3A_193 = arith.constant 16 : i32
          %add3A_194 = arith.addi %mul3A_168, %add3A_193 : i32
          %add3A_195 = vector.broadcast %add3A_194 : i32 to vector<16xi32>
          %add3A_196 = arith.addi %add3A_195, %iota3A : vector<16xi32>
          %convert_element_type3A_197 = arith.sitofp %add3A_196 : vector<16xi32> to vector<16xf32>
          %add3A_198 = arith.constant 512 : i32
          %add3A_199 = vector.broadcast %add3A_198 : i32 to vector<16xi32>
          %add3A_200 = arith.addi %add3A_199, %iota3A : vector<16xi32>
          %select_n3A_201 = arith.select %ne3A_192, %get3A_187, %add3A_200 : vector<16xi1>, vector<16xi32>
          tpu.vector_store_idx %arg19[%select_n3A_201], %convert_element_type3A_197 : memref<528xf32, #tpu.memory_space<vmem>>[vector<16xi32>], vector<16xf32>,
          tpu.vector_store_idx %arg20[%select_n3A_201], %broadcast_in_dim3A_2 : memref<528xf32, #tpu.memory_space<vmem>>[vector<16xi32>], vector<16xf32>,
          %get3A_202 = arith.constant 1 : i32
          %get3A_203 = arith.index_cast %get3A_202 : i32 to index
          %get3A_204 = arith.constant 32 : index
          %get3A_205 = tpu.vector_load %arg13[%get3A_203, %get3A_204] {strides = array<i32>} : memref<2x128xi32, #tpu.memory_space<vmem>>, vector<16xi32>,
          %get3A_206 = arith.constant 1 : i32
          %get3A_207 = arith.index_cast %get3A_206 : i32 to index
          %get3A_208 = arith.constant 48 : index
          %get3A_209 = tpu.vector_load %arg14[%get3A_207, %get3A_208] {strides = array<i32>} : memref<2x256xi32, #tpu.memory_space<vmem>>, vector<16xi32>,
          %ne3A_210 = arith.cmpi ne, %get3A_205, %get3A_209 : vector<16xi32>
          %add3A_211 = arith.constant 32 : i32
          %add3A_212 = arith.addi %mul3A_168, %add3A_211 : i32
          %add3A_213 = vector.broadcast %add3A_212 : i32 to vector<16xi32>
          %add3A_214 = arith.addi %add3A_213, %iota3A : vector<16xi32>
          %convert_element_type3A_215 = arith.sitofp %add3A_214 : vector<16xi32> to vector<16xf32>
          %add3A_216 = arith.constant 512 : i32
          %add3A_217 = vector.broadcast %add3A_216 : i32 to vector<16xi32>
          %add3A_218 = arith.addi %add3A_217, %iota3A : vector<16xi32>
          %select_n3A_219 = arith.select %ne3A_210, %get3A_205, %add3A_218 : vector<16xi1>, vector<16xi32>
          tpu.vector_store_idx %arg19[%select_n3A_219], %convert_element_type3A_215 : memref<528xf32, #tpu.memory_space<vmem>>[vector<16xi32>], vector<16xf32>,
          tpu.vector_store_idx %arg20[%select_n3A_219], %broadcast_in_dim3A_2 : memref<528xf32, #tpu.memory_space<vmem>>[vector<16xi32>], vector<16xf32>,
          %get3A_220 = arith.constant 1 : i32
          %get3A_221 = arith.index_cast %get3A_220 : i32 to index
          %get3A_222 = arith.constant 48 : index
          %get3A_223 = tpu.vector_load %arg13[%get3A_221, %get3A_222] {strides = array<i32>} : memref<2x128xi32, #tpu.memory_space<vmem>>, vector<16xi32>,
          %get3A_224 = arith.constant 1 : i32
          %get3A_225 = arith.index_cast %get3A_224 : i32 to index
          %get3A_226 = arith.constant 64 : index
          %get3A_227 = tpu.vector_load %arg14[%get3A_225, %get3A_226] {strides = array<i32>} : memref<2x256xi32, #tpu.memory_space<vmem>>, vector<16xi32>,
          %ne3A_228 = arith.cmpi ne, %get3A_223, %get3A_227 : vector<16xi32>
          %add3A_229 = arith.constant 48 : i32
          %add3A_230 = arith.addi %mul3A_168, %add3A_229 : i32
          %add3A_231 = vector.broadcast %add3A_230 : i32 to vector<16xi32>
          %add3A_232 = arith.addi %add3A_231, %iota3A : vector<16xi32>
          %convert_element_type3A_233 = arith.sitofp %add3A_232 : vector<16xi32> to vector<16xf32>
          %add3A_234 = arith.constant 512 : i32
          %add3A_235 = vector.broadcast %add3A_234 : i32 to vector<16xi32>
          %add3A_236 = arith.addi %add3A_235, %iota3A : vector<16xi32>
          %select_n3A_237 = arith.select %ne3A_228, %get3A_223, %add3A_236 : vector<16xi1>, vector<16xi32>
          tpu.vector_store_idx %arg19[%select_n3A_237], %convert_element_type3A_233 : memref<528xf32, #tpu.memory_space<vmem>>[vector<16xi32>], vector<16xf32>,
          tpu.vector_store_idx %arg20[%select_n3A_237], %broadcast_in_dim3A_2 : memref<528xf32, #tpu.memory_space<vmem>>[vector<16xi32>], vector<16xf32>,
          %get3A_238 = arith.constant 1 : i32
          %get3A_239 = arith.index_cast %get3A_238 : i32 to index
          %get3A_240 = arith.constant 64 : index
          %get3A_241 = tpu.vector_load %arg13[%get3A_239, %get3A_240] {strides = array<i32>} : memref<2x128xi32, #tpu.memory_space<vmem>>, vector<16xi32>,
          %get3A_242 = arith.constant 1 : i32
          %get3A_243 = arith.index_cast %get3A_242 : i32 to index
          %get3A_244 = arith.constant 80 : index
          %get3A_245 = tpu.vector_load %arg14[%get3A_243, %get3A_244] {strides = array<i32>} : memref<2x256xi32, #tpu.memory_space<vmem>>, vector<16xi32>,
          %ne3A_246 = arith.cmpi ne, %get3A_241, %get3A_245 : vector<16xi32>
          %add3A_247 = arith.constant 64 : i32
          %add3A_248 = arith.addi %mul3A_168, %add3A_247 : i32
          %add3A_249 = vector.broadcast %add3A_248 : i32 to vector<16xi32>
          %add3A_250 = arith.addi %add3A_249, %iota3A : vector<16xi32>
          %convert_element_type3A_251 = arith.sitofp %add3A_250 : vector<16xi32> to vector<16xf32>
          %add3A_252 = arith.constant 512 : i32
          %add3A_253 = vector.broadcast %add3A_252 : i32 to vector<16xi32>
          %add3A_254 = arith.addi %add3A_253, %iota3A : vector<16xi32>
          %select_n3A_255 = arith.select %ne3A_246, %get3A_241, %add3A_254 : vector<16xi1>, vector<16xi32>
          tpu.vector_store_idx %arg19[%select_n3A_255], %convert_element_type3A_251 : memref<528xf32, #tpu.memory_space<vmem>>[vector<16xi32>], vector<16xf32>,
          tpu.vector_store_idx %arg20[%select_n3A_255], %broadcast_in_dim3A_2 : memref<528xf32, #tpu.memory_space<vmem>>[vector<16xi32>], vector<16xf32>,
          %get3A_256 = arith.constant 1 : i32
          %get3A_257 = arith.index_cast %get3A_256 : i32 to index
          %get3A_258 = arith.constant 80 : index
          %get3A_259 = tpu.vector_load %arg13[%get3A_257, %get3A_258] {strides = array<i32>} : memref<2x128xi32, #tpu.memory_space<vmem>>, vector<16xi32>,
          %get3A_260 = arith.constant 1 : i32
          %get3A_261 = arith.index_cast %get3A_260 : i32 to index
          %get3A_262 = arith.constant 96 : index
          %get3A_263 = tpu.vector_load %arg14[%get3A_261, %get3A_262] {strides = array<i32>} : memref<2x256xi32, #tpu.memory_space<vmem>>, vector<16xi32>,
          %ne3A_264 = arith.cmpi ne, %get3A_259, %get3A_263 : vector<16xi32>
          %add3A_265 = arith.constant 80 : i32
          %add3A_266 = arith.addi %mul3A_168, %add3A_265 : i32
          %add3A_267 = vector.broadcast %add3A_266 : i32 to vector<16xi32>
          %add3A_268 = arith.addi %add3A_267, %iota3A : vector<16xi32>
          %convert_element_type3A_269 = arith.sitofp %add3A_268 : vector<16xi32> to vector<16xf32>
          %add3A_270 = arith.constant 512 : i32
          %add3A_271 = vector.broadcast %add3A_270 : i32 to vector<16xi32>
          %add3A_272 = arith.addi %add3A_271, %iota3A : vector<16xi32>
          %select_n3A_273 = arith.select %ne3A_264, %get3A_259, %add3A_272 : vector<16xi1>, vector<16xi32>
          tpu.vector_store_idx %arg19[%select_n3A_273], %convert_element_type3A_269 : memref<528xf32, #tpu.memory_space<vmem>>[vector<16xi32>], vector<16xf32>,
          tpu.vector_store_idx %arg20[%select_n3A_273], %broadcast_in_dim3A_2 : memref<528xf32, #tpu.memory_space<vmem>>[vector<16xi32>], vector<16xf32>,
          %get3A_274 = arith.constant 1 : i32
          %get3A_275 = arith.index_cast %get3A_274 : i32 to index
          %get3A_276 = arith.constant 96 : index
          %get3A_277 = tpu.vector_load %arg13[%get3A_275, %get3A_276] {strides = array<i32>} : memref<2x128xi32, #tpu.memory_space<vmem>>, vector<16xi32>,
          %get3A_278 = arith.constant 1 : i32
          %get3A_279 = arith.index_cast %get3A_278 : i32 to index
          %get3A_280 = arith.constant 112 : index
          %get3A_281 = tpu.vector_load %arg14[%get3A_279, %get3A_280] {strides = array<i32>} : memref<2x256xi32, #tpu.memory_space<vmem>>, vector<16xi32>,
          %ne3A_282 = arith.cmpi ne, %get3A_277, %get3A_281 : vector<16xi32>
          %add3A_283 = arith.constant 96 : i32
          %add3A_284 = arith.addi %mul3A_168, %add3A_283 : i32
          %add3A_285 = vector.broadcast %add3A_284 : i32 to vector<16xi32>
          %add3A_286 = arith.addi %add3A_285, %iota3A : vector<16xi32>
          %convert_element_type3A_287 = arith.sitofp %add3A_286 : vector<16xi32> to vector<16xf32>
          %add3A_288 = arith.constant 512 : i32
          %add3A_289 = vector.broadcast %add3A_288 : i32 to vector<16xi32>
          %add3A_290 = arith.addi %add3A_289, %iota3A : vector<16xi32>
          %select_n3A_291 = arith.select %ne3A_282, %get3A_277, %add3A_290 : vector<16xi1>, vector<16xi32>
          tpu.vector_store_idx %arg19[%select_n3A_291], %convert_element_type3A_287 : memref<528xf32, #tpu.memory_space<vmem>>[vector<16xi32>], vector<16xf32>,
          tpu.vector_store_idx %arg20[%select_n3A_291], %broadcast_in_dim3A_2 : memref<528xf32, #tpu.memory_space<vmem>>[vector<16xi32>], vector<16xf32>,
          %get3A_292 = arith.constant 1 : i32
          %get3A_293 = arith.index_cast %get3A_292 : i32 to index
          %get3A_294 = arith.constant 112 : index
          %get3A_295 = tpu.vector_load %arg13[%get3A_293, %get3A_294] {strides = array<i32>} : memref<2x128xi32, #tpu.memory_space<vmem>>, vector<16xi32>,
          %get3A_296 = arith.constant 1 : i32
          %get3A_297 = arith.index_cast %get3A_296 : i32 to index
          %get3A_298 = arith.constant 128 : index
          %get3A_299 = tpu.vector_load %arg14[%get3A_297, %get3A_298] {strides = array<i32>} : memref<2x256xi32, #tpu.memory_space<vmem>>, vector<16xi32>,
          %ne3A_300 = arith.cmpi ne, %get3A_295, %get3A_299 : vector<16xi32>
          %add3A_301 = arith.constant 112 : i32
          %add3A_302 = arith.addi %mul3A_168, %add3A_301 : i32
          %add3A_303 = vector.broadcast %add3A_302 : i32 to vector<16xi32>
          %add3A_304 = arith.addi %add3A_303, %iota3A : vector<16xi32>
          %convert_element_type3A_305 = arith.sitofp %add3A_304 : vector<16xi32> to vector<16xf32>
          %add3A_306 = arith.constant 512 : i32
          %add3A_307 = vector.broadcast %add3A_306 : i32 to vector<16xi32>
          %add3A_308 = arith.addi %add3A_307, %iota3A : vector<16xi32>
          %select_n3A_309 = arith.select %ne3A_300, %get3A_295, %add3A_308 : vector<16xi1>, vector<16xi32>
          tpu.vector_store_idx %arg19[%select_n3A_309], %convert_element_type3A_305 : memref<528xf32, #tpu.memory_space<vmem>>[vector<16xi32>], vector<16xf32>,
          tpu.vector_store_idx %arg20[%select_n3A_309], %broadcast_in_dim3A_2 : memref<528xf32, #tpu.memory_space<vmem>>[vector<16xi32>], vector<16xf32>,
          %dma_start3A = arith.constant 1 : i32
          %dma_start3A_310 = arith.constant 1 : i32
          %dma_start3A_311 = arith.constant 1 : i32
          %dma_start3A_312 = arith.constant 0 : i32
          %dma_start3A_313 = arith.constant 0 : i32
          %dma_start3A_314 = tpu.memref_slice %arg12[%dma_start3A, %dma_start3A_312, %dma_start3A_313] : memref<2x128x128xf32, #tpu.memory_space<vmem>> -> memref<1x128x128xf32, #tpu.memory_space<vmem>>
          %dma_start3A_315 = tpu.memref_squeeze %dma_start3A_314 : memref<1x128x128xf32, #tpu.memory_space<vmem>> -> memref<128x128xf32, #tpu.memory_space<vmem>>
          %dma_start3A_316 = arith.constant 0 : i32
          %dma_start3A_317 = tpu.memref_slice %arg13[%dma_start3A_310, %dma_start3A_316] : memref<2x128xi32, #tpu.memory_space<vmem>> -> memref<1x128xi32, #tpu.memory_space<vmem>>
          %dma_start3A_318 = tpu.memref_squeeze %dma_start3A_317 : memref<1x128xi32, #tpu.memory_space<vmem>> -> memref<128xi32, #tpu.memory_space<vmem>>
          %dma_start3A_319 = arith.constant 0 : i32
          %dma_start3A_320 = arith.constant 0 : i32
          %dma_start3A_321 = tpu.memref_slice %arg22[%dma_start3A_319, %dma_start3A_320] : memref<512x128xf32, #tpu.memory_space<vmem_shared>> -> memref<512x128xf32, #tpu.memory_space<vmem_shared>>
          %dma_start3A_322 = tpu.memref_slice %arg24[%dma_start3A_311] : memref<2x!tpu.dma_semaphore, #tpu.memory_space<semaphore_mem>> -> memref<1x!tpu.dma_semaphore, #tpu.memory_space<semaphore_mem>>
          %dma_start3A_323 = tpu.memref_squeeze %dma_start3A_322 : memref<1x!tpu.dma_semaphore, #tpu.memory_space<semaphore_mem>> -> memref<!tpu.dma_semaphore, #tpu.memory_space<semaphore_mem>>
          tpu.enqueue_indirect_dma source(%dma_start3A_315 : memref<128x128xf32, #tpu.memory_space<vmem>>) target(%dma_start3A_321 : memref<512x128xf32, #tpu.memory_space<vmem_shared>>) offsets(%dma_start3A_318 : memref<128xi32, #tpu.memory_space<vmem>>) semaphore(%dma_start3A_323 : memref<!tpu.dma_semaphore, #tpu.memory_space<semaphore_mem>>) {add = true}
        } else {
        }
        %scan3A_166 = arith.constant 0 : i32
        scf.yield %scan3A_166 : i32
      }
      %scan3A_69 = arith.constant 3 : i32
      %add3A_70 = arith.constant 80 : i32
      %add3A_71 = arith.addi %add3A_70, %arg1 : i32
      %lt3A_72 = arith.constant 78 : i32
      %lt3A_73 = arith.cmpi slt, %add3A_71, %lt3A_72 : i32
      %convert_element_type3A_74 = arith.extui %lt3A_73 : i1 to i32
      %cond3A_75 = arith.constant 0 : i32
      %cond3A_76 = arith.cmpi ne, %convert_element_type3A_74, %cond3A_75 : i32
      scf.if %cond3A_76 {
        %dma_wait3A = arith.constant 1 : i32
        %dma_wait3A_82 = arith.constant 1 : i32
        %dma_wait3A_83 = arith.constant 1 : i32
        %dma_wait3A_84 = arith.constant 0 : i32
        %dma_wait3A_85 = arith.constant 0 : i32
        %dma_wait3A_86 = tpu.memref_slice %arg12[%dma_wait3A, %dma_wait3A_84, %dma_wait3A_85] : memref<2x128x128xf32, #tpu.memory_space<vmem>> -> memref<1x128x128xf32, #tpu.memory_space<vmem>>
        %dma_wait3A_87 = tpu.memref_squeeze %dma_wait3A_86 : memref<1x128x128xf32, #tpu.memory_space<vmem>> -> memref<128x128xf32, #tpu.memory_space<vmem>>
        %dma_wait3A_88 = arith.constant 0 : i32
        %dma_wait3A_89 = tpu.memref_slice %arg13[%dma_wait3A_82, %dma_wait3A_88] : memref<2x128xi32, #tpu.memory_space<vmem>> -> memref<1x128xi32, #tpu.memory_space<vmem>>
        %dma_wait3A_90 = tpu.memref_squeeze %dma_wait3A_89 : memref<1x128xi32, #tpu.memory_space<vmem>> -> memref<128xi32, #tpu.memory_space<vmem>>
        %dma_wait3A_91 = arith.constant 0 : i32
        %dma_wait3A_92 = arith.constant 0 : i32
        %dma_wait3A_93 = tpu.memref_slice %arg22[%dma_wait3A_91, %dma_wait3A_92] : memref<512x128xf32, #tpu.memory_space<vmem_shared>> -> memref<512x128xf32, #tpu.memory_space<vmem_shared>>
        %dma_wait3A_94 = tpu.memref_slice %arg24[%dma_wait3A_83] : memref<2x!tpu.dma_semaphore, #tpu.memory_space<semaphore_mem>> -> memref<1x!tpu.dma_semaphore, #tpu.memory_space<semaphore_mem>>
        %dma_wait3A_95 = tpu.memref_squeeze %dma_wait3A_94 : memref<1x!tpu.dma_semaphore, #tpu.memory_space<semaphore_mem>> -> memref<!tpu.dma_semaphore, #tpu.memory_space<semaphore_mem>>
        tpu.wait_indirect_dma semaphore(%dma_wait3A_95 : memref<!tpu.dma_semaphore, #tpu.memory_space<semaphore_mem>>) src(%dma_wait3A_87 : memref<128x128xf32, #tpu.memory_space<vmem>>) dst(%dma_wait3A_93 : memref<512x128xf32, #tpu.memory_space<vmem_shared>>)
      } else {
      }
      %eq3A_77 = arith.constant 15 : i32
      %eq3A_78 = arith.cmpi eq, %arg1, %eq3A_77 : i32
      %convert_element_type3A_79 = arith.extui %eq3A_78 : i1 to i32
      %cond3A_80 = arith.constant 0 : i32
      %cond3A_81 = arith.cmpi ne, %convert_element_type3A_79, %cond3A_80 : i32
      scf.if %cond3A_81 {
        %run_scoped3A = arith.constant 0 : i32
        "tpu.region"() ({
          %run_scoped3A_96 = tpu.sem_alloc : memref<!tpu.dma_semaphore, #tpu.memory_space<semaphore_mem>>
          %dma_start3A = arith.constant 0 : i32
          %dma_start3A_97 = arith.constant 0 : i32
          %dma_start3A_98 = tpu.memref_slice %arg12[%run_scoped3A, %dma_start3A, %dma_start3A_97] : memref<2x128x128xf32, #tpu.memory_space<vmem>> -> memref<1x128x128xf32, #tpu.memory_space<vmem>>
          %dma_start3A_99 = tpu.memref_squeeze %dma_start3A_98 : memref<1x128x128xf32, #tpu.memory_space<vmem>> -> memref<128x128xf32, #tpu.memory_space<vmem>>
          %dma_start3A_100 = arith.constant 0 : i32
          %dma_start3A_101 = arith.constant 0 : i32
          %dma_start3A_102 = tpu.memref_slice %dma_start3A_99[%dma_start3A_100, %dma_start3A_101] : memref<128x128xf32, #tpu.memory_space<vmem>> -> memref<16x128xf32, #tpu.memory_space<vmem>>
          %dma_start3A_103 = arith.constant 9984 : i32
          %dma_start3A_104 = arith.constant 0 : i32
          %dma_start3A_105 = tpu.memref_slice %arg5[%dma_start3A_103, %dma_start3A_104] : memref<10000x128xf32, #tpu.memory_space<hbm>> -> memref<16x128xf32, #tpu.memory_space<hbm>>
          %dma_start3A_106 = arith.constant 0 : i32
          %dma_start3A_107 = arith.constant 0 : i32
          %dma_start3A_108 = tpu.memref_slice %arg12[%run_scoped3A, %dma_start3A_106, %dma_start3A_107] : memref<2x128x128xf32, #tpu.memory_space<vmem>> -> memref<1x128x128xf32, #tpu.memory_space<vmem>>
          %dma_start3A_109 = tpu.memref_squeeze %dma_start3A_108 : memref<1x128x128xf32, #tpu.memory_space<vmem>> -> memref<128x128xf32, #tpu.memory_space<vmem>>
          %dma_start3A_110 = arith.constant 0 : i32
          %dma_start3A_111 = arith.constant 0 : i32
          %dma_start3A_112 = tpu.memref_slice %dma_start3A_109[%dma_start3A_110, %dma_start3A_111] : memref<128x128xf32, #tpu.memory_space<vmem>> -> memref<16x128xf32, #tpu.memory_space<vmem>>
          %dma_start3A_113 = arith.constant 9984 : i32
          %dma_start3A_114 = arith.constant 0 : i32
          %dma_start3A_115 = tpu.memref_slice %arg5[%dma_start3A_113, %dma_start3A_114] : memref<10000x128xf32, #tpu.memory_space<hbm>> -> memref<16x128xf32, #tpu.memory_space<hbm>>
          tpu.enqueue_dma source(%dma_start3A_115 : memref<16x128xf32, #tpu.memory_space<hbm>>) target(%dma_start3A_112 : memref<16x128xf32, #tpu.memory_space<vmem>>) target_semaphore(%run_scoped3A_96 : memref<!tpu.dma_semaphore, #tpu.memory_space<semaphore_mem>>)
          %dma_wait3A = arith.constant 0 : i32
          %dma_wait3A_116 = arith.constant 0 : i32
          %dma_wait3A_117 = tpu.memref_slice %arg12[%run_scoped3A, %dma_wait3A, %dma_wait3A_116] : memref<2x128x128xf32, #tpu.memory_space<vmem>> -> memref<1x128x128xf32, #tpu.memory_space<vmem>>
          %dma_wait3A_118 = tpu.memref_squeeze %dma_wait3A_117 : memref<1x128x128xf32, #tpu.memory_space<vmem>> -> memref<128x128xf32, #tpu.memory_space<vmem>>
          %dma_wait3A_119 = arith.constant 0 : i32
          %dma_wait3A_120 = arith.constant 0 : i32
          %dma_wait3A_121 = tpu.memref_slice %dma_wait3A_118[%dma_wait3A_119, %dma_wait3A_120] : memref<128x128xf32, #tpu.memory_space<vmem>> -> memref<16x128xf32, #tpu.memory_space<vmem>>
          %dma_wait3A_122 = arith.constant 9984 : i32
          %dma_wait3A_123 = arith.constant 0 : i32
          %dma_wait3A_124 = tpu.memref_slice %arg5[%dma_wait3A_122, %dma_wait3A_123] : memref<10000x128xf32, #tpu.memory_space<hbm>> -> memref<16x128xf32, #tpu.memory_space<hbm>>
          %dma_wait3A_125 = arith.constant 0 : i32
          %dma_wait3A_126 = arith.constant 0 : i32
          %dma_wait3A_127 = tpu.memref_slice %arg12[%run_scoped3A, %dma_wait3A_125, %dma_wait3A_126] : memref<2x128x128xf32, #tpu.memory_space<vmem>> -> memref<1x128x128xf32, #tpu.memory_space<vmem>>
          %dma_wait3A_128 = tpu.memref_squeeze %dma_wait3A_127 : memref<1x128x128xf32, #tpu.memory_space<vmem>> -> memref<128x128xf32, #tpu.memory_space<vmem>>
          %dma_wait3A_129 = arith.constant 0 : i32
          %dma_wait3A_130 = arith.constant 0 : i32
          %dma_wait3A_131 = tpu.memref_slice %dma_wait3A_128[%dma_wait3A_129, %dma_wait3A_130] : memref<128x128xf32, #tpu.memory_space<vmem>> -> memref<16x128xf32, #tpu.memory_space<vmem>>
          %dma_wait3A_132 = arith.constant 9984 : i32
          %dma_wait3A_133 = arith.constant 0 : i32
          %dma_wait3A_134 = tpu.memref_slice %arg5[%dma_wait3A_132, %dma_wait3A_133] : memref<10000x128xf32, #tpu.memory_space<hbm>> -> memref<16x128xf32, #tpu.memory_space<hbm>>
          tpu.wait_dma2 semaphore(%run_scoped3A_96 : memref<!tpu.dma_semaphore, #tpu.memory_space<semaphore_mem>>) src(%dma_wait3A_134 : memref<16x128xf32, #tpu.memory_space<hbm>>) dst(%dma_wait3A_131 : memref<16x128xf32, #tpu.memory_space<vmem>>)
          tpu.yield
        }) : () -> ()
        "tpu.region"() ({
          %run_scoped3A_96 = tpu.sem_alloc : memref<!tpu.dma_semaphore, #tpu.memory_space<semaphore_mem>>
          %dma_start3A = arith.constant 9984 : i32
          %dma_start3A_97 = tpu.memref_slice %arg7[%dma_start3A] : memref<10000xi32, #tpu.memory_space<hbm>> -> memref<16xi32, #tpu.memory_space<hbm>>
          %dma_start3A_98 = arith.constant 9984 : i32
          %dma_start3A_99 = tpu.memref_slice %arg7[%dma_start3A_98] : memref<10000xi32, #tpu.memory_space<hbm>> -> memref<16xi32, #tpu.memory_space<hbm>>
          tpu.enqueue_dma source(%dma_start3A_99 : memref<16xi32, #tpu.memory_space<hbm>>) target(%arg15 : memref<16xi32, #tpu.memory_space<vmem>>) target_semaphore(%run_scoped3A_96 : memref<!tpu.dma_semaphore, #tpu.memory_space<semaphore_mem>>)
          %dma_wait3A = arith.constant 9984 : i32
          %dma_wait3A_100 = tpu.memref_slice %arg7[%dma_wait3A] : memref<10000xi32, #tpu.memory_space<hbm>> -> memref<16xi32, #tpu.memory_space<hbm>>
          %dma_wait3A_101 = arith.constant 9984 : i32
          %dma_wait3A_102 = tpu.memref_slice %arg7[%dma_wait3A_101] : memref<10000xi32, #tpu.memory_space<hbm>> -> memref<16xi32, #tpu.memory_space<hbm>>
          tpu.wait_dma2 semaphore(%run_scoped3A_96 : memref<!tpu.dma_semaphore, #tpu.memory_space<semaphore_mem>>) src(%dma_wait3A_102 : memref<16xi32, #tpu.memory_space<hbm>>) dst(%arg15 : memref<16xi32, #tpu.memory_space<vmem>>)
          tpu.yield
        }) : () -> ()
        %run_scoped3A_82 = arith.constant 0 : i32
        "tpu.region"() ({
          %run_scoped3A_96 = tpu.sem_alloc : memref<!tpu.dma_semaphore, #tpu.memory_space<semaphore_mem>>
          %dma_start3A = arith.constant 0 : i32
          %dma_start3A_97 = tpu.memref_slice %arg14[%run_scoped3A_82, %dma_start3A] : memref<2x256xi32, #tpu.memory_space<vmem>> -> memref<1x256xi32, #tpu.memory_space<vmem>>
          %dma_start3A_98 = tpu.memref_squeeze %dma_start3A_97 : memref<1x256xi32, #tpu.memory_space<vmem>> -> memref<256xi32, #tpu.memory_space<vmem>>
          %dma_start3A_99 = arith.constant 9984 : i32
          %dma_start3A_100 = tpu.memref_slice %arg9[%dma_start3A_99] : memref<10240xi32, #tpu.memory_space<hbm>> -> memref<256xi32, #tpu.memory_space<hbm>>
          %dma_start3A_101 = arith.constant 0 : i32
          %dma_start3A_102 = tpu.memref_slice %arg14[%run_scoped3A_82, %dma_start3A_101] : memref<2x256xi32, #tpu.memory_space<vmem>> -> memref<1x256xi32, #tpu.memory_space<vmem>>
          %dma_start3A_103 = tpu.memref_squeeze %dma_start3A_102 : memref<1x256xi32, #tpu.memory_space<vmem>> -> memref<256xi32, #tpu.memory_space<vmem>>
          %dma_start3A_104 = arith.constant 9984 : i32
          %dma_start3A_105 = tpu.memref_slice %arg9[%dma_start3A_104] : memref<10240xi32, #tpu.memory_space<hbm>> -> memref<256xi32, #tpu.memory_space<hbm>>
          tpu.enqueue_dma source(%dma_start3A_105 : memref<256xi32, #tpu.memory_space<hbm>>) target(%dma_start3A_103 : memref<256xi32, #tpu.memory_space<vmem>>) target_semaphore(%run_scoped3A_96 : memref<!tpu.dma_semaphore, #tpu.memory_space<semaphore_mem>>)
          %dma_wait3A = arith.constant 0 : i32
          %dma_wait3A_106 = tpu.memref_slice %arg14[%run_scoped3A_82, %dma_wait3A] : memref<2x256xi32, #tpu.memory_space<vmem>> -> memref<1x256xi32, #tpu.memory_space<vmem>>
          %dma_wait3A_107 = tpu.memref_squeeze %dma_wait3A_106 : memref<1x256xi32, #tpu.memory_space<vmem>> -> memref<256xi32, #tpu.memory_space<vmem>>
          %dma_wait3A_108 = arith.constant 9984 : i32
          %dma_wait3A_109 = tpu.memref_slice %arg9[%dma_wait3A_108] : memref<10240xi32, #tpu.memory_space<hbm>> -> memref<256xi32, #tpu.memory_space<hbm>>
          %dma_wait3A_110 = arith.constant 0 : i32
          %dma_wait3A_111 = tpu.memref_slice %arg14[%run_scoped3A_82, %dma_wait3A_110] : memref<2x256xi32, #tpu.memory_space<vmem>> -> memref<1x256xi32, #tpu.memory_space<vmem>>
          %dma_wait3A_112 = tpu.memref_squeeze %dma_wait3A_111 : memref<1x256xi32, #tpu.memory_space<vmem>> -> memref<256xi32, #tpu.memory_space<vmem>>
          %dma_wait3A_113 = arith.constant 9984 : i32
          %dma_wait3A_114 = tpu.memref_slice %arg9[%dma_wait3A_113] : memref<10240xi32, #tpu.memory_space<hbm>> -> memref<256xi32, #tpu.memory_space<hbm>>
          tpu.wait_dma2 semaphore(%run_scoped3A_96 : memref<!tpu.dma_semaphore, #tpu.memory_space<semaphore_mem>>) src(%dma_wait3A_114 : memref<256xi32, #tpu.memory_space<hbm>>) dst(%dma_wait3A_112 : memref<256xi32, #tpu.memory_space<vmem>>)
          tpu.yield
        }) : () -> ()
        %get3A = arith.constant 0 : index
        %get3A_83 = tpu.vector_load %arg15[%get3A] {strides = array<i32>} : memref<16xi32, #tpu.memory_space<vmem>>, vector<16xi32>,
        %get3A_84 = arith.constant 0 : i32
        %get3A_85 = arith.index_cast %get3A_84 : i32 to index
        %get3A_86 = arith.constant 16 : index
        %get3A_87 = tpu.vector_load %arg14[%get3A_85, %get3A_86] {strides = array<i32>} : memref<2x256xi32, #tpu.memory_space<vmem>>, vector<16xi32>,
        %ne3A = arith.cmpi ne, %get3A_83, %get3A_87 : vector<16xi32>
        %add3A_88 = arith.constant 9984 : i32
        %add3A_89 = vector.broadcast %add3A_88 : i32 to vector<16xi32>
        %add3A_90 = arith.addi %add3A_89, %iota3A : vector<16xi32>
        %convert_element_type3A_91 = arith.sitofp %add3A_90 : vector<16xi32> to vector<16xf32>
        %add3A_92 = arith.constant 512 : i32
        %add3A_93 = vector.broadcast %add3A_92 : i32 to vector<16xi32>
        %add3A_94 = arith.addi %add3A_93, %iota3A : vector<16xi32>
        %select_n3A = arith.select %ne3A, %get3A_83, %add3A_94 : vector<16xi1>, vector<16xi32>
        tpu.vector_store_idx %arg19[%select_n3A], %convert_element_type3A_91 : memref<528xf32, #tpu.memory_space<vmem>>[vector<16xi32>], vector<16xf32>,
        tpu.vector_store_idx %arg20[%select_n3A], %broadcast_in_dim3A_2 : memref<528xf32, #tpu.memory_space<vmem>>[vector<16xi32>], vector<16xf32>,
        %run_scoped3A_95 = arith.constant 0 : i32
        "tpu.region"() ({
          %run_scoped3A_96 = tpu.sem_alloc : memref<!tpu.dma_semaphore, #tpu.memory_space<semaphore_mem>>
          %dma_start3A = arith.constant 0 : i32
          %dma_start3A_97 = arith.constant 0 : i32
          %dma_start3A_98 = tpu.memref_slice %arg12[%run_scoped3A_95, %dma_start3A, %dma_start3A_97] : memref<2x128x128xf32, #tpu.memory_space<vmem>> -> memref<1x128x128xf32, #tpu.memory_space<vmem>>
          %dma_start3A_99 = tpu.memref_squeeze %dma_start3A_98 : memref<1x128x128xf32, #tpu.memory_space<vmem>> -> memref<128x128xf32, #tpu.memory_space<vmem>>
          %dma_start3A_100 = arith.constant 0 : i32
          %dma_start3A_101 = arith.constant 0 : i32
          %dma_start3A_102 = tpu.memref_slice %dma_start3A_99[%dma_start3A_100, %dma_start3A_101] : memref<128x128xf32, #tpu.memory_space<vmem>> -> memref<16x128xf32, #tpu.memory_space<vmem>>
          %dma_start3A_103 = arith.constant 0 : i32
          %dma_start3A_104 = arith.constant 0 : i32
          %dma_start3A_105 = tpu.memref_slice %arg22[%dma_start3A_103, %dma_start3A_104] : memref<512x128xf32, #tpu.memory_space<vmem_shared>> -> memref<512x128xf32, #tpu.memory_space<vmem_shared>>
          tpu.enqueue_indirect_dma source(%dma_start3A_102 : memref<16x128xf32, #tpu.memory_space<vmem>>) target(%dma_start3A_105 : memref<512x128xf32, #tpu.memory_space<vmem_shared>>) offsets(%arg15 : memref<16xi32, #tpu.memory_space<vmem>>) semaphore(%run_scoped3A_96 : memref<!tpu.dma_semaphore, #tpu.memory_space<semaphore_mem>>) {add = true}
          %dma_wait3A = arith.constant 0 : i32
          %dma_wait3A_106 = arith.constant 0 : i32
          %dma_wait3A_107 = tpu.memref_slice %arg12[%run_scoped3A_95, %dma_wait3A, %dma_wait3A_106] : memref<2x128x128xf32, #tpu.memory_space<vmem>> -> memref<1x128x128xf32, #tpu.memory_space<vmem>>
          %dma_wait3A_108 = tpu.memref_squeeze %dma_wait3A_107 : memref<1x128x128xf32, #tpu.memory_space<vmem>> -> memref<128x128xf32, #tpu.memory_space<vmem>>
          %dma_wait3A_109 = arith.constant 0 : i32
          %dma_wait3A_110 = arith.constant 0 : i32
          %dma_wait3A_111 = tpu.memref_slice %dma_wait3A_108[%dma_wait3A_109, %dma_wait3A_110] : memref<128x128xf32, #tpu.memory_space<vmem>> -> memref<16x128xf32, #tpu.memory_space<vmem>>
          %dma_wait3A_112 = arith.constant 0 : i32
          %dma_wait3A_113 = arith.constant 0 : i32
          %dma_wait3A_114 = tpu.memref_slice %arg22[%dma_wait3A_112, %dma_wait3A_113] : memref<512x128xf32, #tpu.memory_space<vmem_shared>> -> memref<512x128xf32, #tpu.memory_space<vmem_shared>>
          tpu.wait_indirect_dma semaphore(%run_scoped3A_96 : memref<!tpu.dma_semaphore, #tpu.memory_space<semaphore_mem>>) src(%dma_wait3A_111 : memref<16x128xf32, #tpu.memory_space<vmem>>) dst(%dma_wait3A_114 : memref<512x128xf32, #tpu.memory_space<vmem_shared>>)
          tpu.yield
        }) : () -> ()
      } else {
      }
    } else {
    }
    %barrier3A_26 = arith.constant 0 : index
    tpu.barrier barrier_id(%barrier3A_26)
    %eq3A_27 = arith.constant 0 : i32
    %eq3A_28 = arith.cmpi eq, %arg0, %eq3A_27 : i32
    %convert_element_type3A_29 = arith.extui %eq3A_28 : i1 to i32
    %cond3A_30 = arith.constant 0 : i32
    %cond3A_31 = arith.cmpi ne, %convert_element_type3A_29, %cond3A_30 : i32
    scf.if %cond3A_31 {
      %run_scoped3A = arith.constant 0 : i32
      "tpu.region"() ({
        %run_scoped3A_50 = tpu.sem_alloc : memref<!tpu.dma_semaphore, #tpu.memory_space<semaphore_mem>>
        %dma_start3A = arith.constant 0 : i32
        %dma_start3A_51 = tpu.memref_slice %arg17[%dma_start3A] : memref<528xf32, #tpu.memory_space<vmem>> -> memref<512xf32, #tpu.memory_space<vmem>>
        %dma_start3A_52 = arith.constant 0 : i32
        %dma_start3A_53 = tpu.memref_slice %arg11[%run_scoped3A, %arg1, %dma_start3A_52] : memref<4x16x512xf32, #tpu.memory_space<hbm>> -> memref<1x1x512xf32, #tpu.memory_space<hbm>>
        %dma_start3A_54 = tpu.memref_squeeze %dma_start3A_53 : memref<1x1x512xf32, #tpu.memory_space<hbm>> -> memref<512xf32, #tpu.memory_space<hbm>>
        %dma_start3A_55 = arith.constant 0 : i32
        %dma_start3A_56 = tpu.memref_slice %arg11[%run_scoped3A, %arg1, %dma_start3A_55] : memref<4x16x512xf32, #tpu.memory_space<hbm>> -> memref<1x1x512xf32, #tpu.memory_space<hbm>>
        %dma_start3A_57 = tpu.memref_squeeze %dma_start3A_56 : memref<1x1x512xf32, #tpu.memory_space<hbm>> -> memref<512xf32, #tpu.memory_space<hbm>>
        %dma_start3A_58 = arith.constant 0 : i32
        %dma_start3A_59 = tpu.memref_slice %arg17[%dma_start3A_58] : memref<528xf32, #tpu.memory_space<vmem>> -> memref<512xf32, #tpu.memory_space<vmem>>
        tpu.enqueue_dma source(%dma_start3A_59 : memref<512xf32, #tpu.memory_space<vmem>>) target(%dma_start3A_57 : memref<512xf32, #tpu.memory_space<hbm>>) target_semaphore(%run_scoped3A_50 : memref<!tpu.dma_semaphore, #tpu.memory_space<semaphore_mem>>)
        %dma_wait3A = arith.constant 0 : i32
        %dma_wait3A_60 = tpu.memref_slice %arg17[%dma_wait3A] : memref<528xf32, #tpu.memory_space<vmem>> -> memref<512xf32, #tpu.memory_space<vmem>>
        %dma_wait3A_61 = arith.constant 0 : i32
        %dma_wait3A_62 = tpu.memref_slice %arg11[%run_scoped3A, %arg1, %dma_wait3A_61] : memref<4x16x512xf32, #tpu.memory_space<hbm>> -> memref<1x1x512xf32, #tpu.memory_space<hbm>>
        %dma_wait3A_63 = tpu.memref_squeeze %dma_wait3A_62 : memref<1x1x512xf32, #tpu.memory_space<hbm>> -> memref<512xf32, #tpu.memory_space<hbm>>
        %dma_wait3A_64 = arith.constant 0 : i32
        %dma_wait3A_65 = tpu.memref_slice %arg11[%run_scoped3A, %arg1, %dma_wait3A_64] : memref<4x16x512xf32, #tpu.memory_space<hbm>> -> memref<1x1x512xf32, #tpu.memory_space<hbm>>
        %dma_wait3A_66 = tpu.memref_squeeze %dma_wait3A_65 : memref<1x1x512xf32, #tpu.memory_space<hbm>> -> memref<512xf32, #tpu.memory_space<hbm>>
        %dma_wait3A_67 = arith.constant 0 : i32
        %dma_wait3A_68 = tpu.memref_slice %arg17[%dma_wait3A_67] : memref<528xf32, #tpu.memory_space<vmem>> -> memref<512xf32, #tpu.memory_space<vmem>>
        tpu.wait_dma2 semaphore(%run_scoped3A_50 : memref<!tpu.dma_semaphore, #tpu.memory_space<semaphore_mem>>) src(%dma_wait3A_68 : memref<512xf32, #tpu.memory_space<vmem>>) dst(%dma_wait3A_66 : memref<512xf32, #tpu.memory_space<hbm>>)
        tpu.yield
      }) : () -> ()
      %run_scoped3A_37 = arith.constant 1 : i32
      "tpu.region"() ({
        %run_scoped3A_50 = tpu.sem_alloc : memref<!tpu.dma_semaphore, #tpu.memory_space<semaphore_mem>>
        %dma_start3A = arith.constant 0 : i32
        %dma_start3A_51 = tpu.memref_slice %arg18[%dma_start3A] : memref<528xf32, #tpu.memory_space<vmem>> -> memref<512xf32, #tpu.memory_space<vmem>>
        %dma_start3A_52 = arith.constant 0 : i32
        %dma_start3A_53 = tpu.memref_slice %arg11[%run_scoped3A_37, %arg1, %dma_start3A_52] : memref<4x16x512xf32, #tpu.memory_space<hbm>> -> memref<1x1x512xf32, #tpu.memory_space<hbm>>
        %dma_start3A_54 = tpu.memref_squeeze %dma_start3A_53 : memref<1x1x512xf32, #tpu.memory_space<hbm>> -> memref<512xf32, #tpu.memory_space<hbm>>
        %dma_start3A_55 = arith.constant 0 : i32
        %dma_start3A_56 = tpu.memref_slice %arg11[%run_scoped3A_37, %arg1, %dma_start3A_55] : memref<4x16x512xf32, #tpu.memory_space<hbm>> -> memref<1x1x512xf32, #tpu.memory_space<hbm>>
        %dma_start3A_57 = tpu.memref_squeeze %dma_start3A_56 : memref<1x1x512xf32, #tpu.memory_space<hbm>> -> memref<512xf32, #tpu.memory_space<hbm>>
        %dma_start3A_58 = arith.constant 0 : i32
        %dma_start3A_59 = tpu.memref_slice %arg18[%dma_start3A_58] : memref<528xf32, #tpu.memory_space<vmem>> -> memref<512xf32, #tpu.memory_space<vmem>>
        tpu.enqueue_dma source(%dma_start3A_59 : memref<512xf32, #tpu.memory_space<vmem>>) target(%dma_start3A_57 : memref<512xf32, #tpu.memory_space<hbm>>) target_semaphore(%run_scoped3A_50 : memref<!tpu.dma_semaphore, #tpu.memory_space<semaphore_mem>>)
        %dma_wait3A = arith.constant 0 : i32
        %dma_wait3A_60 = tpu.memref_slice %arg18[%dma_wait3A] : memref<528xf32, #tpu.memory_space<vmem>> -> memref<512xf32, #tpu.memory_space<vmem>>
        %dma_wait3A_61 = arith.constant 0 : i32
        %dma_wait3A_62 = tpu.memref_slice %arg11[%run_scoped3A_37, %arg1, %dma_wait3A_61] : memref<4x16x512xf32, #tpu.memory_space<hbm>> -> memref<1x1x512xf32, #tpu.memory_space<hbm>>
        %dma_wait3A_63 = tpu.memref_squeeze %dma_wait3A_62 : memref<1x1x512xf32, #tpu.memory_space<hbm>> -> memref<512xf32, #tpu.memory_space<hbm>>
        %dma_wait3A_64 = arith.constant 0 : i32
        %dma_wait3A_65 = tpu.memref_slice %arg11[%run_scoped3A_37, %arg1, %dma_wait3A_64] : memref<4x16x512xf32, #tpu.memory_space<hbm>> -> memref<1x1x512xf32, #tpu.memory_space<hbm>>
        %dma_wait3A_66 = tpu.memref_squeeze %dma_wait3A_65 : memref<1x1x512xf32, #tpu.memory_space<hbm>> -> memref<512xf32, #tpu.memory_space<hbm>>
        %dma_wait3A_67 = arith.constant 0 : i32
        %dma_wait3A_68 = tpu.memref_slice %arg18[%dma_wait3A_67] : memref<528xf32, #tpu.memory_space<vmem>> -> memref<512xf32, #tpu.memory_space<vmem>>
        tpu.wait_dma2 semaphore(%run_scoped3A_50 : memref<!tpu.dma_semaphore, #tpu.memory_space<semaphore_mem>>) src(%dma_wait3A_68 : memref<512xf32, #tpu.memory_space<vmem>>) dst(%dma_wait3A_66 : memref<512xf32, #tpu.memory_space<hbm>>)
        tpu.yield
      }) : () -> ()
      %run_scoped3A_38 = arith.constant 2 : i32
      "tpu.region"() ({
        %run_scoped3A_50 = tpu.sem_alloc : memref<!tpu.dma_semaphore, #tpu.memory_space<semaphore_mem>>
        %dma_start3A = arith.constant 0 : i32
        %dma_start3A_51 = tpu.memref_slice %arg19[%dma_start3A] : memref<528xf32, #tpu.memory_space<vmem>> -> memref<512xf32, #tpu.memory_space<vmem>>
        %dma_start3A_52 = arith.constant 0 : i32
        %dma_start3A_53 = tpu.memref_slice %arg11[%run_scoped3A_38, %arg1, %dma_start3A_52] : memref<4x16x512xf32, #tpu.memory_space<hbm>> -> memref<1x1x512xf32, #tpu.memory_space<hbm>>
        %dma_start3A_54 = tpu.memref_squeeze %dma_start3A_53 : memref<1x1x512xf32, #tpu.memory_space<hbm>> -> memref<512xf32, #tpu.memory_space<hbm>>
        %dma_start3A_55 = arith.constant 0 : i32
        %dma_start3A_56 = tpu.memref_slice %arg11[%run_scoped3A_38, %arg1, %dma_start3A_55] : memref<4x16x512xf32, #tpu.memory_space<hbm>> -> memref<1x1x512xf32, #tpu.memory_space<hbm>>
        %dma_start3A_57 = tpu.memref_squeeze %dma_start3A_56 : memref<1x1x512xf32, #tpu.memory_space<hbm>> -> memref<512xf32, #tpu.memory_space<hbm>>
        %dma_start3A_58 = arith.constant 0 : i32
        %dma_start3A_59 = tpu.memref_slice %arg19[%dma_start3A_58] : memref<528xf32, #tpu.memory_space<vmem>> -> memref<512xf32, #tpu.memory_space<vmem>>
        tpu.enqueue_dma source(%dma_start3A_59 : memref<512xf32, #tpu.memory_space<vmem>>) target(%dma_start3A_57 : memref<512xf32, #tpu.memory_space<hbm>>) target_semaphore(%run_scoped3A_50 : memref<!tpu.dma_semaphore, #tpu.memory_space<semaphore_mem>>)
        %dma_wait3A = arith.constant 0 : i32
        %dma_wait3A_60 = tpu.memref_slice %arg19[%dma_wait3A] : memref<528xf32, #tpu.memory_space<vmem>> -> memref<512xf32, #tpu.memory_space<vmem>>
        %dma_wait3A_61 = arith.constant 0 : i32
        %dma_wait3A_62 = tpu.memref_slice %arg11[%run_scoped3A_38, %arg1, %dma_wait3A_61] : memref<4x16x512xf32, #tpu.memory_space<hbm>> -> memref<1x1x512xf32, #tpu.memory_space<hbm>>
        %dma_wait3A_63 = tpu.memref_squeeze %dma_wait3A_62 : memref<1x1x512xf32, #tpu.memory_space<hbm>> -> memref<512xf32, #tpu.memory_space<hbm>>
        %dma_wait3A_64 = arith.constant 0 : i32
        %dma_wait3A_65 = tpu.memref_slice %arg11[%run_scoped3A_38, %arg1, %dma_wait3A_64] : memref<4x16x512xf32, #tpu.memory_space<hbm>> -> memref<1x1x512xf32, #tpu.memory_space<hbm>>
        %dma_wait3A_66 = tpu.memref_squeeze %dma_wait3A_65 : memref<1x1x512xf32, #tpu.memory_space<hbm>> -> memref<512xf32, #tpu.memory_space<hbm>>
        %dma_wait3A_67 = arith.constant 0 : i32
        %dma_wait3A_68 = tpu.memref_slice %arg19[%dma_wait3A_67] : memref<528xf32, #tpu.memory_space<vmem>> -> memref<512xf32, #tpu.memory_space<vmem>>
        tpu.wait_dma2 semaphore(%run_scoped3A_50 : memref<!tpu.dma_semaphore, #tpu.memory_space<semaphore_mem>>) src(%dma_wait3A_68 : memref<512xf32, #tpu.memory_space<vmem>>) dst(%dma_wait3A_66 : memref<512xf32, #tpu.memory_space<hbm>>)
        tpu.yield
      }) : () -> ()
      %run_scoped3A_39 = arith.constant 3 : i32
      "tpu.region"() ({
        %run_scoped3A_50 = tpu.sem_alloc : memref<!tpu.dma_semaphore, #tpu.memory_space<semaphore_mem>>
        %dma_start3A = arith.constant 0 : i32
        %dma_start3A_51 = tpu.memref_slice %arg20[%dma_start3A] : memref<528xf32, #tpu.memory_space<vmem>> -> memref<512xf32, #tpu.memory_space<vmem>>
        %dma_start3A_52 = arith.constant 0 : i32
        %dma_start3A_53 = tpu.memref_slice %arg11[%run_scoped3A_39, %arg1, %dma_start3A_52] : memref<4x16x512xf32, #tpu.memory_space<hbm>> -> memref<1x1x512xf32, #tpu.memory_space<hbm>>
        %dma_start3A_54 = tpu.memref_squeeze %dma_start3A_53 : memref<1x1x512xf32, #tpu.memory_space<hbm>> -> memref<512xf32, #tpu.memory_space<hbm>>
        %dma_start3A_55 = arith.constant 0 : i32
        %dma_start3A_56 = tpu.memref_slice %arg11[%run_scoped3A_39, %arg1, %dma_start3A_55] : memref<4x16x512xf32, #tpu.memory_space<hbm>> -> memref<1x1x512xf32, #tpu.memory_space<hbm>>
        %dma_start3A_57 = tpu.memref_squeeze %dma_start3A_56 : memref<1x1x512xf32, #tpu.memory_space<hbm>> -> memref<512xf32, #tpu.memory_space<hbm>>
        %dma_start3A_58 = arith.constant 0 : i32
        %dma_start3A_59 = tpu.memref_slice %arg20[%dma_start3A_58] : memref<528xf32, #tpu.memory_space<vmem>> -> memref<512xf32, #tpu.memory_space<vmem>>
        tpu.enqueue_dma source(%dma_start3A_59 : memref<512xf32, #tpu.memory_space<vmem>>) target(%dma_start3A_57 : memref<512xf32, #tpu.memory_space<hbm>>) target_semaphore(%run_scoped3A_50 : memref<!tpu.dma_semaphore, #tpu.memory_space<semaphore_mem>>)
        %dma_wait3A = arith.constant 0 : i32
        %dma_wait3A_60 = tpu.memref_slice %arg20[%dma_wait3A] : memref<528xf32, #tpu.memory_space<vmem>> -> memref<512xf32, #tpu.memory_space<vmem>>
        %dma_wait3A_61 = arith.constant 0 : i32
        %dma_wait3A_62 = tpu.memref_slice %arg11[%run_scoped3A_39, %arg1, %dma_wait3A_61] : memref<4x16x512xf32, #tpu.memory_space<hbm>> -> memref<1x1x512xf32, #tpu.memory_space<hbm>>
        %dma_wait3A_63 = tpu.memref_squeeze %dma_wait3A_62 : memref<1x1x512xf32, #tpu.memory_space<hbm>> -> memref<512xf32, #tpu.memory_space<hbm>>
        %dma_wait3A_64 = arith.constant 0 : i32
        %dma_wait3A_65 = tpu.memref_slice %arg11[%run_scoped3A_39, %arg1, %dma_wait3A_64] : memref<4x16x512xf32, #tpu.memory_space<hbm>> -> memref<1x1x512xf32, #tpu.memory_space<hbm>>
        %dma_wait3A_66 = tpu.memref_squeeze %dma_wait3A_65 : memref<1x1x512xf32, #tpu.memory_space<hbm>> -> memref<512xf32, #tpu.memory_space<hbm>>
        %dma_wait3A_67 = arith.constant 0 : i32
        %dma_wait3A_68 = tpu.memref_slice %arg20[%dma_wait3A_67] : memref<528xf32, #tpu.memory_space<vmem>> -> memref<512xf32, #tpu.memory_space<vmem>>
        tpu.wait_dma2 semaphore(%run_scoped3A_50 : memref<!tpu.dma_semaphore, #tpu.memory_space<semaphore_mem>>) src(%dma_wait3A_68 : memref<512xf32, #tpu.memory_space<vmem>>) dst(%dma_wait3A_66 : memref<512xf32, #tpu.memory_space<hbm>>)
        tpu.yield
      }) : () -> ()
      %eq3A_40 = arith.constant 0 : i32
      %eq3A_41 = arith.cmpi eq, %arg1, %eq3A_40 : i32
      %convert_element_type3A_42 = arith.extui %eq3A_41 : i1 to i32
      %cond3A_43 = arith.constant 0 : i32
      %cond3A_44 = arith.cmpi ne, %convert_element_type3A_42, %cond3A_43 : i32
      scf.if %cond3A_44 {
        %run_scoped3A_50 = arith.constant 2 : i32
        "tpu.region"() ({
          %run_scoped3A_51 = tpu.sem_alloc : memref<!tpu.dma_semaphore, #tpu.memory_space<semaphore_mem>>
          %dma_start3A = arith.constant 0 : i32
          %dma_start3A_52 = arith.constant 0 : i32
          %dma_start3A_53 = tpu.memref_slice %arg10[%run_scoped3A_50, %dma_start3A, %dma_start3A_52] : memref<4x512x128xf32, #tpu.memory_space<hbm>> -> memref<1x512x128xf32, #tpu.memory_space<hbm>>
          %dma_start3A_54 = tpu.memref_squeeze %dma_start3A_53 : memref<1x512x128xf32, #tpu.memory_space<hbm>> -> memref<512x128xf32, #tpu.memory_space<hbm>>
          tpu.enqueue_dma source(%arg21 : memref<512x128xf32, #tpu.memory_space<vmem_shared>>) target(%dma_start3A_54 : memref<512x128xf32, #tpu.memory_space<hbm>>) target_semaphore(%run_scoped3A_51 : memref<!tpu.dma_semaphore, #tpu.memory_space<semaphore_mem>>)
          %dma_wait3A = arith.constant 0 : i32
          %dma_wait3A_55 = arith.constant 0 : i32
          %dma_wait3A_56 = tpu.memref_slice %arg10[%run_scoped3A_50, %dma_wait3A, %dma_wait3A_55] : memref<4x512x128xf32, #tpu.memory_space<hbm>> -> memref<1x512x128xf32, #tpu.memory_space<hbm>>
          %dma_wait3A_57 = tpu.memref_squeeze %dma_wait3A_56 : memref<1x512x128xf32, #tpu.memory_space<hbm>> -> memref<512x128xf32, #tpu.memory_space<hbm>>
          tpu.wait_dma2 semaphore(%run_scoped3A_51 : memref<!tpu.dma_semaphore, #tpu.memory_space<semaphore_mem>>) src(%arg21 : memref<512x128xf32, #tpu.memory_space<vmem_shared>>) dst(%dma_wait3A_57 : memref<512x128xf32, #tpu.memory_space<hbm>>)
          tpu.yield
        }) : () -> ()
      } else {
      }
      %eq3A_45 = arith.constant 1 : i32
      %eq3A_46 = arith.cmpi eq, %arg1, %eq3A_45 : i32
      %convert_element_type3A_47 = arith.extui %eq3A_46 : i1 to i32
      %cond3A_48 = arith.constant 0 : i32
      %cond3A_49 = arith.cmpi ne, %convert_element_type3A_47, %cond3A_48 : i32
      scf.if %cond3A_49 {
        %run_scoped3A_50 = arith.constant 0 : i32
        "tpu.region"() ({
          %run_scoped3A_51 = tpu.sem_alloc : memref<!tpu.dma_semaphore, #tpu.memory_space<semaphore_mem>>
          %dma_start3A = arith.constant 0 : i32
          %dma_start3A_52 = arith.constant 0 : i32
          %dma_start3A_53 = tpu.memref_slice %arg10[%run_scoped3A_50, %dma_start3A, %dma_start3A_52] : memref<4x512x128xf32, #tpu.memory_space<hbm>> -> memref<1x512x128xf32, #tpu.memory_space<hbm>>
          %dma_start3A_54 = tpu.memref_squeeze %dma_start3A_53 : memref<1x512x128xf32, #tpu.memory_space<hbm>> -> memref<512x128xf32, #tpu.memory_space<hbm>>
          tpu.enqueue_dma source(%arg22 : memref<512x128xf32, #tpu.memory_space<vmem_shared>>) target(%dma_start3A_54 : memref<512x128xf32, #tpu.memory_space<hbm>>) target_semaphore(%run_scoped3A_51 : memref<!tpu.dma_semaphore, #tpu.memory_space<semaphore_mem>>)
          %dma_wait3A = arith.constant 0 : i32
          %dma_wait3A_55 = arith.constant 0 : i32
          %dma_wait3A_56 = tpu.memref_slice %arg10[%run_scoped3A_50, %dma_wait3A, %dma_wait3A_55] : memref<4x512x128xf32, #tpu.memory_space<hbm>> -> memref<1x512x128xf32, #tpu.memory_space<hbm>>
          %dma_wait3A_57 = tpu.memref_squeeze %dma_wait3A_56 : memref<1x512x128xf32, #tpu.memory_space<hbm>> -> memref<512x128xf32, #tpu.memory_space<hbm>>
          tpu.wait_dma2 semaphore(%run_scoped3A_51 : memref<!tpu.dma_semaphore, #tpu.memory_space<semaphore_mem>>) src(%arg22 : memref<512x128xf32, #tpu.memory_space<vmem_shared>>) dst(%dma_wait3A_57 : memref<512x128xf32, #tpu.memory_space<hbm>>)
          tpu.yield
        }) : () -> ()
      } else {
      }
    } else {
    }
    %eq3A_32 = arith.constant 1 : i32
    %eq3A_33 = arith.cmpi eq, %arg0, %eq3A_32 : i32
    %convert_element_type3A_34 = arith.extui %eq3A_33 : i1 to i32
    %cond3A_35 = arith.constant 0 : i32
    %cond3A_36 = arith.cmpi ne, %convert_element_type3A_34, %cond3A_35 : i32
    scf.if %cond3A_36 {
      %eq3A_37 = arith.constant 0 : i32
      %eq3A_38 = arith.cmpi eq, %arg1, %eq3A_37 : i32
      %convert_element_type3A_39 = arith.extui %eq3A_38 : i1 to i32
      %cond3A_40 = arith.constant 0 : i32
      %cond3A_41 = arith.cmpi ne, %convert_element_type3A_39, %cond3A_40 : i32
      scf.if %cond3A_41 {
        %run_scoped3A = arith.constant 3 : i32
        "tpu.region"() ({
          %run_scoped3A_47 = tpu.sem_alloc : memref<!tpu.dma_semaphore, #tpu.memory_space<semaphore_mem>>
          %dma_start3A = arith.constant 0 : i32
          %dma_start3A_48 = arith.constant 0 : i32
          %dma_start3A_49 = tpu.memref_slice %arg10[%run_scoped3A, %dma_start3A, %dma_start3A_48] : memref<4x512x128xf32, #tpu.memory_space<hbm>> -> memref<1x512x128xf32, #tpu.memory_space<hbm>>
          %dma_start3A_50 = tpu.memref_squeeze %dma_start3A_49 : memref<1x512x128xf32, #tpu.memory_space<hbm>> -> memref<512x128xf32, #tpu.memory_space<hbm>>
          tpu.enqueue_dma source(%arg21 : memref<512x128xf32, #tpu.memory_space<vmem_shared>>) target(%dma_start3A_50 : memref<512x128xf32, #tpu.memory_space<hbm>>) target_semaphore(%run_scoped3A_47 : memref<!tpu.dma_semaphore, #tpu.memory_space<semaphore_mem>>)
          %dma_wait3A = arith.constant 0 : i32
          %dma_wait3A_51 = arith.constant 0 : i32
          %dma_wait3A_52 = tpu.memref_slice %arg10[%run_scoped3A, %dma_wait3A, %dma_wait3A_51] : memref<4x512x128xf32, #tpu.memory_space<hbm>> -> memref<1x512x128xf32, #tpu.memory_space<hbm>>
          %dma_wait3A_53 = tpu.memref_squeeze %dma_wait3A_52 : memref<1x512x128xf32, #tpu.memory_space<hbm>> -> memref<512x128xf32, #tpu.memory_space<hbm>>
          tpu.wait_dma2 semaphore(%run_scoped3A_47 : memref<!tpu.dma_semaphore, #tpu.memory_space<semaphore_mem>>) src(%arg21 : memref<512x128xf32, #tpu.memory_space<vmem_shared>>) dst(%dma_wait3A_53 : memref<512x128xf32, #tpu.memory_space<hbm>>)
          tpu.yield
        }) : () -> ()
      } else {
      }
      %eq3A_42 = arith.constant 1 : i32
      %eq3A_43 = arith.cmpi eq, %arg1, %eq3A_42 : i32
      %convert_element_type3A_44 = arith.extui %eq3A_43 : i1 to i32
      %cond3A_45 = arith.constant 0 : i32
      %cond3A_46 = arith.cmpi ne, %convert_element_type3A_44, %cond3A_45 : i32
      scf.if %cond3A_46 {
        %run_scoped3A = arith.constant 1 : i32
        "tpu.region"() ({
          %run_scoped3A_47 = tpu.sem_alloc : memref<!tpu.dma_semaphore, #tpu.memory_space<semaphore_mem>>
          %dma_start3A = arith.constant 0 : i32
          %dma_start3A_48 = arith.constant 0 : i32
          %dma_start3A_49 = tpu.memref_slice %arg10[%run_scoped3A, %dma_start3A, %dma_start3A_48] : memref<4x512x128xf32, #tpu.memory_space<hbm>> -> memref<1x512x128xf32, #tpu.memory_space<hbm>>
          %dma_start3A_50 = tpu.memref_squeeze %dma_start3A_49 : memref<1x512x128xf32, #tpu.memory_space<hbm>> -> memref<512x128xf32, #tpu.memory_space<hbm>>
          tpu.enqueue_dma source(%arg22 : memref<512x128xf32, #tpu.memory_space<vmem_shared>>) target(%dma_start3A_50 : memref<512x128xf32, #tpu.memory_space<hbm>>) target_semaphore(%run_scoped3A_47 : memref<!tpu.dma_semaphore, #tpu.memory_space<semaphore_mem>>)
          %dma_wait3A = arith.constant 0 : i32
          %dma_wait3A_51 = arith.constant 0 : i32
          %dma_wait3A_52 = tpu.memref_slice %arg10[%run_scoped3A, %dma_wait3A, %dma_wait3A_51] : memref<4x512x128xf32, #tpu.memory_space<hbm>> -> memref<1x512x128xf32, #tpu.memory_space<hbm>>
          %dma_wait3A_53 = tpu.memref_squeeze %dma_wait3A_52 : memref<1x512x128xf32, #tpu.memory_space<hbm>> -> memref<512x128xf32, #tpu.memory_space<hbm>>
          tpu.wait_dma2 semaphore(%run_scoped3A_47 : memref<!tpu.dma_semaphore, #tpu.memory_space<semaphore_mem>>) src(%arg22 : memref<512x128xf32, #tpu.memory_space<vmem_shared>>) dst(%dma_wait3A_53 : memref<512x128xf32, #tpu.memory_space<hbm>>)
          tpu.yield
        }) : () -> ()
      } else {
      }
    } else {
    }
    return
  }
}

module attributes {stable_mosaic.version = 14 : i64} {
  func.func @_tc_body(%arg0: memref<4x512x128xf32, #tpu.memory_space<vmem>>, %arg1: memref<4x16x512xf32, #tpu.memory_space<vmem>>, %arg2: memref<4x128x85xf32, #tpu.memory_space<vmem>>, %arg3: memref<4x85xf32, #tpu.memory_space<vmem>>, %arg4: memref<4x512x85xf32, #tpu.memory_space<vmem>>) attributes {dimension_semantics = [], scalar_prefetch = 0 : i64, scratch_operands = 0 : i64, tpu.core_type = #tpu.core_type<tc>} {
    %get3A = arith.constant 0 : index
    %get3A_0 = arith.constant 0 : index
    %get3A_1 = arith.constant 0 : index
    %get3A_2 = vector.load %arg1[%get3A, %get3A_0, %get3A_1] : memref<4x16x512xf32, #tpu.memory_space<vmem>>, vector<1x16x512xf32>
    %get3A_3 = vector.shape_cast %get3A_2 : vector<1x16x512xf32> to vector<16x512xf32>
    %reduce_sum3A = arith.constant dense<0.000000e+00> : vector<512xf32>
    %reduce_sum3A_4 = vector.multi_reduction <add>, %get3A_3, %reduce_sum3A [0] : vector<16x512xf32> to vector<512xf32>
    %get3A_5 = arith.constant 1 : index
    %get3A_6 = arith.constant 0 : index
    %get3A_7 = arith.constant 0 : index
    %get3A_8 = vector.load %arg1[%get3A_5, %get3A_6, %get3A_7] : memref<4x16x512xf32, #tpu.memory_space<vmem>>, vector<1x16x512xf32>
    %get3A_9 = vector.shape_cast %get3A_8 : vector<1x16x512xf32> to vector<16x512xf32>
    %reduce_sum3A_10 = arith.constant dense<0.000000e+00> : vector<512xf32>
    %reduce_sum3A_11 = vector.multi_reduction <add>, %get3A_9, %reduce_sum3A_10 [0] : vector<16x512xf32> to vector<512xf32>
    %get3A_12 = arith.constant 2 : index
    %get3A_13 = arith.constant 0 : index
    %get3A_14 = arith.constant 0 : index
    %get3A_15 = vector.load %arg1[%get3A_12, %get3A_13, %get3A_14] : memref<4x16x512xf32, #tpu.memory_space<vmem>>, vector<1x16x512xf32>
    %get3A_16 = vector.shape_cast %get3A_15 : vector<1x16x512xf32> to vector<16x512xf32>
    %reduce_sum3A_17 = arith.constant dense<0.000000e+00> : vector<512xf32>
    %reduce_sum3A_18 = vector.multi_reduction <add>, %get3A_16, %reduce_sum3A_17 [0] : vector<16x512xf32> to vector<512xf32>
    %get3A_19 = arith.constant 3 : index
    %get3A_20 = arith.constant 0 : index
    %get3A_21 = arith.constant 0 : index
    %get3A_22 = vector.load %arg1[%get3A_19, %get3A_20, %get3A_21] : memref<4x16x512xf32, #tpu.memory_space<vmem>>, vector<1x16x512xf32>
    %get3A_23 = vector.shape_cast %get3A_22 : vector<1x16x512xf32> to vector<16x512xf32>
    %reduce_sum3A_24 = arith.constant dense<0.000000e+00> : vector<512xf32>
    %reduce_sum3A_25 = vector.multi_reduction <add>, %get3A_23, %reduce_sum3A_24 [0] : vector<16x512xf32> to vector<512xf32>
    %gt3A = arith.constant 0.000000e+00 : f32
    %gt3A_26 = vector.broadcast %gt3A : f32 to vector<512xf32>
    %gt3A_27 = arith.cmpf ogt, %reduce_sum3A_11, %gt3A_26 : vector<512xf32>
    %jit3A = arith.constant 1.000000e+09 : f32
    %broadcast_in_dim3A = vector.broadcast %jit3A : f32 to vector<512xf32>
    %select_n3A = arith.select %gt3A_27, %reduce_sum3A_4, %broadcast_in_dim3A : vector<512xi1>, vector<512xf32>
    %iota3A = tpu.iota {dimensions = array<i32: 0>} : vector<512x512xi32>
    %iota3A_28 = tpu.iota {dimensions = array<i32: 1>} : vector<512x512xi32>
    %ge3A = arith.cmpi sge, %iota3A_28, %iota3A : vector<512x512xi32>
    %broadcast_in_dim3A_29 = vector.shape_cast %select_n3A : vector<512xf32> to vector<1x512xf32>
    %jit3A_30 = arith.constant 1.000000e+09 : f32
    %broadcast_in_dim3A_31 = vector.shape_cast %broadcast_in_dim3A_29 : vector<1x512xf32> to vector<1x512xf32>
    %broadcast_in_dim3A_32 = vector.broadcast %broadcast_in_dim3A_31 : vector<1x512xf32> to vector<512x512xf32>
    %broadcast_in_dim3A_33 = vector.broadcast %jit3A_30 : f32 to vector<512x512xf32>
    %select_n3A_34 = arith.select %ge3A, %broadcast_in_dim3A_32, %broadcast_in_dim3A_33 : vector<512x512xi1>, vector<512x512xf32>
    %gt3A_35 = arith.cmpi sgt, %iota3A_28, %iota3A : vector<512x512xi32>
    %broadcast_in_dim3A_36 = vector.shape_cast %select_n3A : vector<512xf32> to vector<1x512xf32>
    %jit3A_37 = arith.constant 1.000000e+09 : f32
    %broadcast_in_dim3A_38 = vector.shape_cast %broadcast_in_dim3A_36 : vector<1x512xf32> to vector<1x512xf32>
    %broadcast_in_dim3A_39 = vector.broadcast %broadcast_in_dim3A_38 : vector<1x512xf32> to vector<512x512xf32>
    %broadcast_in_dim3A_40 = vector.broadcast %jit3A_37 : f32 to vector<512x512xf32>
    %select_n3A_41 = arith.select %gt3A_35, %broadcast_in_dim3A_39, %broadcast_in_dim3A_40 : vector<512x512xi1>, vector<512x512xf32>
    %reduce_min3A = arith.constant dense<0x7F800000> : vector<512xf32>
    %reduce_min3A_42 = vector.multi_reduction <minimumf>, %select_n3A_34, %reduce_min3A [1] : vector<512x512xf32> to vector<512xf32>
    %min3A = arith.constant 3.200000e+05 : f32
    %min3A_43 = vector.broadcast %min3A : f32 to vector<512xf32>
    %min3A_44 = arith.minimumf %reduce_min3A_42, %min3A_43 : vector<512xf32>
    %reduce_min3A_45 = arith.constant dense<0x7F800000> : vector<512xf32>
    %reduce_min3A_46 = vector.multi_reduction <minimumf>, %select_n3A_41, %reduce_min3A_45 [1] : vector<512x512xf32> to vector<512xf32>
    %min3A_47 = arith.constant 3.200000e+05 : f32
    %min3A_48 = vector.broadcast %min3A_47 : f32 to vector<512xf32>
    %min3A_49 = arith.minimumf %reduce_min3A_46, %min3A_48 : vector<512xf32>
    %sub3A = arith.subf %min3A_49, %min3A_44 : vector<512xf32>
    %max3A = arith.constant 1.000000e+00 : f32
    %max3A_50 = vector.broadcast %max3A : f32 to vector<512xf32>
    %max3A_51 = arith.maximumf %sub3A, %max3A_50 : vector<512xf32>
    %broadcast_in_dim3A_52 = vector.shape_cast %max3A_51 : vector<512xf32> to vector<512x1xf32>
    %gt3A_53 = arith.constant 0.000000e+00 : f32
    %gt3A_54 = vector.broadcast %gt3A_53 : f32 to vector<512xf32>
    %gt3A_55 = arith.cmpf ogt, %reduce_sum3A_25, %gt3A_54 : vector<512xf32>
    %jit3A_56 = arith.constant 1.000000e+09 : f32
    %broadcast_in_dim3A_57 = vector.broadcast %jit3A_56 : f32 to vector<512xf32>
    %select_n3A_58 = arith.select %gt3A_55, %reduce_sum3A_18, %broadcast_in_dim3A_57 : vector<512xi1>, vector<512xf32>
    %iota3A_59 = tpu.iota {dimensions = array<i32: 0>} : vector<512x512xi32>
    %iota3A_60 = tpu.iota {dimensions = array<i32: 1>} : vector<512x512xi32>
    %ge3A_61 = arith.cmpi sge, %iota3A_60, %iota3A_59 : vector<512x512xi32>
    %broadcast_in_dim3A_62 = vector.shape_cast %select_n3A_58 : vector<512xf32> to vector<1x512xf32>
    %jit3A_63 = arith.constant 1.000000e+09 : f32
    %broadcast_in_dim3A_64 = vector.shape_cast %broadcast_in_dim3A_62 : vector<1x512xf32> to vector<1x512xf32>
    %broadcast_in_dim3A_65 = vector.broadcast %broadcast_in_dim3A_64 : vector<1x512xf32> to vector<512x512xf32>
    %broadcast_in_dim3A_66 = vector.broadcast %jit3A_63 : f32 to vector<512x512xf32>
    %select_n3A_67 = arith.select %ge3A_61, %broadcast_in_dim3A_65, %broadcast_in_dim3A_66 : vector<512x512xi1>, vector<512x512xf32>
    %gt3A_68 = arith.cmpi sgt, %iota3A_60, %iota3A_59 : vector<512x512xi32>
    %broadcast_in_dim3A_69 = vector.shape_cast %select_n3A_58 : vector<512xf32> to vector<1x512xf32>
    %jit3A_70 = arith.constant 1.000000e+09 : f32
    %broadcast_in_dim3A_71 = vector.shape_cast %broadcast_in_dim3A_69 : vector<1x512xf32> to vector<1x512xf32>
    %broadcast_in_dim3A_72 = vector.broadcast %broadcast_in_dim3A_71 : vector<1x512xf32> to vector<512x512xf32>
    %broadcast_in_dim3A_73 = vector.broadcast %jit3A_70 : f32 to vector<512x512xf32>
    %select_n3A_74 = arith.select %gt3A_68, %broadcast_in_dim3A_72, %broadcast_in_dim3A_73 : vector<512x512xi1>, vector<512x512xf32>
    %reduce_min3A_75 = arith.constant dense<0x7F800000> : vector<512xf32>
    %reduce_min3A_76 = vector.multi_reduction <minimumf>, %select_n3A_67, %reduce_min3A_75 [1] : vector<512x512xf32> to vector<512xf32>
    %min3A_77 = arith.constant 1.000000e+04 : f32
    %min3A_78 = vector.broadcast %min3A_77 : f32 to vector<512xf32>
    %min3A_79 = arith.minimumf %reduce_min3A_76, %min3A_78 : vector<512xf32>
    %reduce_min3A_80 = arith.constant dense<0x7F800000> : vector<512xf32>
    %reduce_min3A_81 = vector.multi_reduction <minimumf>, %select_n3A_74, %reduce_min3A_80 [1] : vector<512x512xf32> to vector<512xf32>
    %min3A_82 = arith.constant 1.000000e+04 : f32
    %min3A_83 = vector.broadcast %min3A_82 : f32 to vector<512xf32>
    %min3A_84 = arith.minimumf %reduce_min3A_81, %min3A_83 : vector<512xf32>
    %sub3A_85 = arith.subf %min3A_84, %min3A_79 : vector<512xf32>
    %max3A_86 = arith.constant 1.000000e+00 : f32
    %max3A_87 = vector.broadcast %max3A_86 : f32 to vector<512xf32>
    %max3A_88 = arith.maximumf %sub3A_85, %max3A_87 : vector<512xf32>
    %broadcast_in_dim3A_89 = vector.shape_cast %max3A_88 : vector<512xf32> to vector<512x1xf32>
    %get3A_90 = arith.constant 0 : index
    %get3A_91 = arith.constant 0 : index
    %get3A_92 = arith.constant 0 : index
    %get3A_93 = vector.load %arg0[%get3A_90, %get3A_91, %get3A_92] : memref<4x512x128xf32, #tpu.memory_space<vmem>>, vector<1x512x128xf32>
    %get3A_94 = vector.shape_cast %get3A_93 : vector<1x512x128xf32> to vector<512x128xf32>
    %div3A = vector.broadcast %broadcast_in_dim3A_89 : vector<512x1xf32> to vector<512x128xf32>
    %div3A_95 = arith.divf %get3A_94, %div3A : vector<512x128xf32>
    %get3A_96 = arith.constant 0 : index
    %get3A_97 = arith.constant 0 : index
    %get3A_98 = arith.constant 0 : index
    %get3A_99 = vector.load %arg2[%get3A_96, %get3A_97, %get3A_98] : memref<4x128x85xf32, #tpu.memory_space<vmem>>, vector<1x128x85xf32>
    %get3A_100 = vector.shape_cast %get3A_99 : vector<1x128x85xf32> to vector<128x85xf32>
    %dot_general3A = arith.constant dense<0.000000e+00> : vector<512x85xf32>
    %dot_general3A_101 = tpu.matmul %div3A_95, %get3A_100, %dot_general3A {dimension_numbers = #tpu.dot_dimension_numbers<[1], [0], [0], [1], [0, 0, 1, 1], [], []>, transpose_lhs_hint = false} : vector<512x128xf32>, vector<128x85xf32>, vector<512x85xf32> -> vector<512x85xf32>
    %get3A_102 = arith.constant 0 : index
    %get3A_103 = arith.constant 0 : index
    %get3A_104 = vector.load %arg3[%get3A_102, %get3A_103] : memref<4x85xf32, #tpu.memory_space<vmem>>, vector<1x85xf32>
    %add3A = vector.broadcast %get3A_104 : vector<1x85xf32> to vector<512x85xf32>
    %add3A_105 = arith.addf %dot_general3A_101, %add3A : vector<512x85xf32>
    %swap3A = arith.constant 0 : index
    %swap3A_106 = arith.constant 0 : index
    %swap3A_107 = arith.constant 0 : index
    %swap3A_108 = vector.load %arg4[%swap3A, %swap3A_106, %swap3A_107] : memref<4x512x85xf32, #tpu.memory_space<vmem>>, vector<1x512x85xf32>
    %swap3A_109 = vector.shape_cast %swap3A_108 : vector<1x512x85xf32> to vector<512x85xf32>
    %swap3A_110 = vector.shape_cast %add3A_105 : vector<512x85xf32> to vector<1x512x85xf32>
    tpu.vector_store %arg4[%swap3A, %swap3A_106, %swap3A_107], %swap3A_110 {strides = array<i32>} : memref<4x512x85xf32, #tpu.memory_space<vmem>>, vector<1x512x85xf32>,
    %get3A_111 = arith.constant 1 : index
    %get3A_112 = arith.constant 0 : index
    %get3A_113 = arith.constant 0 : index
    %get3A_114 = vector.load %arg0[%get3A_111, %get3A_112, %get3A_113] : memref<4x512x128xf32, #tpu.memory_space<vmem>>, vector<1x512x128xf32>
    %get3A_115 = vector.shape_cast %get3A_114 : vector<1x512x128xf32> to vector<512x128xf32>
    %div3A_116 = vector.broadcast %broadcast_in_dim3A_89 : vector<512x1xf32> to vector<512x128xf32>
    %div3A_117 = arith.divf %get3A_115, %div3A_116 : vector<512x128xf32>
    %get3A_118 = arith.constant 1 : index
    %get3A_119 = arith.constant 0 : index
    %get3A_120 = arith.constant 0 : index
    %get3A_121 = vector.load %arg2[%get3A_118, %get3A_119, %get3A_120] : memref<4x128x85xf32, #tpu.memory_space<vmem>>, vector<1x128x85xf32>
    %get3A_122 = vector.shape_cast %get3A_121 : vector<1x128x85xf32> to vector<128x85xf32>
    %dot_general3A_123 = arith.constant dense<0.000000e+00> : vector<512x85xf32>
    %dot_general3A_124 = tpu.matmul %div3A_117, %get3A_122, %dot_general3A_123 {dimension_numbers = #tpu.dot_dimension_numbers<[1], [0], [0], [1], [0, 0, 1, 1], [], []>, transpose_lhs_hint = false} : vector<512x128xf32>, vector<128x85xf32>, vector<512x85xf32> -> vector<512x85xf32>
    %get3A_125 = arith.constant 1 : index
    %get3A_126 = arith.constant 0 : index
    %get3A_127 = vector.load %arg3[%get3A_125, %get3A_126] : memref<4x85xf32, #tpu.memory_space<vmem>>, vector<1x85xf32>
    %add3A_128 = vector.broadcast %get3A_127 : vector<1x85xf32> to vector<512x85xf32>
    %add3A_129 = arith.addf %dot_general3A_124, %add3A_128 : vector<512x85xf32>
    %swap3A_130 = arith.constant 1 : index
    %swap3A_131 = arith.constant 0 : index
    %swap3A_132 = arith.constant 0 : index
    %swap3A_133 = vector.load %arg4[%swap3A_130, %swap3A_131, %swap3A_132] : memref<4x512x85xf32, #tpu.memory_space<vmem>>, vector<1x512x85xf32>
    %swap3A_134 = vector.shape_cast %swap3A_133 : vector<1x512x85xf32> to vector<512x85xf32>
    %swap3A_135 = vector.shape_cast %add3A_129 : vector<512x85xf32> to vector<1x512x85xf32>
    tpu.vector_store %arg4[%swap3A_130, %swap3A_131, %swap3A_132], %swap3A_135 {strides = array<i32>} : memref<4x512x85xf32, #tpu.memory_space<vmem>>, vector<1x512x85xf32>,
    %get3A_136 = arith.constant 2 : index
    %get3A_137 = arith.constant 0 : index
    %get3A_138 = arith.constant 0 : index
    %get3A_139 = vector.load %arg0[%get3A_136, %get3A_137, %get3A_138] : memref<4x512x128xf32, #tpu.memory_space<vmem>>, vector<1x512x128xf32>
    %get3A_140 = vector.shape_cast %get3A_139 : vector<1x512x128xf32> to vector<512x128xf32>
    %div3A_141 = vector.broadcast %broadcast_in_dim3A_52 : vector<512x1xf32> to vector<512x128xf32>
    %div3A_142 = arith.divf %get3A_140, %div3A_141 : vector<512x128xf32>
    %get3A_143 = arith.constant 2 : index
    %get3A_144 = arith.constant 0 : index
    %get3A_145 = arith.constant 0 : index
    %get3A_146 = vector.load %arg2[%get3A_143, %get3A_144, %get3A_145] : memref<4x128x85xf32, #tpu.memory_space<vmem>>, vector<1x128x85xf32>
    %get3A_147 = vector.shape_cast %get3A_146 : vector<1x128x85xf32> to vector<128x85xf32>
    %dot_general3A_148 = arith.constant dense<0.000000e+00> : vector<512x85xf32>
    %dot_general3A_149 = tpu.matmul %div3A_142, %get3A_147, %dot_general3A_148 {dimension_numbers = #tpu.dot_dimension_numbers<[1], [0], [0], [1], [0, 0, 1, 1], [], []>, transpose_lhs_hint = false} : vector<512x128xf32>, vector<128x85xf32>, vector<512x85xf32> -> vector<512x85xf32>
    %get3A_150 = arith.constant 2 : index
    %get3A_151 = arith.constant 0 : index
    %get3A_152 = vector.load %arg3[%get3A_150, %get3A_151] : memref<4x85xf32, #tpu.memory_space<vmem>>, vector<1x85xf32>
    %add3A_153 = vector.broadcast %get3A_152 : vector<1x85xf32> to vector<512x85xf32>
    %add3A_154 = arith.addf %dot_general3A_149, %add3A_153 : vector<512x85xf32>
    %swap3A_155 = arith.constant 2 : index
    %swap3A_156 = arith.constant 0 : index
    %swap3A_157 = arith.constant 0 : index
    %swap3A_158 = vector.load %arg4[%swap3A_155, %swap3A_156, %swap3A_157] : memref<4x512x85xf32, #tpu.memory_space<vmem>>, vector<1x512x85xf32>
    %swap3A_159 = vector.shape_cast %swap3A_158 : vector<1x512x85xf32> to vector<512x85xf32>
    %swap3A_160 = vector.shape_cast %add3A_154 : vector<512x85xf32> to vector<1x512x85xf32>
    tpu.vector_store %arg4[%swap3A_155, %swap3A_156, %swap3A_157], %swap3A_160 {strides = array<i32>} : memref<4x512x85xf32, #tpu.memory_space<vmem>>, vector<1x512x85xf32>,
    %get3A_161 = arith.constant 3 : index
    %get3A_162 = arith.constant 0 : index
    %get3A_163 = arith.constant 0 : index
    %get3A_164 = vector.load %arg0[%get3A_161, %get3A_162, %get3A_163] : memref<4x512x128xf32, #tpu.memory_space<vmem>>, vector<1x512x128xf32>
    %get3A_165 = vector.shape_cast %get3A_164 : vector<1x512x128xf32> to vector<512x128xf32>
    %div3A_166 = vector.broadcast %broadcast_in_dim3A_52 : vector<512x1xf32> to vector<512x128xf32>
    %div3A_167 = arith.divf %get3A_165, %div3A_166 : vector<512x128xf32>
    %get3A_168 = arith.constant 3 : index
    %get3A_169 = arith.constant 0 : index
    %get3A_170 = arith.constant 0 : index
    %get3A_171 = vector.load %arg2[%get3A_168, %get3A_169, %get3A_170] : memref<4x128x85xf32, #tpu.memory_space<vmem>>, vector<1x128x85xf32>
    %get3A_172 = vector.shape_cast %get3A_171 : vector<1x128x85xf32> to vector<128x85xf32>
    %dot_general3A_173 = arith.constant dense<0.000000e+00> : vector<512x85xf32>
    %dot_general3A_174 = tpu.matmul %div3A_167, %get3A_172, %dot_general3A_173 {dimension_numbers = #tpu.dot_dimension_numbers<[1], [0], [0], [1], [0, 0, 1, 1], [], []>, transpose_lhs_hint = false} : vector<512x128xf32>, vector<128x85xf32>, vector<512x85xf32> -> vector<512x85xf32>
    %get3A_175 = arith.constant 3 : index
    %get3A_176 = arith.constant 0 : index
    %get3A_177 = vector.load %arg3[%get3A_175, %get3A_176] : memref<4x85xf32, #tpu.memory_space<vmem>>, vector<1x85xf32>
    %add3A_178 = vector.broadcast %get3A_177 : vector<1x85xf32> to vector<512x85xf32>
    %add3A_179 = arith.addf %dot_general3A_174, %add3A_178 : vector<512x85xf32>
    %swap3A_180 = arith.constant 3 : index
    %swap3A_181 = arith.constant 0 : index
    %swap3A_182 = arith.constant 0 : index
    %swap3A_183 = vector.load %arg4[%swap3A_180, %swap3A_181, %swap3A_182] : memref<4x512x85xf32, #tpu.memory_space<vmem>>, vector<1x512x85xf32>
    %swap3A_184 = vector.shape_cast %swap3A_183 : vector<1x512x85xf32> to vector<512x85xf32>
    %swap3A_185 = vector.shape_cast %add3A_179 : vector<512x85xf32> to vector<1x512x85xf32>
    tpu.vector_store %arg4[%swap3A_180, %swap3A_181, %swap3A_182], %swap3A_185 {strides = array<i32>} : memref<4x512x85xf32, #tpu.memory_space<vmem>>, vector<1x512x85xf32>,
    return
  }
}

</mosaic_0001>

<sc_bundles>
// kernel: kernel.4.cloned.1.call-start
scs
__scs_entry_jumppad:
0x0: {  	(pc) =	sbr.rel $0x88, $3  }
0x1: {  	(tag) =	ssettag $0x0;
	lr =	simm.s32 $0x1  }
0x2: {  	[smem:$0x3F93] =	sst lr;
	_ =	strace $0xD0000000  }
0x3: {  	_ = 	snop  }
0x4: {  	_ = 	snop  }
0x5: {  	_ = 	snop  }
0x6: {  	_ = 	snop  }
0x7: {  	_ = 	snop  }
__scs_overlays_trampoline_lowered:
0x8: {  	[smem:$0x3FA2] =	sst s0  }
0x9: {  	[smem:$0x3FA3] =	sst s1  }
0xa: {  	[smem:$0x3FA4] =	sst s2  }
0xb: {  	[smem:$0x3FA5] =	sst s3  }
0xc: {  	[smem:$0x3FA6] =	sst s4  }
0xd: {  	[smem:$0x3FA7] =	sst s5  }
0xe: {  	[smem:$0x3FA8] =	sst s6  }
0xf: {  	[smem:$0x3FA9] =	sst s7  }
0x10: {  	[smem:$0x3FAA] =	sst s8  }
0x11: {  	[smem:$0x3FAB] =	sst s9;
	s0 =	simm.s32 @!p0 $0x0  }
0x12: {  	s1 =	sld [smem:$0x3F91];
	s0 =	simm.s32 @p0 $0x1  }
0x13: {  	[smem:$0x3FAC] =	sst s0;
	s0 =	simm.s32 @!p1 $0x0  }
0x14: {  	s2 =	sld [smem:$0x3F90];
	s0 =	simm.s32 @p1 $0x1  }
0x15: {  	[smem:$0x3FAD] =	sst s0;
	s0 =	simm.s32 @!p2 $0x0  }
0x16: {  	s3 =	sld [smem:$0x3FDB];
	s0 =	simm.s32 @p2 $0x1  }
0x17: {  	s4 =	simm.s32 $0x1BF5;
	[smem:$0x3FAF] =	sst s0  }
0x18: {  	s0 =	sld [smem:$0x3F92];
	_ =	swait.ge [sflag:s4], $0x0  }
0x19: {  	s7 =	sld [smem:$0x3F93]  }
0x1a: {  	s8 =	sadd.s32 $0xFFFFE003, lr  }
0x1b: {  	s9 =	sadd.s32 $0xFFFFFEF7, lr;
	s5 =	simm.s32 $0xFFFFFFFF;
	p2 =	slt.u32 s8, $0xFFFFF086  }
0x1c: {  	p1 =	slt.u32 s9, $0xF7A;
	s5 =	simm.s32 @!p2 $0x0  }
0x1d: {  	s5 =	simm.s32 @p1 $0x1;
	p0 =	seq.s32 s7, s2  }
0x1e: {  	s7 =	smul.u32 @!p0 $0xF7A, s2;
	p2 =	seq.s32 @!p0 s5, $0x0  }
0x1f: {  	s9 =	smul.u32 $0xF7A, s1;
	s8 =	simm.s32 @!p0 $0x1BF5;
	p2 =	por !p2, p0  }
0x20: {  	[sflag:s8] =	ssyncset.s32 @!p0 $0xFFFFF086;
	s6 =	sadd.s32 @!p0 s3, s7;
	s7 =	simm.s32 @!p0 $0x108  }
0x21: {  	s3 =	sadd.s32 s3, s9;
	s6 =	sadd.s32 @!p0 $0x88, s6;
	s7 =	simm.s32 @p2 $0x1082  }
0x22: {  	[simem:s7], [sflag:s8] =	dma.local @!p0 [hbm:s6], $0xF7A  }
0x23: {  	s9 =	sor.u32 $0xD0000000, s2;
	s6 =	simm.s32 $0x108;
	_ =	swait.ge @!p0 [sflag:s8], $0x0  }
0x24: {  	s3 =	sadd.s32 $0x88, s3;
	s6 =	simm.s32 @!p1 $0x1082;
	[sflag:s4] =	ssyncset.s32 $0xFFFFF086  }
0x25: {  	[simem:s6], [sflag:s4] =	dma.local [hbm:s3], $0xF7A  }
0x26: {  	[smem:$0x3F93] =	sst s1;
	(tag) =	ssettag s2;
	_ =	strace s9  }
0x27: {  	s1 =	sld [smem:$0x3FA3]  }
0x28: {  	s2 =	sld [smem:$0x3FA4]  }
0x29: {  	s4 =	sld [smem:$0x3FA6]  }
0x2a: {  	p0 =	seq.s32 s5, $0x0;
	s5 =	sld [smem:$0x3FA7]  }
0x2b: {  	s6 =	sld [smem:$0x3FA8]  }
0x2c: {  	s7 =	sld [smem:$0x3FA9]  }
0x2d: {  	s3 =	simm.s32 $0x108;
	s8 =	sld [smem:$0x3FAA]  }
0x2e: {  	s3 =	simm.s32 @!p0 $0x1082;
	s9 =	sld [smem:$0x3FAB]  }
0x2f: {  	lr =	sadd.s32 s0, s3;
	s0 =	sld [smem:$0x3FA2]  }
0x30: {  	s3 =	sld [smem:$0x3FA5]  }
0x31: {  	[smem:$0x3FAE] =	sst s10  }
0x32: {  	s10 =	sld [smem:$0x3FAC];
	_ =	sdelay $0x3  }
0x33: {  	p0 =	seq.s32 s10, $0x1;
	s10 =	sld [smem:$0x3FAE];
	_ =	sdelay $0x3  }
0x34: {  	[smem:$0x3FAE] =	sst s10  }
0x35: {  	s10 =	sld [smem:$0x3FAD];
	_ =	sdelay $0x3  }
0x36: {  	p1 =	seq.s32 s10, $0x1;
	s10 =	sld [smem:$0x3FAE];
	_ =	sdelay $0x3  }
0x37: {  	[smem:$0x3FAE] =	sst s10  }
0x38: {  	s10 =	sld [smem:$0x3FAF]  }
0x39: {  	_ = 	snop;
	(pc) =	sbr.ind lr, $3  }
0x3a: {  	_ = 	snop  }
0x3b: {  	_ = 	snop  }
0x3c: {  	p2 =	seq.s32 s10, $0x1;
	s10 =	sld [smem:$0x3FAE]  }
0x3d: {  	_ =	shalt  }
0x3e: {  	_ =	shalt  }
0x3f: {  	_ =	shalt  }
0x40: {  	_ =	shalt  }
0x41: {  	_ =	shalt  }
0x42: {  	_ =	shalt  }
0x43: {  	_ =	shalt  }
0x44: {  	_ =	shalt  }
0x45: {  	_ =	shalt  }
0x46: {  	_ =	shalt  }
0x47: {  	_ =	shalt  }
0x48: {  	_ =	shalt  }
0x49: {  	_ =	shalt  }
0x4a: {  	_ =	shalt  }
0x4b: {  	_ =	shalt  }
0x4c: {  	_ =	shalt  }
0x4d: {  	_ =	shalt  }
0x4e: {  	_ =	shalt  }
0x4f: {  	_ =	shalt  }
0x50: {  	_ =	shalt  }
0x51: {  	_ =	shalt  }
0x52: {  	_ =	shalt  }
0x53: {  	_ =	shalt  }
0x54: {  	_ =	shalt  }
0x55: {  	_ =	shalt  }
0x56: {  	_ =	shalt  }
0x57: {  	_ =	shalt  }
0x58: {  	_ =	shalt  }
0x59: {  	_ =	shalt  }
0x5a: {  	_ =	shalt  }
0x5b: {  	_ =	shalt  }
0x5c: {  	_ =	shalt  }
0x5d: {  	_ =	shalt  }
0x5e: {  	_ =	shalt  }
0x5f: {  	_ =	shalt  }
0x60: {  	_ =	shalt  }
0x61: {  	_ =	shalt  }
0x62: {  	_ =	shalt  }
0x63: {  	_ =	shalt  }
0x64: {  	_ =	shalt  }
0x65: {  	_ =	shalt  }
0x66: {  	_ =	shalt  }
0x67: {  	_ =	shalt  }
0x68: {  	_ =	shalt  }
0x69: {  	_ =	shalt  }
0x6a: {  	_ =	shalt  }
0x6b: {  	_ =	shalt  }
0x6c: {  	_ =	shalt  }
0x6d: {  	_ =	shalt  }
0x6e: {  	_ =	shalt  }
0x6f: {  	_ =	shalt  }
0x70: {  	_ =	shalt  }
0x71: {  	_ =	shalt  }
0x72: {  	_ =	shalt  }
0x73: {  	_ =	shalt  }
0x74: {  	_ =	shalt  }
0x75: {  	_ =	shalt  }
0x76: {  	_ =	shalt  }
0x77: {  	_ =	shalt  }
0x78: {  	_ =	shalt  }
0x79: {  	_ =	shalt  }
0x7a: {  	_ =	shalt  }
0x7b: {  	_ =	shalt  }
0x7c: {  	_ =	shalt  }
0x7d: {  	_ =	shalt  }
0x7e: {  	_ =	shalt  }
0x7f: {  	_ =	shalt  }
0x80: {  	_ =	shalt  }
0x81: {  	_ =	shalt  }
0x82: {  	_ =	shalt  }
0x83: {  	_ =	shalt  }
0x84: {  	_ =	shalt  }
0x85: {  	_ =	shalt  }
0x86: {  	_ =	shalt  }
0x87: {  	_ =	shalt  }
.Lfunc_end0:
.L_simem_size_0:
called_computation_lowered:
.L_overlay_start_0:
0x88: {  	s2 =	sld [smem:$0x3FD9]  }
0x89: {  	s3 =	sld [smem:$0x3FFE];
	_ =	sdelay $0x1  }
0x8a: {  	s1 =	srdreg.scid  }
0x8b: {  	s0 =	sand.u32 $0x1, s1  }
0x8c: {  	s14 =	sshll.u32 s0, $0xA;
	s2 =	sadd.s32 s3, s2  }
0x8d: {  	s2 =	sadd.s32 s2, s14  }
0x8e: {  	[smem:$0x3FBA] =	sst s2  }
0x8f: {  	_ = 	snop  }
0x90: {  	s2 =	sld [smem:$0x3FC9]  }
0x91: {  	s15 =	sld [smem:$0x3FC8]  }
0x92: {  	s4 =	sld [smem:$0x3FC7]  }
0x93: {  	s5 =	sld [smem:$0x3FD0]  }
0x94: {  	s6 =	sld [smem:$0x3FC6]  }
0x95: {  	s7 =	sld [smem:$0x3FC5]  }
0x96: {  	s9 =	simm.s32 $0xA;
	s10 =	simm.s32 $0x10;
	s8 =	sld [smem:$0x3FC4]  }
0x97: {  	[smem:s10], [sflag:s9] =	dma.local [hbm:s5], $0x1  }
0x98: {  	_ =	swait.eq [sflag:s9], $0x1  }
0x99: {  	[sflag:s9] =	ssyncset.done $0x0  }
0x9a: {  	s16 =	sld [smem:$0x12];
	[sflag:s9] =	ssyncadd.s32 $0xFFFFFFFF  }
0x9b: {  	s17 =	sld [smem:$0x13];
	(tm) =	ssettm $0x1  }
0x9c: {  	s18 =	sld [smem:$0x3FFB];
	_ =	sdelay $0x3  }
0x9d: {  	_ =	strace s18  }
0x9e: {  	s10 =	sld [smem:$0x3FFC];
	_ =	sdelay $0x3  }
0x9f: {  	_ =	strace s10  }
0xa0: {  	s10 =	sld [smem:$0x3FFD];
	_ =	sdelay $0x3  }
0xa1: {  	_ =	strace s10  }
0xa2: {  	_ =	strace $0x8FFFFFFF  }
0xa3: {  	s19 =	sld [smem:$0x3FDB];
	_ =	sdelay $0x1  }
0xa4: {  	s11 =	simm.s32 $_scs_section_size  }
0xa5: {  	s12 =	simm.s32 $_size__tile_overlayer_lowered;
	s13 =	simm.s32 $_tile_overlayer_lowered  }
0xa6: {  	s22 =	simm.s32 $0x1BFF;
	s21 =	sshll.u32 s13, $0x1;
	s10 =	sadd.s32 s11, s19  }
0xa7: {  	s20 =	sshll.u32 s12, $0x1;
	s14 =	simm.s32 $0x0;
	s12 =	sadd.s32 s21, s10  }
0xa8: {  	[timem:s14], [sflag:s22] =	dma.local [hbm:s12], s20  }
0xa9: {  	_ =	swait.ge [sflag:s22], s20  }
0xaa: {  	s11 =	ssub.s32 $0x0, s20;
	[sflag:s22] =	ssyncset.done $0x0  }
0xab: {  	[sflag:s22] =	ssyncadd.s32 s11;
	_ =	sdelay $0x1  }
0xac: {  	s23 =	simm.s32 $0x1B8B  }
0xad: {  	_ =	swait.ge [sflag:s23], $0x1  }
0xae: {  	[sflag:s23] =	ssyncset.done $0x0  }
0xaf: {  	s25 =	simm.s32 $0x1B8E;
	s24 =	sld [smem:$0x3FFE];
	[sflag:s23] =	ssyncadd.s32 $0xFFFFFFFF  }
0xb0: {  	s26 =	simm.s32 $execute0_lowered;
	[smem:$0x3FD2] =	sst s25  }
0xb1: {  	s12 =	sshll.u32 s26, $0x1;
	_ =	strace $0x80000046;
	[dreg:$0x1] =	wrdreg $0xFFFFFFFF  }
0xb2: {  	s28 =	simm.s32 $_size_execute0_lowered;
	s10 =	sadd.s32 s10, s12;
	[dreg:$0x0] =	wrdreg $0x0  }
0xb3: {  	s12 =	sshll.u32 s28, $0x1;
	[dreg:$0x2] =	wrdreg s10  }
0xb4: {  	[dreg:$0x3] =	wrdreg s12  }
0xb5: {  	[dreg:$0x4] =	wrdreg $0xC0  }
0xb6: {  	_ =	task [dreg:s14], $0x5FFFF  }
0xb7: {  	[dreg:$0x1] =	wrdreg $0xFFFFFFFF  }
0xb8: {  	[dreg:$0x0] =	wrdreg $0x60  }
0xb9: {  	[dreg:$0x2] =	wrdreg s4  }
0xba: {  	[dreg:$0x3] =	wrdreg s6  }
0xbb: {  	[dreg:$0x4] =	wrdreg s2  }
0xbc: {  	[dreg:$0x5] =	wrdreg s15  }
0xbd: {  	[dreg:$0x6] =	wrdreg s8  }
0xbe: {  	[dreg:$0x7] =	wrdreg s7  }
0xbf: {  	[dreg:$0x8] =	wrdreg s24  }
0xc0: {  	[dreg:$0x9] =	wrdreg s16  }
0xc1: {  	[dreg:$0xa] =	wrdreg s17  }
0xc2: {  	[dreg:$0xb] =	wrdreg $0x9D800  }
0xc3: {  	[dreg:$0xc] =	wrdreg $0xAD800  }
0xc4: {  	[dreg:$0xd] =	wrdreg $0x9  }
0xc5: {  	_ =	task.clear_ibuf [dreg:s14], $0xEFFFF;
	_ =	strace $0x90000046  }
0xc6: {  	s29 =	simm.s32 $0x9;
	_ =	strace $0x80000048  }
0xc7: {  	_ =	swait.ge [sflag:s29], $0x1  }
0xc8: {  	[sflag:s29] =	ssyncadd.s32 $0xFFFFFFFF  }
0xc9: {  	_ =	strace $0x90000048  }
0xca: {  	_ =	sfence  }
0xcb: {  	s30 =	sld [smem:$0x0];
	_ =	sdelay $0x2  }
0xcc: {  	s31 =	sshll.u32 s1, $0xD;
	s1 =	sshrl.u32 s1, $0x2  }
0xcd: {  	s3 =	sand.u32 $0x4000, s31;
	s1 =	sadd.s32 s1, s30  }
0xce: {  	s0 =	sor.u32 s3, s0;
	s1 =	sshll.u32 s1, $0x11  }
0xcf: {  	s0 =	sor.u32 s1, s0  }
0xd0: {  	s0 =	sadd.s32 $0x8F2B, s0  }
0xd1: {  	[sflag:s0] =	ssyncadd.remote.s32 $0x1  }
0xd2: {  	_ =	sfence.sel $0xFFFF  }
0xd3: {  	[dreg:$0x0] =	wrdreg $0xFFFFFFFF;
	(pc) =	sbr.abs _section_cstart, $3  }
0xd4: {  	[dreg:$0x1] =	wrdreg $0xFFFFFFFF  }
0xd5: {  	_ =	task.clear_ibuf [dreg:s14], $0x2FFFF;
	_ =	strace $0x9FFFFFFF  }
0xd6: {  	(tm) =	ssettm $0x7FFFFFFF  }
0xd7: {  	_ =	shalt  }
tec
execute0_lowered:
.L_overlay_start_1:
0x0: {  	(tag) =	ssettag $0x1  }
0x1: {  	s0 =	rddreg [dreg:$0x0]  }
0x2: {  	s1 =	rddreg [dreg:$0x1]  }
0x3: {  	s2 =	rddreg [dreg:$0x2]  }
0x4: {  	s3 =	rddreg [dreg:$0x3]  }
0x5: {  	s14 =	rddreg [dreg:$0x4]  }
0x6: {  	s16 =	rddreg [dreg:$0x5]  }
0x7: {  	s7 =	rddreg [dreg:$0x6]  }
0x8: {  	s17 =	rddreg [dreg:$0x7]  }
0x9: {  	s8 =	rddreg [dreg:$0x8]  }
0xa: {  	s4 =	rddreg [dreg:$0x9]  }
0xb: {  	s5 =	rddreg [dreg:$0xa];
	s6 =	simm.s32 $0x0  }
0xc: {  	s9 =	srdreg.scid;
	s18 =	stileid.u32;
	s29 =	simm.s32 $0x8100  }
0xd: {  	s31 =	simm.s32 $0x8200;
	[smem:$0x7FF] =	sst s6;
	s9 =	sand.u32 $0x1, s9  }
0xe: {  	s15 =	sadd.s32 $0x1E00, s7;
	s11 =	sadd.s32 $0xBC00, s7;
	s12 =	sshll.u32 s18, $0xC  }
0xf: {  	s23 =	sshll.u32 s18, $0xB;
	_ =	strace $0x80000047;
	[dreg:$0xd] =	wrdreg s11  }
0x10: {  	s13 =	sshll.u32 s18, $0x6;
	s30 =	sadd.s32 $0xDC00, s7;
	[dreg:$0xc] =	wrdreg s15  }
0x11: {  	s10 =	ssub.s32 $0x2, s9;
	s21 =	sadd.s32 s12, s4;
	[dreg:$0x15] =	wrdreg s30  }
0x12: {  	s22 =	sadd.s32 s12, s5;
	s26 =	sadd.s32 s3, s23;
	[dreg:$0xe] =	wrdreg s21  }
0x13: {  	s3 =	sadd.s32 $0x27000, s3;
	p0 =	sne.s32 s9, $0x0;
	[dreg:$0xf] =	wrdreg s22  }
0x14: {  	s9 =	sadd.s32 s2, s23;
	s2 =	sadd.s32 $0x27000, s2;
	[dreg:$0x13] =	wrdreg s3  }
0x15: {  	p1 =	seq.s32 s18, $0x0;
	s11 =	sadd.s32 $0xFC00, s7;
	[dreg:$0x19] =	wrdreg s2  }
0x16: {  	p2 =	sne.s32 s18, $0xF;
	s19 =	sadd.s32 s1, s23;
	[dreg:$0x1a] =	wrdreg s11  }
0x17: {  	s12 =	sshll.u32 s18, $0x4;
	s24 =	sand.u32 $0x200, s13;
	[dreg:$0x10] =	wrdreg s19  }
0x18: {  	s0 =	sadd.s32 s0, s23;
	p3 =	seq.s32 @!p1 s18, $0x1;
	[dreg:$0x12] =	wrdreg s26  }
0x19: {  	s13 =	simm.s32 $0x9880;
	s20 =	sshrl.u32 s10, $0x1;
	[dreg:$0x17] =	wrdreg s0  }
0x1a: {  	v0 =	vimm.f32 $9.999000000e+03;
	vm0 =	vcmask $0x300;
	s25 =	sand.u32 $0x70, s12;
	s14 =	sadd.s32 s14, s12;
	[dreg:$0x18] =	wrdreg s9  }
0x1b: {  	vm14 =	vcmask $0x704;
	v0 =	vsel vm0, $0x461C0000, v0;
	s15 =	sadd.s32 s15, s12;
	s21 =	sadd.s32 $0x4E0, s16;
	[dreg:$0x11] =	wrdreg s14  }
0x1c: {  	vm15 =	vcmask $0xB08;
	v0 =	vsel vm14, $0x461C0400, v0;
	p3 =	por !p3, p1;
	s22 =	sadd.s32 $0x4E0, s17;
	[dreg:$0x1d] =	wrdreg s21  }
0x1d: {  	vm4 =	vcmask $0xF0C;
	v0 =	vsel vm15, $0x461C0800, v0;
	s28 =	sadd.s32 s17, s12;
	s26 =	sadd.s32 $0x10000, s26;
	[dreg:$0x1e] =	wrdreg s22  }
0x1e: {  	vm5 =	vcmask $0x1310;
	s0 =	sadd.s32 $0x10000, s0;
	s30 =	sadd.s32 $0x10000, s9;
	v0 =	vsel vm4, $0x461C0C00, v0;
	[smem:$0x7FB] =	sst s26  }
0x1f: {  	vm6 =	vcmask $0x1714;
	s3 =	simm.s32 $0x5;
	s17 =	simm.s32 $0x80;
	[smem:$0x7FC] =	sst s0;
	v0 =	vsel vm5, $0x461C1000, v0  }
0x20: {  	vm7 =	vcmask $0x1B18;
	s10 =	ssub.s32 s10, s20;
	s20 =	sadd.s32 s16, s12;
	[smem:$0x7FD] =	sst s30;
	v0 =	vsel vm6, $0x461C1400, v0  }
0x21: {  	vm8 =	vcmask $0x1F1C;
	s1 =	sor.u32 s25, s24;
	s25 =	sadd.s32 $0x10000, s19;
	[dreg:$0x1c] =	wrdreg s20;
	v0 =	vsel vm7, $0x461C1800, v0  }
0x22: {  	vm9 =	vcmask $0x2320;
	s1 =	sadd.s32 s8, s1;
	s8 =	sadd.s32 $0x11C00, s7;
	[smem:$0x7FA] =	sst s25;
	v0 =	vsel vm8, $0x461C1C00, v0  }
0x23: {  	vm10 =	vcmask $0x2724;
	s9 =	simm.s32 $0x4000;
	s14 =	smax.u32 s10, $0x1;
	[dreg:$0x16] =	wrdreg s8;
	v0 =	vsel vm9, $0x461C2000, v0  }
0x24: {  	vm11 =	vcmask $0x2B28;
	s0 =	simm.s32 $0x8080;
	s16 =	simm.s32 $0x9B00;
	[dreg:$0x1b] =	wrdreg s14;
	v0 =	vsel vm10, $0x461C2400, v0  }
.Ltmp0:
0x25: {  	vm12 =	vcmask $0x2F2C;
	s23 =	sadd.s32 $0x400, s1;
	[dreg:$0x14] =	wrdreg s1;
	v0 =	vsel vm11, $0x461C2800, v0;
	(pc) =	sbr.rel .LBB2_1-.Ltmp0, $4  }
0x26: {  	vm13 =	vcmask $0x3330;
	s22 =	simm.s32 $0x0;
	s24 =	sadd.s32 $0x800, s1;
	[dreg:$0x1f] =	wrdreg s23;
	v0 =	vsel vm12, $0x461C2C00, v0  }
0x27: {  	v1 =	vlaneseq.u32;
	vm14 =	vcmask $0x3734;
	s10 =	sor.u32 $0x20, s18;
	s1 =	sadd.s32 $0xC00, s1;
	[smem:$0x7F8] =	sst s24;
	v0 =	vsel vm13, $0x461C3000, v0  }
0x28: {  	v3 =	vimm.f32 $1.000000000e+00;
	vm15 =	vcmask $0x3B38;
	s20 =	sshll.u32 s18, $0x7;
	s7 =	simm.s32 $0x9600;
	[smem:$0x7F9] =	sst s1;
	v4 =	vsel vm14, $0x461C3400, v0  }
0x29: {  	v2 =	vor.u32 $0x200, v1;
	s24 =	simm.s32 $0x8000;
	s1 =	simm.s32 $0x9380;
	s23 =	simm.s32 $0x3;
	v0 =	vimm.f32 $0.0e+00;
	v4 =	vsel vm15, $0x461C3800, v4  }
.LBB2_18:
0x2a: {  	s2 =	rddreg @!p2 [dreg:$0x19]  }
0x2b: {  	[tilespmem:s6], [sflag:$0x5] =	stream.linear.gather @!p2 [hbm4b:s2+s6], $0x800, $0x38;
	[tilespmem:$0xBD80] =	vst v63  }
0x2c: {  	_ =	swait.ge @!p2 [sflag:s3], $0x800  }
0x2d: {  	[sflag:s3] =	ssyncset.done @!p2 $0x0  }
0x2e: {  	s8 =	simm.s32 @!p2 $0x8300;
	s2 =	rddreg @!p2 [dreg:$0x1d];
	[sflag:s3] =	ssyncadd.s32 @!p2 $0xFFFFF800  }
0x2f: {  	[tilespmem:s8], [sflag:$0x5] =	stream.linear.gather @!p2 [hbm4b:s2+s6], $0x10, $0x38;
	[tilespmem:$0xBD80] =	vst v63  }
0x30: {  	_ =	swait.ge @!p2 [sflag:s3], $0x10  }
0x31: {  	[sflag:s3] =	ssyncset.done @!p2 $0x0  }
0x32: {  	s2 =	rddreg @!p2 [dreg:$0x1e];
	[sflag:s3] =	ssyncadd.s32 @!p2 $0xFFFFFFF0  }
0x33: {  	[tilespmem:s29], [sflag:$0x5] =	stream.linear.gather @!p2 [hbm4b:s2+s6], $0x80, $0x38;
	[tilespmem:$0xBD80] =	vst v63  }
0x34: {  	s2 =	sadd.s32 @!p2 $0x10, s2  }
0x35: {  	[tilespmem:s31], [sflag:$0x5] =	stream.linear.gather @!p2 [hbm4b:s2+s6], $0x80, $0x38;
	[tilespmem:$0xBD80] =	vst v63  }
0x36: {  	_ =	swait.ge @!p2 [sflag:s3], $0x100  }
0x37: {  	[sflag:s3] =	ssyncset.done @!p2 $0x0  }
0x38: {  	[sflag:s3] =	ssyncadd.s32 @!p2 $0xFFFFFF00  }
0x39: {  	v5 =	vld @!p2 [tilespmem:$0x8300]  }
0x3a: {  	v6 =	vld @!p2 [tilespmem:$0x8110];
	_ =	sdelay $0x4  }
0x3b: {  	vm0 =	veq.s32 @!p2 v5, v6  }
0x3c: {  	v5 =	vsel @!p2 vm0, v2, v5;
	_ =	sdelay $0x4  }
0x3d: {  	[tilespmem:v5+s13+$0x0] =	vst.idx.msk @!p2 $0xffff, v4  }
0x3e: {  	s2 =	simm.s32 @!p2 $0x10;
	[tilespmem:v5+s16+$0x0] =	vst.idx.msk @!p2 $0xffff, v3  }
0x3f: {  	[spmem:s5] =	stream.indirect.scatter.add.f32 @!p2 [tilespmem:s6], [sflag:$0x5], $0x80, s8, s2, $0xb8;
	[tilespmem:$0xBD80] =	vst v63  }
0x40: {  	_ =	swait.ge @!p2 [sflag:s3], $0x800  }
0x41: {  	[sflag:s3] =	ssyncset.done @!p2 $0x0  }
0x42: {  	[sflag:s3] =	ssyncadd.s32 @!p2 $0xFFFFF800  }
0x43: {  	[bflag:$0x0] =	sbarrier.arrive $0xFFFF  }
0x44: {  	s21 =	simm.s32 $0x400;
	s19 =	rddreg [dreg:$0x14]  }
0x45: {  	[hbm4b:s19+s17] =	stream.strided.scatter [tilespmem:s1], [sflag:$0x5], $0x200, s21, s17, $0x38;
	[tilespmem:$0xBD80] =	vst v63  }
0x46: {  	_ =	swait.ge [sflag:s3], $0x200  }
0x47: {  	[sflag:s3] =	ssyncset.done $0x0  }
0x48: {  	s25 =	rddreg [dreg:$0x1f];
	[sflag:s3] =	ssyncadd.s32 $0xFFFFFE00  }
0x49: {  	[hbm4b:s25+s17] =	stream.strided.scatter [tilespmem:s7], [sflag:$0x5], $0x200, s21, s17, $0x38;
	[tilespmem:$0xBD80] =	vst v63  }
0x4a: {  	_ =	swait.ge [sflag:s3], $0x200  }
0x4b: {  	s26 =	sld [smem:$0x7F8]  }
0x4c: {  	[sflag:s3] =	ssyncset.done $0x0  }
0x4d: {  	[sflag:s3] =	ssyncadd.s32 $0xFFFFFE00  }
0x4e: {  	[hbm4b:s26+s17] =	stream.strided.scatter [tilespmem:s13], [sflag:$0x5], $0x200, s21, s17, $0x38;
	[tilespmem:$0xBD80] =	vst v63  }
0x4f: {  	_ =	swait.ge [sflag:s3], $0x200  }
0x50: {  	s30 =	sld [smem:$0x7F9]  }
0x51: {  	[sflag:s3] =	ssyncset.done $0x0  }
0x52: {  	[sflag:s3] =	ssyncadd.s32 $0xFFFFFE00  }
0x53: {  	[hbm4b:s30+s17] =	stream.strided.scatter [tilespmem:s16], [sflag:$0x5], $0x200, s21, s17, $0x38;
	[tilespmem:$0xBD80] =	vst v63  }
0x54: {  	_ =	swait.ge [sflag:s3], $0x200  }
0x55: {  	s2 =	sshrl.u32 @p1 s4, $0x3;
	[sflag:s3] =	ssyncset.done $0x0  }
0x56: {  	s8 =	simm.s32 @p1 $0x1C05;
	s11 =	rddreg [dreg:$0x1a];
	[sflag:s3] =	ssyncadd.s32 $0xFFFFFE00  }
0x57: {  	[hbm:s11], [sflag:s8] =	dma.local @p1 [spmem:s2], $0x2000  }
0x58: {  	s2 =	simm.s32 @p1 $0x5  }
0x59: {  	_ =	swait.ge @p1 [sflag:s2], $0x2000  }
0x5a: {  	s8 =	simm.s32 @!p3 $0x1C45;
	[sflag:s2] =	ssyncset.done @p1 $0x0  }
0x5b: {  	s11 =	rddreg [dreg:$0xd];
	[sflag:s2] =	ssyncadd.s32 @p1 $0xFFFFE000;
	s2 =	sshrl.u32 @!p3 s5, $0x3  }
0x5c: {  	[hbm:s11], [sflag:s8] =	dma.local @!p3 [spmem:s2], $0x2000  }
0x5d: {  	s2 =	simm.s32 @!p3 $0x5  }
0x5e: {  	_ =	swait.ge @!p3 [sflag:s2], $0x2000  }
0x5f: {  	[sflag:s2] =	ssyncset.done @!p3 $0x0  }
0x60: {  	[sflag:s2] =	ssyncadd.s32 @!p3 $0xFFFFE000  }
.LBB2_34:
0x61: {  	s22 =	sadd.s32 $0x1, s22;
	s2 =	rddreg [dreg:$0x1b]  }
0x62: {  	p4 =	sne.s32 s22, s2  }
.Ltmp1:
0x63: {  	_ = 	snop;
	(pc) =	sbr.rel @!p4 .LBB2_35-.Ltmp1, $1  }
0x64: {  	_ =	sdelay $0x3  }
.LBB2_1:
0x65: {  	s8 =	simm.s32 $0x0;
	s11 =	simm.s32 $0x200  }
.LBB2_2:
0x66: {  	p4 =	sne.s32 s11, $0x3E00;
	[tilespmem:s8+$0x83F0] =	vst v0  }
0x67: {  	[tilespmem:s8+$0x8380] =	vst v0  }
0x68: {  	[tilespmem:s8+$0x8390] =	vst v0  }
.Ltmp2:
0x69: {  	[tilespmem:s8+$0x83A0] =	vst v0;
	(pc) =	sbr.rel @p4 .LBB2_2-.Ltmp2, $4  }
0x6a: {  	[tilespmem:s8+$0x83B0] =	vst v0  }
0x6b: {  	[tilespmem:s8+$0x83C0] =	vst v0  }
0x6c: {  	[tilespmem:s8+$0x83D0] =	vst v0  }
0x6d: {  	[tilespmem:s8+$0x83E0] =	vst v0;
	s8 =	sshra.s32 s11, $0x2;
	s11 =	sadd.s32 $0x200, s11  }
0x6e: {  	[tilespmem:s8+$0x83F0] =	vst v0  }
0x6f: {  	[tilespmem:s8+$0x8380] =	vst v0  }
0x70: {  	[tilespmem:s8+$0x8390] =	vst v0  }
0x71: {  	[tilespmem:s8+$0x83A0] =	vst v0  }
0x72: {  	[tilespmem:s8+$0x83B0] =	vst v0  }
0x73: {  	[tilespmem:s8+$0x83C0] =	vst v0  }
0x74: {  	[tilespmem:s8+$0x83D0] =	vst v0  }
0x75: {  	[tilespmem:s8+$0x83E0] =	vst v0;
	s11 =	simm.s32 $0x40;
	s8 =	simm.s32 $0x0  }
.LBB2_4:
0x76: {  	p4 =	sne.s32 s11, $0x800;
	[tilespmem:s8+$0x9B00] =	vst v0;
	s14 =	smov.u32 s11;
	s11 =	sadd.s32 $0x40, s11  }
.Ltmp3:
0x77: {  	[tilespmem:s8+$0x9880] =	vst v0;
	(pc) =	sbr.rel @p4 .LBB2_4-.Ltmp3, $3  }
0x78: {  	[tilespmem:s8+$0x9380] =	vst v0  }
0x79: {  	[tilespmem:s8+$0x9600] =	vst v0;
	_ =	sdelay $0x1  }
0x7a: {  	s8 =	sshra.s32 s14, $0x2  }
0x7b: {  	[tilespmem:s8+$0x9B00] =	vst v0  }
0x7c: {  	[tilespmem:s8+$0x9880] =	vst v0  }
0x7d: {  	[tilespmem:s8+$0x9380] =	vst v0  }
0x7e: {  	[tilespmem:s8+$0x9600] =	vst v0;
	s2 =	rddreg [dreg:$0xe];
	s26 =	simm.s32 $0x8380  }
0x7f: {  	[spmem:s2] =	stream.linear.scatter [tilespmem:s26], [sflag:$0x5], $0x1000, $0x38;
	[tilespmem:$0xBD80] =	vst v63  }
0x80: {  	_ =	swait.ge [sflag:s3], $0x1000  }
0x81: {  	[sflag:s3] =	ssyncset.done $0x0  }
0x82: {  	s30 =	rddreg [dreg:$0xf];
	[sflag:s3] =	ssyncadd.s32 $0xFFFFF000  }
0x83: {  	[spmem:s30] =	stream.linear.scatter [tilespmem:s26], [sflag:$0x5], $0x1000, $0x38;
	[tilespmem:$0xBD80] =	vst v63  }
.Ltmp4:
0x84: {  	_ =	swait.ge [sflag:s3], $0x1000;
	(pc) =	sbr.rel @p0 .LBB2_19-.Ltmp4, $4  }
0x85: {  	[sflag:s3] =	ssyncset.done $0x0  }
0x86: {  	[sflag:s3] =	ssyncadd.s32 $0xFFFFF000  }
0x87: {  	[bflag:$0x0] =	sbarrier.arrive $0xFFFF  }
0x88: {  	s18 =	simm.s32 $0x0  }
0x89: {  	s2 =	rddreg [dreg:$0x17]  }
0x8a: {  	[tilespmem:s18], [sflag:$0x1] =	stream.linear.gather [hbm4b:s2+s18], $0x4000, $0x38;
	[tilespmem:$0xBD80] =	vst v63  }
0x8b: {  	s30 =	rddreg [dreg:$0x11]  }
0x8c: {  	[tilespmem:s24], [sflag:$0x1] =	stream.linear.gather [hbm4b:s30+s18], $0x80, $0x38;
	[tilespmem:$0xBD80] =	vst v63  }
.Ltmp5:
0x8d: {  	s11 =	rddreg [dreg:$0x4];
	(pc) =	sbr.rel .LBB2_7-.Ltmp5, $4  }
0x8e: {  	[tilespmem:s29], [sflag:$0x1] =	stream.linear.gather [hbm4b:s15+s18], $0x80, $0x38;
	[tilespmem:$0xBD80] =	vst v63  }
0x8f: {  	s8 =	sadd.s32 $0x10, s15;
	s25 =	sld [smem:$0x7FC]  }
0x90: {  	[tilespmem:s31], [sflag:$0x1] =	stream.linear.gather [hbm4b:s8+s18], $0x80, $0x38;
	[tilespmem:$0xBD80] =	vst v63  }
0x91: {  	s19 =	smov.u32 s10;
	s8 =	rddreg [dreg:$0xc]  }
.LBB2_11:
0x92: {  	s18 =	sadd.s32 $0x1000, s18  }
0x93: {  	p4 =	sne.s32 s18, $0x4F000  }
.Ltmp6:
0x94: {  	_ = 	snop;
	(pc) =	sbr.rel @!p4 .LBB2_12-.Ltmp6, $3  }
0x95: {  	_ =	sdelay $0x1  }
0x96: {  	s25 =	sadd.s32 $0x10000, s25  }
0x97: {  	s8 =	sadd.s32 $0x200, s8;
	s11 =	sadd.s32 $0x200, s11;
	s19 =	sadd.s32 $0x20, s19  }
.LBB2_7:
0x98: {  	s14 =	sadd.s32 $0xFFFFFFE0, s19  }
0x99: {  	p5 =	sgt.u32 s14, $0x9C3  }
0x9a: {  	s14 =	simm.s32 @!p5 $0x1  }
0x9b: {  	_ =	swait.ge @!p5 [sflag:s14], $0x4000  }
0x9c: {  	[sflag:s14] =	ssyncset.done @!p5 $0x0  }
0x9d: {  	[sflag:s14] =	ssyncadd.s32 @!p5 $0xFFFFC000  }
0x9e: {  	_ =	swait.ge @!p5 [sflag:s14], $0x80  }
0x9f: {  	[sflag:s14] =	ssyncset.done @!p5 $0x0  }
0xa0: {  	[sflag:s14] =	ssyncadd.s32 @!p5 $0xFFFFFF80  }
0xa1: {  	_ =	swait.ge @!p5 [sflag:s14], $0x100  }
0xa2: {  	p4 =	seq.s32 s18, $0x0;
	[sflag:s14] =	ssyncset.done @!p5 $0x0  }
0xa3: {  	[sflag:s14] =	ssyncadd.s32 @!p5 $0xFFFFFF00;
	s14 =	simm.s32 @!p4 $0x4  }
0xa4: {  	_ =	swait.ge @!p4 [sflag:s14], $0x4000  }
0xa5: {  	s26 =	sadd.s32 $0xFFFFFFF0, s19;
	[sflag:s14] =	ssyncset.done @!p4 $0x0  }
0xa6: {  	[sflag:s14] =	ssyncadd.s32 @!p4 $0xFFFFC000;
	p4 =	sgt.u32 s26, $0x9C3  }
0xa7: {  	s14 =	sadd.s32 @!p4 $0xFFFF8000, s25;
	s26 =	simm.s32 @!p4 $0x0;
	s2 =	simm.s32 @!p4 $0x4000  }
0xa8: {  	[tilespmem:s2], [sflag:$0x2] =	stream.linear.gather @!p4 [hbm4b:s14+s26], $0x4000, $0x38;
	[tilespmem:$0xBD80] =	vst v63  }
0xa9: {  	s2 =	sadd.s32 @!p4 s11, s12  }
0xaa: {  	s14 =	simm.s32 @!p4 $0x8080;
	s2 =	sadd.s32 @!p4 $0x100, s2  }
0xab: {  	[tilespmem:s14], [sflag:$0x2] =	stream.linear.gather @!p4 [hbm4b:s2+s26], $0x80, $0x38;
	[tilespmem:$0xBD80] =	vst v63  }
0xac: {  	s2 =	sadd.s32 @!p4 s8, s12  }
.Ltmp7:
0xad: {  	s30 =	simm.s32 @!p4 $0x8180;
	s14 =	sadd.s32 @!p4 $0x100, s2;
	(pc) =	sbr.rel @p5 .LBB2_9-.Ltmp7, $4  }
0xae: {  	[tilespmem:s30], [sflag:$0x2] =	stream.linear.gather @!p4 [hbm4b:s14+s26], $0x80, $0x38;
	[tilespmem:$0xBD80] =	vst v63  }
0xaf: {  	s2 =	sadd.s32 @!p4 $0x110, s2;
	s14 =	simm.s32 @!p4 $0x8280  }
0xb0: {  	[tilespmem:s14], [sflag:$0x2] =	stream.linear.gather @!p4 [hbm4b:s2+s26], $0x80, $0x38;
	[tilespmem:$0xBD80] =	vst v63  }
0xb1: {  	s14 =	sadd.s32 s18, s20  }
0xb2: {  	v5 =	vld [tilespmem:$0x8000]  }
0xb3: {  	v6 =	vld [tilespmem:$0x8110];
	_ =	sdelay $0x4  }
0xb4: {  	vm0 =	veq.s32 v5, v6  }
0xb5: {  	v5 =	vsel vm0, v2, v5;
	_ =	sdelay $0x1  }
0xb6: {  	v6 =	vor.u32 s14, v1  }
0xb7: {  	v6 =	vcvt.s32.f32 v6;
	_ =	sdelay $0x1  }
0xb8: {  	[tilespmem:v5+s1+$0x0] =	vst.idx.msk $0xffff, v6  }
0xb9: {  	[tilespmem:v5+s7+$0x0] =	vst.idx.msk $0xffff, v3  }
0xba: {  	v5 =	vld [tilespmem:$0x8010]  }
0xbb: {  	v6 =	vld [tilespmem:$0x8120];
	_ =	sdelay $0x4  }
0xbc: {  	vm9 =	veq.s32 v5, v6  }
0xbd: {  	v5 =	vsel vm9, v2, v5  }
0xbe: {  	s2 =	sadd.s32 $0x10, s14  }
0xbf: {  	v6 =	vor.u32 s2, v1  }
0xc0: {  	v6 =	vcvt.s32.f32 v6;
	_ =	sdelay $0x1  }
0xc1: {  	[tilespmem:v5+s1+$0x0] =	vst.idx.msk $0xffff, v6  }
0xc2: {  	[tilespmem:v5+s7+$0x0] =	vst.idx.msk $0xffff, v3  }
0xc3: {  	v5 =	vld [tilespmem:$0x8020]  }
0xc4: {  	v6 =	vld [tilespmem:$0x8130];
	_ =	sdelay $0x4  }
0xc5: {  	vm10 =	veq.s32 v5, v6  }
0xc6: {  	v5 =	vsel vm10, v2, v5  }
0xc7: {  	s21 =	sadd.s32 $0x20, s14  }
0xc8: {  	v6 =	vor.u32 s21, v1  }
0xc9: {  	v6 =	vcvt.s32.f32 v6;
	_ =	sdelay $0x1  }
0xca: {  	[tilespmem:v5+s1+$0x0] =	vst.idx.msk $0xffff, v6  }
0xcb: {  	[tilespmem:v5+s7+$0x0] =	vst.idx.msk $0xffff, v3  }
0xcc: {  	v5 =	vld [tilespmem:$0x8030]  }
0xcd: {  	v6 =	vld [tilespmem:$0x8140];
	_ =	sdelay $0x4  }
0xce: {  	vm11 =	veq.s32 v5, v6  }
0xcf: {  	v5 =	vsel vm11, v2, v5  }
0xd0: {  	s26 =	sadd.s32 $0x30, s14  }
0xd1: {  	v6 =	vor.u32 s26, v1  }
0xd2: {  	v6 =	vcvt.s32.f32 v6;
	_ =	sdelay $0x1  }
0xd3: {  	[tilespmem:v5+s1+$0x0] =	vst.idx.msk $0xffff, v6  }
0xd4: {  	[tilespmem:v5+s7+$0x0] =	vst.idx.msk $0xffff, v3  }
0xd5: {  	v5 =	vld [tilespmem:$0x8040]  }
0xd6: {  	v6 =	vld [tilespmem:$0x8150];
	_ =	sdelay $0x4  }
0xd7: {  	vm12 =	veq.s32 v5, v6  }
0xd8: {  	v5 =	vsel vm12, v2, v5  }
0xd9: {  	s30 =	sadd.s32 $0x40, s14  }
0xda: {  	v6 =	vor.u32 s30, v1  }
0xdb: {  	v6 =	vcvt.s32.f32 v6;
	_ =	sdelay $0x1  }
0xdc: {  	[tilespmem:v5+s1+$0x0] =	vst.idx.msk $0xffff, v6  }
0xdd: {  	[tilespmem:v5+s7+$0x0] =	vst.idx.msk $0xffff, v3  }
0xde: {  	v5 =	vld [tilespmem:$0x8050]  }
0xdf: {  	v6 =	vld [tilespmem:$0x8160];
	_ =	sdelay $0x4  }
0xe0: {  	vm13 =	veq.s32 v5, v6  }
0xe1: {  	v5 =	vsel vm13, v2, v5  }
0xe2: {  	s21 =	sadd.s32 $0x50, s14  }
0xe3: {  	v6 =	vor.u32 s21, v1  }
0xe4: {  	v6 =	vcvt.s32.f32 v6;
	_ =	sdelay $0x1  }
0xe5: {  	[tilespmem:v5+s1+$0x0] =	vst.idx.msk $0xffff, v6  }
0xe6: {  	[tilespmem:v5+s7+$0x0] =	vst.idx.msk $0xffff, v3  }
0xe7: {  	v5 =	vld [tilespmem:$0x8060]  }
0xe8: {  	v6 =	vld [tilespmem:$0x8170];
	_ =	sdelay $0x4  }
0xe9: {  	vm14 =	veq.s32 v5, v6  }
0xea: {  	v5 =	vsel vm14, v2, v5  }
0xeb: {  	s26 =	sadd.s32 $0x60, s14  }
0xec: {  	v6 =	vor.u32 s26, v1  }
0xed: {  	v6 =	vcvt.s32.f32 v6;
	_ =	sdelay $0x1  }
0xee: {  	[tilespmem:v5+s1+$0x0] =	vst.idx.msk $0xffff, v6  }
0xef: {  	[tilespmem:v5+s7+$0x0] =	vst.idx.msk $0xffff, v3  }
0xf0: {  	v5 =	vld [tilespmem:$0x8070]  }
0xf1: {  	v6 =	vld [tilespmem:$0x8200];
	_ =	sdelay $0x4  }
0xf2: {  	vm15 =	veq.s32 v5, v6  }
0xf3: {  	v5 =	vsel vm15, v2, v5  }
0xf4: {  	s30 =	sadd.s32 $0x70, s14  }
0xf5: {  	v6 =	vor.u32 s30, v1  }
0xf6: {  	v6 =	vcvt.s32.f32 v6;
	_ =	sdelay $0x1  }
0xf7: {  	[tilespmem:v5+s1+$0x0] =	vst.idx.msk $0xffff, v6  }
0xf8: {  	s2 =	simm.s32 @!p4 $0x2;
	[tilespmem:v5+s7+$0x0] =	vst.idx.msk $0xffff, v3  }
0xf9: {  	[spmem:s4] =	stream.indirect.scatter.add.f32 [tilespmem:s6], [sflag:$0x3], $0x80, s24, s17, $0xb8;
	[tilespmem:$0xBD80] =	vst v63  }
0xfa: {  	_ =	swait.ge @!p4 [sflag:s2], $0x4000  }
0xfb: {  	[sflag:s2] =	ssyncset.done @!p4 $0x0  }
0xfc: {  	[sflag:s2] =	ssyncadd.s32 @!p4 $0xFFFFC000  }
0xfd: {  	_ =	swait.ge @!p4 [sflag:s2], $0x80  }
0xfe: {  	[sflag:s2] =	ssyncset.done @!p4 $0x0  }
0xff: {  	[sflag:s2] =	ssyncadd.s32 @!p4 $0xFFFFFF80  }
0x100: {  	_ =	swait.ge @!p4 [sflag:s2], $0x100  }
0x101: {  	[sflag:s2] =	ssyncset.done @!p4 $0x0  }
0x102: {  	[sflag:s2] =	ssyncadd.s32 @!p4 $0xFFFFFF00  }
0x103: {  	_ =	swait.ge [sflag:s23], $0x4000  }
0x104: {  	[sflag:s23] =	ssyncset.done $0x0  }
0x105: {  	[sflag:s23] =	ssyncadd.s32 $0xFFFFC000  }
.LBB2_9:
0x106: {  	p5 =	sgt.u32 s19, $0x9C3  }
0x107: {  	s2 =	simm.s32 @!p5 $0x0;
	s26 =	sadd.s32 @!p5 s11, s12  }
0x108: {  	[tilespmem:s2], [sflag:$0x1] =	stream.linear.gather @!p5 [hbm4b:s25+s2], $0x4000, $0x38;
	[tilespmem:$0xBD80] =	vst v63  }
0x109: {  	s30 =	simm.s32 @!p5 $0x8000;
	s26 =	sadd.s32 @!p5 $0x200, s26  }
0x10a: {  	[tilespmem:s30], [sflag:$0x1] =	stream.linear.gather @!p5 [hbm4b:s26+s2], $0x80, $0x38;
	[tilespmem:$0xBD80] =	vst v63  }
.Ltmp8:
0x10b: {  	s26 =	sadd.s32 @!p5 s8, s12;
	(pc) =	sbr.rel @p4 .LBB2_11-.Ltmp8, $4  }
0x10c: {  	s21 =	simm.s32 @!p5 $0x8100;
	s30 =	sadd.s32 @!p5 $0x200, s26  }
0x10d: {  	[tilespmem:s21], [sflag:$0x1] =	stream.linear.gather @!p5 [hbm4b:s30+s2], $0x80, $0x38;
	[tilespmem:$0xBD80] =	vst v63  }
0x10e: {  	s21 =	sadd.s32 @!p5 $0x210, s26;
	s26 =	simm.s32 @!p5 $0x8200  }
0x10f: {  	[tilespmem:s26], [sflag:$0x1] =	stream.linear.gather @!p5 [hbm4b:s21+s2], $0x80, $0x38;
	[tilespmem:$0xBD80] =	vst v63  }
0x110: {  	v5 =	vld [tilespmem:$0x8080]  }
0x111: {  	v6 =	vld [tilespmem:$0x8190];
	_ =	sdelay $0x4  }
0x112: {  	vm0 =	veq.s32 v5, v6  }
0x113: {  	v5 =	vsel vm0, v2, v5  }
0x114: {  	s2 =	sadd.s32 $0x800, s14  }
0x115: {  	v6 =	vor.u32 s2, v1  }
0x116: {  	v6 =	vcvt.s32.f32 v6;
	_ =	sdelay $0x1  }
0x117: {  	[tilespmem:v5+s1+$0x0] =	vst.idx.msk $0xffff, v6  }
0x118: {  	[tilespmem:v5+s7+$0x0] =	vst.idx.msk $0xffff, v3  }
0x119: {  	v5 =	vld [tilespmem:$0x8090]  }
0x11a: {  	v6 =	vld [tilespmem:$0x81A0];
	_ =	sdelay $0x4  }
0x11b: {  	vm9 =	veq.s32 v5, v6  }
0x11c: {  	v5 =	vsel vm9, v2, v5  }
0x11d: {  	s30 =	sadd.s32 $0x810, s14  }
0x11e: {  	v6 =	vor.u32 s30, v1  }
0x11f: {  	v6 =	vcvt.s32.f32 v6;
	_ =	sdelay $0x1  }
0x120: {  	[tilespmem:v5+s1+$0x0] =	vst.idx.msk $0xffff, v6  }
0x121: {  	[tilespmem:v5+s7+$0x0] =	vst.idx.msk $0xffff, v3  }
0x122: {  	v5 =	vld [tilespmem:$0x80A0]  }
0x123: {  	v6 =	vld [tilespmem:$0x81B0];
	_ =	sdelay $0x4  }
0x124: {  	vm10 =	veq.s32 v5, v6  }
0x125: {  	v5 =	vsel vm10, v2, v5  }
0x126: {  	s21 =	sadd.s32 $0x820, s14  }
0x127: {  	v6 =	vor.u32 s21, v1  }
0x128: {  	v6 =	vcvt.s32.f32 v6;
	_ =	sdelay $0x1  }
0x129: {  	[tilespmem:v5+s1+$0x0] =	vst.idx.msk $0xffff, v6  }
0x12a: {  	[tilespmem:v5+s7+$0x0] =	vst.idx.msk $0xffff, v3  }
0x12b: {  	v5 =	vld [tilespmem:$0x80B0]  }
0x12c: {  	v6 =	vld [tilespmem:$0x81C0];
	_ =	sdelay $0x4  }
0x12d: {  	vm11 =	veq.s32 v5, v6  }
0x12e: {  	v5 =	vsel vm11, v2, v5  }
0x12f: {  	s26 =	sadd.s32 $0x830, s14  }
0x130: {  	v6 =	vor.u32 s26, v1  }
0x131: {  	v6 =	vcvt.s32.f32 v6;
	_ =	sdelay $0x1  }
0x132: {  	[tilespmem:v5+s1+$0x0] =	vst.idx.msk $0xffff, v6  }
0x133: {  	[tilespmem:v5+s7+$0x0] =	vst.idx.msk $0xffff, v3  }
0x134: {  	v5 =	vld [tilespmem:$0x80C0]  }
0x135: {  	v6 =	vld [tilespmem:$0x81D0];
	_ =	sdelay $0x4  }
0x136: {  	vm12 =	veq.s32 v5, v6  }
0x137: {  	v5 =	vsel vm12, v2, v5  }
0x138: {  	s30 =	sadd.s32 $0x840, s14  }
0x139: {  	v6 =	vor.u32 s30, v1  }
0x13a: {  	v6 =	vcvt.s32.f32 v6;
	_ =	sdelay $0x1  }
0x13b: {  	[tilespmem:v5+s1+$0x0] =	vst.idx.msk $0xffff, v6  }
0x13c: {  	[tilespmem:v5+s7+$0x0] =	vst.idx.msk $0xffff, v3  }
0x13d: {  	v5 =	vld [tilespmem:$0x80D0]  }
0x13e: {  	v6 =	vld [tilespmem:$0x81E0];
	_ =	sdelay $0x4  }
0x13f: {  	vm13 =	veq.s32 v5, v6  }
0x140: {  	v5 =	vsel vm13, v2, v5  }
0x141: {  	s21 =	sadd.s32 $0x850, s14  }
0x142: {  	v6 =	vor.u32 s21, v1  }
0x143: {  	v6 =	vcvt.s32.f32 v6;
	_ =	sdelay $0x1  }
0x144: {  	[tilespmem:v5+s1+$0x0] =	vst.idx.msk $0xffff, v6  }
0x145: {  	[tilespmem:v5+s7+$0x0] =	vst.idx.msk $0xffff, v3  }
0x146: {  	v5 =	vld [tilespmem:$0x80E0]  }
0x147: {  	v6 =	vld [tilespmem:$0x81F0];
	_ =	sdelay $0x4  }
0x148: {  	vm14 =	veq.s32 v5, v6  }
0x149: {  	v5 =	vsel vm14, v2, v5  }
0x14a: {  	s26 =	sadd.s32 $0x860, s14  }
0x14b: {  	v6 =	vor.u32 s26, v1  }
0x14c: {  	v6 =	vcvt.s32.f32 v6;
	_ =	sdelay $0x1  }
0x14d: {  	[tilespmem:v5+s1+$0x0] =	vst.idx.msk $0xffff, v6  }
0x14e: {  	[tilespmem:v5+s7+$0x0] =	vst.idx.msk $0xffff, v3  }
0x14f: {  	v5 =	vld [tilespmem:$0x80F0]  }
0x150: {  	v6 =	vld [tilespmem:$0x8280];
	_ =	sdelay $0x4  }
0x151: {  	vm15 =	veq.s32 v5, v6  }
0x152: {  	v5 =	vsel vm15, v2, v5  }
0x153: {  	s30 =	sadd.s32 $0x870, s14  }
0x154: {  	v6 =	vor.u32 s30, v1  }
.Ltmp9:
0x155: {  	v6 =	vcvt.s32.f32 v6;
	(pc) =	sbr.rel .LBB2_11-.Ltmp9, $4  }
0x156: {  	_ = 	snop  }
0x157: {  	[tilespmem:v5+s1+$0x0] =	vst.idx.msk $0xffff, v6  }
0x158: {  	[tilespmem:v5+s7+$0x0] =	vst.idx.msk $0xffff, v3  }
0x159: {  	[spmem:s4] =	stream.indirect.scatter.add.f32 [tilespmem:s9], [sflag:$0x4], $0x80, s0, s17, $0xb8;
	[tilespmem:$0xBD80] =	vst v63  }
.LBB2_19:
0x15a: {  	s2 =	rddreg [dreg:$0x10]  }
0x15b: {  	[tilespmem:s18], [sflag:$0x1] =	stream.linear.gather [hbm4b:s2+s18], $0x4000, $0x38;
	[tilespmem:$0xBD80] =	vst v63  }
0x15c: {  	s26 =	rddreg [dreg:$0x11]  }
0x15d: {  	[tilespmem:s24], [sflag:$0x1] =	stream.linear.gather [hbm4b:s26+s18], $0x80, $0x38;
	[tilespmem:$0xBD80] =	vst v63  }
.Ltmp10:
0x15e: {  	s11 =	rddreg [dreg:$0x4];
	(pc) =	sbr.rel .LBB2_20-.Ltmp10, $4  }
0x15f: {  	s8 =	rddreg [dreg:$0xc]  }
0x160: {  	[tilespmem:s29], [sflag:$0x1] =	stream.linear.gather [hbm4b:s15+s18], $0x80, $0x38;
	[tilespmem:$0xBD80] =	vst v63  }
0x161: {  	s30 =	sadd.s32 $0x10, s15;
	s19 =	smov.u32 s10;
	s25 =	sld [smem:$0x7FA]  }
0x162: {  	[tilespmem:s31], [sflag:$0x1] =	stream.linear.gather [hbm4b:s30+s18], $0x80, $0x38;
	[tilespmem:$0xBD80] =	vst v63  }
.LBB2_24:
0x163: {  	s18 =	sadd.s32 $0x1000, s18  }
0x164: {  	p4 =	sne.s32 s18, $0x4F000  }
.Ltmp11:
0x165: {  	_ = 	snop;
	(pc) =	sbr.rel @!p4 .LBB2_25-.Ltmp11, $3  }
0x166: {  	_ =	sdelay $0x1  }
0x167: {  	s8 =	sadd.s32 $0x200, s8  }
0x168: {  	s11 =	sadd.s32 $0x200, s11;
	s19 =	sadd.s32 $0x20, s19;
	s25 =	sadd.s32 $0x10000, s25  }
.LBB2_20:
0x169: {  	s2 =	sadd.s32 $0xFFFFFFE0, s19  }
0x16a: {  	p5 =	sgt.u32 s2, $0x9C3  }
0x16b: {  	s2 =	simm.s32 @!p5 $0x1  }
0x16c: {  	_ =	swait.ge @!p5 [sflag:s2], $0x4000  }
0x16d: {  	[sflag:s2] =	ssyncset.done @!p5 $0x0  }
0x16e: {  	[sflag:s2] =	ssyncadd.s32 @!p5 $0xFFFFC000  }
0x16f: {  	_ =	swait.ge @!p5 [sflag:s2], $0x80  }
0x170: {  	[sflag:s2] =	ssyncset.done @!p5 $0x0  }
0x171: {  	[sflag:s2] =	ssyncadd.s32 @!p5 $0xFFFFFF80  }
0x172: {  	_ =	swait.ge @!p5 [sflag:s2], $0x100  }
0x173: {  	p4 =	seq.s32 s18, $0x0;
	[sflag:s2] =	ssyncset.done @!p5 $0x0  }
0x174: {  	[sflag:s2] =	ssyncadd.s32 @!p5 $0xFFFFFF00;
	s2 =	simm.s32 @!p4 $0x4  }
0x175: {  	_ =	swait.ge @!p4 [sflag:s2], $0x4000  }
0x176: {  	s14 =	sadd.s32 $0xFFFFFFF0, s19;
	[sflag:s2] =	ssyncset.done @!p4 $0x0  }
0x177: {  	[sflag:s2] =	ssyncadd.s32 @!p4 $0xFFFFC000;
	p4 =	sgt.u32 s14, $0x9C3  }
0x178: {  	s2 =	sadd.s32 @!p4 $0xFFFF8000, s25;
	s14 =	simm.s32 @!p4 $0x0;
	s21 =	simm.s32 @!p4 $0x4000  }
0x179: {  	[tilespmem:s21], [sflag:$0x2] =	stream.linear.gather @!p4 [hbm4b:s2+s14], $0x4000, $0x38;
	[tilespmem:$0xBD80] =	vst v63  }
0x17a: {  	s2 =	sadd.s32 @!p4 s11, s12  }
0x17b: {  	s21 =	simm.s32 @!p4 $0x8080;
	s2 =	sadd.s32 @!p4 $0x100, s2  }
0x17c: {  	[tilespmem:s21], [sflag:$0x2] =	stream.linear.gather @!p4 [hbm4b:s2+s14], $0x80, $0x38;
	[tilespmem:$0xBD80] =	vst v63  }
0x17d: {  	s2 =	sadd.s32 @!p4 s8, s12  }
.Ltmp12:
0x17e: {  	s26 =	simm.s32 @!p4 $0x8180;
	s21 =	sadd.s32 @!p4 $0x100, s2;
	(pc) =	sbr.rel @p5 .LBB2_22-.Ltmp12, $4  }
0x17f: {  	[tilespmem:s26], [sflag:$0x2] =	stream.linear.gather @!p4 [hbm4b:s21+s14], $0x80, $0x38;
	[tilespmem:$0xBD80] =	vst v63  }
0x180: {  	s2 =	sadd.s32 @!p4 $0x110, s2;
	s21 =	simm.s32 @!p4 $0x8280  }
0x181: {  	[tilespmem:s21], [sflag:$0x2] =	stream.linear.gather @!p4 [hbm4b:s2+s14], $0x80, $0x38;
	[tilespmem:$0xBD80] =	vst v63  }
0x182: {  	s14 =	sadd.s32 s18, s20  }
0x183: {  	v5 =	vld [tilespmem:$0x8000]  }
0x184: {  	v6 =	vld [tilespmem:$0x8110];
	_ =	sdelay $0x4  }
0x185: {  	vm0 =	veq.s32 v5, v6  }
0x186: {  	v5 =	vsel vm0, v2, v5;
	_ =	sdelay $0x1  }
0x187: {  	v6 =	vor.u32 s14, v1  }
0x188: {  	v6 =	vcvt.s32.f32 v6;
	_ =	sdelay $0x1  }
0x189: {  	[tilespmem:v5+s1+$0x0] =	vst.idx.msk $0xffff, v6  }
0x18a: {  	[tilespmem:v5+s7+$0x0] =	vst.idx.msk $0xffff, v3  }
0x18b: {  	v5 =	vld [tilespmem:$0x8010]  }
0x18c: {  	v6 =	vld [tilespmem:$0x8120];
	_ =	sdelay $0x4  }
0x18d: {  	vm9 =	veq.s32 v5, v6  }
0x18e: {  	v5 =	vsel vm9, v2, v5  }
0x18f: {  	s2 =	sadd.s32 $0x10, s14  }
0x190: {  	v6 =	vor.u32 s2, v1  }
0x191: {  	v6 =	vcvt.s32.f32 v6;
	_ =	sdelay $0x1  }
0x192: {  	[tilespmem:v5+s1+$0x0] =	vst.idx.msk $0xffff, v6  }
0x193: {  	[tilespmem:v5+s7+$0x0] =	vst.idx.msk $0xffff, v3  }
0x194: {  	v5 =	vld [tilespmem:$0x8020]  }
0x195: {  	v6 =	vld [tilespmem:$0x8130];
	_ =	sdelay $0x4  }
0x196: {  	vm10 =	veq.s32 v5, v6  }
0x197: {  	v5 =	vsel vm10, v2, v5  }
0x198: {  	s21 =	sadd.s32 $0x20, s14  }
0x199: {  	v6 =	vor.u32 s21, v1  }
0x19a: {  	v6 =	vcvt.s32.f32 v6;
	_ =	sdelay $0x1  }
0x19b: {  	[tilespmem:v5+s1+$0x0] =	vst.idx.msk $0xffff, v6  }
0x19c: {  	[tilespmem:v5+s7+$0x0] =	vst.idx.msk $0xffff, v3  }
0x19d: {  	v5 =	vld [tilespmem:$0x8030]  }
0x19e: {  	v6 =	vld [tilespmem:$0x8140];
	_ =	sdelay $0x4  }
0x19f: {  	vm11 =	veq.s32 v5, v6  }
0x1a0: {  	v5 =	vsel vm11, v2, v5  }
0x1a1: {  	s26 =	sadd.s32 $0x30, s14  }
0x1a2: {  	v6 =	vor.u32 s26, v1  }
0x1a3: {  	v6 =	vcvt.s32.f32 v6;
	_ =	sdelay $0x1  }
0x1a4: {  	[tilespmem:v5+s1+$0x0] =	vst.idx.msk $0xffff, v6  }
0x1a5: {  	[tilespmem:v5+s7+$0x0] =	vst.idx.msk $0xffff, v3  }
0x1a6: {  	v5 =	vld [tilespmem:$0x8040]  }
0x1a7: {  	v6 =	vld [tilespmem:$0x8150];
	_ =	sdelay $0x4  }
0x1a8: {  	vm12 =	veq.s32 v5, v6  }
0x1a9: {  	v5 =	vsel vm12, v2, v5  }
0x1aa: {  	s30 =	sadd.s32 $0x40, s14  }
0x1ab: {  	v6 =	vor.u32 s30, v1  }
0x1ac: {  	v6 =	vcvt.s32.f32 v6;
	_ =	sdelay $0x1  }
0x1ad: {  	[tilespmem:v5+s1+$0x0] =	vst.idx.msk $0xffff, v6  }
0x1ae: {  	[tilespmem:v5+s7+$0x0] =	vst.idx.msk $0xffff, v3  }
0x1af: {  	v5 =	vld [tilespmem:$0x8050]  }
0x1b0: {  	v6 =	vld [tilespmem:$0x8160];
	_ =	sdelay $0x4  }
0x1b1: {  	vm13 =	veq.s32 v5, v6  }
0x1b2: {  	v5 =	vsel vm13, v2, v5  }
0x1b3: {  	s21 =	sadd.s32 $0x50, s14  }
0x1b4: {  	v6 =	vor.u32 s21, v1  }
0x1b5: {  	v6 =	vcvt.s32.f32 v6;
	_ =	sdelay $0x1  }
0x1b6: {  	[tilespmem:v5+s1+$0x0] =	vst.idx.msk $0xffff, v6  }
0x1b7: {  	[tilespmem:v5+s7+$0x0] =	vst.idx.msk $0xffff, v3  }
0x1b8: {  	v5 =	vld [tilespmem:$0x8060]  }
0x1b9: {  	v6 =	vld [tilespmem:$0x8170];
	_ =	sdelay $0x4  }
0x1ba: {  	vm14 =	veq.s32 v5, v6  }
0x1bb: {  	v5 =	vsel vm14, v2, v5  }
0x1bc: {  	s26 =	sadd.s32 $0x60, s14  }
0x1bd: {  	v6 =	vor.u32 s26, v1  }
0x1be: {  	v6 =	vcvt.s32.f32 v6;
	_ =	sdelay $0x1  }
0x1bf: {  	[tilespmem:v5+s1+$0x0] =	vst.idx.msk $0xffff, v6  }
0x1c0: {  	[tilespmem:v5+s7+$0x0] =	vst.idx.msk $0xffff, v3  }
0x1c1: {  	v5 =	vld [tilespmem:$0x8070]  }
0x1c2: {  	v6 =	vld [tilespmem:$0x8200];
	_ =	sdelay $0x4  }
0x1c3: {  	vm15 =	veq.s32 v5, v6  }
0x1c4: {  	v5 =	vsel vm15, v2, v5  }
0x1c5: {  	s30 =	sadd.s32 $0x70, s14  }
0x1c6: {  	v6 =	vor.u32 s30, v1  }
0x1c7: {  	v6 =	vcvt.s32.f32 v6;
	_ =	sdelay $0x1  }
0x1c8: {  	[tilespmem:v5+s1+$0x0] =	vst.idx.msk $0xffff, v6  }
0x1c9: {  	s2 =	simm.s32 @!p4 $0x2;
	[tilespmem:v5+s7+$0x0] =	vst.idx.msk $0xffff, v3  }
0x1ca: {  	[spmem:s4] =	stream.indirect.scatter.add.f32 [tilespmem:s6], [sflag:$0x3], $0x80, s24, s17, $0xb8;
	[tilespmem:$0xBD80] =	vst v63  }
0x1cb: {  	_ =	swait.ge @!p4 [sflag:s2], $0x4000  }
0x1cc: {  	[sflag:s2] =	ssyncset.done @!p4 $0x0  }
0x1cd: {  	[sflag:s2] =	ssyncadd.s32 @!p4 $0xFFFFC000  }
0x1ce: {  	_ =	swait.ge @!p4 [sflag:s2], $0x80  }
0x1cf: {  	[sflag:s2] =	ssyncset.done @!p4 $0x0  }
0x1d0: {  	[sflag:s2] =	ssyncadd.s32 @!p4 $0xFFFFFF80  }
0x1d1: {  	_ =	swait.ge @!p4 [sflag:s2], $0x100  }
0x1d2: {  	[sflag:s2] =	ssyncset.done @!p4 $0x0  }
0x1d3: {  	[sflag:s2] =	ssyncadd.s32 @!p4 $0xFFFFFF00  }
0x1d4: {  	_ =	swait.ge [sflag:s23], $0x4000  }
0x1d5: {  	[sflag:s23] =	ssyncset.done $0x0  }
0x1d6: {  	[sflag:s23] =	ssyncadd.s32 $0xFFFFC000  }
.LBB2_22:
0x1d7: {  	p5 =	sgt.u32 s19, $0x9C3  }
0x1d8: {  	s2 =	simm.s32 @!p5 $0x0;
	s21 =	sadd.s32 @!p5 s11, s12  }
0x1d9: {  	[tilespmem:s2], [sflag:$0x1] =	stream.linear.gather @!p5 [hbm4b:s25+s2], $0x4000, $0x38;
	[tilespmem:$0xBD80] =	vst v63  }
0x1da: {  	s26 =	simm.s32 @!p5 $0x8000;
	s21 =	sadd.s32 @!p5 $0x200, s21  }
0x1db: {  	[tilespmem:s26], [sflag:$0x1] =	stream.linear.gather @!p5 [hbm4b:s21+s2], $0x80, $0x38;
	[tilespmem:$0xBD80] =	vst v63  }
.Ltmp13:
0x1dc: {  	s21 =	sadd.s32 @!p5 s8, s12;
	(pc) =	sbr.rel @p4 .LBB2_24-.Ltmp13, $4  }
0x1dd: {  	s30 =	simm.s32 @!p5 $0x8100;
	s26 =	sadd.s32 @!p5 $0x200, s21  }
0x1de: {  	[tilespmem:s30], [sflag:$0x1] =	stream.linear.gather @!p5 [hbm4b:s26+s2], $0x80, $0x38;
	[tilespmem:$0xBD80] =	vst v63  }
0x1df: {  	s21 =	sadd.s32 @!p5 $0x210, s21;
	s26 =	simm.s32 @!p5 $0x8200  }
0x1e0: {  	[tilespmem:s26], [sflag:$0x1] =	stream.linear.gather @!p5 [hbm4b:s21+s2], $0x80, $0x38;
	[tilespmem:$0xBD80] =	vst v63  }
0x1e1: {  	v5 =	vld [tilespmem:$0x8080]  }
0x1e2: {  	v6 =	vld [tilespmem:$0x8190];
	_ =	sdelay $0x4  }
0x1e3: {  	vm0 =	veq.s32 v5, v6  }
0x1e4: {  	v5 =	vsel vm0, v2, v5  }
0x1e5: {  	s2 =	sadd.s32 $0x800, s14  }
0x1e6: {  	v6 =	vor.u32 s2, v1  }
0x1e7: {  	v6 =	vcvt.s32.f32 v6;
	_ =	sdelay $0x1  }
0x1e8: {  	[tilespmem:v5+s1+$0x0] =	vst.idx.msk $0xffff, v6  }
0x1e9: {  	[tilespmem:v5+s7+$0x0] =	vst.idx.msk $0xffff, v3  }
0x1ea: {  	v5 =	vld [tilespmem:$0x8090]  }
0x1eb: {  	v6 =	vld [tilespmem:$0x81A0];
	_ =	sdelay $0x4  }
0x1ec: {  	vm9 =	veq.s32 v5, v6  }
0x1ed: {  	v5 =	vsel vm9, v2, v5  }
0x1ee: {  	s30 =	sadd.s32 $0x810, s14  }
0x1ef: {  	v6 =	vor.u32 s30, v1  }
0x1f0: {  	v6 =	vcvt.s32.f32 v6;
	_ =	sdelay $0x1  }
0x1f1: {  	[tilespmem:v5+s1+$0x0] =	vst.idx.msk $0xffff, v6  }
0x1f2: {  	[tilespmem:v5+s7+$0x0] =	vst.idx.msk $0xffff, v3  }
0x1f3: {  	v5 =	vld [tilespmem:$0x80A0]  }
0x1f4: {  	v6 =	vld [tilespmem:$0x81B0];
	_ =	sdelay $0x4  }
0x1f5: {  	vm10 =	veq.s32 v5, v6  }
0x1f6: {  	v5 =	vsel vm10, v2, v5  }
0x1f7: {  	s21 =	sadd.s32 $0x820, s14  }
0x1f8: {  	v6 =	vor.u32 s21, v1  }
0x1f9: {  	v6 =	vcvt.s32.f32 v6;
	_ =	sdelay $0x1  }
0x1fa: {  	[tilespmem:v5+s1+$0x0] =	vst.idx.msk $0xffff, v6  }
0x1fb: {  	[tilespmem:v5+s7+$0x0] =	vst.idx.msk $0xffff, v3  }
0x1fc: {  	v5 =	vld [tilespmem:$0x80B0]  }
0x1fd: {  	v6 =	vld [tilespmem:$0x81C0];
	_ =	sdelay $0x4  }
0x1fe: {  	vm11 =	veq.s32 v5, v6  }
0x1ff: {  	v5 =	vsel vm11, v2, v5  }
0x200: {  	s26 =	sadd.s32 $0x830, s14  }
0x201: {  	v6 =	vor.u32 s26, v1  }
0x202: {  	v6 =	vcvt.s32.f32 v6;
	_ =	sdelay $0x1  }
0x203: {  	[tilespmem:v5+s1+$0x0] =	vst.idx.msk $0xffff, v6  }
0x204: {  	[tilespmem:v5+s7+$0x0] =	vst.idx.msk $0xffff, v3  }
0x205: {  	v5 =	vld [tilespmem:$0x80C0]  }
0x206: {  	v6 =	vld [tilespmem:$0x81D0];
	_ =	sdelay $0x4  }
0x207: {  	vm12 =	veq.s32 v5, v6  }
0x208: {  	v5 =	vsel vm12, v2, v5  }
0x209: {  	s30 =	sadd.s32 $0x840, s14  }
0x20a: {  	v6 =	vor.u32 s30, v1  }
0x20b: {  	v6 =	vcvt.s32.f32 v6;
	_ =	sdelay $0x1  }
0x20c: {  	[tilespmem:v5+s1+$0x0] =	vst.idx.msk $0xffff, v6  }
0x20d: {  	[tilespmem:v5+s7+$0x0] =	vst.idx.msk $0xffff, v3  }
0x20e: {  	v5 =	vld [tilespmem:$0x80D0]  }
0x20f: {  	v6 =	vld [tilespmem:$0x81E0];
	_ =	sdelay $0x4  }
0x210: {  	vm13 =	veq.s32 v5, v6  }
0x211: {  	v5 =	vsel vm13, v2, v5  }
0x212: {  	s21 =	sadd.s32 $0x850, s14  }
0x213: {  	v6 =	vor.u32 s21, v1  }
0x214: {  	v6 =	vcvt.s32.f32 v6;
	_ =	sdelay $0x1  }
0x215: {  	[tilespmem:v5+s1+$0x0] =	vst.idx.msk $0xffff, v6  }
0x216: {  	[tilespmem:v5+s7+$0x0] =	vst.idx.msk $0xffff, v3  }
0x217: {  	v5 =	vld [tilespmem:$0x80E0]  }
0x218: {  	v6 =	vld [tilespmem:$0x81F0];
	_ =	sdelay $0x4  }
0x219: {  	vm14 =	veq.s32 v5, v6  }
0x21a: {  	v5 =	vsel vm14, v2, v5  }
0x21b: {  	s26 =	sadd.s32 $0x860, s14  }
0x21c: {  	v6 =	vor.u32 s26, v1  }
0x21d: {  	v6 =	vcvt.s32.f32 v6;
	_ =	sdelay $0x1  }
0x21e: {  	[tilespmem:v5+s1+$0x0] =	vst.idx.msk $0xffff, v6  }
0x21f: {  	[tilespmem:v5+s7+$0x0] =	vst.idx.msk $0xffff, v3  }
0x220: {  	v5 =	vld [tilespmem:$0x80F0]  }
0x221: {  	v6 =	vld [tilespmem:$0x8280];
	_ =	sdelay $0x4  }
0x222: {  	vm15 =	veq.s32 v5, v6  }
0x223: {  	v5 =	vsel vm15, v2, v5  }
0x224: {  	s30 =	sadd.s32 $0x870, s14  }
0x225: {  	v6 =	vor.u32 s30, v1  }
.Ltmp14:
0x226: {  	v6 =	vcvt.s32.f32 v6;
	(pc) =	sbr.rel .LBB2_24-.Ltmp14, $4  }
0x227: {  	_ = 	snop  }
0x228: {  	[tilespmem:v5+s1+$0x0] =	vst.idx.msk $0xffff, v6  }
0x229: {  	[tilespmem:v5+s7+$0x0] =	vst.idx.msk $0xffff, v3  }
0x22a: {  	[spmem:s4] =	stream.indirect.scatter.add.f32 [tilespmem:s9], [sflag:$0x4], $0x80, s0, s17, $0xb8;
	[tilespmem:$0xBD80] =	vst v63  }
.LBB2_12:
0x22b: {  	s18 =	simm.s32 $0x0;
	s2 =	rddreg [dreg:$0x18]  }
0x22c: {  	[tilespmem:s18], [sflag:$0x1] =	stream.linear.gather [hbm4b:s2+s18], $0x4000, $0x38;
	[tilespmem:$0xBD80] =	vst v63  }
0x22d: {  	s26 =	rddreg [dreg:$0x1c]  }
0x22e: {  	[tilespmem:s24], [sflag:$0x1] =	stream.linear.gather [hbm4b:s26+s18], $0x80, $0x38;
	[tilespmem:$0xBD80] =	vst v63  }
.Ltmp15:
0x22f: {  	s11 =	rddreg [dreg:$0x5];
	(pc) =	sbr.rel .LBB2_13-.Ltmp15, $4  }
0x230: {  	s8 =	rddreg [dreg:$0x7]  }
0x231: {  	[tilespmem:s29], [sflag:$0x1] =	stream.linear.gather [hbm4b:s28+s18], $0x80, $0x38;
	[tilespmem:$0xBD80] =	vst v63  }
0x232: {  	s30 =	sadd.s32 $0x10, s28;
	s19 =	smov.u32 s10;
	s25 =	sld [smem:$0x7FD]  }
0x233: {  	[tilespmem:s31], [sflag:$0x1] =	stream.linear.gather [hbm4b:s30+s18], $0x80, $0x38;
	[tilespmem:$0xBD80] =	vst v63  }
.LBB2_17:
0x234: {  	s18 =	sadd.s32 $0x1000, s18  }
0x235: {  	p4 =	sne.s32 s18, $0x3000  }
.Ltmp16:
0x236: {  	_ = 	snop;
	(pc) =	sbr.rel @!p4 .LBB2_18-.Ltmp16, $3  }
0x237: {  	_ =	sdelay $0x1  }
0x238: {  	s8 =	sadd.s32 $0x200, s8  }
0x239: {  	s11 =	sadd.s32 $0x200, s11;
	s19 =	sadd.s32 $0x20, s19;
	s25 =	sadd.s32 $0x10000, s25  }
.LBB2_13:
0x23a: {  	s2 =	sadd.s32 $0xFFFFFFE0, s19  }
0x23b: {  	p5 =	sgt.u32 s2, $0x4D  }
0x23c: {  	s2 =	simm.s32 @!p5 $0x1  }
0x23d: {  	_ =	swait.ge @!p5 [sflag:s2], $0x4000  }
0x23e: {  	[sflag:s2] =	ssyncset.done @!p5 $0x0  }
0x23f: {  	[sflag:s2] =	ssyncadd.s32 @!p5 $0xFFFFC000  }
0x240: {  	_ =	swait.ge @!p5 [sflag:s2], $0x80  }
0x241: {  	[sflag:s2] =	ssyncset.done @!p5 $0x0  }
0x242: {  	[sflag:s2] =	ssyncadd.s32 @!p5 $0xFFFFFF80  }
0x243: {  	_ =	swait.ge @!p5 [sflag:s2], $0x100  }
0x244: {  	p4 =	seq.s32 s18, $0x0;
	[sflag:s2] =	ssyncset.done @!p5 $0x0  }
0x245: {  	[sflag:s2] =	ssyncadd.s32 @!p5 $0xFFFFFF00;
	s2 =	simm.s32 @!p4 $0x4  }
0x246: {  	_ =	swait.ge @!p4 [sflag:s2], $0x4000  }
0x247: {  	s14 =	sadd.s32 $0xFFFFFFF0, s19;
	[sflag:s2] =	ssyncset.done @!p4 $0x0  }
0x248: {  	[sflag:s2] =	ssyncadd.s32 @!p4 $0xFFFFC000;
	p4 =	sgt.u32 s14, $0x4D  }
0x249: {  	s2 =	sadd.s32 @!p4 $0xFFFF8000, s25;
	s14 =	simm.s32 @!p4 $0x0;
	s21 =	simm.s32 @!p4 $0x4000  }
0x24a: {  	[tilespmem:s21], [sflag:$0x2] =	stream.linear.gather @!p4 [hbm4b:s2+s14], $0x4000, $0x38;
	[tilespmem:$0xBD80] =	vst v63  }
0x24b: {  	s2 =	sadd.s32 @!p4 s11, s12  }
0x24c: {  	s21 =	simm.s32 @!p4 $0x8080;
	s2 =	sadd.s32 @!p4 $0x100, s2  }
0x24d: {  	[tilespmem:s21], [sflag:$0x2] =	stream.linear.gather @!p4 [hbm4b:s2+s14], $0x80, $0x38;
	[tilespmem:$0xBD80] =	vst v63  }
0x24e: {  	s2 =	sadd.s32 @!p4 s8, s12  }
.Ltmp17:
0x24f: {  	s26 =	simm.s32 @!p4 $0x8180;
	s21 =	sadd.s32 @!p4 $0x100, s2;
	(pc) =	sbr.rel @p5 .LBB2_15-.Ltmp17, $4  }
0x250: {  	[tilespmem:s26], [sflag:$0x2] =	stream.linear.gather @!p4 [hbm4b:s21+s14], $0x80, $0x38;
	[tilespmem:$0xBD80] =	vst v63  }
0x251: {  	s2 =	sadd.s32 @!p4 $0x110, s2;
	s21 =	simm.s32 @!p4 $0x8280  }
0x252: {  	[tilespmem:s21], [sflag:$0x2] =	stream.linear.gather @!p4 [hbm4b:s2+s14], $0x80, $0x38;
	[tilespmem:$0xBD80] =	vst v63  }
0x253: {  	s14 =	sadd.s32 s18, s20  }
0x254: {  	v5 =	vld [tilespmem:$0x8000]  }
0x255: {  	v6 =	vld [tilespmem:$0x8110];
	_ =	sdelay $0x4  }
0x256: {  	vm0 =	veq.s32 v5, v6  }
0x257: {  	v5 =	vsel vm0, v2, v5;
	_ =	sdelay $0x1  }
0x258: {  	v6 =	vor.u32 s14, v1  }
0x259: {  	v6 =	vcvt.s32.f32 v6;
	_ =	sdelay $0x1  }
0x25a: {  	[tilespmem:v5+s13+$0x0] =	vst.idx.msk $0xffff, v6  }
0x25b: {  	[tilespmem:v5+s16+$0x0] =	vst.idx.msk $0xffff, v3  }
0x25c: {  	v5 =	vld [tilespmem:$0x8010]  }
0x25d: {  	v6 =	vld [tilespmem:$0x8120];
	_ =	sdelay $0x4  }
0x25e: {  	vm9 =	veq.s32 v5, v6  }
0x25f: {  	v5 =	vsel vm9, v2, v5  }
0x260: {  	s2 =	sadd.s32 $0x10, s14  }
0x261: {  	v6 =	vor.u32 s2, v1  }
0x262: {  	v6 =	vcvt.s32.f32 v6;
	_ =	sdelay $0x1  }
0x263: {  	[tilespmem:v5+s13+$0x0] =	vst.idx.msk $0xffff, v6  }
0x264: {  	[tilespmem:v5+s16+$0x0] =	vst.idx.msk $0xffff, v3  }
0x265: {  	v5 =	vld [tilespmem:$0x8020]  }
0x266: {  	v6 =	vld [tilespmem:$0x8130];
	_ =	sdelay $0x4  }
0x267: {  	vm10 =	veq.s32 v5, v6  }
0x268: {  	v5 =	vsel vm10, v2, v5  }
0x269: {  	s21 =	sadd.s32 $0x20, s14  }
0x26a: {  	v6 =	vor.u32 s21, v1  }
0x26b: {  	v6 =	vcvt.s32.f32 v6;
	_ =	sdelay $0x1  }
0x26c: {  	[tilespmem:v5+s13+$0x0] =	vst.idx.msk $0xffff, v6  }
0x26d: {  	[tilespmem:v5+s16+$0x0] =	vst.idx.msk $0xffff, v3  }
0x26e: {  	v5 =	vld [tilespmem:$0x8030]  }
0x26f: {  	v6 =	vld [tilespmem:$0x8140];
	_ =	sdelay $0x4  }
0x270: {  	vm11 =	veq.s32 v5, v6  }
0x271: {  	v5 =	vsel vm11, v2, v5  }
0x272: {  	s26 =	sadd.s32 $0x30, s14  }
0x273: {  	v6 =	vor.u32 s26, v1  }
0x274: {  	v6 =	vcvt.s32.f32 v6;
	_ =	sdelay $0x1  }
0x275: {  	[tilespmem:v5+s13+$0x0] =	vst.idx.msk $0xffff, v6  }
0x276: {  	[tilespmem:v5+s16+$0x0] =	vst.idx.msk $0xffff, v3  }
0x277: {  	v5 =	vld [tilespmem:$0x8040]  }
0x278: {  	v6 =	vld [tilespmem:$0x8150];
	_ =	sdelay $0x4  }
0x279: {  	vm12 =	veq.s32 v5, v6  }
0x27a: {  	v5 =	vsel vm12, v2, v5  }
0x27b: {  	s30 =	sadd.s32 $0x40, s14  }
0x27c: {  	v6 =	vor.u32 s30, v1  }
0x27d: {  	v6 =	vcvt.s32.f32 v6;
	_ =	sdelay $0x1  }
0x27e: {  	[tilespmem:v5+s13+$0x0] =	vst.idx.msk $0xffff, v6  }
0x27f: {  	[tilespmem:v5+s16+$0x0] =	vst.idx.msk $0xffff, v3  }
0x280: {  	v5 =	vld [tilespmem:$0x8050]  }
0x281: {  	v6 =	vld [tilespmem:$0x8160];
	_ =	sdelay $0x4  }
0x282: {  	vm13 =	veq.s32 v5, v6  }
0x283: {  	v5 =	vsel vm13, v2, v5  }
0x284: {  	s21 =	sadd.s32 $0x50, s14  }
0x285: {  	v6 =	vor.u32 s21, v1  }
0x286: {  	v6 =	vcvt.s32.f32 v6;
	_ =	sdelay $0x1  }
0x287: {  	[tilespmem:v5+s13+$0x0] =	vst.idx.msk $0xffff, v6  }
0x288: {  	[tilespmem:v5+s16+$0x0] =	vst.idx.msk $0xffff, v3  }
0x289: {  	v5 =	vld [tilespmem:$0x8060]  }
0x28a: {  	v6 =	vld [tilespmem:$0x8170];
	_ =	sdelay $0x4  }
0x28b: {  	vm14 =	veq.s32 v5, v6  }
0x28c: {  	v5 =	vsel vm14, v2, v5  }
0x28d: {  	s26 =	sadd.s32 $0x60, s14  }
0x28e: {  	v6 =	vor.u32 s26, v1  }
0x28f: {  	v6 =	vcvt.s32.f32 v6;
	_ =	sdelay $0x1  }
0x290: {  	[tilespmem:v5+s13+$0x0] =	vst.idx.msk $0xffff, v6  }
0x291: {  	[tilespmem:v5+s16+$0x0] =	vst.idx.msk $0xffff, v3  }
0x292: {  	v5 =	vld [tilespmem:$0x8070]  }
0x293: {  	v6 =	vld [tilespmem:$0x8200];
	_ =	sdelay $0x4  }
0x294: {  	vm15 =	veq.s32 v5, v6  }
0x295: {  	v5 =	vsel vm15, v2, v5  }
0x296: {  	s30 =	sadd.s32 $0x70, s14  }
0x297: {  	v6 =	vor.u32 s30, v1  }
0x298: {  	v6 =	vcvt.s32.f32 v6;
	_ =	sdelay $0x1  }
0x299: {  	[tilespmem:v5+s13+$0x0] =	vst.idx.msk $0xffff, v6  }
0x29a: {  	s2 =	simm.s32 @!p4 $0x2;
	[tilespmem:v5+s16+$0x0] =	vst.idx.msk $0xffff, v3  }
0x29b: {  	[spmem:s5] =	stream.indirect.scatter.add.f32 [tilespmem:s6], [sflag:$0x3], $0x80, s24, s17, $0xb8;
	[tilespmem:$0xBD80] =	vst v63  }
0x29c: {  	_ =	swait.ge @!p4 [sflag:s2], $0x4000  }
0x29d: {  	[sflag:s2] =	ssyncset.done @!p4 $0x0  }
0x29e: {  	[sflag:s2] =	ssyncadd.s32 @!p4 $0xFFFFC000  }
0x29f: {  	_ =	swait.ge @!p4 [sflag:s2], $0x80  }
0x2a0: {  	[sflag:s2] =	ssyncset.done @!p4 $0x0  }
0x2a1: {  	[sflag:s2] =	ssyncadd.s32 @!p4 $0xFFFFFF80  }
0x2a2: {  	_ =	swait.ge @!p4 [sflag:s2], $0x100  }
0x2a3: {  	[sflag:s2] =	ssyncset.done @!p4 $0x0  }
0x2a4: {  	[sflag:s2] =	ssyncadd.s32 @!p4 $0xFFFFFF00  }
0x2a5: {  	_ =	swait.ge [sflag:s23], $0x4000  }
0x2a6: {  	[sflag:s23] =	ssyncset.done $0x0  }
0x2a7: {  	[sflag:s23] =	ssyncadd.s32 $0xFFFFC000  }
.LBB2_15:
0x2a8: {  	p5 =	sgt.u32 s19, $0x4D  }
0x2a9: {  	s2 =	simm.s32 @!p5 $0x0;
	s21 =	sadd.s32 @!p5 s11, s12  }
0x2aa: {  	[tilespmem:s2], [sflag:$0x1] =	stream.linear.gather @!p5 [hbm4b:s25+s2], $0x4000, $0x38;
	[tilespmem:$0xBD80] =	vst v63  }
0x2ab: {  	s26 =	simm.s32 @!p5 $0x8000;
	s21 =	sadd.s32 @!p5 $0x200, s21  }
0x2ac: {  	[tilespmem:s26], [sflag:$0x1] =	stream.linear.gather @!p5 [hbm4b:s21+s2], $0x80, $0x38;
	[tilespmem:$0xBD80] =	vst v63  }
.Ltmp18:
0x2ad: {  	s21 =	sadd.s32 @!p5 s8, s12;
	(pc) =	sbr.rel @p4 .LBB2_17-.Ltmp18, $4  }
0x2ae: {  	s30 =	simm.s32 @!p5 $0x8100;
	s26 =	sadd.s32 @!p5 $0x200, s21  }
0x2af: {  	[tilespmem:s30], [sflag:$0x1] =	stream.linear.gather @!p5 [hbm4b:s26+s2], $0x80, $0x38;
	[tilespmem:$0xBD80] =	vst v63  }
0x2b0: {  	s21 =	sadd.s32 @!p5 $0x210, s21;
	s26 =	simm.s32 @!p5 $0x8200  }
0x2b1: {  	[tilespmem:s26], [sflag:$0x1] =	stream.linear.gather @!p5 [hbm4b:s21+s2], $0x80, $0x38;
	[tilespmem:$0xBD80] =	vst v63  }
0x2b2: {  	v5 =	vld [tilespmem:$0x8080]  }
0x2b3: {  	v6 =	vld [tilespmem:$0x8190];
	_ =	sdelay $0x4  }
0x2b4: {  	vm0 =	veq.s32 v5, v6  }
0x2b5: {  	v5 =	vsel vm0, v2, v5  }
0x2b6: {  	s2 =	sadd.s32 $0x800, s14  }
0x2b7: {  	v6 =	vor.u32 s2, v1  }
0x2b8: {  	v6 =	vcvt.s32.f32 v6;
	_ =	sdelay $0x1  }
0x2b9: {  	[tilespmem:v5+s13+$0x0] =	vst.idx.msk $0xffff, v6  }
0x2ba: {  	[tilespmem:v5+s16+$0x0] =	vst.idx.msk $0xffff, v3  }
0x2bb: {  	v5 =	vld [tilespmem:$0x8090]  }
0x2bc: {  	v6 =	vld [tilespmem:$0x81A0];
	_ =	sdelay $0x4  }
0x2bd: {  	vm9 =	veq.s32 v5, v6  }
0x2be: {  	v5 =	vsel vm9, v2, v5  }
0x2bf: {  	s30 =	sadd.s32 $0x810, s14  }
0x2c0: {  	v6 =	vor.u32 s30, v1  }
0x2c1: {  	v6 =	vcvt.s32.f32 v6;
	_ =	sdelay $0x1  }
0x2c2: {  	[tilespmem:v5+s13+$0x0] =	vst.idx.msk $0xffff, v6  }
0x2c3: {  	[tilespmem:v5+s16+$0x0] =	vst.idx.msk $0xffff, v3  }
0x2c4: {  	v5 =	vld [tilespmem:$0x80A0]  }
0x2c5: {  	v6 =	vld [tilespmem:$0x81B0];
	_ =	sdelay $0x4  }
0x2c6: {  	vm10 =	veq.s32 v5, v6  }
0x2c7: {  	v5 =	vsel vm10, v2, v5  }
0x2c8: {  	s21 =	sadd.s32 $0x820, s14  }
0x2c9: {  	v6 =	vor.u32 s21, v1  }
0x2ca: {  	v6 =	vcvt.s32.f32 v6;
	_ =	sdelay $0x1  }
0x2cb: {  	[tilespmem:v5+s13+$0x0] =	vst.idx.msk $0xffff, v6  }
0x2cc: {  	[tilespmem:v5+s16+$0x0] =	vst.idx.msk $0xffff, v3  }
0x2cd: {  	v5 =	vld [tilespmem:$0x80B0]  }
0x2ce: {  	v6 =	vld [tilespmem:$0x81C0];
	_ =	sdelay $0x4  }
0x2cf: {  	vm11 =	veq.s32 v5, v6  }
0x2d0: {  	v5 =	vsel vm11, v2, v5  }
0x2d1: {  	s26 =	sadd.s32 $0x830, s14  }
0x2d2: {  	v6 =	vor.u32 s26, v1  }
0x2d3: {  	v6 =	vcvt.s32.f32 v6;
	_ =	sdelay $0x1  }
0x2d4: {  	[tilespmem:v5+s13+$0x0] =	vst.idx.msk $0xffff, v6  }
0x2d5: {  	[tilespmem:v5+s16+$0x0] =	vst.idx.msk $0xffff, v3  }
0x2d6: {  	v5 =	vld [tilespmem:$0x80C0]  }
0x2d7: {  	v6 =	vld [tilespmem:$0x81D0];
	_ =	sdelay $0x4  }
0x2d8: {  	vm12 =	veq.s32 v5, v6  }
0x2d9: {  	v5 =	vsel vm12, v2, v5  }
0x2da: {  	s30 =	sadd.s32 $0x840, s14  }
0x2db: {  	v6 =	vor.u32 s30, v1  }
0x2dc: {  	v6 =	vcvt.s32.f32 v6;
	_ =	sdelay $0x1  }
0x2dd: {  	[tilespmem:v5+s13+$0x0] =	vst.idx.msk $0xffff, v6  }
0x2de: {  	[tilespmem:v5+s16+$0x0] =	vst.idx.msk $0xffff, v3  }
0x2df: {  	v5 =	vld [tilespmem:$0x80D0]  }
0x2e0: {  	v6 =	vld [tilespmem:$0x81E0];
	_ =	sdelay $0x4  }
0x2e1: {  	vm13 =	veq.s32 v5, v6  }
0x2e2: {  	v5 =	vsel vm13, v2, v5  }
0x2e3: {  	s21 =	sadd.s32 $0x850, s14  }
0x2e4: {  	v6 =	vor.u32 s21, v1  }
0x2e5: {  	v6 =	vcvt.s32.f32 v6;
	_ =	sdelay $0x1  }
0x2e6: {  	[tilespmem:v5+s13+$0x0] =	vst.idx.msk $0xffff, v6  }
0x2e7: {  	[tilespmem:v5+s16+$0x0] =	vst.idx.msk $0xffff, v3  }
0x2e8: {  	v5 =	vld [tilespmem:$0x80E0]  }
0x2e9: {  	v6 =	vld [tilespmem:$0x81F0];
	_ =	sdelay $0x4  }
0x2ea: {  	vm14 =	veq.s32 v5, v6  }
0x2eb: {  	v5 =	vsel vm14, v2, v5  }
0x2ec: {  	s26 =	sadd.s32 $0x860, s14  }
0x2ed: {  	v6 =	vor.u32 s26, v1  }
0x2ee: {  	v6 =	vcvt.s32.f32 v6;
	_ =	sdelay $0x1  }
0x2ef: {  	[tilespmem:v5+s13+$0x0] =	vst.idx.msk $0xffff, v6  }
0x2f0: {  	[tilespmem:v5+s16+$0x0] =	vst.idx.msk $0xffff, v3  }
0x2f1: {  	v5 =	vld [tilespmem:$0x80F0]  }
0x2f2: {  	v6 =	vld [tilespmem:$0x8280];
	_ =	sdelay $0x4  }
0x2f3: {  	vm15 =	veq.s32 v5, v6  }
0x2f4: {  	v5 =	vsel vm15, v2, v5  }
0x2f5: {  	s30 =	sadd.s32 $0x870, s14  }
0x2f6: {  	v6 =	vor.u32 s30, v1  }
.Ltmp19:
0x2f7: {  	v6 =	vcvt.s32.f32 v6;
	(pc) =	sbr.rel .LBB2_17-.Ltmp19, $4  }
0x2f8: {  	_ = 	snop  }
0x2f9: {  	[tilespmem:v5+s13+$0x0] =	vst.idx.msk $0xffff, v6  }
0x2fa: {  	[tilespmem:v5+s16+$0x0] =	vst.idx.msk $0xffff, v3  }
0x2fb: {  	[spmem:s5] =	stream.indirect.scatter.add.f32 [tilespmem:s9], [sflag:$0x4], $0x80, s0, s17, $0xb8;
	[tilespmem:$0xBD80] =	vst v63  }
.LBB2_25:
0x2fc: {  	s18 =	simm.s32 $0x0;
	s2 =	rddreg [dreg:$0x12]  }
0x2fd: {  	[tilespmem:s18], [sflag:$0x1] =	stream.linear.gather [hbm4b:s2+s18], $0x4000, $0x38;
	[tilespmem:$0xBD80] =	vst v63  }
0x2fe: {  	s26 =	rddreg [dreg:$0x1c]  }
0x2ff: {  	[tilespmem:s24], [sflag:$0x1] =	stream.linear.gather [hbm4b:s26+s18], $0x80, $0x38;
	[tilespmem:$0xBD80] =	vst v63  }
.Ltmp20:
0x300: {  	s11 =	rddreg [dreg:$0x5];
	(pc) =	sbr.rel .LBB2_26-.Ltmp20, $4  }
0x301: {  	s8 =	rddreg [dreg:$0x7]  }
0x302: {  	[tilespmem:s29], [sflag:$0x1] =	stream.linear.gather [hbm4b:s28+s18], $0x80, $0x38;
	[tilespmem:$0xBD80] =	vst v63  }
0x303: {  	s30 =	sadd.s32 $0x10, s28;
	s19 =	smov.u32 s10;
	s25 =	sld [smem:$0x7FB]  }
0x304: {  	[tilespmem:s31], [sflag:$0x1] =	stream.linear.gather [hbm4b:s30+s18], $0x80, $0x38;
	[tilespmem:$0xBD80] =	vst v63  }
.LBB2_30:
0x305: {  	s18 =	sadd.s32 $0x1000, s18  }
0x306: {  	p4 =	sne.s32 s18, $0x3000  }
.Ltmp21:
0x307: {  	_ = 	snop;
	(pc) =	sbr.rel @!p4 .LBB2_31-.Ltmp21, $3  }
0x308: {  	_ =	sdelay $0x1  }
0x309: {  	s8 =	sadd.s32 $0x200, s8  }
0x30a: {  	s11 =	sadd.s32 $0x200, s11;
	s19 =	sadd.s32 $0x20, s19;
	s25 =	sadd.s32 $0x10000, s25  }
.LBB2_26:
0x30b: {  	s2 =	sadd.s32 $0xFFFFFFE0, s19  }
0x30c: {  	p5 =	sgt.u32 s2, $0x4D  }
0x30d: {  	s2 =	simm.s32 @!p5 $0x1  }
0x30e: {  	_ =	swait.ge @!p5 [sflag:s2], $0x4000  }
0x30f: {  	[sflag:s2] =	ssyncset.done @!p5 $0x0  }
0x310: {  	[sflag:s2] =	ssyncadd.s32 @!p5 $0xFFFFC000  }
0x311: {  	_ =	swait.ge @!p5 [sflag:s2], $0x80  }
0x312: {  	[sflag:s2] =	ssyncset.done @!p5 $0x0  }
0x313: {  	[sflag:s2] =	ssyncadd.s32 @!p5 $0xFFFFFF80  }
0x314: {  	_ =	swait.ge @!p5 [sflag:s2], $0x100  }
0x315: {  	p4 =	seq.s32 s18, $0x0;
	[sflag:s2] =	ssyncset.done @!p5 $0x0  }
0x316: {  	[sflag:s2] =	ssyncadd.s32 @!p5 $0xFFFFFF00;
	s2 =	simm.s32 @!p4 $0x4  }
0x317: {  	_ =	swait.ge @!p4 [sflag:s2], $0x4000  }
0x318: {  	s14 =	sadd.s32 $0xFFFFFFF0, s19;
	[sflag:s2] =	ssyncset.done @!p4 $0x0  }
0x319: {  	[sflag:s2] =	ssyncadd.s32 @!p4 $0xFFFFC000;
	p4 =	sgt.u32 s14, $0x4D  }
0x31a: {  	s2 =	sadd.s32 @!p4 $0xFFFF8000, s25;
	s14 =	simm.s32 @!p4 $0x0;
	s21 =	simm.s32 @!p4 $0x4000  }
0x31b: {  	[tilespmem:s21], [sflag:$0x2] =	stream.linear.gather @!p4 [hbm4b:s2+s14], $0x4000, $0x38;
	[tilespmem:$0xBD80] =	vst v63  }
0x31c: {  	s2 =	sadd.s32 @!p4 s11, s12  }
0x31d: {  	s21 =	simm.s32 @!p4 $0x8080;
	s2 =	sadd.s32 @!p4 $0x100, s2  }
0x31e: {  	[tilespmem:s21], [sflag:$0x2] =	stream.linear.gather @!p4 [hbm4b:s2+s14], $0x80, $0x38;
	[tilespmem:$0xBD80] =	vst v63  }
0x31f: {  	s2 =	sadd.s32 @!p4 s8, s12  }
.Ltmp22:
0x320: {  	s26 =	simm.s32 @!p4 $0x8180;
	s21 =	sadd.s32 @!p4 $0x100, s2;
	(pc) =	sbr.rel @p5 .LBB2_28-.Ltmp22, $4  }
0x321: {  	[tilespmem:s26], [sflag:$0x2] =	stream.linear.gather @!p4 [hbm4b:s21+s14], $0x80, $0x38;
	[tilespmem:$0xBD80] =	vst v63  }
0x322: {  	s2 =	sadd.s32 @!p4 $0x110, s2;
	s21 =	simm.s32 @!p4 $0x8280  }
0x323: {  	[tilespmem:s21], [sflag:$0x2] =	stream.linear.gather @!p4 [hbm4b:s2+s14], $0x80, $0x38;
	[tilespmem:$0xBD80] =	vst v63  }
0x324: {  	s14 =	sadd.s32 s18, s20  }
0x325: {  	v5 =	vld [tilespmem:$0x8000]  }
0x326: {  	v6 =	vld [tilespmem:$0x8110];
	_ =	sdelay $0x4  }
0x327: {  	vm0 =	veq.s32 v5, v6  }
0x328: {  	v5 =	vsel vm0, v2, v5;
	_ =	sdelay $0x1  }
0x329: {  	v6 =	vor.u32 s14, v1  }
0x32a: {  	v6 =	vcvt.s32.f32 v6;
	_ =	sdelay $0x1  }
0x32b: {  	[tilespmem:v5+s13+$0x0] =	vst.idx.msk $0xffff, v6  }
0x32c: {  	[tilespmem:v5+s16+$0x0] =	vst.idx.msk $0xffff, v3  }
0x32d: {  	v5 =	vld [tilespmem:$0x8010]  }
0x32e: {  	v6 =	vld [tilespmem:$0x8120];
	_ =	sdelay $0x4  }
0x32f: {  	vm9 =	veq.s32 v5, v6  }
0x330: {  	v5 =	vsel vm9, v2, v5  }
0x331: {  	s2 =	sadd.s32 $0x10, s14  }
0x332: {  	v6 =	vor.u32 s2, v1  }
0x333: {  	v6 =	vcvt.s32.f32 v6;
	_ =	sdelay $0x1  }
0x334: {  	[tilespmem:v5+s13+$0x0] =	vst.idx.msk $0xffff, v6  }
0x335: {  	[tilespmem:v5+s16+$0x0] =	vst.idx.msk $0xffff, v3  }
0x336: {  	v5 =	vld [tilespmem:$0x8020]  }
0x337: {  	v6 =	vld [tilespmem:$0x8130];
	_ =	sdelay $0x4  }
0x338: {  	vm10 =	veq.s32 v5, v6  }
0x339: {  	v5 =	vsel vm10, v2, v5  }
0x33a: {  	s21 =	sadd.s32 $0x20, s14  }
0x33b: {  	v6 =	vor.u32 s21, v1  }
0x33c: {  	v6 =	vcvt.s32.f32 v6;
	_ =	sdelay $0x1  }
0x33d: {  	[tilespmem:v5+s13+$0x0] =	vst.idx.msk $0xffff, v6  }
0x33e: {  	[tilespmem:v5+s16+$0x0] =	vst.idx.msk $0xffff, v3  }
0x33f: {  	v5 =	vld [tilespmem:$0x8030]  }
0x340: {  	v6 =	vld [tilespmem:$0x8140];
	_ =	sdelay $0x4  }
0x341: {  	vm11 =	veq.s32 v5, v6  }
0x342: {  	v5 =	vsel vm11, v2, v5  }
0x343: {  	s26 =	sadd.s32 $0x30, s14  }
0x344: {  	v6 =	vor.u32 s26, v1  }
0x345: {  	v6 =	vcvt.s32.f32 v6;
	_ =	sdelay $0x1  }
0x346: {  	[tilespmem:v5+s13+$0x0] =	vst.idx.msk $0xffff, v6  }
0x347: {  	[tilespmem:v5+s16+$0x0] =	vst.idx.msk $0xffff, v3  }
0x348: {  	v5 =	vld [tilespmem:$0x8040]  }
0x349: {  	v6 =	vld [tilespmem:$0x8150];
	_ =	sdelay $0x4  }
0x34a: {  	vm12 =	veq.s32 v5, v6  }
0x34b: {  	v5 =	vsel vm12, v2, v5  }
0x34c: {  	s30 =	sadd.s32 $0x40, s14  }
0x34d: {  	v6 =	vor.u32 s30, v1  }
0x34e: {  	v6 =	vcvt.s32.f32 v6;
	_ =	sdelay $0x1  }
0x34f: {  	[tilespmem:v5+s13+$0x0] =	vst.idx.msk $0xffff, v6  }
0x350: {  	[tilespmem:v5+s16+$0x0] =	vst.idx.msk $0xffff, v3  }
0x351: {  	v5 =	vld [tilespmem:$0x8050]  }
0x352: {  	v6 =	vld [tilespmem:$0x8160];
	_ =	sdelay $0x4  }
0x353: {  	vm13 =	veq.s32 v5, v6  }
0x354: {  	v5 =	vsel vm13, v2, v5  }
0x355: {  	s21 =	sadd.s32 $0x50, s14  }
0x356: {  	v6 =	vor.u32 s21, v1  }
0x357: {  	v6 =	vcvt.s32.f32 v6;
	_ =	sdelay $0x1  }
0x358: {  	[tilespmem:v5+s13+$0x0] =	vst.idx.msk $0xffff, v6  }
0x359: {  	[tilespmem:v5+s16+$0x0] =	vst.idx.msk $0xffff, v3  }
0x35a: {  	v5 =	vld [tilespmem:$0x8060]  }
0x35b: {  	v6 =	vld [tilespmem:$0x8170];
	_ =	sdelay $0x4  }
0x35c: {  	vm14 =	veq.s32 v5, v6  }
0x35d: {  	v5 =	vsel vm14, v2, v5  }
0x35e: {  	s26 =	sadd.s32 $0x60, s14  }
0x35f: {  	v6 =	vor.u32 s26, v1  }
0x360: {  	v6 =	vcvt.s32.f32 v6;
	_ =	sdelay $0x1  }
0x361: {  	[tilespmem:v5+s13+$0x0] =	vst.idx.msk $0xffff, v6  }
0x362: {  	[tilespmem:v5+s16+$0x0] =	vst.idx.msk $0xffff, v3  }
0x363: {  	v5 =	vld [tilespmem:$0x8070]  }
0x364: {  	v6 =	vld [tilespmem:$0x8200];
	_ =	sdelay $0x4  }
0x365: {  	vm15 =	veq.s32 v5, v6  }
0x366: {  	v5 =	vsel vm15, v2, v5  }
0x367: {  	s30 =	sadd.s32 $0x70, s14  }
0x368: {  	v6 =	vor.u32 s30, v1  }
0x369: {  	v6 =	vcvt.s32.f32 v6;
	_ =	sdelay $0x1  }
0x36a: {  	[tilespmem:v5+s13+$0x0] =	vst.idx.msk $0xffff, v6  }
0x36b: {  	s2 =	simm.s32 @!p4 $0x2;
	[tilespmem:v5+s16+$0x0] =	vst.idx.msk $0xffff, v3  }
0x36c: {  	[spmem:s5] =	stream.indirect.scatter.add.f32 [tilespmem:s6], [sflag:$0x3], $0x80, s24, s17, $0xb8;
	[tilespmem:$0xBD80] =	vst v63  }
0x36d: {  	_ =	swait.ge @!p4 [sflag:s2], $0x4000  }
0x36e: {  	[sflag:s2] =	ssyncset.done @!p4 $0x0  }
0x36f: {  	[sflag:s2] =	ssyncadd.s32 @!p4 $0xFFFFC000  }
0x370: {  	_ =	swait.ge @!p4 [sflag:s2], $0x80  }
0x371: {  	[sflag:s2] =	ssyncset.done @!p4 $0x0  }
0x372: {  	[sflag:s2] =	ssyncadd.s32 @!p4 $0xFFFFFF80  }
0x373: {  	_ =	swait.ge @!p4 [sflag:s2], $0x100  }
0x374: {  	[sflag:s2] =	ssyncset.done @!p4 $0x0  }
0x375: {  	[sflag:s2] =	ssyncadd.s32 @!p4 $0xFFFFFF00  }
0x376: {  	_ =	swait.ge [sflag:s23], $0x4000  }
0x377: {  	[sflag:s23] =	ssyncset.done $0x0  }
0x378: {  	[sflag:s23] =	ssyncadd.s32 $0xFFFFC000  }
.LBB2_28:
0x379: {  	p5 =	sgt.u32 s19, $0x4D  }
0x37a: {  	s2 =	simm.s32 @!p5 $0x0;
	s21 =	sadd.s32 @!p5 s11, s12  }
0x37b: {  	[tilespmem:s2], [sflag:$0x1] =	stream.linear.gather @!p5 [hbm4b:s25+s2], $0x4000, $0x38;
	[tilespmem:$0xBD80] =	vst v63  }
0x37c: {  	s26 =	simm.s32 @!p5 $0x8000;
	s21 =	sadd.s32 @!p5 $0x200, s21  }
0x37d: {  	[tilespmem:s26], [sflag:$0x1] =	stream.linear.gather @!p5 [hbm4b:s21+s2], $0x80, $0x38;
	[tilespmem:$0xBD80] =	vst v63  }
.Ltmp23:
0x37e: {  	s21 =	sadd.s32 @!p5 s8, s12;
	(pc) =	sbr.rel @p4 .LBB2_30-.Ltmp23, $4  }
0x37f: {  	s30 =	simm.s32 @!p5 $0x8100;
	s26 =	sadd.s32 @!p5 $0x200, s21  }
0x380: {  	[tilespmem:s30], [sflag:$0x1] =	stream.linear.gather @!p5 [hbm4b:s26+s2], $0x80, $0x38;
	[tilespmem:$0xBD80] =	vst v63  }
0x381: {  	s21 =	sadd.s32 @!p5 $0x210, s21;
	s26 =	simm.s32 @!p5 $0x8200  }
0x382: {  	[tilespmem:s26], [sflag:$0x1] =	stream.linear.gather @!p5 [hbm4b:s21+s2], $0x80, $0x38;
	[tilespmem:$0xBD80] =	vst v63  }
0x383: {  	v5 =	vld [tilespmem:$0x8080]  }
0x384: {  	v6 =	vld [tilespmem:$0x8190];
	_ =	sdelay $0x4  }
0x385: {  	vm0 =	veq.s32 v5, v6  }
0x386: {  	v5 =	vsel vm0, v2, v5  }
0x387: {  	s2 =	sadd.s32 $0x800, s14  }
0x388: {  	v6 =	vor.u32 s2, v1  }
0x389: {  	v6 =	vcvt.s32.f32 v6;
	_ =	sdelay $0x1  }
0x38a: {  	[tilespmem:v5+s13+$0x0] =	vst.idx.msk $0xffff, v6  }
0x38b: {  	[tilespmem:v5+s16+$0x0] =	vst.idx.msk $0xffff, v3  }
0x38c: {  	v5 =	vld [tilespmem:$0x8090]  }
0x38d: {  	v6 =	vld [tilespmem:$0x81A0];
	_ =	sdelay $0x4  }
0x38e: {  	vm9 =	veq.s32 v5, v6  }
0x38f: {  	v5 =	vsel vm9, v2, v5  }
0x390: {  	s30 =	sadd.s32 $0x810, s14  }
0x391: {  	v6 =	vor.u32 s30, v1  }
0x392: {  	v6 =	vcvt.s32.f32 v6;
	_ =	sdelay $0x1  }
0x393: {  	[tilespmem:v5+s13+$0x0] =	vst.idx.msk $0xffff, v6  }
0x394: {  	[tilespmem:v5+s16+$0x0] =	vst.idx.msk $0xffff, v3  }
0x395: {  	v5 =	vld [tilespmem:$0x80A0]  }
0x396: {  	v6 =	vld [tilespmem:$0x81B0];
	_ =	sdelay $0x4  }
0x397: {  	vm10 =	veq.s32 v5, v6  }
0x398: {  	v5 =	vsel vm10, v2, v5  }
0x399: {  	s21 =	sadd.s32 $0x820, s14  }
0x39a: {  	v6 =	vor.u32 s21, v1  }
0x39b: {  	v6 =	vcvt.s32.f32 v6;
	_ =	sdelay $0x1  }
0x39c: {  	[tilespmem:v5+s13+$0x0] =	vst.idx.msk $0xffff, v6  }
0x39d: {  	[tilespmem:v5+s16+$0x0] =	vst.idx.msk $0xffff, v3  }
0x39e: {  	v5 =	vld [tilespmem:$0x80B0]  }
0x39f: {  	v6 =	vld [tilespmem:$0x81C0];
	_ =	sdelay $0x4  }
0x3a0: {  	vm11 =	veq.s32 v5, v6  }
0x3a1: {  	v5 =	vsel vm11, v2, v5  }
0x3a2: {  	s26 =	sadd.s32 $0x830, s14  }
0x3a3: {  	v6 =	vor.u32 s26, v1  }
0x3a4: {  	v6 =	vcvt.s32.f32 v6;
	_ =	sdelay $0x1  }
0x3a5: {  	[tilespmem:v5+s13+$0x0] =	vst.idx.msk $0xffff, v6  }
0x3a6: {  	[tilespmem:v5+s16+$0x0] =	vst.idx.msk $0xffff, v3  }
0x3a7: {  	v5 =	vld [tilespmem:$0x80C0]  }
0x3a8: {  	v6 =	vld [tilespmem:$0x81D0];
	_ =	sdelay $0x4  }
0x3a9: {  	vm12 =	veq.s32 v5, v6  }
0x3aa: {  	v5 =	vsel vm12, v2, v5  }
0x3ab: {  	s30 =	sadd.s32 $0x840, s14  }
0x3ac: {  	v6 =	vor.u32 s30, v1  }
0x3ad: {  	v6 =	vcvt.s32.f32 v6;
	_ =	sdelay $0x1  }
0x3ae: {  	[tilespmem:v5+s13+$0x0] =	vst.idx.msk $0xffff, v6  }
0x3af: {  	[tilespmem:v5+s16+$0x0] =	vst.idx.msk $0xffff, v3  }
0x3b0: {  	v5 =	vld [tilespmem:$0x80D0]  }
0x3b1: {  	v6 =	vld [tilespmem:$0x81E0];
	_ =	sdelay $0x4  }
0x3b2: {  	vm13 =	veq.s32 v5, v6  }
0x3b3: {  	v5 =	vsel vm13, v2, v5  }
0x3b4: {  	s21 =	sadd.s32 $0x850, s14  }
0x3b5: {  	v6 =	vor.u32 s21, v1  }
0x3b6: {  	v6 =	vcvt.s32.f32 v6;
	_ =	sdelay $0x1  }
0x3b7: {  	[tilespmem:v5+s13+$0x0] =	vst.idx.msk $0xffff, v6  }
0x3b8: {  	[tilespmem:v5+s16+$0x0] =	vst.idx.msk $0xffff, v3  }
0x3b9: {  	v5 =	vld [tilespmem:$0x80E0]  }
0x3ba: {  	v6 =	vld [tilespmem:$0x81F0];
	_ =	sdelay $0x4  }
0x3bb: {  	vm14 =	veq.s32 v5, v6  }
0x3bc: {  	v5 =	vsel vm14, v2, v5  }
0x3bd: {  	s26 =	sadd.s32 $0x860, s14  }
0x3be: {  	v6 =	vor.u32 s26, v1  }
0x3bf: {  	v6 =	vcvt.s32.f32 v6;
	_ =	sdelay $0x1  }
0x3c0: {  	[tilespmem:v5+s13+$0x0] =	vst.idx.msk $0xffff, v6  }
0x3c1: {  	[tilespmem:v5+s16+$0x0] =	vst.idx.msk $0xffff, v3  }
0x3c2: {  	v5 =	vld [tilespmem:$0x80F0]  }
0x3c3: {  	v6 =	vld [tilespmem:$0x8280];
	_ =	sdelay $0x4  }
0x3c4: {  	vm15 =	veq.s32 v5, v6  }
0x3c5: {  	v5 =	vsel vm15, v2, v5  }
0x3c6: {  	s30 =	sadd.s32 $0x870, s14  }
0x3c7: {  	v6 =	vor.u32 s30, v1  }
.Ltmp24:
0x3c8: {  	v6 =	vcvt.s32.f32 v6;
	(pc) =	sbr.rel .LBB2_30-.Ltmp24, $4  }
0x3c9: {  	_ = 	snop  }
0x3ca: {  	[tilespmem:v5+s13+$0x0] =	vst.idx.msk $0xffff, v6  }
0x3cb: {  	[tilespmem:v5+s16+$0x0] =	vst.idx.msk $0xffff, v3  }
0x3cc: {  	[spmem:s5] =	stream.indirect.scatter.add.f32 [tilespmem:s9], [sflag:$0x4], $0x80, s0, s17, $0xb8;
	[tilespmem:$0xBD80] =	vst v63  }
.LBB2_31:
.Ltmp25:
0x3cd: {  	(pc) =	sbr.rel @p2 .LBB2_33-.Ltmp25, $1  }
0x3ce: {  	_ =	sdelay $0x3  }
0x3cf: {  	s2 =	rddreg [dreg:$0x13]  }
0x3d0: {  	[tilespmem:s6], [sflag:$0x5] =	stream.linear.gather [hbm4b:s2+s6], $0x800, $0x38;
	[tilespmem:$0xBD80] =	vst v63  }
0x3d1: {  	_ =	swait.ge [sflag:s3], $0x800  }
0x3d2: {  	[sflag:s3] =	ssyncset.done $0x0  }
0x3d3: {  	s8 =	simm.s32 $0x8300;
	s25 =	rddreg [dreg:$0x1d];
	[sflag:s3] =	ssyncadd.s32 $0xFFFFF800  }
0x3d4: {  	[tilespmem:s8], [sflag:$0x5] =	stream.linear.gather [hbm4b:s25+s6], $0x10, $0x38;
	[tilespmem:$0xBD80] =	vst v63  }
0x3d5: {  	_ =	swait.ge [sflag:s3], $0x10  }
0x3d6: {  	[sflag:s3] =	ssyncset.done $0x0  }
0x3d7: {  	s26 =	rddreg [dreg:$0x1e];
	[sflag:s3] =	ssyncadd.s32 $0xFFFFFFF0  }
0x3d8: {  	[tilespmem:s29], [sflag:$0x5] =	stream.linear.gather [hbm4b:s26+s6], $0x80, $0x38;
	[tilespmem:$0xBD80] =	vst v63  }
0x3d9: {  	s2 =	sadd.s32 $0x10, s26  }
0x3da: {  	[tilespmem:s31], [sflag:$0x5] =	stream.linear.gather [hbm4b:s2+s6], $0x80, $0x38;
	[tilespmem:$0xBD80] =	vst v63  }
0x3db: {  	_ =	swait.ge [sflag:s3], $0x100  }
0x3dc: {  	[sflag:s3] =	ssyncset.done $0x0  }
0x3dd: {  	[sflag:s3] =	ssyncadd.s32 $0xFFFFFF00  }
0x3de: {  	v5 =	vld [tilespmem:$0x8300]  }
0x3df: {  	v6 =	vld [tilespmem:$0x8110];
	_ =	sdelay $0x4  }
0x3e0: {  	vm0 =	veq.s32 v5, v6  }
0x3e1: {  	v5 =	vsel vm0, v2, v5;
	_ =	sdelay $0x4  }
0x3e2: {  	[tilespmem:v5+s13+$0x0] =	vst.idx.msk $0xffff, v4  }
0x3e3: {  	s30 =	simm.s32 $0x10;
	[tilespmem:v5+s16+$0x0] =	vst.idx.msk $0xffff, v3  }
0x3e4: {  	[spmem:s5] =	stream.indirect.scatter.add.f32 [tilespmem:s6], [sflag:$0x5], $0x80, s8, s30, $0xb8;
	[tilespmem:$0xBD80] =	vst v63  }
.Ltmp26:
0x3e5: {  	_ =	swait.ge [sflag:s3], $0x800;
	(pc) =	sbr.rel .LBB2_34-.Ltmp26, $3  }
0x3e6: {  	[sflag:s3] =	ssyncset.done $0x0  }
0x3e7: {  	[sflag:s3] =	ssyncadd.s32 $0xFFFFF800  }
0x3e8: {  	[bflag:$0x0] =	sbarrier.arrive $0xFFFF;
	_ =	sdelay $0x1  }
.LBB2_33:
0x3e9: {  	[bflag:$0x0] =	sbarrier.arrive $0xFFFF  }
0x3ea: {  	s2 =	sshrl.u32 @p1 s4, $0x3;
	s8 =	simm.s32 @p1 $0x1C05;
	s11 =	rddreg [dreg:$0x16]  }
0x3eb: {  	[hbm:s11], [sflag:s8] =	dma.local @p1 [spmem:s2], $0x2000  }
0x3ec: {  	s2 =	simm.s32 @p1 $0x5  }
0x3ed: {  	_ =	swait.ge @p1 [sflag:s2], $0x2000  }
0x3ee: {  	s8 =	simm.s32 @!p3 $0x1C45;
	[sflag:s2] =	ssyncset.done @p1 $0x0  }
0x3ef: {  	s11 =	rddreg [dreg:$0x15];
	[sflag:s2] =	ssyncadd.s32 @p1 $0xFFFFE000;
	s2 =	sshrl.u32 @!p3 s5, $0x3  }
0x3f0: {  	[hbm:s11], [sflag:s8] =	dma.local @!p3 [spmem:s2], $0x2000  }
.Ltmp27:
0x3f1: {  	_ = 	snop;
	(pc) =	sbr.rel .LBB2_34-.Ltmp27, $4  }
0x3f2: {  	s2 =	simm.s32 @!p3 $0x5  }
0x3f3: {  	_ =	swait.ge @!p3 [sflag:s2], $0x2000  }
0x3f4: {  	[sflag:s2] =	ssyncset.done @!p3 $0x0  }
0x3f5: {  	[sflag:s2] =	ssyncadd.s32 @!p3 $0xFFFFE000  }
.LBB2_35:
0x3f6: {  	_ =	sfence.sel $0x180000  }
0x3f7: {  	[bflag:$0x0] =	sbarrier.arrive $0xFFFF  }
0x3f8: {  	_ =	strace $0x90000047  }
0x3f9: {  	s0 =	stileid.u32;
	[bflag:$0x2] =	sbarrier.arrive $0xFFFF  }
0x3fa: {  	p0 =	sne.s32 s0, $0x0;
	s0 =	rddreg [dreg:$0xb]  }
0x3fb: {  	s0 =	sadd.s32 @!p0 $0x100000, s0  }
0x3fc: {  	[sflag:s0] =	ssyncadd.tile.s32 @!p0 $0x1;
	_ =	shalt  }
.Lfunc_end2:
_tile_overlayer_lowered:
.L_overlay_start_2:
0x3fd: {  	(tag) =	ssettag $0x2  }
0x3fe: {  	s0 =	rddreg [dreg:$0x0];
	s2 =	stileid.u32  }
0x3ff: {  	s1 =	rddreg [dreg:$0x1];
	p0 =	sne.s32 s2, $0x0  }
0x400: {  	s3 =	rddreg [dreg:$0x2];
	[bflag:$0x3] =	sbarrier.arrive $0xFFFF;
	s2 =	simm.s32 @!p0 $0x1C05  }
0x401: {  	[timem:s3], [sflag:s2] =	dma.local @!p0 [hbm:s0], s1  }
0x402: {  	s0 =	simm.s32 @!p0 $0x5  }
0x403: {  	_ =	swait.ge @!p0 [sflag:s0], s1  }
0x404: {  	s1 =	ssub.s32 @!p0 $0x0, s1;
	[sflag:s0] =	ssyncset.done @!p0 $0x0  }
0x405: {  	[sflag:s0] =	ssyncadd.s32 @!p0 s1  }
0x406: {  	[bflag:$0x3] =	sbarrier.arrive $0xFFFF  }
0x407: {  	_ =	shalt  }

</sc_bundles>
